<compile_context>
chip_gen: v7x
topology: tpu7x:2x2x1
jax: 0.10.2.dev20260603
libtpu: 0.0.44.dev20260713+nightly
codegen_flags: <defaults>
</compile_context>

<pallas_src>
import functools

import jax
import jax.numpy as jnp
from jax import lax
from jax.experimental import pallas as pl
from jax.experimental.pallas import tpu as pltpu
from jax.experimental.pallas import tpu_sc as plsc

N = 10000
NP = 10240
E = 320000
D = 256
HF = 128
DP = 32
NC, NS, LANES = 2, 16, 16
C = 128
CPT = 160
EPAD = NS * C * CPT
NPT = NP // NS
SEG = 16
NSEG = CPT // SEG
NB = 2048
GRID = NP // NB
EPS = 1e-5
f32 = jnp.float32



def _enc_proj_body(feat_ref, wenc_ref, benc_ref, ws_ref, wn_ref, s_ref, y_ref):
    x = jnp.maximum(
        jnp.dot(feat_ref[...], wenc_ref[...], preferred_element_type=f32)
        + benc_ref[...], 0.0)
    _proj_body_store(x, ws_ref, wn_ref, s_ref, y_ref)


def _proj_body_store(x, ws_ref, wn_ref, s_ref, y_ref):
    s_ref[...] = jnp.dot(x, ws_ref[...], preferred_element_type=f32)
    y = jnp.dot(x, wn_ref[...], preferred_element_type=f32)
    y_ref[0] = y[:, :HF]
    y_ref[1] = y[:, HF:]


def _enc_proj(featp, W_enc, b_enc, Ws, Wn):
    return pl.pallas_call(
        _enc_proj_body,
        grid=(GRID,),
        in_specs=[
            pl.BlockSpec((NB, 128), lambda i: (i, 0)),
            pl.BlockSpec((128, D), lambda i: (0, 0)),
            pl.BlockSpec((1, D), lambda i: (0, 0)),
            pl.BlockSpec((D, D), lambda i: (0, 0)),
            pl.BlockSpec((D, D), lambda i: (0, 0)),
        ],
        out_specs=[
            pl.BlockSpec((NB, D), lambda i: (i, 0)),
            pl.BlockSpec((2, NB, HF), lambda i: (0, i, 0)),
        ],
        out_shape=[
            jax.ShapeDtypeStruct((NP, D), f32),
            jax.ShapeDtypeStruct((2, NP, HF), f32),
        ],
    )(featp, W_enc, b_enc, Ws, Wn)


def _combine_body(s_ref, suma_ref, sumb_ref, dega_ref, degb_ref, b_ref,
                  h_ref, st_ref):
    i = pl.program_id(0)
    deg = jnp.maximum(dega_ref[...][:, 0:1] + degb_ref[...][:, 0:1], 1.0)
    agg = jnp.concatenate([suma_ref[...], sumb_ref[...]], axis=1) / deg
    h = s_ref[...] + agg + b_ref[...]
    h_ref[...] = h
    rows = i * NB + lax.broadcasted_iota(jnp.int32, (NB, 1), 0)
    hm = jnp.where(rows < N, h, 0.0)
    ps = jnp.concatenate(
        [jnp.sum(hm, axis=0, keepdims=True),
         jnp.sum(hm * hm, axis=0, keepdims=True)], axis=0)

    @pl.when(i == 0)
    def _():
        st_ref[...] = ps

    @pl.when(i > 0)
    def _():
        st_ref[...] += ps


def _combine(s, sums, deg, b):
    return pl.pallas_call(
        _combine_body,
        grid=(GRID,),
        in_specs=[
            pl.BlockSpec((NB, D), lambda i: (i, 0)),
            pl.BlockSpec((NB, HF), lambda i: (i, 0)),
            pl.BlockSpec((NB, HF), lambda i: (i + GRID, 0)),
            pl.BlockSpec((NB, HF), lambda i: (i, 0)),
            pl.BlockSpec((NB, HF), lambda i: (i + GRID, 0)),
            pl.BlockSpec((1, D), lambda i: (0, 0)),
        ],
        out_specs=[
            pl.BlockSpec((NB, D), lambda i: (i, 0)),
            pl.BlockSpec((2, D), lambda i: (0, 0)),
        ],
        out_shape=[
            jax.ShapeDtypeStruct((NP, D), f32),
            jax.ShapeDtypeStruct((2, D), f32),
        ],
    )(s, sums, sums, deg, deg, b)


def _bn_proj_body(h_ref, st_ref, g_ref, be_ref, ws_ref, wn_ref, s_ref, y_ref):
    mu = st_ref[0:1, :] / N
    var = st_ref[1:2, :] / N - mu * mu
    x = jnp.maximum(
        (h_ref[...] - mu) * (g_ref[...] * lax.rsqrt(var + EPS)) + be_ref[...],
        0.0)
    _proj_body_store(x, ws_ref, wn_ref, s_ref, y_ref)


def _bn_proj(h, st, g, be, Ws, Wn):
    return pl.pallas_call(
        _bn_proj_body,
        grid=(GRID,),
        in_specs=[
            pl.BlockSpec((NB, D), lambda i: (i, 0)),
            pl.BlockSpec((2, D), lambda i: (0, 0)),
            pl.BlockSpec((1, D), lambda i: (0, 0)),
            pl.BlockSpec((1, D), lambda i: (0, 0)),
            pl.BlockSpec((D, D), lambda i: (0, 0)),
            pl.BlockSpec((D, D), lambda i: (0, 0)),
        ],
        out_specs=[
            pl.BlockSpec((NB, D), lambda i: (i, 0)),
            pl.BlockSpec((2, NB, HF), lambda i: (0, i, 0)),
        ],
        out_shape=[
            jax.ShapeDtypeStruct((NP, D), f32),
            jax.ShapeDtypeStruct((2, NP, HF), f32),
        ],
    )(h, st, g, be, Ws, Wn)


def _final_body(h_ref, st_ref, g_ref, be_ref, wd1_ref, bd1_ref, wd2_ref,
                bd2_ref, o_ref, acc_ref):
    i = pl.program_id(0)
    mu = st_ref[0:1, :] / N
    var = st_ref[1:2, :] / N - mu * mu
    x = jnp.maximum(
        (h_ref[...] - mu) * (g_ref[...] * lax.rsqrt(var + EPS)) + be_ref[...],
        0.0)
    rows = i * NB + lax.broadcasted_iota(jnp.int32, (NB, 1), 0)
    xm = jnp.where(rows < N, x, 0.0)
    cs = jnp.sum(xm, axis=0, keepdims=True)

    @pl.when(i == 0)
    def _():
        acc_ref[...] = jnp.zeros_like(acc_ref)

    acc_ref[0:1, :] += cs

    @pl.when(i == GRID - 1)
    def _():
        hg = acc_ref[0:1, :] / N
        t = jnp.maximum(
            jnp.dot(hg, wd1_ref[...], preferred_element_type=f32)
            + bd1_ref[...], 0.0)
        o_ref[...] = jnp.sum(t * wd2_ref[...], axis=1, keepdims=True) \
            + bd2_ref[...]


def _final(h, st, g, be, Wd1, bd1, wd2r, bd2):
    return pl.pallas_call(
        _final_body,
        grid=(GRID,),
        in_specs=[
            pl.BlockSpec((NB, D), lambda i: (i, 0)),
            pl.BlockSpec((2, D), lambda i: (0, 0)),
            pl.BlockSpec((1, D), lambda i: (0, 0)),
            pl.BlockSpec((1, D), lambda i: (0, 0)),
            pl.BlockSpec((D, DP), lambda i: (0, 0)),
            pl.BlockSpec((1, DP), lambda i: (0, 0)),
            pl.BlockSpec((1, DP), lambda i: (0, 0)),
            pl.BlockSpec((1, 1), lambda i: (0, 0)),
        ],
        out_specs=pl.BlockSpec((1, 1), lambda i: (0, 0)),
        out_shape=jax.ShapeDtypeStruct((1, 1), f32),
        scratch_shapes=[pltpu.VMEM((8, D), f32)],
    )(h, st, g, be, Wd1, bd1, wd2r, bd2)



def _sc_mesh():
    return plsc.VectorSubcoreMesh(
        core_axis_name="c", subcore_axis_name="s",
        num_cores=NC, num_subcores=NS)


@functools.cache
def _make_agg():
    def body(ytab, src2, dstr, zrows,
             out, src_a, dst_a, src_b, dst_b, rows0, rows1, acc_s,
             gsem0, gsem1, isem_a, isem_b):
        c = lax.axis_index("c")
        s = lax.axis_index("s")
        pltpu.sync_copy(zrows, acc_s.at[pl.ds(s * NPT, NPT)])
        sbase = (c * NS + s) * CPT
        dbase = s * CPT
        plsc.subcore_barrier()

        def load_idx(g, srcv, dstv, sem):
            pltpu.async_copy(src2.at[pl.ds(sbase + g * SEG, SEG)], srcv, sem)
            pltpu.async_copy(dstr.at[pl.ds(dbase + g * SEG, SEG)], dstv, sem)

        def wait_idx(g, srcv, dstv, sem):
            pltpu.make_async_copy(
                src2.at[pl.ds(sbase + g * SEG, SEG)], srcv, sem).wait()
            pltpu.make_async_copy(
                dstr.at[pl.ds(dbase + g * SEG, SEG)], dstv, sem).wait()

        def process_seg(srcm, dstm, srcn, tail_issue):
            def pair(p, carry):
                j0 = 2 * p
                j1 = j0 + 1
                pltpu.async_copy(ytab.at[srcm.at[j1]], rows1, gsem1)
                pltpu.make_async_copy(ytab.at[srcm.at[j0]], rows0,
                                      gsem0).wait()
                pltpu.sync_copy(rows0, acc_s.at[dstm.at[j0]], add=True)
                pltpu.async_copy(ytab.at[srcm.at[j0 + 2]], rows0, gsem0)
                pltpu.make_async_copy(ytab.at[srcm.at[j1]], rows1,
                                      gsem1).wait()
                pltpu.sync_copy(rows1, acc_s.at[dstm.at[j1]], add=True)
                return carry

            lax.fori_loop(0, SEG // 2 - 1, pair, 0)
            j0 = SEG - 2
            j1 = SEG - 1
            pltpu.async_copy(ytab.at[srcm.at[j1]], rows1, gsem1)
            pltpu.make_async_copy(ytab.at[srcm.at[j0]], rows0, gsem0).wait()
            pltpu.sync_copy(rows0, acc_s.at[dstm.at[j0]], add=True)
            tail_issue(srcn)
            pltpu.make_async_copy(ytab.at[srcm.at[j1]], rows1, gsem1).wait()
            pltpu.sync_copy(rows1, acc_s.at[dstm.at[j1]], add=True)

        def prime(srcn):
            pltpu.async_copy(ytab.at[srcn.at[0]], rows0, gsem0)

        load_idx(0, src_a, dst_a, isem_a)
        wait_idx(0, src_a, dst_a, isem_a)
        prime(src_a)
        load_idx(1, src_b, dst_b, isem_b)

        def two_segs(t, carry):
            g0 = 2 * t
            g1 = g0 + 1

            @pl.when(t > 0)
            def _():
                load_idx(g1, src_b, dst_b, isem_b)

            def tail_a(srcn):
                wait_idx(g1, src_b, dst_b, isem_b)
                prime(srcn)

            process_seg(src_a, dst_a, src_b, tail_a)

            @pl.when(t < NSEG // 2 - 1)
            def _():
                load_idx(g0 + 2, src_a, dst_a, isem_a)

            def tail_b(srcn):
                @pl.when(t < NSEG // 2 - 1)
                def _():
                    wait_idx(g0 + 2, src_a, dst_a, isem_a)
                    prime(srcn)

            process_seg(src_b, dst_b, src_a, tail_b)
            return carry

        lax.fori_loop(0, NSEG // 2, two_segs, 0)
        plsc.subcore_barrier()
        sl = pl.ds(s * NPT, NPT)
        pltpu.sync_copy(acc_s.at[sl], out.at[pl.ds(c * NP + s * NPT, NPT)])

    return pl.kernel(
        body,
        out_type=jax.ShapeDtypeStruct((NC * NP, HF), f32),
        mesh=_sc_mesh(),
        scratch_types=(
            pltpu.VMEM((SEG, C), jnp.int32),
            pltpu.VMEM((SEG, C), jnp.int32),
            pltpu.VMEM((SEG, C), jnp.int32),
            pltpu.VMEM((SEG, C), jnp.int32),
            pltpu.VMEM((C, HF), f32),
            pltpu.VMEM((C, HF), f32),
            pltpu.VMEM_SHARED((NP, HF), f32),
            pltpu.SemaphoreType.DMA,
            pltpu.SemaphoreType.DMA,
            pltpu.SemaphoreType.DMA,
            pltpu.SemaphoreType.DMA,
        ))


CPW = EPAD // (NC * NS * C)


@functools.cache
def _make_deg():
    def body(dstr, zrows, onesh, out, dst_v, ones_v, deg_s):
        c = lax.axis_index("c")
        s = lax.axis_index("s")
        w = c * NS + s
        pltpu.sync_copy(zrows, deg_s.at[pl.ds(s * NPT, NPT)])
        pltpu.sync_copy(onesh, ones_v)
        pltpu.sync_copy(dstr.at[pl.ds(w * CPW, CPW)], dst_v)
        plsc.subcore_barrier()

        def step(j, carry):
            pltpu.sync_copy(ones_v, deg_s.at[dst_v.at[j]], add=True)
            return carry

        lax.fori_loop(0, CPW, step, 0)
        plsc.subcore_barrier()
        sl = pl.ds(s * NPT, NPT)
        pltpu.sync_copy(deg_s.at[sl], out.at[pl.ds(c * NP + s * NPT, NPT)])

    return pl.kernel(
        body,
        out_type=jax.ShapeDtypeStruct((NC * NP, HF), f32),
        mesh=_sc_mesh(),
        scratch_types=(
            pltpu.VMEM((CPW, C), jnp.int32),
            pltpu.VMEM((C, HF), f32),
            pltpu.VMEM_SHARED((NP, HF), f32),
        ))



def kernel(feat, edge_index, W_enc, b_enc, Ws1, Wn1, b1, g1, be1,
           Ws2, Wn2, b2, g2, be2, Wd1, bd1, Wd2, bd2):
    featp = jnp.concatenate(
        [feat, jnp.zeros((NP - N, feat.shape[1]), f32)], axis=0)
    src = edge_index[0]
    dst = edge_index[1]
    pad = EPAD - E
    srcp = jnp.concatenate([src, jnp.zeros((pad,), src.dtype)])
    dstp = jnp.concatenate([dst, jnp.full((pad,), N, dst.dtype)])
    srcr = srcp.reshape(NS * CPT, C)
    dstr = dstp.reshape(NS * CPT, C)
    src2 = jnp.concatenate([srcr, srcr + NP], axis=0)
    zrows = jnp.zeros((NPT, HF), f32)
    onesh = jnp.ones((C, HF), f32)

    deg = _make_deg()(dstr, zrows, onesh)
    s1, y1 = _enc_proj(featp, W_enc, b_enc.reshape(1, D), Ws1, Wn1)
    sum1 = _make_agg()(y1.reshape(NC * NP, HF), src2, dstr, zrows)
    h1, st1 = _combine(s1, sum1, deg, b1.reshape(1, D))
    s2, y2 = _bn_proj(h1, st1, g1.reshape(1, D), be1.reshape(1, D), Ws2, Wn2)
    sum2 = _make_agg()(y2.reshape(NC * NP, HF), src2, dstr, zrows)
    h2, st2 = _combine(s2, sum2, deg, b2.reshape(1, D))
    o = _final(h2, st2, g2.reshape(1, D), be2.reshape(1, D),
               Wd1, bd1.reshape(1, DP), Wd2.reshape(1, DP),
               bd2.reshape(1, 1))
    return o

# --- scband reference (transcript-rebuilt; emitter-appended) ---
"""Pipeline reference for scband-graph-sagemodel-48034914238530 (READ-ONLY COPY).

The authoritative reference and input builder live on the scoring server;
editing this copy changes nothing except your own understanding.
"""

import jax, jax.numpy as jnp
import numpy as np

N = 10000
E = 320000
D_IN = 128
D_H = 256
D_G1 = 256
D_G2 = 256
D_P = 32


def _winit(k, fan_in, shape):
    return jax.random.normal(k, shape, dtype=jnp.float32) / np.sqrt(fan_in)


def setup_inputs(seed: int = 0) -> dict:
    key = jax.random.key(seed)
    ks = jax.random.split(key, 20)
    inp = {}
    inp['feat'] = jax.random.normal(ks[0], (N, D_IN), dtype=jnp.float32)
    inp['edge_index'] = jax.random.randint(ks[1], (2, E), 0, N, dtype=jnp.int32)
    # encoder
    inp['W_enc'] = _winit(ks[2], D_IN, (D_IN, D_H))
    inp['b_enc'] = jnp.zeros((D_H,), jnp.float32)
    # SAGEConv 1 (mean aggregator): fc_self + fc_neigh + bias
    inp['Ws1'] = _winit(ks[3], D_H, (D_H, D_G1))
    inp['Wn1'] = _winit(ks[4], D_H, (D_H, D_G1))
    inp['b1'] = jnp.zeros((D_G1,), jnp.float32)
    # BN1
    inp['g1'] = jnp.ones((D_G1,), jnp.float32)
    inp['be1'] = jnp.zeros((D_G1,), jnp.float32)
    # SAGEConv 2
    inp['Ws2'] = _winit(ks[5], D_G1, (D_G1, D_G2))
    inp['Wn2'] = _winit(ks[6], D_G1, (D_G1, D_G2))
    inp['b2'] = jnp.zeros((D_G2,), jnp.float32)
    # BN2
    inp['g2'] = jnp.ones((D_G2,), jnp.float32)
    inp['be2'] = jnp.zeros((D_G2,), jnp.float32)
    # predictor
    inp['Wd1'] = _winit(ks[7], D_G2, (D_G2, D_P))
    inp['bd1'] = jnp.zeros((D_P,), jnp.float32)
    inp['Wd2'] = _winit(ks[8], D_P, (D_P, 1))
    inp['bd2'] = jnp.zeros((1,), jnp.float32)
    return inp


def _sage_mean(x, edge_index, Ws, Wn, b):
    src = edge_index[0]
    dst = edge_index[1]
    msg_sum = jax.ops.segment_sum(x[src], dst, num_segments=N)
    deg = jax.ops.segment_sum(jnp.ones((edge_index.shape[1],), jnp.float32), dst, num_segments=N)
    h_neigh = msg_sum / jnp.clip(deg, 1.0, None)[:, None]
    return x @ Ws + h_neigh @ Wn + b


def _bn(x, g, be, eps=1e-5):
    mu = jnp.mean(x, axis=0)
    var = jnp.var(x, axis=0)
    return g * (x - mu) / jnp.sqrt(var + eps) + be


def reference(feat, edge_index, W_enc, b_enc, Ws1, Wn1, b1, g1, be1, Ws2, Wn2, b2, g2, be2, Wd1, bd1, Wd2, bd2):
    x = jax.nn.relu(feat @ W_enc + b_enc)
    x = jax.nn.relu(_bn(_sage_mean(x, edge_index, Ws1, Wn1, b1), g1, be1))
    # dropout is identity in eval mode
    x = jax.nn.relu(_bn(_sage_mean(x, edge_index, Ws2, Wn2, b2), g2, be2))
    # AvgPooling: graph-level mean over all nodes (single graph)
    hg = jnp.mean(x, axis=0, keepdims=True)
    o = jax.nn.relu(hg @ Wd1 + bd1) @ Wd2 + bd2
    return o

if __name__ == "__main__":
    import jax
    _d = setup_inputs()
    print(jax.jit(kernel)(*tuple(_d.values())))

</pallas_src>

<mosaic_0001>
#map = affine_map<(d0, d1) -> (0, 0)>
module attributes {stable_mosaic.version = 14 : i64} {
  func.func @body(%arg0: i32, %arg1: i32, %arg2: memref<20480x128xf32, #tpu.memory_space<hbm>>, %arg3: memref<5120x128xi32, #tpu.memory_space<hbm>>, %arg4: memref<2560x128xi32, #tpu.memory_space<hbm>>, %arg5: memref<640x128xf32, #tpu.memory_space<hbm>>, %arg6: memref<20480x128xf32, #tpu.memory_space<hbm>>, %arg7: memref<16x128xi32, #tpu.memory_space<vmem>>, %arg8: memref<16x128xi32, #tpu.memory_space<vmem>>, %arg9: memref<16x128xi32, #tpu.memory_space<vmem>>, %arg10: memref<16x128xi32, #tpu.memory_space<vmem>>, %arg11: memref<128x128xf32, #tpu.memory_space<vmem>>, %arg12: memref<128x128xf32, #tpu.memory_space<vmem>>, %arg13: memref<10240x128xf32, #tpu.memory_space<vmem_shared>>, %arg14: memref<!tpu.dma_semaphore, #tpu.memory_space<semaphore_mem>>, %arg15: memref<!tpu.dma_semaphore, #tpu.memory_space<semaphore_mem>>, %arg16: memref<!tpu.dma_semaphore, #tpu.memory_space<semaphore_mem>>, %arg17: memref<!tpu.dma_semaphore, #tpu.memory_space<semaphore_mem>>) attributes {dimension_semantics = [#tpu.dimension_semantics<core_parallel>, #tpu.dimension_semantics<subcore_parallel>], iteration_bounds = array<i64: 2, 16>, scalar_prefetch = 0 : i64, scratch_operands = 11 : i64, tpu.core_type = #tpu.core_type<sc_vector_subcore>, window_params = [{transform_indices = #map}, {transform_indices = #map}, {transform_indices = #map}, {transform_indices = #map}, {transform_indices = #map}]} {
    %mul3A = arith.constant 640 : i32
    %mul3A_0 = arith.muli %arg1, %mul3A : i32
    "tpu.region"() ({
      %run_scoped3A = tpu.sem_alloc : memref<!tpu.dma_semaphore, #tpu.memory_space<semaphore_mem>>
      %dma_start3A_61 = arith.constant 0 : i32
      %dma_start3A_62 = tpu.memref_slice %arg13[%mul3A_0, %dma_start3A_61] : memref<10240x128xf32, #tpu.memory_space<vmem_shared>> -> memref<640x128xf32, #tpu.memory_space<vmem_shared>>
      tpu.enqueue_dma source(%arg5 : memref<640x128xf32, #tpu.memory_space<hbm>>) target(%dma_start3A_62 : memref<640x128xf32, #tpu.memory_space<vmem_shared>>) target_semaphore(%run_scoped3A : memref<!tpu.dma_semaphore, #tpu.memory_space<semaphore_mem>>)
      %dma_wait3A_63 = arith.constant 0 : i32
      %dma_wait3A_64 = tpu.memref_slice %arg13[%mul3A_0, %dma_wait3A_63] : memref<10240x128xf32, #tpu.memory_space<vmem_shared>> -> memref<640x128xf32, #tpu.memory_space<vmem_shared>>
      tpu.wait_dma2 semaphore(%run_scoped3A : memref<!tpu.dma_semaphore, #tpu.memory_space<semaphore_mem>>) src(%arg5 : memref<640x128xf32, #tpu.memory_space<hbm>>) dst(%dma_wait3A_64 : memref<640x128xf32, #tpu.memory_space<vmem_shared>>)
      tpu.yield
    }) : () -> ()
    %mul3A_1 = arith.constant 16 : i32
    %mul3A_2 = arith.muli %arg0, %mul3A_1 : i32
    %add3A = arith.addi %mul3A_2, %arg1 : i32
    %mul3A_3 = arith.constant 160 : i32
    %mul3A_4 = arith.muli %add3A, %mul3A_3 : i32
    %mul3A_5 = arith.constant 160 : i32
    %mul3A_6 = arith.muli %arg1, %mul3A_5 : i32
    %barrier3A = arith.constant 0 : index
    tpu.barrier barrier_id(%barrier3A)
    %add3A_7 = arith.constant 0 : i32
    %add3A_8 = arith.addi %mul3A_4, %add3A_7 : i32
    %dma_start3A = arith.constant 0 : i32
    %dma_start3A_9 = tpu.memref_slice %arg3[%add3A_8, %dma_start3A] : memref<5120x128xi32, #tpu.memory_space<hbm>> -> memref<16x128xi32, #tpu.memory_space<hbm>>
    %dma_start3A_10 = arith.constant 0 : i32
    %dma_start3A_11 = tpu.memref_slice %arg3[%add3A_8, %dma_start3A_10] : memref<5120x128xi32, #tpu.memory_space<hbm>> -> memref<16x128xi32, #tpu.memory_space<hbm>>
    tpu.enqueue_dma source(%dma_start3A_11 : memref<16x128xi32, #tpu.memory_space<hbm>>) target(%arg7 : memref<16x128xi32, #tpu.memory_space<vmem>>) target_semaphore(%arg16 : memref<!tpu.dma_semaphore, #tpu.memory_space<semaphore_mem>>)
    %add3A_12 = arith.constant 0 : i32
    %add3A_13 = arith.addi %mul3A_6, %add3A_12 : i32
    %dma_start3A_14 = arith.constant 0 : i32
    %dma_start3A_15 = tpu.memref_slice %arg4[%add3A_13, %dma_start3A_14] : memref<2560x128xi32, #tpu.memory_space<hbm>> -> memref<16x128xi32, #tpu.memory_space<hbm>>
    %dma_start3A_16 = arith.constant 0 : i32
    %dma_start3A_17 = tpu.memref_slice %arg4[%add3A_13, %dma_start3A_16] : memref<2560x128xi32, #tpu.memory_space<hbm>> -> memref<16x128xi32, #tpu.memory_space<hbm>>
    tpu.enqueue_dma source(%dma_start3A_17 : memref<16x128xi32, #tpu.memory_space<hbm>>) target(%arg8 : memref<16x128xi32, #tpu.memory_space<vmem>>) target_semaphore(%arg16 : memref<!tpu.dma_semaphore, #tpu.memory_space<semaphore_mem>>)
    %add3A_18 = arith.constant 0 : i32
    %add3A_19 = arith.addi %mul3A_4, %add3A_18 : i32
    %dma_wait3A = arith.constant 0 : i32
    %dma_wait3A_20 = tpu.memref_slice %arg3[%add3A_19, %dma_wait3A] : memref<5120x128xi32, #tpu.memory_space<hbm>> -> memref<16x128xi32, #tpu.memory_space<hbm>>
    %dma_wait3A_21 = arith.constant 0 : i32
    %dma_wait3A_22 = tpu.memref_slice %arg3[%add3A_19, %dma_wait3A_21] : memref<5120x128xi32, #tpu.memory_space<hbm>> -> memref<16x128xi32, #tpu.memory_space<hbm>>
    tpu.wait_dma2 semaphore(%arg16 : memref<!tpu.dma_semaphore, #tpu.memory_space<semaphore_mem>>) src(%dma_wait3A_22 : memref<16x128xi32, #tpu.memory_space<hbm>>) dst(%arg7 : memref<16x128xi32, #tpu.memory_space<vmem>>)
    %add3A_23 = arith.constant 0 : i32
    %add3A_24 = arith.addi %mul3A_6, %add3A_23 : i32
    %dma_wait3A_25 = arith.constant 0 : i32
    %dma_wait3A_26 = tpu.memref_slice %arg4[%add3A_24, %dma_wait3A_25] : memref<2560x128xi32, #tpu.memory_space<hbm>> -> memref<16x128xi32, #tpu.memory_space<hbm>>
    %dma_wait3A_27 = arith.constant 0 : i32
    %dma_wait3A_28 = tpu.memref_slice %arg4[%add3A_24, %dma_wait3A_27] : memref<2560x128xi32, #tpu.memory_space<hbm>> -> memref<16x128xi32, #tpu.memory_space<hbm>>
    tpu.wait_dma2 semaphore(%arg16 : memref<!tpu.dma_semaphore, #tpu.memory_space<semaphore_mem>>) src(%dma_wait3A_28 : memref<16x128xi32, #tpu.memory_space<hbm>>) dst(%arg8 : memref<16x128xi32, #tpu.memory_space<vmem>>)
    %dma_start3A_29 = arith.constant 0 : i32
    %dma_start3A_30 = arith.constant 0 : i32
    %dma_start3A_31 = tpu.memref_slice %arg7[%dma_start3A_29, %dma_start3A_30] : memref<16x128xi32, #tpu.memory_space<vmem>> -> memref<1x128xi32, #tpu.memory_space<vmem>>
    %dma_start3A_32 = tpu.memref_squeeze %dma_start3A_31 : memref<1x128xi32, #tpu.memory_space<vmem>> -> memref<128xi32, #tpu.memory_space<vmem>>
    %dma_start3A_33 = arith.constant 0 : i32
    %dma_start3A_34 = arith.constant 0 : i32
    %dma_start3A_35 = tpu.memref_slice %arg2[%dma_start3A_33, %dma_start3A_34] : memref<20480x128xf32, #tpu.memory_space<hbm>> -> memref<20480x128xf32, #tpu.memory_space<hbm>>
    tpu.enqueue_indirect_dma source(%dma_start3A_35 : memref<20480x128xf32, #tpu.memory_space<hbm>>) target(%arg11 : memref<128x128xf32, #tpu.memory_space<vmem>>) offsets(%dma_start3A_32 : memref<128xi32, #tpu.memory_space<vmem>>) semaphore(%arg14 : memref<!tpu.dma_semaphore, #tpu.memory_space<semaphore_mem>>)
    %add3A_36 = arith.constant 16 : i32
    %add3A_37 = arith.addi %mul3A_4, %add3A_36 : i32
    %dma_start3A_38 = arith.constant 0 : i32
    %dma_start3A_39 = tpu.memref_slice %arg3[%add3A_37, %dma_start3A_38] : memref<5120x128xi32, #tpu.memory_space<hbm>> -> memref<16x128xi32, #tpu.memory_space<hbm>>
    %dma_start3A_40 = arith.constant 0 : i32
    %dma_start3A_41 = tpu.memref_slice %arg3[%add3A_37, %dma_start3A_40] : memref<5120x128xi32, #tpu.memory_space<hbm>> -> memref<16x128xi32, #tpu.memory_space<hbm>>
    tpu.enqueue_dma source(%dma_start3A_41 : memref<16x128xi32, #tpu.memory_space<hbm>>) target(%arg9 : memref<16x128xi32, #tpu.memory_space<vmem>>) target_semaphore(%arg17 : memref<!tpu.dma_semaphore, #tpu.memory_space<semaphore_mem>>)
    %add3A_42 = arith.constant 16 : i32
    %add3A_43 = arith.addi %mul3A_6, %add3A_42 : i32
    %dma_start3A_44 = arith.constant 0 : i32
    %dma_start3A_45 = tpu.memref_slice %arg4[%add3A_43, %dma_start3A_44] : memref<2560x128xi32, #tpu.memory_space<hbm>> -> memref<16x128xi32, #tpu.memory_space<hbm>>
    %dma_start3A_46 = arith.constant 0 : i32
    %dma_start3A_47 = tpu.memref_slice %arg4[%add3A_43, %dma_start3A_46] : memref<2560x128xi32, #tpu.memory_space<hbm>> -> memref<16x128xi32, #tpu.memory_space<hbm>>
    tpu.enqueue_dma source(%dma_start3A_47 : memref<16x128xi32, #tpu.memory_space<hbm>>) target(%arg10 : memref<16x128xi32, #tpu.memory_space<vmem>>) target_semaphore(%arg17 : memref<!tpu.dma_semaphore, #tpu.memory_space<semaphore_mem>>)
    %scan3A = arith.constant 0 : i32
    %scan3A_48 = arith.constant 0 : i32
    %scan3A_49 = arith.constant 5 : i32
    %scan3A_50 = arith.addi %scan3A_48, %scan3A_49 : i32
    %scan3A_51 = arith.constant 1 : i32
    scf.for %scan3A_61 = %scan3A_48 to %scan3A_50 step %scan3A_51  : i32 {
      %mul3A_62 = arith.constant 2 : i32
      %mul3A_63 = arith.muli %mul3A_62, %scan3A_61 : i32
      %add3A_64 = arith.constant 1 : i32
      %add3A_65 = arith.addi %mul3A_63, %add3A_64 : i32
      %gt3A = arith.constant 0 : i32
      %gt3A_66 = arith.cmpi sgt, %scan3A_61, %gt3A : i32
      %convert_element_type3A = arith.extui %gt3A_66 : i1 to i32
      %cond3A = arith.constant 0 : i32
      %cond3A_67 = arith.cmpi ne, %convert_element_type3A, %cond3A : i32
      scf.if %cond3A_67 {
        %mul3A_155 = arith.constant 16 : i32
        %mul3A_156 = arith.muli %add3A_65, %mul3A_155 : i32
        %add3A_157 = arith.addi %mul3A_4, %mul3A_156 : i32
        %dma_start3A_158 = arith.constant 0 : i32
        %dma_start3A_159 = tpu.memref_slice %arg3[%add3A_157, %dma_start3A_158] : memref<5120x128xi32, #tpu.memory_space<hbm>> -> memref<16x128xi32, #tpu.memory_space<hbm>>
        %dma_start3A_160 = arith.constant 0 : i32
        %dma_start3A_161 = tpu.memref_slice %arg3[%add3A_157, %dma_start3A_160] : memref<5120x128xi32, #tpu.memory_space<hbm>> -> memref<16x128xi32, #tpu.memory_space<hbm>>
        tpu.enqueue_dma source(%dma_start3A_161 : memref<16x128xi32, #tpu.memory_space<hbm>>) target(%arg9 : memref<16x128xi32, #tpu.memory_space<vmem>>) target_semaphore(%arg17 : memref<!tpu.dma_semaphore, #tpu.memory_space<semaphore_mem>>)
        %mul3A_162 = arith.constant 16 : i32
        %mul3A_163 = arith.muli %add3A_65, %mul3A_162 : i32
        %add3A_164 = arith.addi %mul3A_6, %mul3A_163 : i32
        %dma_start3A_165 = arith.constant 0 : i32
        %dma_start3A_166 = tpu.memref_slice %arg4[%add3A_164, %dma_start3A_165] : memref<2560x128xi32, #tpu.memory_space<hbm>> -> memref<16x128xi32, #tpu.memory_space<hbm>>
        %dma_start3A_167 = arith.constant 0 : i32
        %dma_start3A_168 = tpu.memref_slice %arg4[%add3A_164, %dma_start3A_167] : memref<2560x128xi32, #tpu.memory_space<hbm>> -> memref<16x128xi32, #tpu.memory_space<hbm>>
        tpu.enqueue_dma source(%dma_start3A_168 : memref<16x128xi32, #tpu.memory_space<hbm>>) target(%arg10 : memref<16x128xi32, #tpu.memory_space<vmem>>) target_semaphore(%arg17 : memref<!tpu.dma_semaphore, #tpu.memory_space<semaphore_mem>>)
      } else {
      }
      %scan3A_68 = arith.constant 0 : i32
      %scan3A_69 = arith.constant 0 : i32
      %scan3A_70 = arith.constant 7 : i32
      %scan3A_71 = arith.addi %scan3A_69, %scan3A_70 : i32
      %scan3A_72 = arith.constant 1 : i32
      scf.for %scan3A_155 = %scan3A_69 to %scan3A_71 step %scan3A_72  : i32 {
        %mul3A_156 = arith.constant 2 : i32
        %mul3A_157 = arith.muli %mul3A_156, %scan3A_155 : i32
        %add3A_158 = arith.constant 1 : i32
        %add3A_159 = arith.addi %mul3A_157, %add3A_158 : i32
        %dma_start3A_160 = arith.constant 0 : i32
        %dma_start3A_161 = tpu.memref_slice %arg7[%add3A_159, %dma_start3A_160] : memref<16x128xi32, #tpu.memory_space<vmem>> -> memref<1x128xi32, #tpu.memory_space<vmem>>
        %dma_start3A_162 = tpu.memref_squeeze %dma_start3A_161 : memref<1x128xi32, #tpu.memory_space<vmem>> -> memref<128xi32, #tpu.memory_space<vmem>>
        %dma_start3A_163 = arith.constant 0 : i32
        %dma_start3A_164 = arith.constant 0 : i32
        %dma_start3A_165 = tpu.memref_slice %arg2[%dma_start3A_163, %dma_start3A_164] : memref<20480x128xf32, #tpu.memory_space<hbm>> -> memref<20480x128xf32, #tpu.memory_space<hbm>>
        tpu.enqueue_indirect_dma source(%dma_start3A_165 : memref<20480x128xf32, #tpu.memory_space<hbm>>) target(%arg12 : memref<128x128xf32, #tpu.memory_space<vmem>>) offsets(%dma_start3A_162 : memref<128xi32, #tpu.memory_space<vmem>>) semaphore(%arg15 : memref<!tpu.dma_semaphore, #tpu.memory_space<semaphore_mem>>)
        %dma_wait3A_166 = arith.constant 0 : i32
        %dma_wait3A_167 = tpu.memref_slice %arg7[%mul3A_157, %dma_wait3A_166] : memref<16x128xi32, #tpu.memory_space<vmem>> -> memref<1x128xi32, #tpu.memory_space<vmem>>
        %dma_wait3A_168 = tpu.memref_squeeze %dma_wait3A_167 : memref<1x128xi32, #tpu.memory_space<vmem>> -> memref<128xi32, #tpu.memory_space<vmem>>
        %dma_wait3A_169 = arith.constant 0 : i32
        %dma_wait3A_170 = arith.constant 0 : i32
        %dma_wait3A_171 = tpu.memref_slice %arg2[%dma_wait3A_169, %dma_wait3A_170] : memref<20480x128xf32, #tpu.memory_space<hbm>> -> memref<20480x128xf32, #tpu.memory_space<hbm>>
        tpu.wait_indirect_dma semaphore(%arg14 : memref<!tpu.dma_semaphore, #tpu.memory_space<semaphore_mem>>) src(%dma_wait3A_171 : memref<20480x128xf32, #tpu.memory_space<hbm>>) dst(%arg11 : memref<128x128xf32, #tpu.memory_space<vmem>>)
        "tpu.region"() ({
          %run_scoped3A_186 = tpu.sem_alloc : memref<!tpu.dma_semaphore, #tpu.memory_space<semaphore_mem>>
          %dma_start3A_187 = arith.constant 0 : i32
          %dma_start3A_188 = tpu.memref_slice %arg8[%mul3A_157, %dma_start3A_187] : memref<16x128xi32, #tpu.memory_space<vmem>> -> memref<1x128xi32, #tpu.memory_space<vmem>>
          %dma_start3A_189 = tpu.memref_squeeze %dma_start3A_188 : memref<1x128xi32, #tpu.memory_space<vmem>> -> memref<128xi32, #tpu.memory_space<vmem>>
          %dma_start3A_190 = arith.constant 0 : i32
          %dma_start3A_191 = arith.constant 0 : i32
          %dma_start3A_192 = tpu.memref_slice %arg13[%dma_start3A_190, %dma_start3A_191] : memref<10240x128xf32, #tpu.memory_space<vmem_shared>> -> memref<10240x128xf32, #tpu.memory_space<vmem_shared>>
          tpu.enqueue_indirect_dma source(%arg11 : memref<128x128xf32, #tpu.memory_space<vmem>>) target(%dma_start3A_192 : memref<10240x128xf32, #tpu.memory_space<vmem_shared>>) offsets(%dma_start3A_189 : memref<128xi32, #tpu.memory_space<vmem>>) semaphore(%run_scoped3A_186 : memref<!tpu.dma_semaphore, #tpu.memory_space<semaphore_mem>>) {add = true}
          %dma_wait3A_193 = arith.constant 0 : i32
          %dma_wait3A_194 = tpu.memref_slice %arg8[%mul3A_157, %dma_wait3A_193] : memref<16x128xi32, #tpu.memory_space<vmem>> -> memref<1x128xi32, #tpu.memory_space<vmem>>
          %dma_wait3A_195 = tpu.memref_squeeze %dma_wait3A_194 : memref<1x128xi32, #tpu.memory_space<vmem>> -> memref<128xi32, #tpu.memory_space<vmem>>
          %dma_wait3A_196 = arith.constant 0 : i32
          %dma_wait3A_197 = arith.constant 0 : i32
          %dma_wait3A_198 = tpu.memref_slice %arg13[%dma_wait3A_196, %dma_wait3A_197] : memref<10240x128xf32, #tpu.memory_space<vmem_shared>> -> memref<10240x128xf32, #tpu.memory_space<vmem_shared>>
          tpu.wait_indirect_dma semaphore(%run_scoped3A_186 : memref<!tpu.dma_semaphore, #tpu.memory_space<semaphore_mem>>) src(%arg11 : memref<128x128xf32, #tpu.memory_space<vmem>>) dst(%dma_wait3A_198 : memref<10240x128xf32, #tpu.memory_space<vmem_shared>>)
          tpu.yield
        }) : () -> ()
        %add3A_172 = arith.constant 2 : i32
        %add3A_173 = arith.addi %mul3A_157, %add3A_172 : i32
        %dma_start3A_174 = arith.constant 0 : i32
        %dma_start3A_175 = tpu.memref_slice %arg7[%add3A_173, %dma_start3A_174] : memref<16x128xi32, #tpu.memory_space<vmem>> -> memref<1x128xi32, #tpu.memory_space<vmem>>
        %dma_start3A_176 = tpu.memref_squeeze %dma_start3A_175 : memref<1x128xi32, #tpu.memory_space<vmem>> -> memref<128xi32, #tpu.memory_space<vmem>>
        %dma_start3A_177 = arith.constant 0 : i32
        %dma_start3A_178 = arith.constant 0 : i32
        %dma_start3A_179 = tpu.memref_slice %arg2[%dma_start3A_177, %dma_start3A_178] : memref<20480x128xf32, #tpu.memory_space<hbm>> -> memref<20480x128xf32, #tpu.memory_space<hbm>>
        tpu.enqueue_indirect_dma source(%dma_start3A_179 : memref<20480x128xf32, #tpu.memory_space<hbm>>) target(%arg11 : memref<128x128xf32, #tpu.memory_space<vmem>>) offsets(%dma_start3A_176 : memref<128xi32, #tpu.memory_space<vmem>>) semaphore(%arg14 : memref<!tpu.dma_semaphore, #tpu.memory_space<semaphore_mem>>)
        %dma_wait3A_180 = arith.constant 0 : i32
        %dma_wait3A_181 = tpu.memref_slice %arg7[%add3A_159, %dma_wait3A_180] : memref<16x128xi32, #tpu.memory_space<vmem>> -> memref<1x128xi32, #tpu.memory_space<vmem>>
        %dma_wait3A_182 = tpu.memref_squeeze %dma_wait3A_181 : memref<1x128xi32, #tpu.memory_space<vmem>> -> memref<128xi32, #tpu.memory_space<vmem>>
        %dma_wait3A_183 = arith.constant 0 : i32
        %dma_wait3A_184 = arith.constant 0 : i32
        %dma_wait3A_185 = tpu.memref_slice %arg2[%dma_wait3A_183, %dma_wait3A_184] : memref<20480x128xf32, #tpu.memory_space<hbm>> -> memref<20480x128xf32, #tpu.memory_space<hbm>>
        tpu.wait_indirect_dma semaphore(%arg15 : memref<!tpu.dma_semaphore, #tpu.memory_space<semaphore_mem>>) src(%dma_wait3A_185 : memref<20480x128xf32, #tpu.memory_space<hbm>>) dst(%arg12 : memref<128x128xf32, #tpu.memory_space<vmem>>)
        "tpu.region"() ({
          %run_scoped3A_186 = tpu.sem_alloc : memref<!tpu.dma_semaphore, #tpu.memory_space<semaphore_mem>>
          %dma_start3A_187 = arith.constant 0 : i32
          %dma_start3A_188 = tpu.memref_slice %arg8[%add3A_159, %dma_start3A_187] : memref<16x128xi32, #tpu.memory_space<vmem>> -> memref<1x128xi32, #tpu.memory_space<vmem>>
          %dma_start3A_189 = tpu.memref_squeeze %dma_start3A_188 : memref<1x128xi32, #tpu.memory_space<vmem>> -> memref<128xi32, #tpu.memory_space<vmem>>
          %dma_start3A_190 = arith.constant 0 : i32
          %dma_start3A_191 = arith.constant 0 : i32
          %dma_start3A_192 = tpu.memref_slice %arg13[%dma_start3A_190, %dma_start3A_191] : memref<10240x128xf32, #tpu.memory_space<vmem_shared>> -> memref<10240x128xf32, #tpu.memory_space<vmem_shared>>
          tpu.enqueue_indirect_dma source(%arg12 : memref<128x128xf32, #tpu.memory_space<vmem>>) target(%dma_start3A_192 : memref<10240x128xf32, #tpu.memory_space<vmem_shared>>) offsets(%dma_start3A_189 : memref<128xi32, #tpu.memory_space<vmem>>) semaphore(%run_scoped3A_186 : memref<!tpu.dma_semaphore, #tpu.memory_space<semaphore_mem>>) {add = true}
          %dma_wait3A_193 = arith.constant 0 : i32
          %dma_wait3A_194 = tpu.memref_slice %arg8[%add3A_159, %dma_wait3A_193] : memref<16x128xi32, #tpu.memory_space<vmem>> -> memref<1x128xi32, #tpu.memory_space<vmem>>
          %dma_wait3A_195 = tpu.memref_squeeze %dma_wait3A_194 : memref<1x128xi32, #tpu.memory_space<vmem>> -> memref<128xi32, #tpu.memory_space<vmem>>
          %dma_wait3A_196 = arith.constant 0 : i32
          %dma_wait3A_197 = arith.constant 0 : i32
          %dma_wait3A_198 = tpu.memref_slice %arg13[%dma_wait3A_196, %dma_wait3A_197] : memref<10240x128xf32, #tpu.memory_space<vmem_shared>> -> memref<10240x128xf32, #tpu.memory_space<vmem_shared>>
          tpu.wait_indirect_dma semaphore(%run_scoped3A_186 : memref<!tpu.dma_semaphore, #tpu.memory_space<semaphore_mem>>) src(%arg12 : memref<128x128xf32, #tpu.memory_space<vmem>>) dst(%dma_wait3A_198 : memref<10240x128xf32, #tpu.memory_space<vmem_shared>>)
          tpu.yield
        }) : () -> ()
      }
      %scan3A_73 = arith.constant 7 : i32
      %dma_start3A_74 = arith.constant 15 : i32
      %dma_start3A_75 = arith.constant 0 : i32
      %dma_start3A_76 = tpu.memref_slice %arg7[%dma_start3A_74, %dma_start3A_75] : memref<16x128xi32, #tpu.memory_space<vmem>> -> memref<1x128xi32, #tpu.memory_space<vmem>>
      %dma_start3A_77 = tpu.memref_squeeze %dma_start3A_76 : memref<1x128xi32, #tpu.memory_space<vmem>> -> memref<128xi32, #tpu.memory_space<vmem>>
      %dma_start3A_78 = arith.constant 0 : i32
      %dma_start3A_79 = arith.constant 0 : i32
      %dma_start3A_80 = tpu.memref_slice %arg2[%dma_start3A_78, %dma_start3A_79] : memref<20480x128xf32, #tpu.memory_space<hbm>> -> memref<20480x128xf32, #tpu.memory_space<hbm>>
      tpu.enqueue_indirect_dma source(%dma_start3A_80 : memref<20480x128xf32, #tpu.memory_space<hbm>>) target(%arg12 : memref<128x128xf32, #tpu.memory_space<vmem>>) offsets(%dma_start3A_77 : memref<128xi32, #tpu.memory_space<vmem>>) semaphore(%arg15 : memref<!tpu.dma_semaphore, #tpu.memory_space<semaphore_mem>>)
      %dma_wait3A_81 = arith.constant 14 : i32
      %dma_wait3A_82 = arith.constant 0 : i32
      %dma_wait3A_83 = tpu.memref_slice %arg7[%dma_wait3A_81, %dma_wait3A_82] : memref<16x128xi32, #tpu.memory_space<vmem>> -> memref<1x128xi32, #tpu.memory_space<vmem>>
      %dma_wait3A_84 = tpu.memref_squeeze %dma_wait3A_83 : memref<1x128xi32, #tpu.memory_space<vmem>> -> memref<128xi32, #tpu.memory_space<vmem>>
      %dma_wait3A_85 = arith.constant 0 : i32
      %dma_wait3A_86 = arith.constant 0 : i32
      %dma_wait3A_87 = tpu.memref_slice %arg2[%dma_wait3A_85, %dma_wait3A_86] : memref<20480x128xf32, #tpu.memory_space<hbm>> -> memref<20480x128xf32, #tpu.memory_space<hbm>>
      tpu.wait_indirect_dma semaphore(%arg14 : memref<!tpu.dma_semaphore, #tpu.memory_space<semaphore_mem>>) src(%dma_wait3A_87 : memref<20480x128xf32, #tpu.memory_space<hbm>>) dst(%arg11 : memref<128x128xf32, #tpu.memory_space<vmem>>)
      %run_scoped3A = arith.constant 14 : i32
      "tpu.region"() ({
        %run_scoped3A_155 = tpu.sem_alloc : memref<!tpu.dma_semaphore, #tpu.memory_space<semaphore_mem>>
        %dma_start3A_156 = arith.constant 0 : i32
        %dma_start3A_157 = tpu.memref_slice %arg8[%run_scoped3A, %dma_start3A_156] : memref<16x128xi32, #tpu.memory_space<vmem>> -> memref<1x128xi32, #tpu.memory_space<vmem>>
        %dma_start3A_158 = tpu.memref_squeeze %dma_start3A_157 : memref<1x128xi32, #tpu.memory_space<vmem>> -> memref<128xi32, #tpu.memory_space<vmem>>
        %dma_start3A_159 = arith.constant 0 : i32
        %dma_start3A_160 = arith.constant 0 : i32
        %dma_start3A_161 = tpu.memref_slice %arg13[%dma_start3A_159, %dma_start3A_160] : memref<10240x128xf32, #tpu.memory_space<vmem_shared>> -> memref<10240x128xf32, #tpu.memory_space<vmem_shared>>
        tpu.enqueue_indirect_dma source(%arg11 : memref<128x128xf32, #tpu.memory_space<vmem>>) target(%dma_start3A_161 : memref<10240x128xf32, #tpu.memory_space<vmem_shared>>) offsets(%dma_start3A_158 : memref<128xi32, #tpu.memory_space<vmem>>) semaphore(%run_scoped3A_155 : memref<!tpu.dma_semaphore, #tpu.memory_space<semaphore_mem>>) {add = true}
        %dma_wait3A_162 = arith.constant 0 : i32
        %dma_wait3A_163 = tpu.memref_slice %arg8[%run_scoped3A, %dma_wait3A_162] : memref<16x128xi32, #tpu.memory_space<vmem>> -> memref<1x128xi32, #tpu.memory_space<vmem>>
        %dma_wait3A_164 = tpu.memref_squeeze %dma_wait3A_163 : memref<1x128xi32, #tpu.memory_space<vmem>> -> memref<128xi32, #tpu.memory_space<vmem>>
        %dma_wait3A_165 = arith.constant 0 : i32
        %dma_wait3A_166 = arith.constant 0 : i32
        %dma_wait3A_167 = tpu.memref_slice %arg13[%dma_wait3A_165, %dma_wait3A_166] : memref<10240x128xf32, #tpu.memory_space<vmem_shared>> -> memref<10240x128xf32, #tpu.memory_space<vmem_shared>>
        tpu.wait_indirect_dma semaphore(%run_scoped3A_155 : memref<!tpu.dma_semaphore, #tpu.memory_space<semaphore_mem>>) src(%arg11 : memref<128x128xf32, #tpu.memory_space<vmem>>) dst(%dma_wait3A_167 : memref<10240x128xf32, #tpu.memory_space<vmem_shared>>)
        tpu.yield
      }) : () -> ()
      %mul3A_88 = arith.constant 16 : i32
      %mul3A_89 = arith.muli %add3A_65, %mul3A_88 : i32
      %add3A_90 = arith.addi %mul3A_4, %mul3A_89 : i32
      %dma_wait3A_91 = arith.constant 0 : i32
      %dma_wait3A_92 = tpu.memref_slice %arg3[%add3A_90, %dma_wait3A_91] : memref<5120x128xi32, #tpu.memory_space<hbm>> -> memref<16x128xi32, #tpu.memory_space<hbm>>
      %dma_wait3A_93 = arith.constant 0 : i32
      %dma_wait3A_94 = tpu.memref_slice %arg3[%add3A_90, %dma_wait3A_93] : memref<5120x128xi32, #tpu.memory_space<hbm>> -> memref<16x128xi32, #tpu.memory_space<hbm>>
      tpu.wait_dma2 semaphore(%arg17 : memref<!tpu.dma_semaphore, #tpu.memory_space<semaphore_mem>>) src(%dma_wait3A_94 : memref<16x128xi32, #tpu.memory_space<hbm>>) dst(%arg9 : memref<16x128xi32, #tpu.memory_space<vmem>>)
      %mul3A_95 = arith.constant 16 : i32
      %mul3A_96 = arith.muli %add3A_65, %mul3A_95 : i32
      %add3A_97 = arith.addi %mul3A_6, %mul3A_96 : i32
      %dma_wait3A_98 = arith.constant 0 : i32
      %dma_wait3A_99 = tpu.memref_slice %arg4[%add3A_97, %dma_wait3A_98] : memref<2560x128xi32, #tpu.memory_space<hbm>> -> memref<16x128xi32, #tpu.memory_space<hbm>>
      %dma_wait3A_100 = arith.constant 0 : i32
      %dma_wait3A_101 = tpu.memref_slice %arg4[%add3A_97, %dma_wait3A_100] : memref<2560x128xi32, #tpu.memory_space<hbm>> -> memref<16x128xi32, #tpu.memory_space<hbm>>
      tpu.wait_dma2 semaphore(%arg17 : memref<!tpu.dma_semaphore, #tpu.memory_space<semaphore_mem>>) src(%dma_wait3A_101 : memref<16x128xi32, #tpu.memory_space<hbm>>) dst(%arg10 : memref<16x128xi32, #tpu.memory_space<vmem>>)
      %dma_start3A_102 = arith.constant 0 : i32
      %dma_start3A_103 = arith.constant 0 : i32
      %dma_start3A_104 = tpu.memref_slice %arg9[%dma_start3A_102, %dma_start3A_103] : memref<16x128xi32, #tpu.memory_space<vmem>> -> memref<1x128xi32, #tpu.memory_space<vmem>>
      %dma_start3A_105 = tpu.memref_squeeze %dma_start3A_104 : memref<1x128xi32, #tpu.memory_space<vmem>> -> memref<128xi32, #tpu.memory_space<vmem>>
      %dma_start3A_106 = arith.constant 0 : i32
      %dma_start3A_107 = arith.constant 0 : i32
      %dma_start3A_108 = tpu.memref_slice %arg2[%dma_start3A_106, %dma_start3A_107] : memref<20480x128xf32, #tpu.memory_space<hbm>> -> memref<20480x128xf32, #tpu.memory_space<hbm>>
      tpu.enqueue_indirect_dma source(%dma_start3A_108 : memref<20480x128xf32, #tpu.memory_space<hbm>>) target(%arg11 : memref<128x128xf32, #tpu.memory_space<vmem>>) offsets(%dma_start3A_105 : memref<128xi32, #tpu.memory_space<vmem>>) semaphore(%arg14 : memref<!tpu.dma_semaphore, #tpu.memory_space<semaphore_mem>>)
      %dma_wait3A_109 = arith.constant 15 : i32
      %dma_wait3A_110 = arith.constant 0 : i32
      %dma_wait3A_111 = tpu.memref_slice %arg7[%dma_wait3A_109, %dma_wait3A_110] : memref<16x128xi32, #tpu.memory_space<vmem>> -> memref<1x128xi32, #tpu.memory_space<vmem>>
      %dma_wait3A_112 = tpu.memref_squeeze %dma_wait3A_111 : memref<1x128xi32, #tpu.memory_space<vmem>> -> memref<128xi32, #tpu.memory_space<vmem>>
      %dma_wait3A_113 = arith.constant 0 : i32
      %dma_wait3A_114 = arith.constant 0 : i32
      %dma_wait3A_115 = tpu.memref_slice %arg2[%dma_wait3A_113, %dma_wait3A_114] : memref<20480x128xf32, #tpu.memory_space<hbm>> -> memref<20480x128xf32, #tpu.memory_space<hbm>>
      tpu.wait_indirect_dma semaphore(%arg15 : memref<!tpu.dma_semaphore, #tpu.memory_space<semaphore_mem>>) src(%dma_wait3A_115 : memref<20480x128xf32, #tpu.memory_space<hbm>>) dst(%arg12 : memref<128x128xf32, #tpu.memory_space<vmem>>)
      %run_scoped3A_116 = arith.constant 15 : i32
      "tpu.region"() ({
        %run_scoped3A_155 = tpu.sem_alloc : memref<!tpu.dma_semaphore, #tpu.memory_space<semaphore_mem>>
        %dma_start3A_156 = arith.constant 0 : i32
        %dma_start3A_157 = tpu.memref_slice %arg8[%run_scoped3A_116, %dma_start3A_156] : memref<16x128xi32, #tpu.memory_space<vmem>> -> memref<1x128xi32, #tpu.memory_space<vmem>>
        %dma_start3A_158 = tpu.memref_squeeze %dma_start3A_157 : memref<1x128xi32, #tpu.memory_space<vmem>> -> memref<128xi32, #tpu.memory_space<vmem>>
        %dma_start3A_159 = arith.constant 0 : i32
        %dma_start3A_160 = arith.constant 0 : i32
        %dma_start3A_161 = tpu.memref_slice %arg13[%dma_start3A_159, %dma_start3A_160] : memref<10240x128xf32, #tpu.memory_space<vmem_shared>> -> memref<10240x128xf32, #tpu.memory_space<vmem_shared>>
        tpu.enqueue_indirect_dma source(%arg12 : memref<128x128xf32, #tpu.memory_space<vmem>>) target(%dma_start3A_161 : memref<10240x128xf32, #tpu.memory_space<vmem_shared>>) offsets(%dma_start3A_158 : memref<128xi32, #tpu.memory_space<vmem>>) semaphore(%run_scoped3A_155 : memref<!tpu.dma_semaphore, #tpu.memory_space<semaphore_mem>>) {add = true}
        %dma_wait3A_162 = arith.constant 0 : i32
        %dma_wait3A_163 = tpu.memref_slice %arg8[%run_scoped3A_116, %dma_wait3A_162] : memref<16x128xi32, #tpu.memory_space<vmem>> -> memref<1x128xi32, #tpu.memory_space<vmem>>
        %dma_wait3A_164 = tpu.memref_squeeze %dma_wait3A_163 : memref<1x128xi32, #tpu.memory_space<vmem>> -> memref<128xi32, #tpu.memory_space<vmem>>
        %dma_wait3A_165 = arith.constant 0 : i32
        %dma_wait3A_166 = arith.constant 0 : i32
        %dma_wait3A_167 = tpu.memref_slice %arg13[%dma_wait3A_165, %dma_wait3A_166] : memref<10240x128xf32, #tpu.memory_space<vmem_shared>> -> memref<10240x128xf32, #tpu.memory_space<vmem_shared>>
        tpu.wait_indirect_dma semaphore(%run_scoped3A_155 : memref<!tpu.dma_semaphore, #tpu.memory_space<semaphore_mem>>) src(%arg12 : memref<128x128xf32, #tpu.memory_space<vmem>>) dst(%dma_wait3A_167 : memref<10240x128xf32, #tpu.memory_space<vmem_shared>>)
        tpu.yield
      }) : () -> ()
      %lt3A = arith.constant 4 : i32
      %lt3A_117 = arith.cmpi slt, %scan3A_61, %lt3A : i32
      %convert_element_type3A_118 = arith.extui %lt3A_117 : i1 to i32
      %cond3A_119 = arith.constant 0 : i32
      %cond3A_120 = arith.cmpi ne, %convert_element_type3A_118, %cond3A_119 : i32
      scf.if %cond3A_120 {
        %add3A_155 = arith.constant 2 : i32
        %add3A_156 = arith.addi %mul3A_63, %add3A_155 : i32
        %mul3A_157 = arith.constant 16 : i32
        %mul3A_158 = arith.muli %add3A_156, %mul3A_157 : i32
        %add3A_159 = arith.addi %mul3A_4, %mul3A_158 : i32
        %dma_start3A_160 = arith.constant 0 : i32
        %dma_start3A_161 = tpu.memref_slice %arg3[%add3A_159, %dma_start3A_160] : memref<5120x128xi32, #tpu.memory_space<hbm>> -> memref<16x128xi32, #tpu.memory_space<hbm>>
        %dma_start3A_162 = arith.constant 0 : i32
        %dma_start3A_163 = tpu.memref_slice %arg3[%add3A_159, %dma_start3A_162] : memref<5120x128xi32, #tpu.memory_space<hbm>> -> memref<16x128xi32, #tpu.memory_space<hbm>>
        tpu.enqueue_dma source(%dma_start3A_163 : memref<16x128xi32, #tpu.memory_space<hbm>>) target(%arg7 : memref<16x128xi32, #tpu.memory_space<vmem>>) target_semaphore(%arg16 : memref<!tpu.dma_semaphore, #tpu.memory_space<semaphore_mem>>)
        %mul3A_164 = arith.constant 16 : i32
        %mul3A_165 = arith.muli %add3A_156, %mul3A_164 : i32
        %add3A_166 = arith.addi %mul3A_6, %mul3A_165 : i32
        %dma_start3A_167 = arith.constant 0 : i32
        %dma_start3A_168 = tpu.memref_slice %arg4[%add3A_166, %dma_start3A_167] : memref<2560x128xi32, #tpu.memory_space<hbm>> -> memref<16x128xi32, #tpu.memory_space<hbm>>
        %dma_start3A_169 = arith.constant 0 : i32
        %dma_start3A_170 = tpu.memref_slice %arg4[%add3A_166, %dma_start3A_169] : memref<2560x128xi32, #tpu.memory_space<hbm>> -> memref<16x128xi32, #tpu.memory_space<hbm>>
        tpu.enqueue_dma source(%dma_start3A_170 : memref<16x128xi32, #tpu.memory_space<hbm>>) target(%arg8 : memref<16x128xi32, #tpu.memory_space<vmem>>) target_semaphore(%arg16 : memref<!tpu.dma_semaphore, #tpu.memory_space<semaphore_mem>>)
      } else {
      }
      %scan3A_121 = arith.constant 0 : i32
      %scan3A_122 = arith.constant 0 : i32
      %scan3A_123 = arith.constant 7 : i32
      %scan3A_124 = arith.addi %scan3A_122, %scan3A_123 : i32
      %scan3A_125 = arith.constant 1 : i32
      scf.for %scan3A_155 = %scan3A_122 to %scan3A_124 step %scan3A_125  : i32 {
        %mul3A_156 = arith.constant 2 : i32
        %mul3A_157 = arith.muli %mul3A_156, %scan3A_155 : i32
        %add3A_158 = arith.constant 1 : i32
        %add3A_159 = arith.addi %mul3A_157, %add3A_158 : i32
        %dma_start3A_160 = arith.constant 0 : i32
        %dma_start3A_161 = tpu.memref_slice %arg9[%add3A_159, %dma_start3A_160] : memref<16x128xi32, #tpu.memory_space<vmem>> -> memref<1x128xi32, #tpu.memory_space<vmem>>
        %dma_start3A_162 = tpu.memref_squeeze %dma_start3A_161 : memref<1x128xi32, #tpu.memory_space<vmem>> -> memref<128xi32, #tpu.memory_space<vmem>>
        %dma_start3A_163 = arith.constant 0 : i32
        %dma_start3A_164 = arith.constant 0 : i32
        %dma_start3A_165 = tpu.memref_slice %arg2[%dma_start3A_163, %dma_start3A_164] : memref<20480x128xf32, #tpu.memory_space<hbm>> -> memref<20480x128xf32, #tpu.memory_space<hbm>>
        tpu.enqueue_indirect_dma source(%dma_start3A_165 : memref<20480x128xf32, #tpu.memory_space<hbm>>) target(%arg12 : memref<128x128xf32, #tpu.memory_space<vmem>>) offsets(%dma_start3A_162 : memref<128xi32, #tpu.memory_space<vmem>>) semaphore(%arg15 : memref<!tpu.dma_semaphore, #tpu.memory_space<semaphore_mem>>)
        %dma_wait3A_166 = arith.constant 0 : i32
        %dma_wait3A_167 = tpu.memref_slice %arg9[%mul3A_157, %dma_wait3A_166] : memref<16x128xi32, #tpu.memory_space<vmem>> -> memref<1x128xi32, #tpu.memory_space<vmem>>
        %dma_wait3A_168 = tpu.memref_squeeze %dma_wait3A_167 : memref<1x128xi32, #tpu.memory_space<vmem>> -> memref<128xi32, #tpu.memory_space<vmem>>
        %dma_wait3A_169 = arith.constant 0 : i32
        %dma_wait3A_170 = arith.constant 0 : i32
        %dma_wait3A_171 = tpu.memref_slice %arg2[%dma_wait3A_169, %dma_wait3A_170] : memref<20480x128xf32, #tpu.memory_space<hbm>> -> memref<20480x128xf32, #tpu.memory_space<hbm>>
        tpu.wait_indirect_dma semaphore(%arg14 : memref<!tpu.dma_semaphore, #tpu.memory_space<semaphore_mem>>) src(%dma_wait3A_171 : memref<20480x128xf32, #tpu.memory_space<hbm>>) dst(%arg11 : memref<128x128xf32, #tpu.memory_space<vmem>>)
        "tpu.region"() ({
          %run_scoped3A_186 = tpu.sem_alloc : memref<!tpu.dma_semaphore, #tpu.memory_space<semaphore_mem>>
          %dma_start3A_187 = arith.constant 0 : i32
          %dma_start3A_188 = tpu.memref_slice %arg10[%mul3A_157, %dma_start3A_187] : memref<16x128xi32, #tpu.memory_space<vmem>> -> memref<1x128xi32, #tpu.memory_space<vmem>>
          %dma_start3A_189 = tpu.memref_squeeze %dma_start3A_188 : memref<1x128xi32, #tpu.memory_space<vmem>> -> memref<128xi32, #tpu.memory_space<vmem>>
          %dma_start3A_190 = arith.constant 0 : i32
          %dma_start3A_191 = arith.constant 0 : i32
          %dma_start3A_192 = tpu.memref_slice %arg13[%dma_start3A_190, %dma_start3A_191] : memref<10240x128xf32, #tpu.memory_space<vmem_shared>> -> memref<10240x128xf32, #tpu.memory_space<vmem_shared>>
          tpu.enqueue_indirect_dma source(%arg11 : memref<128x128xf32, #tpu.memory_space<vmem>>) target(%dma_start3A_192 : memref<10240x128xf32, #tpu.memory_space<vmem_shared>>) offsets(%dma_start3A_189 : memref<128xi32, #tpu.memory_space<vmem>>) semaphore(%run_scoped3A_186 : memref<!tpu.dma_semaphore, #tpu.memory_space<semaphore_mem>>) {add = true}
          %dma_wait3A_193 = arith.constant 0 : i32
          %dma_wait3A_194 = tpu.memref_slice %arg10[%mul3A_157, %dma_wait3A_193] : memref<16x128xi32, #tpu.memory_space<vmem>> -> memref<1x128xi32, #tpu.memory_space<vmem>>
          %dma_wait3A_195 = tpu.memref_squeeze %dma_wait3A_194 : memref<1x128xi32, #tpu.memory_space<vmem>> -> memref<128xi32, #tpu.memory_space<vmem>>
          %dma_wait3A_196 = arith.constant 0 : i32
          %dma_wait3A_197 = arith.constant 0 : i32
          %dma_wait3A_198 = tpu.memref_slice %arg13[%dma_wait3A_196, %dma_wait3A_197] : memref<10240x128xf32, #tpu.memory_space<vmem_shared>> -> memref<10240x128xf32, #tpu.memory_space<vmem_shared>>
          tpu.wait_indirect_dma semaphore(%run_scoped3A_186 : memref<!tpu.dma_semaphore, #tpu.memory_space<semaphore_mem>>) src(%arg11 : memref<128x128xf32, #tpu.memory_space<vmem>>) dst(%dma_wait3A_198 : memref<10240x128xf32, #tpu.memory_space<vmem_shared>>)
          tpu.yield
        }) : () -> ()
        %add3A_172 = arith.constant 2 : i32
        %add3A_173 = arith.addi %mul3A_157, %add3A_172 : i32
        %dma_start3A_174 = arith.constant 0 : i32
        %dma_start3A_175 = tpu.memref_slice %arg9[%add3A_173, %dma_start3A_174] : memref<16x128xi32, #tpu.memory_space<vmem>> -> memref<1x128xi32, #tpu.memory_space<vmem>>
        %dma_start3A_176 = tpu.memref_squeeze %dma_start3A_175 : memref<1x128xi32, #tpu.memory_space<vmem>> -> memref<128xi32, #tpu.memory_space<vmem>>
        %dma_start3A_177 = arith.constant 0 : i32
        %dma_start3A_178 = arith.constant 0 : i32
        %dma_start3A_179 = tpu.memref_slice %arg2[%dma_start3A_177, %dma_start3A_178] : memref<20480x128xf32, #tpu.memory_space<hbm>> -> memref<20480x128xf32, #tpu.memory_space<hbm>>
        tpu.enqueue_indirect_dma source(%dma_start3A_179 : memref<20480x128xf32, #tpu.memory_space<hbm>>) target(%arg11 : memref<128x128xf32, #tpu.memory_space<vmem>>) offsets(%dma_start3A_176 : memref<128xi32, #tpu.memory_space<vmem>>) semaphore(%arg14 : memref<!tpu.dma_semaphore, #tpu.memory_space<semaphore_mem>>)
        %dma_wait3A_180 = arith.constant 0 : i32
        %dma_wait3A_181 = tpu.memref_slice %arg9[%add3A_159, %dma_wait3A_180] : memref<16x128xi32, #tpu.memory_space<vmem>> -> memref<1x128xi32, #tpu.memory_space<vmem>>
        %dma_wait3A_182 = tpu.memref_squeeze %dma_wait3A_181 : memref<1x128xi32, #tpu.memory_space<vmem>> -> memref<128xi32, #tpu.memory_space<vmem>>
        %dma_wait3A_183 = arith.constant 0 : i32
        %dma_wait3A_184 = arith.constant 0 : i32
        %dma_wait3A_185 = tpu.memref_slice %arg2[%dma_wait3A_183, %dma_wait3A_184] : memref<20480x128xf32, #tpu.memory_space<hbm>> -> memref<20480x128xf32, #tpu.memory_space<hbm>>
        tpu.wait_indirect_dma semaphore(%arg15 : memref<!tpu.dma_semaphore, #tpu.memory_space<semaphore_mem>>) src(%dma_wait3A_185 : memref<20480x128xf32, #tpu.memory_space<hbm>>) dst(%arg12 : memref<128x128xf32, #tpu.memory_space<vmem>>)
        "tpu.region"() ({
          %run_scoped3A_186 = tpu.sem_alloc : memref<!tpu.dma_semaphore, #tpu.memory_space<semaphore_mem>>
          %dma_start3A_187 = arith.constant 0 : i32
          %dma_start3A_188 = tpu.memref_slice %arg10[%add3A_159, %dma_start3A_187] : memref<16x128xi32, #tpu.memory_space<vmem>> -> memref<1x128xi32, #tpu.memory_space<vmem>>
          %dma_start3A_189 = tpu.memref_squeeze %dma_start3A_188 : memref<1x128xi32, #tpu.memory_space<vmem>> -> memref<128xi32, #tpu.memory_space<vmem>>
          %dma_start3A_190 = arith.constant 0 : i32
          %dma_start3A_191 = arith.constant 0 : i32
          %dma_start3A_192 = tpu.memref_slice %arg13[%dma_start3A_190, %dma_start3A_191] : memref<10240x128xf32, #tpu.memory_space<vmem_shared>> -> memref<10240x128xf32, #tpu.memory_space<vmem_shared>>
          tpu.enqueue_indirect_dma source(%arg12 : memref<128x128xf32, #tpu.memory_space<vmem>>) target(%dma_start3A_192 : memref<10240x128xf32, #tpu.memory_space<vmem_shared>>) offsets(%dma_start3A_189 : memref<128xi32, #tpu.memory_space<vmem>>) semaphore(%run_scoped3A_186 : memref<!tpu.dma_semaphore, #tpu.memory_space<semaphore_mem>>) {add = true}
          %dma_wait3A_193 = arith.constant 0 : i32
          %dma_wait3A_194 = tpu.memref_slice %arg10[%add3A_159, %dma_wait3A_193] : memref<16x128xi32, #tpu.memory_space<vmem>> -> memref<1x128xi32, #tpu.memory_space<vmem>>
          %dma_wait3A_195 = tpu.memref_squeeze %dma_wait3A_194 : memref<1x128xi32, #tpu.memory_space<vmem>> -> memref<128xi32, #tpu.memory_space<vmem>>
          %dma_wait3A_196 = arith.constant 0 : i32
          %dma_wait3A_197 = arith.constant 0 : i32
          %dma_wait3A_198 = tpu.memref_slice %arg13[%dma_wait3A_196, %dma_wait3A_197] : memref<10240x128xf32, #tpu.memory_space<vmem_shared>> -> memref<10240x128xf32, #tpu.memory_space<vmem_shared>>
          tpu.wait_indirect_dma semaphore(%run_scoped3A_186 : memref<!tpu.dma_semaphore, #tpu.memory_space<semaphore_mem>>) src(%arg12 : memref<128x128xf32, #tpu.memory_space<vmem>>) dst(%dma_wait3A_198 : memref<10240x128xf32, #tpu.memory_space<vmem_shared>>)
          tpu.yield
        }) : () -> ()
      }
      %scan3A_126 = arith.constant 7 : i32
      %dma_start3A_127 = arith.constant 15 : i32
      %dma_start3A_128 = arith.constant 0 : i32
      %dma_start3A_129 = tpu.memref_slice %arg9[%dma_start3A_127, %dma_start3A_128] : memref<16x128xi32, #tpu.memory_space<vmem>> -> memref<1x128xi32, #tpu.memory_space<vmem>>
      %dma_start3A_130 = tpu.memref_squeeze %dma_start3A_129 : memref<1x128xi32, #tpu.memory_space<vmem>> -> memref<128xi32, #tpu.memory_space<vmem>>
      %dma_start3A_131 = arith.constant 0 : i32
      %dma_start3A_132 = arith.constant 0 : i32
      %dma_start3A_133 = tpu.memref_slice %arg2[%dma_start3A_131, %dma_start3A_132] : memref<20480x128xf32, #tpu.memory_space<hbm>> -> memref<20480x128xf32, #tpu.memory_space<hbm>>
      tpu.enqueue_indirect_dma source(%dma_start3A_133 : memref<20480x128xf32, #tpu.memory_space<hbm>>) target(%arg12 : memref<128x128xf32, #tpu.memory_space<vmem>>) offsets(%dma_start3A_130 : memref<128xi32, #tpu.memory_space<vmem>>) semaphore(%arg15 : memref<!tpu.dma_semaphore, #tpu.memory_space<semaphore_mem>>)
      %dma_wait3A_134 = arith.constant 14 : i32
      %dma_wait3A_135 = arith.constant 0 : i32
      %dma_wait3A_136 = tpu.memref_slice %arg9[%dma_wait3A_134, %dma_wait3A_135] : memref<16x128xi32, #tpu.memory_space<vmem>> -> memref<1x128xi32, #tpu.memory_space<vmem>>
      %dma_wait3A_137 = tpu.memref_squeeze %dma_wait3A_136 : memref<1x128xi32, #tpu.memory_space<vmem>> -> memref<128xi32, #tpu.memory_space<vmem>>
      %dma_wait3A_138 = arith.constant 0 : i32
      %dma_wait3A_139 = arith.constant 0 : i32
      %dma_wait3A_140 = tpu.memref_slice %arg2[%dma_wait3A_138, %dma_wait3A_139] : memref<20480x128xf32, #tpu.memory_space<hbm>> -> memref<20480x128xf32, #tpu.memory_space<hbm>>
      tpu.wait_indirect_dma semaphore(%arg14 : memref<!tpu.dma_semaphore, #tpu.memory_space<semaphore_mem>>) src(%dma_wait3A_140 : memref<20480x128xf32, #tpu.memory_space<hbm>>) dst(%arg11 : memref<128x128xf32, #tpu.memory_space<vmem>>)
      %run_scoped3A_141 = arith.constant 14 : i32
      "tpu.region"() ({
        %run_scoped3A_155 = tpu.sem_alloc : memref<!tpu.dma_semaphore, #tpu.memory_space<semaphore_mem>>
        %dma_start3A_156 = arith.constant 0 : i32
        %dma_start3A_157 = tpu.memref_slice %arg10[%run_scoped3A_141, %dma_start3A_156] : memref<16x128xi32, #tpu.memory_space<vmem>> -> memref<1x128xi32, #tpu.memory_space<vmem>>
        %dma_start3A_158 = tpu.memref_squeeze %dma_start3A_157 : memref<1x128xi32, #tpu.memory_space<vmem>> -> memref<128xi32, #tpu.memory_space<vmem>>
        %dma_start3A_159 = arith.constant 0 : i32
        %dma_start3A_160 = arith.constant 0 : i32
        %dma_start3A_161 = tpu.memref_slice %arg13[%dma_start3A_159, %dma_start3A_160] : memref<10240x128xf32, #tpu.memory_space<vmem_shared>> -> memref<10240x128xf32, #tpu.memory_space<vmem_shared>>
        tpu.enqueue_indirect_dma source(%arg11 : memref<128x128xf32, #tpu.memory_space<vmem>>) target(%dma_start3A_161 : memref<10240x128xf32, #tpu.memory_space<vmem_shared>>) offsets(%dma_start3A_158 : memref<128xi32, #tpu.memory_space<vmem>>) semaphore(%run_scoped3A_155 : memref<!tpu.dma_semaphore, #tpu.memory_space<semaphore_mem>>) {add = true}
        %dma_wait3A_162 = arith.constant 0 : i32
        %dma_wait3A_163 = tpu.memref_slice %arg10[%run_scoped3A_141, %dma_wait3A_162] : memref<16x128xi32, #tpu.memory_space<vmem>> -> memref<1x128xi32, #tpu.memory_space<vmem>>
        %dma_wait3A_164 = tpu.memref_squeeze %dma_wait3A_163 : memref<1x128xi32, #tpu.memory_space<vmem>> -> memref<128xi32, #tpu.memory_space<vmem>>
        %dma_wait3A_165 = arith.constant 0 : i32
        %dma_wait3A_166 = arith.constant 0 : i32
        %dma_wait3A_167 = tpu.memref_slice %arg13[%dma_wait3A_165, %dma_wait3A_166] : memref<10240x128xf32, #tpu.memory_space<vmem_shared>> -> memref<10240x128xf32, #tpu.memory_space<vmem_shared>>
        tpu.wait_indirect_dma semaphore(%run_scoped3A_155 : memref<!tpu.dma_semaphore, #tpu.memory_space<semaphore_mem>>) src(%arg11 : memref<128x128xf32, #tpu.memory_space<vmem>>) dst(%dma_wait3A_167 : memref<10240x128xf32, #tpu.memory_space<vmem_shared>>)
        tpu.yield
      }) : () -> ()
      %lt3A_142 = arith.constant 4 : i32
      %lt3A_143 = arith.cmpi slt, %scan3A_61, %lt3A_142 : i32
      %convert_element_type3A_144 = arith.extui %lt3A_143 : i1 to i32
      %cond3A_145 = arith.constant 0 : i32
      %cond3A_146 = arith.cmpi ne, %convert_element_type3A_144, %cond3A_145 : i32
      scf.if %cond3A_146 {
        %add3A_155 = arith.constant 2 : i32
        %add3A_156 = arith.addi %mul3A_63, %add3A_155 : i32
        %mul3A_157 = arith.constant 16 : i32
        %mul3A_158 = arith.muli %add3A_156, %mul3A_157 : i32
        %add3A_159 = arith.addi %mul3A_4, %mul3A_158 : i32
        %dma_wait3A_160 = arith.constant 0 : i32
        %dma_wait3A_161 = tpu.memref_slice %arg3[%add3A_159, %dma_wait3A_160] : memref<5120x128xi32, #tpu.memory_space<hbm>> -> memref<16x128xi32, #tpu.memory_space<hbm>>
        %dma_wait3A_162 = arith.constant 0 : i32
        %dma_wait3A_163 = tpu.memref_slice %arg3[%add3A_159, %dma_wait3A_162] : memref<5120x128xi32, #tpu.memory_space<hbm>> -> memref<16x128xi32, #tpu.memory_space<hbm>>
        tpu.wait_dma2 semaphore(%arg16 : memref<!tpu.dma_semaphore, #tpu.memory_space<semaphore_mem>>) src(%dma_wait3A_163 : memref<16x128xi32, #tpu.memory_space<hbm>>) dst(%arg7 : memref<16x128xi32, #tpu.memory_space<vmem>>)
        %mul3A_164 = arith.constant 16 : i32
        %mul3A_165 = arith.muli %add3A_156, %mul3A_164 : i32
        %add3A_166 = arith.addi %mul3A_6, %mul3A_165 : i32
        %dma_wait3A_167 = arith.constant 0 : i32
        %dma_wait3A_168 = tpu.memref_slice %arg4[%add3A_166, %dma_wait3A_167] : memref<2560x128xi32, #tpu.memory_space<hbm>> -> memref<16x128xi32, #tpu.memory_space<hbm>>
        %dma_wait3A_169 = arith.constant 0 : i32
        %dma_wait3A_170 = tpu.memref_slice %arg4[%add3A_166, %dma_wait3A_169] : memref<2560x128xi32, #tpu.memory_space<hbm>> -> memref<16x128xi32, #tpu.memory_space<hbm>>
        tpu.wait_dma2 semaphore(%arg16 : memref<!tpu.dma_semaphore, #tpu.memory_space<semaphore_mem>>) src(%dma_wait3A_170 : memref<16x128xi32, #tpu.memory_space<hbm>>) dst(%arg8 : memref<16x128xi32, #tpu.memory_space<vmem>>)
        %dma_start3A_171 = arith.constant 0 : i32
        %dma_start3A_172 = arith.constant 0 : i32
        %dma_start3A_173 = tpu.memref_slice %arg7[%dma_start3A_171, %dma_start3A_172] : memref<16x128xi32, #tpu.memory_space<vmem>> -> memref<1x128xi32, #tpu.memory_space<vmem>>
        %dma_start3A_174 = tpu.memref_squeeze %dma_start3A_173 : memref<1x128xi32, #tpu.memory_space<vmem>> -> memref<128xi32, #tpu.memory_space<vmem>>
        %dma_start3A_175 = arith.constant 0 : i32
        %dma_start3A_176 = arith.constant 0 : i32
        %dma_start3A_177 = tpu.memref_slice %arg2[%dma_start3A_175, %dma_start3A_176] : memref<20480x128xf32, #tpu.memory_space<hbm>> -> memref<20480x128xf32, #tpu.memory_space<hbm>>
        tpu.enqueue_indirect_dma source(%dma_start3A_177 : memref<20480x128xf32, #tpu.memory_space<hbm>>) target(%arg11 : memref<128x128xf32, #tpu.memory_space<vmem>>) offsets(%dma_start3A_174 : memref<128xi32, #tpu.memory_space<vmem>>) semaphore(%arg14 : memref<!tpu.dma_semaphore, #tpu.memory_space<semaphore_mem>>)
      } else {
      }
      %dma_wait3A_147 = arith.constant 15 : i32
      %dma_wait3A_148 = arith.constant 0 : i32
      %dma_wait3A_149 = tpu.memref_slice %arg9[%dma_wait3A_147, %dma_wait3A_148] : memref<16x128xi32, #tpu.memory_space<vmem>> -> memref<1x128xi32, #tpu.memory_space<vmem>>
      %dma_wait3A_150 = tpu.memref_squeeze %dma_wait3A_149 : memref<1x128xi32, #tpu.memory_space<vmem>> -> memref<128xi32, #tpu.memory_space<vmem>>
      %dma_wait3A_151 = arith.constant 0 : i32
      %dma_wait3A_152 = arith.constant 0 : i32
      %dma_wait3A_153 = tpu.memref_slice %arg2[%dma_wait3A_151, %dma_wait3A_152] : memref<20480x128xf32, #tpu.memory_space<hbm>> -> memref<20480x128xf32, #tpu.memory_space<hbm>>
      tpu.wait_indirect_dma semaphore(%arg15 : memref<!tpu.dma_semaphore, #tpu.memory_space<semaphore_mem>>) src(%dma_wait3A_153 : memref<20480x128xf32, #tpu.memory_space<hbm>>) dst(%arg12 : memref<128x128xf32, #tpu.memory_space<vmem>>)
      %run_scoped3A_154 = arith.constant 15 : i32
      "tpu.region"() ({
        %run_scoped3A_155 = tpu.sem_alloc : memref<!tpu.dma_semaphore, #tpu.memory_space<semaphore_mem>>
        %dma_start3A_156 = arith.constant 0 : i32
        %dma_start3A_157 = tpu.memref_slice %arg10[%run_scoped3A_154, %dma_start3A_156] : memref<16x128xi32, #tpu.memory_space<vmem>> -> memref<1x128xi32, #tpu.memory_space<vmem>>
        %dma_start3A_158 = tpu.memref_squeeze %dma_start3A_157 : memref<1x128xi32, #tpu.memory_space<vmem>> -> memref<128xi32, #tpu.memory_space<vmem>>
        %dma_start3A_159 = arith.constant 0 : i32
        %dma_start3A_160 = arith.constant 0 : i32
        %dma_start3A_161 = tpu.memref_slice %arg13[%dma_start3A_159, %dma_start3A_160] : memref<10240x128xf32, #tpu.memory_space<vmem_shared>> -> memref<10240x128xf32, #tpu.memory_space<vmem_shared>>
        tpu.enqueue_indirect_dma source(%arg12 : memref<128x128xf32, #tpu.memory_space<vmem>>) target(%dma_start3A_161 : memref<10240x128xf32, #tpu.memory_space<vmem_shared>>) offsets(%dma_start3A_158 : memref<128xi32, #tpu.memory_space<vmem>>) semaphore(%run_scoped3A_155 : memref<!tpu.dma_semaphore, #tpu.memory_space<semaphore_mem>>) {add = true}
        %dma_wait3A_162 = arith.constant 0 : i32
        %dma_wait3A_163 = tpu.memref_slice %arg10[%run_scoped3A_154, %dma_wait3A_162] : memref<16x128xi32, #tpu.memory_space<vmem>> -> memref<1x128xi32, #tpu.memory_space<vmem>>
        %dma_wait3A_164 = tpu.memref_squeeze %dma_wait3A_163 : memref<1x128xi32, #tpu.memory_space<vmem>> -> memref<128xi32, #tpu.memory_space<vmem>>
        %dma_wait3A_165 = arith.constant 0 : i32
        %dma_wait3A_166 = arith.constant 0 : i32
        %dma_wait3A_167 = tpu.memref_slice %arg13[%dma_wait3A_165, %dma_wait3A_166] : memref<10240x128xf32, #tpu.memory_space<vmem_shared>> -> memref<10240x128xf32, #tpu.memory_space<vmem_shared>>
        tpu.wait_indirect_dma semaphore(%run_scoped3A_155 : memref<!tpu.dma_semaphore, #tpu.memory_space<semaphore_mem>>) src(%arg12 : memref<128x128xf32, #tpu.memory_space<vmem>>) dst(%dma_wait3A_167 : memref<10240x128xf32, #tpu.memory_space<vmem_shared>>)
        tpu.yield
      }) : () -> ()
    }
    %scan3A_52 = arith.constant 5 : i32
    %barrier3A_53 = arith.constant 0 : index
    tpu.barrier barrier_id(%barrier3A_53)
    %mul3A_54 = arith.constant 640 : i32
    %mul3A_55 = arith.muli %arg1, %mul3A_54 : i32
    %mul3A_56 = arith.constant 10240 : i32
    %mul3A_57 = arith.muli %arg0, %mul3A_56 : i32
    %mul3A_58 = arith.constant 640 : i32
    %mul3A_59 = arith.muli %arg1, %mul3A_58 : i32
    %add3A_60 = arith.addi %mul3A_57, %mul3A_59 : i32
    "tpu.region"() ({
      %run_scoped3A = tpu.sem_alloc : memref<!tpu.dma_semaphore, #tpu.memory_space<semaphore_mem>>
      %dma_start3A_61 = arith.constant 0 : i32
      %dma_start3A_62 = tpu.memref_slice %arg6[%add3A_60, %dma_start3A_61] : memref<20480x128xf32, #tpu.memory_space<hbm>> -> memref<640x128xf32, #tpu.memory_space<hbm>>
      %dma_start3A_63 = arith.constant 0 : i32
      %dma_start3A_64 = tpu.memref_slice %arg13[%mul3A_55, %dma_start3A_63] : memref<10240x128xf32, #tpu.memory_space<vmem_shared>> -> memref<640x128xf32, #tpu.memory_space<vmem_shared>>
      tpu.enqueue_dma source(%dma_start3A_64 : memref<640x128xf32, #tpu.memory_space<vmem_shared>>) target(%dma_start3A_62 : memref<640x128xf32, #tpu.memory_space<hbm>>) target_semaphore(%run_scoped3A : memref<!tpu.dma_semaphore, #tpu.memory_space<semaphore_mem>>)
      %dma_wait3A_65 = arith.constant 0 : i32
      %dma_wait3A_66 = tpu.memref_slice %arg6[%add3A_60, %dma_wait3A_65] : memref<20480x128xf32, #tpu.memory_space<hbm>> -> memref<640x128xf32, #tpu.memory_space<hbm>>
      %dma_wait3A_67 = arith.constant 0 : i32
      %dma_wait3A_68 = tpu.memref_slice %arg13[%mul3A_55, %dma_wait3A_67] : memref<10240x128xf32, #tpu.memory_space<vmem_shared>> -> memref<640x128xf32, #tpu.memory_space<vmem_shared>>
      tpu.wait_dma2 semaphore(%run_scoped3A : memref<!tpu.dma_semaphore, #tpu.memory_space<semaphore_mem>>) src(%dma_wait3A_68 : memref<640x128xf32, #tpu.memory_space<vmem_shared>>) dst(%dma_wait3A_66 : memref<640x128xf32, #tpu.memory_space<hbm>>)
      tpu.yield
    }) : () -> ()
    return
  }
}

#map = affine_map<(d0, d1) -> (0, 0)>
module attributes {stable_mosaic.version = 14 : i64} {
  func.func @body(%arg0: i32, %arg1: i32, %arg2: memref<2560x128xi32, #tpu.memory_space<hbm>>, %arg3: memref<640x128xf32, #tpu.memory_space<hbm>>, %arg4: memref<128x128xf32, #tpu.memory_space<hbm>>, %arg5: memref<20480x128xf32, #tpu.memory_space<hbm>>, %arg6: memref<80x128xi32, #tpu.memory_space<vmem>>, %arg7: memref<128x128xf32, #tpu.memory_space<vmem>>, %arg8: memref<10240x128xf32, #tpu.memory_space<vmem_shared>>) attributes {dimension_semantics = [#tpu.dimension_semantics<core_parallel>, #tpu.dimension_semantics<subcore_parallel>], iteration_bounds = array<i64: 2, 16>, scalar_prefetch = 0 : i64, scratch_operands = 3 : i64, tpu.core_type = #tpu.core_type<sc_vector_subcore>, window_params = [{transform_indices = #map}, {transform_indices = #map}, {transform_indices = #map}, {transform_indices = #map}]} {
    %mul3A = arith.constant 16 : i32
    %mul3A_0 = arith.muli %arg0, %mul3A : i32
    %add3A = arith.addi %mul3A_0, %arg1 : i32
    %mul3A_1 = arith.constant 640 : i32
    %mul3A_2 = arith.muli %arg1, %mul3A_1 : i32
    "tpu.region"() ({
      %run_scoped3A = tpu.sem_alloc : memref<!tpu.dma_semaphore, #tpu.memory_space<semaphore_mem>>
      %dma_start3A = arith.constant 0 : i32
      %dma_start3A_18 = tpu.memref_slice %arg8[%mul3A_2, %dma_start3A] : memref<10240x128xf32, #tpu.memory_space<vmem_shared>> -> memref<640x128xf32, #tpu.memory_space<vmem_shared>>
      tpu.enqueue_dma source(%arg3 : memref<640x128xf32, #tpu.memory_space<hbm>>) target(%dma_start3A_18 : memref<640x128xf32, #tpu.memory_space<vmem_shared>>) target_semaphore(%run_scoped3A : memref<!tpu.dma_semaphore, #tpu.memory_space<semaphore_mem>>)
      %dma_wait3A = arith.constant 0 : i32
      %dma_wait3A_19 = tpu.memref_slice %arg8[%mul3A_2, %dma_wait3A] : memref<10240x128xf32, #tpu.memory_space<vmem_shared>> -> memref<640x128xf32, #tpu.memory_space<vmem_shared>>
      tpu.wait_dma2 semaphore(%run_scoped3A : memref<!tpu.dma_semaphore, #tpu.memory_space<semaphore_mem>>) src(%arg3 : memref<640x128xf32, #tpu.memory_space<hbm>>) dst(%dma_wait3A_19 : memref<640x128xf32, #tpu.memory_space<vmem_shared>>)
      tpu.yield
    }) : () -> ()
    "tpu.region"() ({
      %run_scoped3A = tpu.sem_alloc : memref<!tpu.dma_semaphore, #tpu.memory_space<semaphore_mem>>
      tpu.enqueue_dma source(%arg4 : memref<128x128xf32, #tpu.memory_space<hbm>>) target(%arg7 : memref<128x128xf32, #tpu.memory_space<vmem>>) target_semaphore(%run_scoped3A : memref<!tpu.dma_semaphore, #tpu.memory_space<semaphore_mem>>)
      tpu.wait_dma2 semaphore(%run_scoped3A : memref<!tpu.dma_semaphore, #tpu.memory_space<semaphore_mem>>) src(%arg4 : memref<128x128xf32, #tpu.memory_space<hbm>>) dst(%arg7 : memref<128x128xf32, #tpu.memory_space<vmem>>)
      tpu.yield
    }) : () -> ()
    %mul3A_3 = arith.constant 80 : i32
    %mul3A_4 = arith.muli %add3A, %mul3A_3 : i32
    "tpu.region"() ({
      %run_scoped3A = tpu.sem_alloc : memref<!tpu.dma_semaphore, #tpu.memory_space<semaphore_mem>>
      %dma_start3A = arith.constant 0 : i32
      %dma_start3A_18 = tpu.memref_slice %arg2[%mul3A_4, %dma_start3A] : memref<2560x128xi32, #tpu.memory_space<hbm>> -> memref<80x128xi32, #tpu.memory_space<hbm>>
      %dma_start3A_19 = arith.constant 0 : i32
      %dma_start3A_20 = tpu.memref_slice %arg2[%mul3A_4, %dma_start3A_19] : memref<2560x128xi32, #tpu.memory_space<hbm>> -> memref<80x128xi32, #tpu.memory_space<hbm>>
      tpu.enqueue_dma source(%dma_start3A_20 : memref<80x128xi32, #tpu.memory_space<hbm>>) target(%arg6 : memref<80x128xi32, #tpu.memory_space<vmem>>) target_semaphore(%run_scoped3A : memref<!tpu.dma_semaphore, #tpu.memory_space<semaphore_mem>>)
      %dma_wait3A = arith.constant 0 : i32
      %dma_wait3A_21 = tpu.memref_slice %arg2[%mul3A_4, %dma_wait3A] : memref<2560x128xi32, #tpu.memory_space<hbm>> -> memref<80x128xi32, #tpu.memory_space<hbm>>
      %dma_wait3A_22 = arith.constant 0 : i32
      %dma_wait3A_23 = tpu.memref_slice %arg2[%mul3A_4, %dma_wait3A_22] : memref<2560x128xi32, #tpu.memory_space<hbm>> -> memref<80x128xi32, #tpu.memory_space<hbm>>
      tpu.wait_dma2 semaphore(%run_scoped3A : memref<!tpu.dma_semaphore, #tpu.memory_space<semaphore_mem>>) src(%dma_wait3A_23 : memref<80x128xi32, #tpu.memory_space<hbm>>) dst(%arg6 : memref<80x128xi32, #tpu.memory_space<vmem>>)
      tpu.yield
    }) : () -> ()
    %barrier3A = arith.constant 0 : index
    tpu.barrier barrier_id(%barrier3A)
    %scan3A = arith.constant 0 : i32
    %scan3A_5 = arith.constant 0 : i32
    %scan3A_6 = arith.constant 80 : i32
    %scan3A_7 = arith.addi %scan3A_5, %scan3A_6 : i32
    %scan3A_8 = arith.constant 1 : i32
    scf.for %scan3A_18 = %scan3A_5 to %scan3A_7 step %scan3A_8  : i32 {
      "tpu.region"() ({
        %run_scoped3A = tpu.sem_alloc : memref<!tpu.dma_semaphore, #tpu.memory_space<semaphore_mem>>
        %dma_start3A = arith.constant 0 : i32
        %dma_start3A_19 = tpu.memref_slice %arg6[%scan3A_18, %dma_start3A] : memref<80x128xi32, #tpu.memory_space<vmem>> -> memref<1x128xi32, #tpu.memory_space<vmem>>
        %dma_start3A_20 = tpu.memref_squeeze %dma_start3A_19 : memref<1x128xi32, #tpu.memory_space<vmem>> -> memref<128xi32, #tpu.memory_space<vmem>>
        %dma_start3A_21 = arith.constant 0 : i32
        %dma_start3A_22 = arith.constant 0 : i32
        %dma_start3A_23 = tpu.memref_slice %arg8[%dma_start3A_21, %dma_start3A_22] : memref<10240x128xf32, #tpu.memory_space<vmem_shared>> -> memref<10240x128xf32, #tpu.memory_space<vmem_shared>>
        tpu.enqueue_indirect_dma source(%arg7 : memref<128x128xf32, #tpu.memory_space<vmem>>) target(%dma_start3A_23 : memref<10240x128xf32, #tpu.memory_space<vmem_shared>>) offsets(%dma_start3A_20 : memref<128xi32, #tpu.memory_space<vmem>>) semaphore(%run_scoped3A : memref<!tpu.dma_semaphore, #tpu.memory_space<semaphore_mem>>) {add = true}
        %dma_wait3A = arith.constant 0 : i32
        %dma_wait3A_24 = tpu.memref_slice %arg6[%scan3A_18, %dma_wait3A] : memref<80x128xi32, #tpu.memory_space<vmem>> -> memref<1x128xi32, #tpu.memory_space<vmem>>
        %dma_wait3A_25 = tpu.memref_squeeze %dma_wait3A_24 : memref<1x128xi32, #tpu.memory_space<vmem>> -> memref<128xi32, #tpu.memory_space<vmem>>
        %dma_wait3A_26 = arith.constant 0 : i32
        %dma_wait3A_27 = arith.constant 0 : i32
        %dma_wait3A_28 = tpu.memref_slice %arg8[%dma_wait3A_26, %dma_wait3A_27] : memref<10240x128xf32, #tpu.memory_space<vmem_shared>> -> memref<10240x128xf32, #tpu.memory_space<vmem_shared>>
        tpu.wait_indirect_dma semaphore(%run_scoped3A : memref<!tpu.dma_semaphore, #tpu.memory_space<semaphore_mem>>) src(%arg7 : memref<128x128xf32, #tpu.memory_space<vmem>>) dst(%dma_wait3A_28 : memref<10240x128xf32, #tpu.memory_space<vmem_shared>>)
        tpu.yield
      }) : () -> ()
    }
    %scan3A_9 = arith.constant 80 : i32
    %barrier3A_10 = arith.constant 0 : index
    tpu.barrier barrier_id(%barrier3A_10)
    %mul3A_11 = arith.constant 640 : i32
    %mul3A_12 = arith.muli %arg1, %mul3A_11 : i32
    %mul3A_13 = arith.constant 10240 : i32
    %mul3A_14 = arith.muli %arg0, %mul3A_13 : i32
    %mul3A_15 = arith.constant 640 : i32
    %mul3A_16 = arith.muli %arg1, %mul3A_15 : i32
    %add3A_17 = arith.addi %mul3A_14, %mul3A_16 : i32
    "tpu.region"() ({
      %run_scoped3A = tpu.sem_alloc : memref<!tpu.dma_semaphore, #tpu.memory_space<semaphore_mem>>
      %dma_start3A = arith.constant 0 : i32
      %dma_start3A_18 = tpu.memref_slice %arg5[%add3A_17, %dma_start3A] : memref<20480x128xf32, #tpu.memory_space<hbm>> -> memref<640x128xf32, #tpu.memory_space<hbm>>
      %dma_start3A_19 = arith.constant 0 : i32
      %dma_start3A_20 = tpu.memref_slice %arg8[%mul3A_12, %dma_start3A_19] : memref<10240x128xf32, #tpu.memory_space<vmem_shared>> -> memref<640x128xf32, #tpu.memory_space<vmem_shared>>
      tpu.enqueue_dma source(%dma_start3A_20 : memref<640x128xf32, #tpu.memory_space<vmem_shared>>) target(%dma_start3A_18 : memref<640x128xf32, #tpu.memory_space<hbm>>) target_semaphore(%run_scoped3A : memref<!tpu.dma_semaphore, #tpu.memory_space<semaphore_mem>>)
      %dma_wait3A = arith.constant 0 : i32
      %dma_wait3A_21 = tpu.memref_slice %arg5[%add3A_17, %dma_wait3A] : memref<20480x128xf32, #tpu.memory_space<hbm>> -> memref<640x128xf32, #tpu.memory_space<hbm>>
      %dma_wait3A_22 = arith.constant 0 : i32
      %dma_wait3A_23 = tpu.memref_slice %arg8[%mul3A_12, %dma_wait3A_22] : memref<10240x128xf32, #tpu.memory_space<vmem_shared>> -> memref<640x128xf32, #tpu.memory_space<vmem_shared>>
      tpu.wait_dma2 semaphore(%run_scoped3A : memref<!tpu.dma_semaphore, #tpu.memory_space<semaphore_mem>>) src(%dma_wait3A_23 : memref<640x128xf32, #tpu.memory_space<vmem_shared>>) dst(%dma_wait3A_21 : memref<640x128xf32, #tpu.memory_space<hbm>>)
      tpu.yield
    }) : () -> ()
    return
  }
}

#map = affine_map<(d0, d1) -> (0, 0)>
module attributes {stable_mosaic.version = 14 : i64} {
  func.func @body(%arg0: i32, %arg1: i32, %arg2: memref<20480x128xf32, #tpu.memory_space<hbm>>, %arg3: memref<5120x128xi32, #tpu.memory_space<hbm>>, %arg4: memref<2560x128xi32, #tpu.memory_space<hbm>>, %arg5: memref<640x128xf32, #tpu.memory_space<hbm>>, %arg6: memref<20480x128xf32, #tpu.memory_space<hbm>>, %arg7: memref<16x128xi32, #tpu.memory_space<vmem>>, %arg8: memref<16x128xi32, #tpu.memory_space<vmem>>, %arg9: memref<16x128xi32, #tpu.memory_space<vmem>>, %arg10: memref<16x128xi32, #tpu.memory_space<vmem>>, %arg11: memref<128x128xf32, #tpu.memory_space<vmem>>, %arg12: memref<128x128xf32, #tpu.memory_space<vmem>>, %arg13: memref<10240x128xf32, #tpu.memory_space<vmem_shared>>, %arg14: memref<!tpu.dma_semaphore, #tpu.memory_space<semaphore_mem>>, %arg15: memref<!tpu.dma_semaphore, #tpu.memory_space<semaphore_mem>>, %arg16: memref<!tpu.dma_semaphore, #tpu.memory_space<semaphore_mem>>, %arg17: memref<!tpu.dma_semaphore, #tpu.memory_space<semaphore_mem>>) attributes {dimension_semantics = [#tpu.dimension_semantics<core_parallel>, #tpu.dimension_semantics<subcore_parallel>], iteration_bounds = array<i64: 2, 16>, scalar_prefetch = 0 : i64, scratch_operands = 11 : i64, tpu.core_type = #tpu.core_type<sc_vector_subcore>, window_params = [{transform_indices = #map}, {transform_indices = #map}, {transform_indices = #map}, {transform_indices = #map}, {transform_indices = #map}]} {
    %mul3A = arith.constant 640 : i32
    %mul3A_0 = arith.muli %arg1, %mul3A : i32
    "tpu.region"() ({
      %run_scoped3A = tpu.sem_alloc : memref<!tpu.dma_semaphore, #tpu.memory_space<semaphore_mem>>
      %dma_start3A_61 = arith.constant 0 : i32
      %dma_start3A_62 = tpu.memref_slice %arg13[%mul3A_0, %dma_start3A_61] : memref<10240x128xf32, #tpu.memory_space<vmem_shared>> -> memref<640x128xf32, #tpu.memory_space<vmem_shared>>
      tpu.enqueue_dma source(%arg5 : memref<640x128xf32, #tpu.memory_space<hbm>>) target(%dma_start3A_62 : memref<640x128xf32, #tpu.memory_space<vmem_shared>>) target_semaphore(%run_scoped3A : memref<!tpu.dma_semaphore, #tpu.memory_space<semaphore_mem>>)
      %dma_wait3A_63 = arith.constant 0 : i32
      %dma_wait3A_64 = tpu.memref_slice %arg13[%mul3A_0, %dma_wait3A_63] : memref<10240x128xf32, #tpu.memory_space<vmem_shared>> -> memref<640x128xf32, #tpu.memory_space<vmem_shared>>
      tpu.wait_dma2 semaphore(%run_scoped3A : memref<!tpu.dma_semaphore, #tpu.memory_space<semaphore_mem>>) src(%arg5 : memref<640x128xf32, #tpu.memory_space<hbm>>) dst(%dma_wait3A_64 : memref<640x128xf32, #tpu.memory_space<vmem_shared>>)
      tpu.yield
    }) : () -> ()
    %mul3A_1 = arith.constant 16 : i32
    %mul3A_2 = arith.muli %arg0, %mul3A_1 : i32
    %add3A = arith.addi %mul3A_2, %arg1 : i32
    %mul3A_3 = arith.constant 160 : i32
    %mul3A_4 = arith.muli %add3A, %mul3A_3 : i32
    %mul3A_5 = arith.constant 160 : i32
    %mul3A_6 = arith.muli %arg1, %mul3A_5 : i32
    %barrier3A = arith.constant 0 : index
    tpu.barrier barrier_id(%barrier3A)
    %add3A_7 = arith.constant 0 : i32
    %add3A_8 = arith.addi %mul3A_4, %add3A_7 : i32
    %dma_start3A = arith.constant 0 : i32
    %dma_start3A_9 = tpu.memref_slice %arg3[%add3A_8, %dma_start3A] : memref<5120x128xi32, #tpu.memory_space<hbm>> -> memref<16x128xi32, #tpu.memory_space<hbm>>
    %dma_start3A_10 = arith.constant 0 : i32
    %dma_start3A_11 = tpu.memref_slice %arg3[%add3A_8, %dma_start3A_10] : memref<5120x128xi32, #tpu.memory_space<hbm>> -> memref<16x128xi32, #tpu.memory_space<hbm>>
    tpu.enqueue_dma source(%dma_start3A_11 : memref<16x128xi32, #tpu.memory_space<hbm>>) target(%arg7 : memref<16x128xi32, #tpu.memory_space<vmem>>) target_semaphore(%arg16 : memref<!tpu.dma_semaphore, #tpu.memory_space<semaphore_mem>>)
    %add3A_12 = arith.constant 0 : i32
    %add3A_13 = arith.addi %mul3A_6, %add3A_12 : i32
    %dma_start3A_14 = arith.constant 0 : i32
    %dma_start3A_15 = tpu.memref_slice %arg4[%add3A_13, %dma_start3A_14] : memref<2560x128xi32, #tpu.memory_space<hbm>> -> memref<16x128xi32, #tpu.memory_space<hbm>>
    %dma_start3A_16 = arith.constant 0 : i32
    %dma_start3A_17 = tpu.memref_slice %arg4[%add3A_13, %dma_start3A_16] : memref<2560x128xi32, #tpu.memory_space<hbm>> -> memref<16x128xi32, #tpu.memory_space<hbm>>
    tpu.enqueue_dma source(%dma_start3A_17 : memref<16x128xi32, #tpu.memory_space<hbm>>) target(%arg8 : memref<16x128xi32, #tpu.memory_space<vmem>>) target_semaphore(%arg16 : memref<!tpu.dma_semaphore, #tpu.memory_space<semaphore_mem>>)
    %add3A_18 = arith.constant 0 : i32
    %add3A_19 = arith.addi %mul3A_4, %add3A_18 : i32
    %dma_wait3A = arith.constant 0 : i32
    %dma_wait3A_20 = tpu.memref_slice %arg3[%add3A_19, %dma_wait3A] : memref<5120x128xi32, #tpu.memory_space<hbm>> -> memref<16x128xi32, #tpu.memory_space<hbm>>
    %dma_wait3A_21 = arith.constant 0 : i32
    %dma_wait3A_22 = tpu.memref_slice %arg3[%add3A_19, %dma_wait3A_21] : memref<5120x128xi32, #tpu.memory_space<hbm>> -> memref<16x128xi32, #tpu.memory_space<hbm>>
    tpu.wait_dma2 semaphore(%arg16 : memref<!tpu.dma_semaphore, #tpu.memory_space<semaphore_mem>>) src(%dma_wait3A_22 : memref<16x128xi32, #tpu.memory_space<hbm>>) dst(%arg7 : memref<16x128xi32, #tpu.memory_space<vmem>>)
    %add3A_23 = arith.constant 0 : i32
    %add3A_24 = arith.addi %mul3A_6, %add3A_23 : i32
    %dma_wait3A_25 = arith.constant 0 : i32
    %dma_wait3A_26 = tpu.memref_slice %arg4[%add3A_24, %dma_wait3A_25] : memref<2560x128xi32, #tpu.memory_space<hbm>> -> memref<16x128xi32, #tpu.memory_space<hbm>>
    %dma_wait3A_27 = arith.constant 0 : i32
    %dma_wait3A_28 = tpu.memref_slice %arg4[%add3A_24, %dma_wait3A_27] : memref<2560x128xi32, #tpu.memory_space<hbm>> -> memref<16x128xi32, #tpu.memory_space<hbm>>
    tpu.wait_dma2 semaphore(%arg16 : memref<!tpu.dma_semaphore, #tpu.memory_space<semaphore_mem>>) src(%dma_wait3A_28 : memref<16x128xi32, #tpu.memory_space<hbm>>) dst(%arg8 : memref<16x128xi32, #tpu.memory_space<vmem>>)
    %dma_start3A_29 = arith.constant 0 : i32
    %dma_start3A_30 = arith.constant 0 : i32
    %dma_start3A_31 = tpu.memref_slice %arg7[%dma_start3A_29, %dma_start3A_30] : memref<16x128xi32, #tpu.memory_space<vmem>> -> memref<1x128xi32, #tpu.memory_space<vmem>>
    %dma_start3A_32 = tpu.memref_squeeze %dma_start3A_31 : memref<1x128xi32, #tpu.memory_space<vmem>> -> memref<128xi32, #tpu.memory_space<vmem>>
    %dma_start3A_33 = arith.constant 0 : i32
    %dma_start3A_34 = arith.constant 0 : i32
    %dma_start3A_35 = tpu.memref_slice %arg2[%dma_start3A_33, %dma_start3A_34] : memref<20480x128xf32, #tpu.memory_space<hbm>> -> memref<20480x128xf32, #tpu.memory_space<hbm>>
    tpu.enqueue_indirect_dma source(%dma_start3A_35 : memref<20480x128xf32, #tpu.memory_space<hbm>>) target(%arg11 : memref<128x128xf32, #tpu.memory_space<vmem>>) offsets(%dma_start3A_32 : memref<128xi32, #tpu.memory_space<vmem>>) semaphore(%arg14 : memref<!tpu.dma_semaphore, #tpu.memory_space<semaphore_mem>>)
    %add3A_36 = arith.constant 16 : i32
    %add3A_37 = arith.addi %mul3A_4, %add3A_36 : i32
    %dma_start3A_38 = arith.constant 0 : i32
    %dma_start3A_39 = tpu.memref_slice %arg3[%add3A_37, %dma_start3A_38] : memref<5120x128xi32, #tpu.memory_space<hbm>> -> memref<16x128xi32, #tpu.memory_space<hbm>>
    %dma_start3A_40 = arith.constant 0 : i32
    %dma_start3A_41 = tpu.memref_slice %arg3[%add3A_37, %dma_start3A_40] : memref<5120x128xi32, #tpu.memory_space<hbm>> -> memref<16x128xi32, #tpu.memory_space<hbm>>
    tpu.enqueue_dma source(%dma_start3A_41 : memref<16x128xi32, #tpu.memory_space<hbm>>) target(%arg9 : memref<16x128xi32, #tpu.memory_space<vmem>>) target_semaphore(%arg17 : memref<!tpu.dma_semaphore, #tpu.memory_space<semaphore_mem>>)
    %add3A_42 = arith.constant 16 : i32
    %add3A_43 = arith.addi %mul3A_6, %add3A_42 : i32
    %dma_start3A_44 = arith.constant 0 : i32
    %dma_start3A_45 = tpu.memref_slice %arg4[%add3A_43, %dma_start3A_44] : memref<2560x128xi32, #tpu.memory_space<hbm>> -> memref<16x128xi32, #tpu.memory_space<hbm>>
    %dma_start3A_46 = arith.constant 0 : i32
    %dma_start3A_47 = tpu.memref_slice %arg4[%add3A_43, %dma_start3A_46] : memref<2560x128xi32, #tpu.memory_space<hbm>> -> memref<16x128xi32, #tpu.memory_space<hbm>>
    tpu.enqueue_dma source(%dma_start3A_47 : memref<16x128xi32, #tpu.memory_space<hbm>>) target(%arg10 : memref<16x128xi32, #tpu.memory_space<vmem>>) target_semaphore(%arg17 : memref<!tpu.dma_semaphore, #tpu.memory_space<semaphore_mem>>)
    %scan3A = arith.constant 0 : i32
    %scan3A_48 = arith.constant 0 : i32
    %scan3A_49 = arith.constant 5 : i32
    %scan3A_50 = arith.addi %scan3A_48, %scan3A_49 : i32
    %scan3A_51 = arith.constant 1 : i32
    scf.for %scan3A_61 = %scan3A_48 to %scan3A_50 step %scan3A_51  : i32 {
      %mul3A_62 = arith.constant 2 : i32
      %mul3A_63 = arith.muli %mul3A_62, %scan3A_61 : i32
      %add3A_64 = arith.constant 1 : i32
      %add3A_65 = arith.addi %mul3A_63, %add3A_64 : i32
      %gt3A = arith.constant 0 : i32
      %gt3A_66 = arith.cmpi sgt, %scan3A_61, %gt3A : i32
      %convert_element_type3A = arith.extui %gt3A_66 : i1 to i32
      %cond3A = arith.constant 0 : i32
      %cond3A_67 = arith.cmpi ne, %convert_element_type3A, %cond3A : i32
      scf.if %cond3A_67 {
        %mul3A_155 = arith.constant 16 : i32
        %mul3A_156 = arith.muli %add3A_65, %mul3A_155 : i32
        %add3A_157 = arith.addi %mul3A_4, %mul3A_156 : i32
        %dma_start3A_158 = arith.constant 0 : i32
        %dma_start3A_159 = tpu.memref_slice %arg3[%add3A_157, %dma_start3A_158] : memref<5120x128xi32, #tpu.memory_space<hbm>> -> memref<16x128xi32, #tpu.memory_space<hbm>>
        %dma_start3A_160 = arith.constant 0 : i32
        %dma_start3A_161 = tpu.memref_slice %arg3[%add3A_157, %dma_start3A_160] : memref<5120x128xi32, #tpu.memory_space<hbm>> -> memref<16x128xi32, #tpu.memory_space<hbm>>
        tpu.enqueue_dma source(%dma_start3A_161 : memref<16x128xi32, #tpu.memory_space<hbm>>) target(%arg9 : memref<16x128xi32, #tpu.memory_space<vmem>>) target_semaphore(%arg17 : memref<!tpu.dma_semaphore, #tpu.memory_space<semaphore_mem>>)
        %mul3A_162 = arith.constant 16 : i32
        %mul3A_163 = arith.muli %add3A_65, %mul3A_162 : i32
        %add3A_164 = arith.addi %mul3A_6, %mul3A_163 : i32
        %dma_start3A_165 = arith.constant 0 : i32
        %dma_start3A_166 = tpu.memref_slice %arg4[%add3A_164, %dma_start3A_165] : memref<2560x128xi32, #tpu.memory_space<hbm>> -> memref<16x128xi32, #tpu.memory_space<hbm>>
        %dma_start3A_167 = arith.constant 0 : i32
        %dma_start3A_168 = tpu.memref_slice %arg4[%add3A_164, %dma_start3A_167] : memref<2560x128xi32, #tpu.memory_space<hbm>> -> memref<16x128xi32, #tpu.memory_space<hbm>>
        tpu.enqueue_dma source(%dma_start3A_168 : memref<16x128xi32, #tpu.memory_space<hbm>>) target(%arg10 : memref<16x128xi32, #tpu.memory_space<vmem>>) target_semaphore(%arg17 : memref<!tpu.dma_semaphore, #tpu.memory_space<semaphore_mem>>)
      } else {
      }
      %scan3A_68 = arith.constant 0 : i32
      %scan3A_69 = arith.constant 0 : i32
      %scan3A_70 = arith.constant 7 : i32
      %scan3A_71 = arith.addi %scan3A_69, %scan3A_70 : i32
      %scan3A_72 = arith.constant 1 : i32
      scf.for %scan3A_155 = %scan3A_69 to %scan3A_71 step %scan3A_72  : i32 {
        %mul3A_156 = arith.constant 2 : i32
        %mul3A_157 = arith.muli %mul3A_156, %scan3A_155 : i32
        %add3A_158 = arith.constant 1 : i32
        %add3A_159 = arith.addi %mul3A_157, %add3A_158 : i32
        %dma_start3A_160 = arith.constant 0 : i32
        %dma_start3A_161 = tpu.memref_slice %arg7[%add3A_159, %dma_start3A_160] : memref<16x128xi32, #tpu.memory_space<vmem>> -> memref<1x128xi32, #tpu.memory_space<vmem>>
        %dma_start3A_162 = tpu.memref_squeeze %dma_start3A_161 : memref<1x128xi32, #tpu.memory_space<vmem>> -> memref<128xi32, #tpu.memory_space<vmem>>
        %dma_start3A_163 = arith.constant 0 : i32
        %dma_start3A_164 = arith.constant 0 : i32
        %dma_start3A_165 = tpu.memref_slice %arg2[%dma_start3A_163, %dma_start3A_164] : memref<20480x128xf32, #tpu.memory_space<hbm>> -> memref<20480x128xf32, #tpu.memory_space<hbm>>
        tpu.enqueue_indirect_dma source(%dma_start3A_165 : memref<20480x128xf32, #tpu.memory_space<hbm>>) target(%arg12 : memref<128x128xf32, #tpu.memory_space<vmem>>) offsets(%dma_start3A_162 : memref<128xi32, #tpu.memory_space<vmem>>) semaphore(%arg15 : memref<!tpu.dma_semaphore, #tpu.memory_space<semaphore_mem>>)
        %dma_wait3A_166 = arith.constant 0 : i32
        %dma_wait3A_167 = tpu.memref_slice %arg7[%mul3A_157, %dma_wait3A_166] : memref<16x128xi32, #tpu.memory_space<vmem>> -> memref<1x128xi32, #tpu.memory_space<vmem>>
        %dma_wait3A_168 = tpu.memref_squeeze %dma_wait3A_167 : memref<1x128xi32, #tpu.memory_space<vmem>> -> memref<128xi32, #tpu.memory_space<vmem>>
        %dma_wait3A_169 = arith.constant 0 : i32
        %dma_wait3A_170 = arith.constant 0 : i32
        %dma_wait3A_171 = tpu.memref_slice %arg2[%dma_wait3A_169, %dma_wait3A_170] : memref<20480x128xf32, #tpu.memory_space<hbm>> -> memref<20480x128xf32, #tpu.memory_space<hbm>>
        tpu.wait_indirect_dma semaphore(%arg14 : memref<!tpu.dma_semaphore, #tpu.memory_space<semaphore_mem>>) src(%dma_wait3A_171 : memref<20480x128xf32, #tpu.memory_space<hbm>>) dst(%arg11 : memref<128x128xf32, #tpu.memory_space<vmem>>)
        "tpu.region"() ({
          %run_scoped3A_186 = tpu.sem_alloc : memref<!tpu.dma_semaphore, #tpu.memory_space<semaphore_mem>>
          %dma_start3A_187 = arith.constant 0 : i32
          %dma_start3A_188 = tpu.memref_slice %arg8[%mul3A_157, %dma_start3A_187] : memref<16x128xi32, #tpu.memory_space<vmem>> -> memref<1x128xi32, #tpu.memory_space<vmem>>
          %dma_start3A_189 = tpu.memref_squeeze %dma_start3A_188 : memref<1x128xi32, #tpu.memory_space<vmem>> -> memref<128xi32, #tpu.memory_space<vmem>>
          %dma_start3A_190 = arith.constant 0 : i32
          %dma_start3A_191 = arith.constant 0 : i32
          %dma_start3A_192 = tpu.memref_slice %arg13[%dma_start3A_190, %dma_start3A_191] : memref<10240x128xf32, #tpu.memory_space<vmem_shared>> -> memref<10240x128xf32, #tpu.memory_space<vmem_shared>>
          tpu.enqueue_indirect_dma source(%arg11 : memref<128x128xf32, #tpu.memory_space<vmem>>) target(%dma_start3A_192 : memref<10240x128xf32, #tpu.memory_space<vmem_shared>>) offsets(%dma_start3A_189 : memref<128xi32, #tpu.memory_space<vmem>>) semaphore(%run_scoped3A_186 : memref<!tpu.dma_semaphore, #tpu.memory_space<semaphore_mem>>) {add = true}
          %dma_wait3A_193 = arith.constant 0 : i32
          %dma_wait3A_194 = tpu.memref_slice %arg8[%mul3A_157, %dma_wait3A_193] : memref<16x128xi32, #tpu.memory_space<vmem>> -> memref<1x128xi32, #tpu.memory_space<vmem>>
          %dma_wait3A_195 = tpu.memref_squeeze %dma_wait3A_194 : memref<1x128xi32, #tpu.memory_space<vmem>> -> memref<128xi32, #tpu.memory_space<vmem>>
          %dma_wait3A_196 = arith.constant 0 : i32
          %dma_wait3A_197 = arith.constant 0 : i32
          %dma_wait3A_198 = tpu.memref_slice %arg13[%dma_wait3A_196, %dma_wait3A_197] : memref<10240x128xf32, #tpu.memory_space<vmem_shared>> -> memref<10240x128xf32, #tpu.memory_space<vmem_shared>>
          tpu.wait_indirect_dma semaphore(%run_scoped3A_186 : memref<!tpu.dma_semaphore, #tpu.memory_space<semaphore_mem>>) src(%arg11 : memref<128x128xf32, #tpu.memory_space<vmem>>) dst(%dma_wait3A_198 : memref<10240x128xf32, #tpu.memory_space<vmem_shared>>)
          tpu.yield
        }) : () -> ()
        %add3A_172 = arith.constant 2 : i32
        %add3A_173 = arith.addi %mul3A_157, %add3A_172 : i32
        %dma_start3A_174 = arith.constant 0 : i32
        %dma_start3A_175 = tpu.memref_slice %arg7[%add3A_173, %dma_start3A_174] : memref<16x128xi32, #tpu.memory_space<vmem>> -> memref<1x128xi32, #tpu.memory_space<vmem>>
        %dma_start3A_176 = tpu.memref_squeeze %dma_start3A_175 : memref<1x128xi32, #tpu.memory_space<vmem>> -> memref<128xi32, #tpu.memory_space<vmem>>
        %dma_start3A_177 = arith.constant 0 : i32
        %dma_start3A_178 = arith.constant 0 : i32
        %dma_start3A_179 = tpu.memref_slice %arg2[%dma_start3A_177, %dma_start3A_178] : memref<20480x128xf32, #tpu.memory_space<hbm>> -> memref<20480x128xf32, #tpu.memory_space<hbm>>
        tpu.enqueue_indirect_dma source(%dma_start3A_179 : memref<20480x128xf32, #tpu.memory_space<hbm>>) target(%arg11 : memref<128x128xf32, #tpu.memory_space<vmem>>) offsets(%dma_start3A_176 : memref<128xi32, #tpu.memory_space<vmem>>) semaphore(%arg14 : memref<!tpu.dma_semaphore, #tpu.memory_space<semaphore_mem>>)
        %dma_wait3A_180 = arith.constant 0 : i32
        %dma_wait3A_181 = tpu.memref_slice %arg7[%add3A_159, %dma_wait3A_180] : memref<16x128xi32, #tpu.memory_space<vmem>> -> memref<1x128xi32, #tpu.memory_space<vmem>>
        %dma_wait3A_182 = tpu.memref_squeeze %dma_wait3A_181 : memref<1x128xi32, #tpu.memory_space<vmem>> -> memref<128xi32, #tpu.memory_space<vmem>>
        %dma_wait3A_183 = arith.constant 0 : i32
        %dma_wait3A_184 = arith.constant 0 : i32
        %dma_wait3A_185 = tpu.memref_slice %arg2[%dma_wait3A_183, %dma_wait3A_184] : memref<20480x128xf32, #tpu.memory_space<hbm>> -> memref<20480x128xf32, #tpu.memory_space<hbm>>
        tpu.wait_indirect_dma semaphore(%arg15 : memref<!tpu.dma_semaphore, #tpu.memory_space<semaphore_mem>>) src(%dma_wait3A_185 : memref<20480x128xf32, #tpu.memory_space<hbm>>) dst(%arg12 : memref<128x128xf32, #tpu.memory_space<vmem>>)
        "tpu.region"() ({
          %run_scoped3A_186 = tpu.sem_alloc : memref<!tpu.dma_semaphore, #tpu.memory_space<semaphore_mem>>
          %dma_start3A_187 = arith.constant 0 : i32
          %dma_start3A_188 = tpu.memref_slice %arg8[%add3A_159, %dma_start3A_187] : memref<16x128xi32, #tpu.memory_space<vmem>> -> memref<1x128xi32, #tpu.memory_space<vmem>>
          %dma_start3A_189 = tpu.memref_squeeze %dma_start3A_188 : memref<1x128xi32, #tpu.memory_space<vmem>> -> memref<128xi32, #tpu.memory_space<vmem>>
          %dma_start3A_190 = arith.constant 0 : i32
          %dma_start3A_191 = arith.constant 0 : i32
          %dma_start3A_192 = tpu.memref_slice %arg13[%dma_start3A_190, %dma_start3A_191] : memref<10240x128xf32, #tpu.memory_space<vmem_shared>> -> memref<10240x128xf32, #tpu.memory_space<vmem_shared>>
          tpu.enqueue_indirect_dma source(%arg12 : memref<128x128xf32, #tpu.memory_space<vmem>>) target(%dma_start3A_192 : memref<10240x128xf32, #tpu.memory_space<vmem_shared>>) offsets(%dma_start3A_189 : memref<128xi32, #tpu.memory_space<vmem>>) semaphore(%run_scoped3A_186 : memref<!tpu.dma_semaphore, #tpu.memory_space<semaphore_mem>>) {add = true}
          %dma_wait3A_193 = arith.constant 0 : i32
          %dma_wait3A_194 = tpu.memref_slice %arg8[%add3A_159, %dma_wait3A_193] : memref<16x128xi32, #tpu.memory_space<vmem>> -> memref<1x128xi32, #tpu.memory_space<vmem>>
          %dma_wait3A_195 = tpu.memref_squeeze %dma_wait3A_194 : memref<1x128xi32, #tpu.memory_space<vmem>> -> memref<128xi32, #tpu.memory_space<vmem>>
          %dma_wait3A_196 = arith.constant 0 : i32
          %dma_wait3A_197 = arith.constant 0 : i32
          %dma_wait3A_198 = tpu.memref_slice %arg13[%dma_wait3A_196, %dma_wait3A_197] : memref<10240x128xf32, #tpu.memory_space<vmem_shared>> -> memref<10240x128xf32, #tpu.memory_space<vmem_shared>>
          tpu.wait_indirect_dma semaphore(%run_scoped3A_186 : memref<!tpu.dma_semaphore, #tpu.memory_space<semaphore_mem>>) src(%arg12 : memref<128x128xf32, #tpu.memory_space<vmem>>) dst(%dma_wait3A_198 : memref<10240x128xf32, #tpu.memory_space<vmem_shared>>)
          tpu.yield
        }) : () -> ()
      }
      %scan3A_73 = arith.constant 7 : i32
      %dma_start3A_74 = arith.constant 15 : i32
      %dma_start3A_75 = arith.constant 0 : i32
      %dma_start3A_76 = tpu.memref_slice %arg7[%dma_start3A_74, %dma_start3A_75] : memref<16x128xi32, #tpu.memory_space<vmem>> -> memref<1x128xi32, #tpu.memory_space<vmem>>
      %dma_start3A_77 = tpu.memref_squeeze %dma_start3A_76 : memref<1x128xi32, #tpu.memory_space<vmem>> -> memref<128xi32, #tpu.memory_space<vmem>>
      %dma_start3A_78 = arith.constant 0 : i32
      %dma_start3A_79 = arith.constant 0 : i32
      %dma_start3A_80 = tpu.memref_slice %arg2[%dma_start3A_78, %dma_start3A_79] : memref<20480x128xf32, #tpu.memory_space<hbm>> -> memref<20480x128xf32, #tpu.memory_space<hbm>>
      tpu.enqueue_indirect_dma source(%dma_start3A_80 : memref<20480x128xf32, #tpu.memory_space<hbm>>) target(%arg12 : memref<128x128xf32, #tpu.memory_space<vmem>>) offsets(%dma_start3A_77 : memref<128xi32, #tpu.memory_space<vmem>>) semaphore(%arg15 : memref<!tpu.dma_semaphore, #tpu.memory_space<semaphore_mem>>)
      %dma_wait3A_81 = arith.constant 14 : i32
      %dma_wait3A_82 = arith.constant 0 : i32
      %dma_wait3A_83 = tpu.memref_slice %arg7[%dma_wait3A_81, %dma_wait3A_82] : memref<16x128xi32, #tpu.memory_space<vmem>> -> memref<1x128xi32, #tpu.memory_space<vmem>>
      %dma_wait3A_84 = tpu.memref_squeeze %dma_wait3A_83 : memref<1x128xi32, #tpu.memory_space<vmem>> -> memref<128xi32, #tpu.memory_space<vmem>>
      %dma_wait3A_85 = arith.constant 0 : i32
      %dma_wait3A_86 = arith.constant 0 : i32
      %dma_wait3A_87 = tpu.memref_slice %arg2[%dma_wait3A_85, %dma_wait3A_86] : memref<20480x128xf32, #tpu.memory_space<hbm>> -> memref<20480x128xf32, #tpu.memory_space<hbm>>
      tpu.wait_indirect_dma semaphore(%arg14 : memref<!tpu.dma_semaphore, #tpu.memory_space<semaphore_mem>>) src(%dma_wait3A_87 : memref<20480x128xf32, #tpu.memory_space<hbm>>) dst(%arg11 : memref<128x128xf32, #tpu.memory_space<vmem>>)
      %run_scoped3A = arith.constant 14 : i32
      "tpu.region"() ({
        %run_scoped3A_155 = tpu.sem_alloc : memref<!tpu.dma_semaphore, #tpu.memory_space<semaphore_mem>>
        %dma_start3A_156 = arith.constant 0 : i32
        %dma_start3A_157 = tpu.memref_slice %arg8[%run_scoped3A, %dma_start3A_156] : memref<16x128xi32, #tpu.memory_space<vmem>> -> memref<1x128xi32, #tpu.memory_space<vmem>>
        %dma_start3A_158 = tpu.memref_squeeze %dma_start3A_157 : memref<1x128xi32, #tpu.memory_space<vmem>> -> memref<128xi32, #tpu.memory_space<vmem>>
        %dma_start3A_159 = arith.constant 0 : i32
        %dma_start3A_160 = arith.constant 0 : i32
        %dma_start3A_161 = tpu.memref_slice %arg13[%dma_start3A_159, %dma_start3A_160] : memref<10240x128xf32, #tpu.memory_space<vmem_shared>> -> memref<10240x128xf32, #tpu.memory_space<vmem_shared>>
        tpu.enqueue_indirect_dma source(%arg11 : memref<128x128xf32, #tpu.memory_space<vmem>>) target(%dma_start3A_161 : memref<10240x128xf32, #tpu.memory_space<vmem_shared>>) offsets(%dma_start3A_158 : memref<128xi32, #tpu.memory_space<vmem>>) semaphore(%run_scoped3A_155 : memref<!tpu.dma_semaphore, #tpu.memory_space<semaphore_mem>>) {add = true}
        %dma_wait3A_162 = arith.constant 0 : i32
        %dma_wait3A_163 = tpu.memref_slice %arg8[%run_scoped3A, %dma_wait3A_162] : memref<16x128xi32, #tpu.memory_space<vmem>> -> memref<1x128xi32, #tpu.memory_space<vmem>>
        %dma_wait3A_164 = tpu.memref_squeeze %dma_wait3A_163 : memref<1x128xi32, #tpu.memory_space<vmem>> -> memref<128xi32, #tpu.memory_space<vmem>>
        %dma_wait3A_165 = arith.constant 0 : i32
        %dma_wait3A_166 = arith.constant 0 : i32
        %dma_wait3A_167 = tpu.memref_slice %arg13[%dma_wait3A_165, %dma_wait3A_166] : memref<10240x128xf32, #tpu.memory_space<vmem_shared>> -> memref<10240x128xf32, #tpu.memory_space<vmem_shared>>
        tpu.wait_indirect_dma semaphore(%run_scoped3A_155 : memref<!tpu.dma_semaphore, #tpu.memory_space<semaphore_mem>>) src(%arg11 : memref<128x128xf32, #tpu.memory_space<vmem>>) dst(%dma_wait3A_167 : memref<10240x128xf32, #tpu.memory_space<vmem_shared>>)
        tpu.yield
      }) : () -> ()
      %mul3A_88 = arith.constant 16 : i32
      %mul3A_89 = arith.muli %add3A_65, %mul3A_88 : i32
      %add3A_90 = arith.addi %mul3A_4, %mul3A_89 : i32
      %dma_wait3A_91 = arith.constant 0 : i32
      %dma_wait3A_92 = tpu.memref_slice %arg3[%add3A_90, %dma_wait3A_91] : memref<5120x128xi32, #tpu.memory_space<hbm>> -> memref<16x128xi32, #tpu.memory_space<hbm>>
      %dma_wait3A_93 = arith.constant 0 : i32
      %dma_wait3A_94 = tpu.memref_slice %arg3[%add3A_90, %dma_wait3A_93] : memref<5120x128xi32, #tpu.memory_space<hbm>> -> memref<16x128xi32, #tpu.memory_space<hbm>>
      tpu.wait_dma2 semaphore(%arg17 : memref<!tpu.dma_semaphore, #tpu.memory_space<semaphore_mem>>) src(%dma_wait3A_94 : memref<16x128xi32, #tpu.memory_space<hbm>>) dst(%arg9 : memref<16x128xi32, #tpu.memory_space<vmem>>)
      %mul3A_95 = arith.constant 16 : i32
      %mul3A_96 = arith.muli %add3A_65, %mul3A_95 : i32
      %add3A_97 = arith.addi %mul3A_6, %mul3A_96 : i32
      %dma_wait3A_98 = arith.constant 0 : i32
      %dma_wait3A_99 = tpu.memref_slice %arg4[%add3A_97, %dma_wait3A_98] : memref<2560x128xi32, #tpu.memory_space<hbm>> -> memref<16x128xi32, #tpu.memory_space<hbm>>
      %dma_wait3A_100 = arith.constant 0 : i32
      %dma_wait3A_101 = tpu.memref_slice %arg4[%add3A_97, %dma_wait3A_100] : memref<2560x128xi32, #tpu.memory_space<hbm>> -> memref<16x128xi32, #tpu.memory_space<hbm>>
      tpu.wait_dma2 semaphore(%arg17 : memref<!tpu.dma_semaphore, #tpu.memory_space<semaphore_mem>>) src(%dma_wait3A_101 : memref<16x128xi32, #tpu.memory_space<hbm>>) dst(%arg10 : memref<16x128xi32, #tpu.memory_space<vmem>>)
      %dma_start3A_102 = arith.constant 0 : i32
      %dma_start3A_103 = arith.constant 0 : i32
      %dma_start3A_104 = tpu.memref_slice %arg9[%dma_start3A_102, %dma_start3A_103] : memref<16x128xi32, #tpu.memory_space<vmem>> -> memref<1x128xi32, #tpu.memory_space<vmem>>
      %dma_start3A_105 = tpu.memref_squeeze %dma_start3A_104 : memref<1x128xi32, #tpu.memory_space<vmem>> -> memref<128xi32, #tpu.memory_space<vmem>>
      %dma_start3A_106 = arith.constant 0 : i32
      %dma_start3A_107 = arith.constant 0 : i32
      %dma_start3A_108 = tpu.memref_slice %arg2[%dma_start3A_106, %dma_start3A_107] : memref<20480x128xf32, #tpu.memory_space<hbm>> -> memref<20480x128xf32, #tpu.memory_space<hbm>>
      tpu.enqueue_indirect_dma source(%dma_start3A_108 : memref<20480x128xf32, #tpu.memory_space<hbm>>) target(%arg11 : memref<128x128xf32, #tpu.memory_space<vmem>>) offsets(%dma_start3A_105 : memref<128xi32, #tpu.memory_space<vmem>>) semaphore(%arg14 : memref<!tpu.dma_semaphore, #tpu.memory_space<semaphore_mem>>)
      %dma_wait3A_109 = arith.constant 15 : i32
      %dma_wait3A_110 = arith.constant 0 : i32
      %dma_wait3A_111 = tpu.memref_slice %arg7[%dma_wait3A_109, %dma_wait3A_110] : memref<16x128xi32, #tpu.memory_space<vmem>> -> memref<1x128xi32, #tpu.memory_space<vmem>>
      %dma_wait3A_112 = tpu.memref_squeeze %dma_wait3A_111 : memref<1x128xi32, #tpu.memory_space<vmem>> -> memref<128xi32, #tpu.memory_space<vmem>>
      %dma_wait3A_113 = arith.constant 0 : i32
      %dma_wait3A_114 = arith.constant 0 : i32
      %dma_wait3A_115 = tpu.memref_slice %arg2[%dma_wait3A_113, %dma_wait3A_114] : memref<20480x128xf32, #tpu.memory_space<hbm>> -> memref<20480x128xf32, #tpu.memory_space<hbm>>
      tpu.wait_indirect_dma semaphore(%arg15 : memref<!tpu.dma_semaphore, #tpu.memory_space<semaphore_mem>>) src(%dma_wait3A_115 : memref<20480x128xf32, #tpu.memory_space<hbm>>) dst(%arg12 : memref<128x128xf32, #tpu.memory_space<vmem>>)
      %run_scoped3A_116 = arith.constant 15 : i32
      "tpu.region"() ({
        %run_scoped3A_155 = tpu.sem_alloc : memref<!tpu.dma_semaphore, #tpu.memory_space<semaphore_mem>>
        %dma_start3A_156 = arith.constant 0 : i32
        %dma_start3A_157 = tpu.memref_slice %arg8[%run_scoped3A_116, %dma_start3A_156] : memref<16x128xi32, #tpu.memory_space<vmem>> -> memref<1x128xi32, #tpu.memory_space<vmem>>
        %dma_start3A_158 = tpu.memref_squeeze %dma_start3A_157 : memref<1x128xi32, #tpu.memory_space<vmem>> -> memref<128xi32, #tpu.memory_space<vmem>>
        %dma_start3A_159 = arith.constant 0 : i32
        %dma_start3A_160 = arith.constant 0 : i32
        %dma_start3A_161 = tpu.memref_slice %arg13[%dma_start3A_159, %dma_start3A_160] : memref<10240x128xf32, #tpu.memory_space<vmem_shared>> -> memref<10240x128xf32, #tpu.memory_space<vmem_shared>>
        tpu.enqueue_indirect_dma source(%arg12 : memref<128x128xf32, #tpu.memory_space<vmem>>) target(%dma_start3A_161 : memref<10240x128xf32, #tpu.memory_space<vmem_shared>>) offsets(%dma_start3A_158 : memref<128xi32, #tpu.memory_space<vmem>>) semaphore(%run_scoped3A_155 : memref<!tpu.dma_semaphore, #tpu.memory_space<semaphore_mem>>) {add = true}
        %dma_wait3A_162 = arith.constant 0 : i32
        %dma_wait3A_163 = tpu.memref_slice %arg8[%run_scoped3A_116, %dma_wait3A_162] : memref<16x128xi32, #tpu.memory_space<vmem>> -> memref<1x128xi32, #tpu.memory_space<vmem>>
        %dma_wait3A_164 = tpu.memref_squeeze %dma_wait3A_163 : memref<1x128xi32, #tpu.memory_space<vmem>> -> memref<128xi32, #tpu.memory_space<vmem>>
        %dma_wait3A_165 = arith.constant 0 : i32
        %dma_wait3A_166 = arith.constant 0 : i32
        %dma_wait3A_167 = tpu.memref_slice %arg13[%dma_wait3A_165, %dma_wait3A_166] : memref<10240x128xf32, #tpu.memory_space<vmem_shared>> -> memref<10240x128xf32, #tpu.memory_space<vmem_shared>>
        tpu.wait_indirect_dma semaphore(%run_scoped3A_155 : memref<!tpu.dma_semaphore, #tpu.memory_space<semaphore_mem>>) src(%arg12 : memref<128x128xf32, #tpu.memory_space<vmem>>) dst(%dma_wait3A_167 : memref<10240x128xf32, #tpu.memory_space<vmem_shared>>)
        tpu.yield
      }) : () -> ()
      %lt3A = arith.constant 4 : i32
      %lt3A_117 = arith.cmpi slt, %scan3A_61, %lt3A : i32
      %convert_element_type3A_118 = arith.extui %lt3A_117 : i1 to i32
      %cond3A_119 = arith.constant 0 : i32
      %cond3A_120 = arith.cmpi ne, %convert_element_type3A_118, %cond3A_119 : i32
      scf.if %cond3A_120 {
        %add3A_155 = arith.constant 2 : i32
        %add3A_156 = arith.addi %mul3A_63, %add3A_155 : i32
        %mul3A_157 = arith.constant 16 : i32
        %mul3A_158 = arith.muli %add3A_156, %mul3A_157 : i32
        %add3A_159 = arith.addi %mul3A_4, %mul3A_158 : i32
        %dma_start3A_160 = arith.constant 0 : i32
        %dma_start3A_161 = tpu.memref_slice %arg3[%add3A_159, %dma_start3A_160] : memref<5120x128xi32, #tpu.memory_space<hbm>> -> memref<16x128xi32, #tpu.memory_space<hbm>>
        %dma_start3A_162 = arith.constant 0 : i32
        %dma_start3A_163 = tpu.memref_slice %arg3[%add3A_159, %dma_start3A_162] : memref<5120x128xi32, #tpu.memory_space<hbm>> -> memref<16x128xi32, #tpu.memory_space<hbm>>
        tpu.enqueue_dma source(%dma_start3A_163 : memref<16x128xi32, #tpu.memory_space<hbm>>) target(%arg7 : memref<16x128xi32, #tpu.memory_space<vmem>>) target_semaphore(%arg16 : memref<!tpu.dma_semaphore, #tpu.memory_space<semaphore_mem>>)
        %mul3A_164 = arith.constant 16 : i32
        %mul3A_165 = arith.muli %add3A_156, %mul3A_164 : i32
        %add3A_166 = arith.addi %mul3A_6, %mul3A_165 : i32
        %dma_start3A_167 = arith.constant 0 : i32
        %dma_start3A_168 = tpu.memref_slice %arg4[%add3A_166, %dma_start3A_167] : memref<2560x128xi32, #tpu.memory_space<hbm>> -> memref<16x128xi32, #tpu.memory_space<hbm>>
        %dma_start3A_169 = arith.constant 0 : i32
        %dma_start3A_170 = tpu.memref_slice %arg4[%add3A_166, %dma_start3A_169] : memref<2560x128xi32, #tpu.memory_space<hbm>> -> memref<16x128xi32, #tpu.memory_space<hbm>>
        tpu.enqueue_dma source(%dma_start3A_170 : memref<16x128xi32, #tpu.memory_space<hbm>>) target(%arg8 : memref<16x128xi32, #tpu.memory_space<vmem>>) target_semaphore(%arg16 : memref<!tpu.dma_semaphore, #tpu.memory_space<semaphore_mem>>)
      } else {
      }
      %scan3A_121 = arith.constant 0 : i32
      %scan3A_122 = arith.constant 0 : i32
      %scan3A_123 = arith.constant 7 : i32
      %scan3A_124 = arith.addi %scan3A_122, %scan3A_123 : i32
      %scan3A_125 = arith.constant 1 : i32
      scf.for %scan3A_155 = %scan3A_122 to %scan3A_124 step %scan3A_125  : i32 {
        %mul3A_156 = arith.constant 2 : i32
        %mul3A_157 = arith.muli %mul3A_156, %scan3A_155 : i32
        %add3A_158 = arith.constant 1 : i32
        %add3A_159 = arith.addi %mul3A_157, %add3A_158 : i32
        %dma_start3A_160 = arith.constant 0 : i32
        %dma_start3A_161 = tpu.memref_slice %arg9[%add3A_159, %dma_start3A_160] : memref<16x128xi32, #tpu.memory_space<vmem>> -> memref<1x128xi32, #tpu.memory_space<vmem>>
        %dma_start3A_162 = tpu.memref_squeeze %dma_start3A_161 : memref<1x128xi32, #tpu.memory_space<vmem>> -> memref<128xi32, #tpu.memory_space<vmem>>
        %dma_start3A_163 = arith.constant 0 : i32
        %dma_start3A_164 = arith.constant 0 : i32
        %dma_start3A_165 = tpu.memref_slice %arg2[%dma_start3A_163, %dma_start3A_164] : memref<20480x128xf32, #tpu.memory_space<hbm>> -> memref<20480x128xf32, #tpu.memory_space<hbm>>
        tpu.enqueue_indirect_dma source(%dma_start3A_165 : memref<20480x128xf32, #tpu.memory_space<hbm>>) target(%arg12 : memref<128x128xf32, #tpu.memory_space<vmem>>) offsets(%dma_start3A_162 : memref<128xi32, #tpu.memory_space<vmem>>) semaphore(%arg15 : memref<!tpu.dma_semaphore, #tpu.memory_space<semaphore_mem>>)
        %dma_wait3A_166 = arith.constant 0 : i32
        %dma_wait3A_167 = tpu.memref_slice %arg9[%mul3A_157, %dma_wait3A_166] : memref<16x128xi32, #tpu.memory_space<vmem>> -> memref<1x128xi32, #tpu.memory_space<vmem>>
        %dma_wait3A_168 = tpu.memref_squeeze %dma_wait3A_167 : memref<1x128xi32, #tpu.memory_space<vmem>> -> memref<128xi32, #tpu.memory_space<vmem>>
        %dma_wait3A_169 = arith.constant 0 : i32
        %dma_wait3A_170 = arith.constant 0 : i32
        %dma_wait3A_171 = tpu.memref_slice %arg2[%dma_wait3A_169, %dma_wait3A_170] : memref<20480x128xf32, #tpu.memory_space<hbm>> -> memref<20480x128xf32, #tpu.memory_space<hbm>>
        tpu.wait_indirect_dma semaphore(%arg14 : memref<!tpu.dma_semaphore, #tpu.memory_space<semaphore_mem>>) src(%dma_wait3A_171 : memref<20480x128xf32, #tpu.memory_space<hbm>>) dst(%arg11 : memref<128x128xf32, #tpu.memory_space<vmem>>)
        "tpu.region"() ({
          %run_scoped3A_186 = tpu.sem_alloc : memref<!tpu.dma_semaphore, #tpu.memory_space<semaphore_mem>>
          %dma_start3A_187 = arith.constant 0 : i32
          %dma_start3A_188 = tpu.memref_slice %arg10[%mul3A_157, %dma_start3A_187] : memref<16x128xi32, #tpu.memory_space<vmem>> -> memref<1x128xi32, #tpu.memory_space<vmem>>
          %dma_start3A_189 = tpu.memref_squeeze %dma_start3A_188 : memref<1x128xi32, #tpu.memory_space<vmem>> -> memref<128xi32, #tpu.memory_space<vmem>>
          %dma_start3A_190 = arith.constant 0 : i32
          %dma_start3A_191 = arith.constant 0 : i32
          %dma_start3A_192 = tpu.memref_slice %arg13[%dma_start3A_190, %dma_start3A_191] : memref<10240x128xf32, #tpu.memory_space<vmem_shared>> -> memref<10240x128xf32, #tpu.memory_space<vmem_shared>>
          tpu.enqueue_indirect_dma source(%arg11 : memref<128x128xf32, #tpu.memory_space<vmem>>) target(%dma_start3A_192 : memref<10240x128xf32, #tpu.memory_space<vmem_shared>>) offsets(%dma_start3A_189 : memref<128xi32, #tpu.memory_space<vmem>>) semaphore(%run_scoped3A_186 : memref<!tpu.dma_semaphore, #tpu.memory_space<semaphore_mem>>) {add = true}
          %dma_wait3A_193 = arith.constant 0 : i32
          %dma_wait3A_194 = tpu.memref_slice %arg10[%mul3A_157, %dma_wait3A_193] : memref<16x128xi32, #tpu.memory_space<vmem>> -> memref<1x128xi32, #tpu.memory_space<vmem>>
          %dma_wait3A_195 = tpu.memref_squeeze %dma_wait3A_194 : memref<1x128xi32, #tpu.memory_space<vmem>> -> memref<128xi32, #tpu.memory_space<vmem>>
          %dma_wait3A_196 = arith.constant 0 : i32
          %dma_wait3A_197 = arith.constant 0 : i32
          %dma_wait3A_198 = tpu.memref_slice %arg13[%dma_wait3A_196, %dma_wait3A_197] : memref<10240x128xf32, #tpu.memory_space<vmem_shared>> -> memref<10240x128xf32, #tpu.memory_space<vmem_shared>>
          tpu.wait_indirect_dma semaphore(%run_scoped3A_186 : memref<!tpu.dma_semaphore, #tpu.memory_space<semaphore_mem>>) src(%arg11 : memref<128x128xf32, #tpu.memory_space<vmem>>) dst(%dma_wait3A_198 : memref<10240x128xf32, #tpu.memory_space<vmem_shared>>)
          tpu.yield
        }) : () -> ()
        %add3A_172 = arith.constant 2 : i32
        %add3A_173 = arith.addi %mul3A_157, %add3A_172 : i32
        %dma_start3A_174 = arith.constant 0 : i32
        %dma_start3A_175 = tpu.memref_slice %arg9[%add3A_173, %dma_start3A_174] : memref<16x128xi32, #tpu.memory_space<vmem>> -> memref<1x128xi32, #tpu.memory_space<vmem>>
        %dma_start3A_176 = tpu.memref_squeeze %dma_start3A_175 : memref<1x128xi32, #tpu.memory_space<vmem>> -> memref<128xi32, #tpu.memory_space<vmem>>
        %dma_start3A_177 = arith.constant 0 : i32
        %dma_start3A_178 = arith.constant 0 : i32
        %dma_start3A_179 = tpu.memref_slice %arg2[%dma_start3A_177, %dma_start3A_178] : memref<20480x128xf32, #tpu.memory_space<hbm>> -> memref<20480x128xf32, #tpu.memory_space<hbm>>
        tpu.enqueue_indirect_dma source(%dma_start3A_179 : memref<20480x128xf32, #tpu.memory_space<hbm>>) target(%arg11 : memref<128x128xf32, #tpu.memory_space<vmem>>) offsets(%dma_start3A_176 : memref<128xi32, #tpu.memory_space<vmem>>) semaphore(%arg14 : memref<!tpu.dma_semaphore, #tpu.memory_space<semaphore_mem>>)
        %dma_wait3A_180 = arith.constant 0 : i32
        %dma_wait3A_181 = tpu.memref_slice %arg9[%add3A_159, %dma_wait3A_180] : memref<16x128xi32, #tpu.memory_space<vmem>> -> memref<1x128xi32, #tpu.memory_space<vmem>>
        %dma_wait3A_182 = tpu.memref_squeeze %dma_wait3A_181 : memref<1x128xi32, #tpu.memory_space<vmem>> -> memref<128xi32, #tpu.memory_space<vmem>>
        %dma_wait3A_183 = arith.constant 0 : i32
        %dma_wait3A_184 = arith.constant 0 : i32
        %dma_wait3A_185 = tpu.memref_slice %arg2[%dma_wait3A_183, %dma_wait3A_184] : memref<20480x128xf32, #tpu.memory_space<hbm>> -> memref<20480x128xf32, #tpu.memory_space<hbm>>
        tpu.wait_indirect_dma semaphore(%arg15 : memref<!tpu.dma_semaphore, #tpu.memory_space<semaphore_mem>>) src(%dma_wait3A_185 : memref<20480x128xf32, #tpu.memory_space<hbm>>) dst(%arg12 : memref<128x128xf32, #tpu.memory_space<vmem>>)
        "tpu.region"() ({
          %run_scoped3A_186 = tpu.sem_alloc : memref<!tpu.dma_semaphore, #tpu.memory_space<semaphore_mem>>
          %dma_start3A_187 = arith.constant 0 : i32
          %dma_start3A_188 = tpu.memref_slice %arg10[%add3A_159, %dma_start3A_187] : memref<16x128xi32, #tpu.memory_space<vmem>> -> memref<1x128xi32, #tpu.memory_space<vmem>>
          %dma_start3A_189 = tpu.memref_squeeze %dma_start3A_188 : memref<1x128xi32, #tpu.memory_space<vmem>> -> memref<128xi32, #tpu.memory_space<vmem>>
          %dma_start3A_190 = arith.constant 0 : i32
          %dma_start3A_191 = arith.constant 0 : i32
          %dma_start3A_192 = tpu.memref_slice %arg13[%dma_start3A_190, %dma_start3A_191] : memref<10240x128xf32, #tpu.memory_space<vmem_shared>> -> memref<10240x128xf32, #tpu.memory_space<vmem_shared>>
          tpu.enqueue_indirect_dma source(%arg12 : memref<128x128xf32, #tpu.memory_space<vmem>>) target(%dma_start3A_192 : memref<10240x128xf32, #tpu.memory_space<vmem_shared>>) offsets(%dma_start3A_189 : memref<128xi32, #tpu.memory_space<vmem>>) semaphore(%run_scoped3A_186 : memref<!tpu.dma_semaphore, #tpu.memory_space<semaphore_mem>>) {add = true}
          %dma_wait3A_193 = arith.constant 0 : i32
          %dma_wait3A_194 = tpu.memref_slice %arg10[%add3A_159, %dma_wait3A_193] : memref<16x128xi32, #tpu.memory_space<vmem>> -> memref<1x128xi32, #tpu.memory_space<vmem>>
          %dma_wait3A_195 = tpu.memref_squeeze %dma_wait3A_194 : memref<1x128xi32, #tpu.memory_space<vmem>> -> memref<128xi32, #tpu.memory_space<vmem>>
          %dma_wait3A_196 = arith.constant 0 : i32
          %dma_wait3A_197 = arith.constant 0 : i32
          %dma_wait3A_198 = tpu.memref_slice %arg13[%dma_wait3A_196, %dma_wait3A_197] : memref<10240x128xf32, #tpu.memory_space<vmem_shared>> -> memref<10240x128xf32, #tpu.memory_space<vmem_shared>>
          tpu.wait_indirect_dma semaphore(%run_scoped3A_186 : memref<!tpu.dma_semaphore, #tpu.memory_space<semaphore_mem>>) src(%arg12 : memref<128x128xf32, #tpu.memory_space<vmem>>) dst(%dma_wait3A_198 : memref<10240x128xf32, #tpu.memory_space<vmem_shared>>)
          tpu.yield
        }) : () -> ()
      }
      %scan3A_126 = arith.constant 7 : i32
      %dma_start3A_127 = arith.constant 15 : i32
      %dma_start3A_128 = arith.constant 0 : i32
      %dma_start3A_129 = tpu.memref_slice %arg9[%dma_start3A_127, %dma_start3A_128] : memref<16x128xi32, #tpu.memory_space<vmem>> -> memref<1x128xi32, #tpu.memory_space<vmem>>
      %dma_start3A_130 = tpu.memref_squeeze %dma_start3A_129 : memref<1x128xi32, #tpu.memory_space<vmem>> -> memref<128xi32, #tpu.memory_space<vmem>>
      %dma_start3A_131 = arith.constant 0 : i32
      %dma_start3A_132 = arith.constant 0 : i32
      %dma_start3A_133 = tpu.memref_slice %arg2[%dma_start3A_131, %dma_start3A_132] : memref<20480x128xf32, #tpu.memory_space<hbm>> -> memref<20480x128xf32, #tpu.memory_space<hbm>>
      tpu.enqueue_indirect_dma source(%dma_start3A_133 : memref<20480x128xf32, #tpu.memory_space<hbm>>) target(%arg12 : memref<128x128xf32, #tpu.memory_space<vmem>>) offsets(%dma_start3A_130 : memref<128xi32, #tpu.memory_space<vmem>>) semaphore(%arg15 : memref<!tpu.dma_semaphore, #tpu.memory_space<semaphore_mem>>)
      %dma_wait3A_134 = arith.constant 14 : i32
      %dma_wait3A_135 = arith.constant 0 : i32
      %dma_wait3A_136 = tpu.memref_slice %arg9[%dma_wait3A_134, %dma_wait3A_135] : memref<16x128xi32, #tpu.memory_space<vmem>> -> memref<1x128xi32, #tpu.memory_space<vmem>>
      %dma_wait3A_137 = tpu.memref_squeeze %dma_wait3A_136 : memref<1x128xi32, #tpu.memory_space<vmem>> -> memref<128xi32, #tpu.memory_space<vmem>>
      %dma_wait3A_138 = arith.constant 0 : i32
      %dma_wait3A_139 = arith.constant 0 : i32
      %dma_wait3A_140 = tpu.memref_slice %arg2[%dma_wait3A_138, %dma_wait3A_139] : memref<20480x128xf32, #tpu.memory_space<hbm>> -> memref<20480x128xf32, #tpu.memory_space<hbm>>
      tpu.wait_indirect_dma semaphore(%arg14 : memref<!tpu.dma_semaphore, #tpu.memory_space<semaphore_mem>>) src(%dma_wait3A_140 : memref<20480x128xf32, #tpu.memory_space<hbm>>) dst(%arg11 : memref<128x128xf32, #tpu.memory_space<vmem>>)
      %run_scoped3A_141 = arith.constant 14 : i32
      "tpu.region"() ({
        %run_scoped3A_155 = tpu.sem_alloc : memref<!tpu.dma_semaphore, #tpu.memory_space<semaphore_mem>>
        %dma_start3A_156 = arith.constant 0 : i32
        %dma_start3A_157 = tpu.memref_slice %arg10[%run_scoped3A_141, %dma_start3A_156] : memref<16x128xi32, #tpu.memory_space<vmem>> -> memref<1x128xi32, #tpu.memory_space<vmem>>
        %dma_start3A_158 = tpu.memref_squeeze %dma_start3A_157 : memref<1x128xi32, #tpu.memory_space<vmem>> -> memref<128xi32, #tpu.memory_space<vmem>>
        %dma_start3A_159 = arith.constant 0 : i32
        %dma_start3A_160 = arith.constant 0 : i32
        %dma_start3A_161 = tpu.memref_slice %arg13[%dma_start3A_159, %dma_start3A_160] : memref<10240x128xf32, #tpu.memory_space<vmem_shared>> -> memref<10240x128xf32, #tpu.memory_space<vmem_shared>>
        tpu.enqueue_indirect_dma source(%arg11 : memref<128x128xf32, #tpu.memory_space<vmem>>) target(%dma_start3A_161 : memref<10240x128xf32, #tpu.memory_space<vmem_shared>>) offsets(%dma_start3A_158 : memref<128xi32, #tpu.memory_space<vmem>>) semaphore(%run_scoped3A_155 : memref<!tpu.dma_semaphore, #tpu.memory_space<semaphore_mem>>) {add = true}
        %dma_wait3A_162 = arith.constant 0 : i32
        %dma_wait3A_163 = tpu.memref_slice %arg10[%run_scoped3A_141, %dma_wait3A_162] : memref<16x128xi32, #tpu.memory_space<vmem>> -> memref<1x128xi32, #tpu.memory_space<vmem>>
        %dma_wait3A_164 = tpu.memref_squeeze %dma_wait3A_163 : memref<1x128xi32, #tpu.memory_space<vmem>> -> memref<128xi32, #tpu.memory_space<vmem>>
        %dma_wait3A_165 = arith.constant 0 : i32
        %dma_wait3A_166 = arith.constant 0 : i32
        %dma_wait3A_167 = tpu.memref_slice %arg13[%dma_wait3A_165, %dma_wait3A_166] : memref<10240x128xf32, #tpu.memory_space<vmem_shared>> -> memref<10240x128xf32, #tpu.memory_space<vmem_shared>>
        tpu.wait_indirect_dma semaphore(%run_scoped3A_155 : memref<!tpu.dma_semaphore, #tpu.memory_space<semaphore_mem>>) src(%arg11 : memref<128x128xf32, #tpu.memory_space<vmem>>) dst(%dma_wait3A_167 : memref<10240x128xf32, #tpu.memory_space<vmem_shared>>)
        tpu.yield
      }) : () -> ()
      %lt3A_142 = arith.constant 4 : i32
      %lt3A_143 = arith.cmpi slt, %scan3A_61, %lt3A_142 : i32
      %convert_element_type3A_144 = arith.extui %lt3A_143 : i1 to i32
      %cond3A_145 = arith.constant 0 : i32
      %cond3A_146 = arith.cmpi ne, %convert_element_type3A_144, %cond3A_145 : i32
      scf.if %cond3A_146 {
        %add3A_155 = arith.constant 2 : i32
        %add3A_156 = arith.addi %mul3A_63, %add3A_155 : i32
        %mul3A_157 = arith.constant 16 : i32
        %mul3A_158 = arith.muli %add3A_156, %mul3A_157 : i32
        %add3A_159 = arith.addi %mul3A_4, %mul3A_158 : i32
        %dma_wait3A_160 = arith.constant 0 : i32
        %dma_wait3A_161 = tpu.memref_slice %arg3[%add3A_159, %dma_wait3A_160] : memref<5120x128xi32, #tpu.memory_space<hbm>> -> memref<16x128xi32, #tpu.memory_space<hbm>>
        %dma_wait3A_162 = arith.constant 0 : i32
        %dma_wait3A_163 = tpu.memref_slice %arg3[%add3A_159, %dma_wait3A_162] : memref<5120x128xi32, #tpu.memory_space<hbm>> -> memref<16x128xi32, #tpu.memory_space<hbm>>
        tpu.wait_dma2 semaphore(%arg16 : memref<!tpu.dma_semaphore, #tpu.memory_space<semaphore_mem>>) src(%dma_wait3A_163 : memref<16x128xi32, #tpu.memory_space<hbm>>) dst(%arg7 : memref<16x128xi32, #tpu.memory_space<vmem>>)
        %mul3A_164 = arith.constant 16 : i32
        %mul3A_165 = arith.muli %add3A_156, %mul3A_164 : i32
        %add3A_166 = arith.addi %mul3A_6, %mul3A_165 : i32
        %dma_wait3A_167 = arith.constant 0 : i32
        %dma_wait3A_168 = tpu.memref_slice %arg4[%add3A_166, %dma_wait3A_167] : memref<2560x128xi32, #tpu.memory_space<hbm>> -> memref<16x128xi32, #tpu.memory_space<hbm>>
        %dma_wait3A_169 = arith.constant 0 : i32
        %dma_wait3A_170 = tpu.memref_slice %arg4[%add3A_166, %dma_wait3A_169] : memref<2560x128xi32, #tpu.memory_space<hbm>> -> memref<16x128xi32, #tpu.memory_space<hbm>>
        tpu.wait_dma2 semaphore(%arg16 : memref<!tpu.dma_semaphore, #tpu.memory_space<semaphore_mem>>) src(%dma_wait3A_170 : memref<16x128xi32, #tpu.memory_space<hbm>>) dst(%arg8 : memref<16x128xi32, #tpu.memory_space<vmem>>)
        %dma_start3A_171 = arith.constant 0 : i32
        %dma_start3A_172 = arith.constant 0 : i32
        %dma_start3A_173 = tpu.memref_slice %arg7[%dma_start3A_171, %dma_start3A_172] : memref<16x128xi32, #tpu.memory_space<vmem>> -> memref<1x128xi32, #tpu.memory_space<vmem>>
        %dma_start3A_174 = tpu.memref_squeeze %dma_start3A_173 : memref<1x128xi32, #tpu.memory_space<vmem>> -> memref<128xi32, #tpu.memory_space<vmem>>
        %dma_start3A_175 = arith.constant 0 : i32
        %dma_start3A_176 = arith.constant 0 : i32
        %dma_start3A_177 = tpu.memref_slice %arg2[%dma_start3A_175, %dma_start3A_176] : memref<20480x128xf32, #tpu.memory_space<hbm>> -> memref<20480x128xf32, #tpu.memory_space<hbm>>
        tpu.enqueue_indirect_dma source(%dma_start3A_177 : memref<20480x128xf32, #tpu.memory_space<hbm>>) target(%arg11 : memref<128x128xf32, #tpu.memory_space<vmem>>) offsets(%dma_start3A_174 : memref<128xi32, #tpu.memory_space<vmem>>) semaphore(%arg14 : memref<!tpu.dma_semaphore, #tpu.memory_space<semaphore_mem>>)
      } else {
      }
      %dma_wait3A_147 = arith.constant 15 : i32
      %dma_wait3A_148 = arith.constant 0 : i32
      %dma_wait3A_149 = tpu.memref_slice %arg9[%dma_wait3A_147, %dma_wait3A_148] : memref<16x128xi32, #tpu.memory_space<vmem>> -> memref<1x128xi32, #tpu.memory_space<vmem>>
      %dma_wait3A_150 = tpu.memref_squeeze %dma_wait3A_149 : memref<1x128xi32, #tpu.memory_space<vmem>> -> memref<128xi32, #tpu.memory_space<vmem>>
      %dma_wait3A_151 = arith.constant 0 : i32
      %dma_wait3A_152 = arith.constant 0 : i32
      %dma_wait3A_153 = tpu.memref_slice %arg2[%dma_wait3A_151, %dma_wait3A_152] : memref<20480x128xf32, #tpu.memory_space<hbm>> -> memref<20480x128xf32, #tpu.memory_space<hbm>>
      tpu.wait_indirect_dma semaphore(%arg15 : memref<!tpu.dma_semaphore, #tpu.memory_space<semaphore_mem>>) src(%dma_wait3A_153 : memref<20480x128xf32, #tpu.memory_space<hbm>>) dst(%arg12 : memref<128x128xf32, #tpu.memory_space<vmem>>)
      %run_scoped3A_154 = arith.constant 15 : i32
      "tpu.region"() ({
        %run_scoped3A_155 = tpu.sem_alloc : memref<!tpu.dma_semaphore, #tpu.memory_space<semaphore_mem>>
        %dma_start3A_156 = arith.constant 0 : i32
        %dma_start3A_157 = tpu.memref_slice %arg10[%run_scoped3A_154, %dma_start3A_156] : memref<16x128xi32, #tpu.memory_space<vmem>> -> memref<1x128xi32, #tpu.memory_space<vmem>>
        %dma_start3A_158 = tpu.memref_squeeze %dma_start3A_157 : memref<1x128xi32, #tpu.memory_space<vmem>> -> memref<128xi32, #tpu.memory_space<vmem>>
        %dma_start3A_159 = arith.constant 0 : i32
        %dma_start3A_160 = arith.constant 0 : i32
        %dma_start3A_161 = tpu.memref_slice %arg13[%dma_start3A_159, %dma_start3A_160] : memref<10240x128xf32, #tpu.memory_space<vmem_shared>> -> memref<10240x128xf32, #tpu.memory_space<vmem_shared>>
        tpu.enqueue_indirect_dma source(%arg12 : memref<128x128xf32, #tpu.memory_space<vmem>>) target(%dma_start3A_161 : memref<10240x128xf32, #tpu.memory_space<vmem_shared>>) offsets(%dma_start3A_158 : memref<128xi32, #tpu.memory_space<vmem>>) semaphore(%run_scoped3A_155 : memref<!tpu.dma_semaphore, #tpu.memory_space<semaphore_mem>>) {add = true}
        %dma_wait3A_162 = arith.constant 0 : i32
        %dma_wait3A_163 = tpu.memref_slice %arg10[%run_scoped3A_154, %dma_wait3A_162] : memref<16x128xi32, #tpu.memory_space<vmem>> -> memref<1x128xi32, #tpu.memory_space<vmem>>
        %dma_wait3A_164 = tpu.memref_squeeze %dma_wait3A_163 : memref<1x128xi32, #tpu.memory_space<vmem>> -> memref<128xi32, #tpu.memory_space<vmem>>
        %dma_wait3A_165 = arith.constant 0 : i32
        %dma_wait3A_166 = arith.constant 0 : i32
        %dma_wait3A_167 = tpu.memref_slice %arg13[%dma_wait3A_165, %dma_wait3A_166] : memref<10240x128xf32, #tpu.memory_space<vmem_shared>> -> memref<10240x128xf32, #tpu.memory_space<vmem_shared>>
        tpu.wait_indirect_dma semaphore(%run_scoped3A_155 : memref<!tpu.dma_semaphore, #tpu.memory_space<semaphore_mem>>) src(%arg12 : memref<128x128xf32, #tpu.memory_space<vmem>>) dst(%dma_wait3A_167 : memref<10240x128xf32, #tpu.memory_space<vmem_shared>>)
        tpu.yield
      }) : () -> ()
    }
    %scan3A_52 = arith.constant 5 : i32
    %barrier3A_53 = arith.constant 0 : index
    tpu.barrier barrier_id(%barrier3A_53)
    %mul3A_54 = arith.constant 640 : i32
    %mul3A_55 = arith.muli %arg1, %mul3A_54 : i32
    %mul3A_56 = arith.constant 10240 : i32
    %mul3A_57 = arith.muli %arg0, %mul3A_56 : i32
    %mul3A_58 = arith.constant 640 : i32
    %mul3A_59 = arith.muli %arg1, %mul3A_58 : i32
    %add3A_60 = arith.addi %mul3A_57, %mul3A_59 : i32
    "tpu.region"() ({
      %run_scoped3A = tpu.sem_alloc : memref<!tpu.dma_semaphore, #tpu.memory_space<semaphore_mem>>
      %dma_start3A_61 = arith.constant 0 : i32
      %dma_start3A_62 = tpu.memref_slice %arg6[%add3A_60, %dma_start3A_61] : memref<20480x128xf32, #tpu.memory_space<hbm>> -> memref<640x128xf32, #tpu.memory_space<hbm>>
      %dma_start3A_63 = arith.constant 0 : i32
      %dma_start3A_64 = tpu.memref_slice %arg13[%mul3A_55, %dma_start3A_63] : memref<10240x128xf32, #tpu.memory_space<vmem_shared>> -> memref<640x128xf32, #tpu.memory_space<vmem_shared>>
      tpu.enqueue_dma source(%dma_start3A_64 : memref<640x128xf32, #tpu.memory_space<vmem_shared>>) target(%dma_start3A_62 : memref<640x128xf32, #tpu.memory_space<hbm>>) target_semaphore(%run_scoped3A : memref<!tpu.dma_semaphore, #tpu.memory_space<semaphore_mem>>)
      %dma_wait3A_65 = arith.constant 0 : i32
      %dma_wait3A_66 = tpu.memref_slice %arg6[%add3A_60, %dma_wait3A_65] : memref<20480x128xf32, #tpu.memory_space<hbm>> -> memref<640x128xf32, #tpu.memory_space<hbm>>
      %dma_wait3A_67 = arith.constant 0 : i32
      %dma_wait3A_68 = tpu.memref_slice %arg13[%mul3A_55, %dma_wait3A_67] : memref<10240x128xf32, #tpu.memory_space<vmem_shared>> -> memref<640x128xf32, #tpu.memory_space<vmem_shared>>
      tpu.wait_dma2 semaphore(%run_scoped3A : memref<!tpu.dma_semaphore, #tpu.memory_space<semaphore_mem>>) src(%dma_wait3A_68 : memref<640x128xf32, #tpu.memory_space<vmem_shared>>) dst(%dma_wait3A_66 : memref<640x128xf32, #tpu.memory_space<hbm>>)
      tpu.yield
    }) : () -> ()
    return
  }
}

module attributes {stable_mosaic.version = 14 : i64} {
  func.func @_enc_proj_body(%arg0: i32, %arg1: memref<2048x128xf32, #tpu.memory_space<vmem>>, %arg2: memref<128x256xf32, #tpu.memory_space<vmem>>, %arg3: memref<1x256xf32, #tpu.memory_space<vmem>>, %arg4: memref<256x256xf32, #tpu.memory_space<vmem>>, %arg5: memref<256x256xf32, #tpu.memory_space<vmem>>, %arg6: memref<2048x256xf32, #tpu.memory_space<vmem>>, %arg7: memref<2x2048x128xf32, #tpu.memory_space<vmem>>) attributes {dimension_semantics = [#tpu.dimension_semantics<arbitrary>], iteration_bounds = array<i64: 5>, scalar_prefetch = 0 : i64, scratch_operands = 0 : i64, tpu.core_type = #tpu.core_type<tc>, window_params = [{transform_indices = @transform_0, window_bounds = array<i64: 2048, 128>}, {pipeline_mode = #tpu.pipeline_mode<synchronous>, transform_indices = @transform_1, window_bounds = array<i64: 128, 256>}, {pipeline_mode = #tpu.pipeline_mode<synchronous>, transform_indices = @transform_2, window_bounds = array<i64: 1, 256>}, {pipeline_mode = #tpu.pipeline_mode<synchronous>, transform_indices = @transform_3, window_bounds = array<i64: 256, 256>}, {pipeline_mode = #tpu.pipeline_mode<synchronous>, transform_indices = @transform_4, window_bounds = array<i64: 256, 256>}, {transform_indices = @transform_5, window_bounds = array<i64: 2048, 256>}, {transform_indices = @transform_6, window_bounds = array<i64: 2, 2048, 128>}]} {
    %get3A = arith.constant 0 : index
    %get3A_0 = arith.constant 0 : index
    %get3A_1 = vector.load %arg1[%get3A, %get3A_0] : memref<2048x128xf32, #tpu.memory_space<vmem>>, vector<2048x128xf32>
    %get3A_2 = arith.constant 0 : index
    %get3A_3 = arith.constant 0 : index
    %get3A_4 = vector.load %arg2[%get3A_2, %get3A_3] : memref<128x256xf32, #tpu.memory_space<vmem>>, vector<128x256xf32>
    %dot_general3A = arith.constant dense<0.000000e+00> : vector<2048x256xf32>
    %dot_general3A_5 = tpu.matmul %get3A_1, %get3A_4, %dot_general3A {dimension_numbers = #tpu.dot_dimension_numbers<[1], [0], [0], [1], [0, 0, 1, 1], [], []>, transpose_lhs_hint = false} : vector<2048x128xf32>, vector<128x256xf32>, vector<2048x256xf32> -> vector<2048x256xf32>
    %get3A_6 = arith.constant 0 : index
    %get3A_7 = arith.constant 0 : index
    %get3A_8 = vector.load %arg3[%get3A_6, %get3A_7] : memref<1x256xf32, #tpu.memory_space<vmem>>, vector<1x256xf32>
    %add3A = vector.broadcast %get3A_8 : vector<1x256xf32> to vector<2048x256xf32>
    %add3A_9 = arith.addf %dot_general3A_5, %add3A : vector<2048x256xf32>
    %max3A = arith.constant 0.000000e+00 : f32
    %max3A_10 = vector.broadcast %max3A : f32 to vector<2048x256xf32>
    %max3A_11 = arith.maximumf %add3A_9, %max3A_10 : vector<2048x256xf32>
    %get3A_12 = arith.constant 0 : index
    %get3A_13 = arith.constant 0 : index
    %get3A_14 = vector.load %arg4[%get3A_12, %get3A_13] : memref<256x256xf32, #tpu.memory_space<vmem>>, vector<256x256xf32>
    %dot_general3A_15 = arith.constant dense<0.000000e+00> : vector<2048x256xf32>
    %dot_general3A_16 = tpu.matmul %max3A_11, %get3A_14, %dot_general3A_15 {dimension_numbers = #tpu.dot_dimension_numbers<[1], [0], [0], [1], [0, 0, 1, 1], [], []>, transpose_lhs_hint = false} : vector<2048x256xf32>, vector<256x256xf32>, vector<2048x256xf32> -> vector<2048x256xf32>
    %swap3A = arith.constant 0 : index
    %swap3A_17 = arith.constant 0 : index
    %swap3A_18 = vector.load %arg6[%swap3A, %swap3A_17] : memref<2048x256xf32, #tpu.memory_space<vmem>>, vector<2048x256xf32>
    tpu.vector_store %arg6[%swap3A, %swap3A_17], %dot_general3A_16 {strides = array<i32>} : memref<2048x256xf32, #tpu.memory_space<vmem>>, vector<2048x256xf32>,
    %get3A_19 = arith.constant 0 : index
    %get3A_20 = arith.constant 0 : index
    %get3A_21 = vector.load %arg5[%get3A_19, %get3A_20] : memref<256x256xf32, #tpu.memory_space<vmem>>, vector<256x256xf32>
    %dot_general3A_22 = arith.constant dense<0.000000e+00> : vector<2048x256xf32>
    %dot_general3A_23 = tpu.matmul %max3A_11, %get3A_21, %dot_general3A_22 {dimension_numbers = #tpu.dot_dimension_numbers<[1], [0], [0], [1], [0, 0, 1, 1], [], []>, transpose_lhs_hint = false} : vector<2048x256xf32>, vector<256x256xf32>, vector<2048x256xf32> -> vector<2048x256xf32>
    %slice3A = vector.extract_strided_slice %dot_general3A_23 {offsets = [0, 0], sizes = [2048, 128], strides = [1, 1]} : vector<2048x256xf32> to vector<2048x128xf32>
    %swap3A_24 = arith.constant 0 : index
    %swap3A_25 = arith.constant 0 : index
    %swap3A_26 = arith.constant 0 : index
    %swap3A_27 = vector.load %arg7[%swap3A_24, %swap3A_25, %swap3A_26] : memref<2x2048x128xf32, #tpu.memory_space<vmem>>, vector<1x2048x128xf32>
    %swap3A_28 = vector.shape_cast %swap3A_27 : vector<1x2048x128xf32> to vector<2048x128xf32>
    %swap3A_29 = vector.shape_cast %slice3A : vector<2048x128xf32> to vector<1x2048x128xf32>
    tpu.vector_store %arg7[%swap3A_24, %swap3A_25, %swap3A_26], %swap3A_29 {strides = array<i32>} : memref<2x2048x128xf32, #tpu.memory_space<vmem>>, vector<1x2048x128xf32>,
    %slice3A_30 = vector.extract_strided_slice %dot_general3A_23 {offsets = [0, 128], sizes = [2048, 128], strides = [1, 1]} : vector<2048x256xf32> to vector<2048x128xf32>
    %swap3A_31 = arith.constant 1 : index
    %swap3A_32 = arith.constant 0 : index
    %swap3A_33 = arith.constant 0 : index
    %swap3A_34 = vector.load %arg7[%swap3A_31, %swap3A_32, %swap3A_33] : memref<2x2048x128xf32, #tpu.memory_space<vmem>>, vector<1x2048x128xf32>
    %swap3A_35 = vector.shape_cast %swap3A_34 : vector<1x2048x128xf32> to vector<2048x128xf32>
    %swap3A_36 = vector.shape_cast %slice3A_30 : vector<2048x128xf32> to vector<1x2048x128xf32>
    tpu.vector_store %arg7[%swap3A_31, %swap3A_32, %swap3A_33], %swap3A_36 {strides = array<i32>} : memref<2x2048x128xf32, #tpu.memory_space<vmem>>, vector<1x2048x128xf32>,
    return
  }
  func.func @transform_0(%arg0: i32) -> (i32, i32) {
    %c0_i32 = arith.constant 0 : i32
    %c0_i32_0 = arith.constant 0 : i32
    return %arg0, %c0_i32 : i32, i32
  }
  func.func @transform_1(%arg0: i32) -> (i32, i32) {
    %c0_i32 = arith.constant 0 : i32
    %c0_i32_0 = arith.constant 0 : i32
    %c0_i32_1 = arith.constant 0 : i32
    return %c0_i32, %c0_i32_0 : i32, i32
  }
  func.func @transform_2(%arg0: i32) -> (i32, i32) {
    %c0_i32 = arith.constant 0 : i32
    %c0_i32_0 = arith.constant 0 : i32
    %c0_i32_1 = arith.constant 0 : i32
    return %c0_i32, %c0_i32_0 : i32, i32
  }
  func.func @transform_3(%arg0: i32) -> (i32, i32) {
    %c0_i32 = arith.constant 0 : i32
    %c0_i32_0 = arith.constant 0 : i32
    %c0_i32_1 = arith.constant 0 : i32
    return %c0_i32, %c0_i32_0 : i32, i32
  }
  func.func @transform_4(%arg0: i32) -> (i32, i32) {
    %c0_i32 = arith.constant 0 : i32
    %c0_i32_0 = arith.constant 0 : i32
    %c0_i32_1 = arith.constant 0 : i32
    return %c0_i32, %c0_i32_0 : i32, i32
  }
  func.func @transform_5(%arg0: i32) -> (i32, i32) {
    %c0_i32 = arith.constant 0 : i32
    %c0_i32_0 = arith.constant 0 : i32
    return %arg0, %c0_i32 : i32, i32
  }
  func.func @transform_6(%arg0: i32) -> (i32, i32, i32) {
    %c0_i32 = arith.constant 0 : i32
    %c0_i32_0 = arith.constant 0 : i32
    %c0_i32_1 = arith.constant 0 : i32
    return %c0_i32, %arg0, %c0_i32_0 : i32, i32, i32
  }
}

module attributes {stable_mosaic.version = 14 : i64} {
  func.func @_combine_body(%arg0: i32, %arg1: memref<2048x256xf32, #tpu.memory_space<vmem>>, %arg2: memref<2048x128xf32, #tpu.memory_space<vmem>>, %arg3: memref<2048x128xf32, #tpu.memory_space<vmem>>, %arg4: memref<2048x128xf32, #tpu.memory_space<vmem>>, %arg5: memref<2048x128xf32, #tpu.memory_space<vmem>>, %arg6: memref<1x256xf32, #tpu.memory_space<vmem>>, %arg7: memref<2048x256xf32, #tpu.memory_space<vmem>>, %arg8: memref<2x256xf32, #tpu.memory_space<vmem>>) attributes {dimension_semantics = [#tpu.dimension_semantics<arbitrary>], iteration_bounds = array<i64: 5>, scalar_prefetch = 0 : i64, scratch_operands = 0 : i64, tpu.core_type = #tpu.core_type<tc>, window_params = [{transform_indices = @transform_0, window_bounds = array<i64: 2048, 256>}, {transform_indices = @transform_1, window_bounds = array<i64: 2048, 128>}, {transform_indices = @transform_2, window_bounds = array<i64: 2048, 128>}, {transform_indices = @transform_3, window_bounds = array<i64: 2048, 128>}, {transform_indices = @transform_4, window_bounds = array<i64: 2048, 128>}, {pipeline_mode = #tpu.pipeline_mode<synchronous>, transform_indices = @transform_5, window_bounds = array<i64: 1, 256>}, {transform_indices = @transform_6, window_bounds = array<i64: 2048, 256>}, {pipeline_mode = #tpu.pipeline_mode<synchronous>, transform_indices = @transform_7, window_bounds = array<i64: 2, 256>}]} {
    %get3A = arith.constant 0 : index
    %get3A_0 = arith.constant 0 : index
    %get3A_1 = vector.load %arg4[%get3A, %get3A_0] : memref<2048x128xf32, #tpu.memory_space<vmem>>, vector<2048x128xf32>
    %slice3A = vector.extract_strided_slice %get3A_1 {offsets = [0, 0], sizes = [2048, 1], strides = [1, 1]} : vector<2048x128xf32> to vector<2048x1xf32>
    %get3A_2 = arith.constant 0 : index
    %get3A_3 = arith.constant 0 : index
    %get3A_4 = vector.load %arg5[%get3A_2, %get3A_3] : memref<2048x128xf32, #tpu.memory_space<vmem>>, vector<2048x128xf32>
    %slice3A_5 = vector.extract_strided_slice %get3A_4 {offsets = [0, 0], sizes = [2048, 1], strides = [1, 1]} : vector<2048x128xf32> to vector<2048x1xf32>
    %add3A = arith.addf %slice3A, %slice3A_5 : vector<2048x1xf32>
    %max3A = arith.constant 1.000000e+00 : f32
    %max3A_6 = vector.broadcast %max3A : f32 to vector<2048x1xf32>
    %max3A_7 = arith.maximumf %add3A, %max3A_6 : vector<2048x1xf32>
    %get3A_8 = arith.constant 0 : index
    %get3A_9 = arith.constant 0 : index
    %get3A_10 = vector.load %arg2[%get3A_8, %get3A_9] : memref<2048x128xf32, #tpu.memory_space<vmem>>, vector<2048x128xf32>
    %get3A_11 = arith.constant 0 : index
    %get3A_12 = arith.constant 0 : index
    %get3A_13 = vector.load %arg3[%get3A_11, %get3A_12] : memref<2048x128xf32, #tpu.memory_space<vmem>>, vector<2048x128xf32>
    %concatenate3A = tpu.concatenate %get3A_10, %get3A_13 in 1 : vector<2048x128xf32>, vector<2048x128xf32> -> vector<2048x256xf32>
    %div3A = vector.broadcast %max3A_7 : vector<2048x1xf32> to vector<2048x256xf32>
    %div3A_14 = arith.divf %concatenate3A, %div3A : vector<2048x256xf32>
    %get3A_15 = arith.constant 0 : index
    %get3A_16 = arith.constant 0 : index
    %get3A_17 = vector.load %arg1[%get3A_15, %get3A_16] : memref<2048x256xf32, #tpu.memory_space<vmem>>, vector<2048x256xf32>
    %add3A_18 = arith.addf %get3A_17, %div3A_14 : vector<2048x256xf32>
    %get3A_19 = arith.constant 0 : index
    %get3A_20 = arith.constant 0 : index
    %get3A_21 = vector.load %arg6[%get3A_19, %get3A_20] : memref<1x256xf32, #tpu.memory_space<vmem>>, vector<1x256xf32>
    %add3A_22 = vector.broadcast %get3A_21 : vector<1x256xf32> to vector<2048x256xf32>
    %add3A_23 = arith.addf %add3A_18, %add3A_22 : vector<2048x256xf32>
    %swap3A = arith.constant 0 : index
    %swap3A_24 = arith.constant 0 : index
    %swap3A_25 = vector.load %arg7[%swap3A, %swap3A_24] : memref<2048x256xf32, #tpu.memory_space<vmem>>, vector<2048x256xf32>
    tpu.vector_store %arg7[%swap3A, %swap3A_24], %add3A_23 {strides = array<i32>} : memref<2048x256xf32, #tpu.memory_space<vmem>>, vector<2048x256xf32>,
    %mul3A = arith.constant 2048 : i32
    %mul3A_26 = arith.muli %arg0, %mul3A : i32
    %iota3A = tpu.iota {dimensions = array<i32: 0>} : vector<2048x1xi32>
    %add3A_27 = vector.broadcast %mul3A_26 : i32 to vector<2048x1xi32>
    %add3A_28 = arith.addi %add3A_27, %iota3A : vector<2048x1xi32>
    %lt3A = arith.constant 10000 : i32
    %lt3A_29 = vector.broadcast %lt3A : i32 to vector<2048x1xi32>
    %lt3A_30 = arith.cmpi slt, %add3A_28, %lt3A_29 : vector<2048x1xi32>
    %jit3A = arith.constant 0.000000e+00 : f32
    %broadcast_in_dim3A = vector.shape_cast %lt3A_30 : vector<2048x1xi1> to vector<2048x1xi1>
    %broadcast_in_dim3A_31 = vector.broadcast %broadcast_in_dim3A : vector<2048x1xi1> to vector<2048x256xi1>
    %broadcast_in_dim3A_32 = vector.broadcast %jit3A : f32 to vector<2048x256xf32>
    %select_n3A = arith.select %broadcast_in_dim3A_31, %add3A_23, %broadcast_in_dim3A_32 : vector<2048x256xi1>, vector<2048x256xf32>
    %reduce_sum3A = arith.constant dense<0.000000e+00> : vector<256xf32>
    %reduce_sum3A_33 = vector.multi_reduction <add>, %select_n3A, %reduce_sum3A [0] : vector<2048x256xf32> to vector<256xf32>
    %broadcast_in_dim3A_34 = vector.shape_cast %reduce_sum3A_33 : vector<256xf32> to vector<1x256xf32>
    %mul3A_35 = arith.mulf %select_n3A, %select_n3A : vector<2048x256xf32>
    %reduce_sum3A_36 = arith.constant dense<0.000000e+00> : vector<256xf32>
    %reduce_sum3A_37 = vector.multi_reduction <add>, %mul3A_35, %reduce_sum3A_36 [0] : vector<2048x256xf32> to vector<256xf32>
    %broadcast_in_dim3A_38 = vector.shape_cast %reduce_sum3A_37 : vector<256xf32> to vector<1x256xf32>
    %concatenate3A_39 = tpu.concatenate %broadcast_in_dim3A_34, %broadcast_in_dim3A_38 in 0 : vector<1x256xf32>, vector<1x256xf32> -> vector<2x256xf32>
    %eq3A = arith.constant 0 : i32
    %eq3A_40 = arith.cmpi eq, %arg0, %eq3A : i32
    %convert_element_type3A = arith.extui %eq3A_40 : i1 to i32
    %cond3A = arith.constant 0 : i32
    %cond3A_41 = arith.cmpi ne, %convert_element_type3A, %cond3A : i32
    scf.if %cond3A_41 {
      %swap3A_46 = arith.constant 0 : index
      %swap3A_47 = arith.constant 0 : index
      %swap3A_48 = vector.load %arg8[%swap3A_46, %swap3A_47] : memref<2x256xf32, #tpu.memory_space<vmem>>, vector<2x256xf32>
      tpu.vector_store %arg8[%swap3A_46, %swap3A_47], %concatenate3A_39 {strides = array<i32>} : memref<2x256xf32, #tpu.memory_space<vmem>>, vector<2x256xf32>,
    } else {
    }
    %gt3A = arith.constant 0 : i32
    %gt3A_42 = arith.cmpi sgt, %arg0, %gt3A : i32
    %convert_element_type3A_43 = arith.extui %gt3A_42 : i1 to i32
    %cond3A_44 = arith.constant 0 : i32
    %cond3A_45 = arith.cmpi ne, %convert_element_type3A_43, %cond3A_44 : i32
    scf.if %cond3A_45 {
      %get3A_46 = arith.constant 0 : index
      %get3A_47 = arith.constant 0 : index
      %get3A_48 = vector.load %arg8[%get3A_46, %get3A_47] : memref<2x256xf32, #tpu.memory_space<vmem>>, vector<2x256xf32>
      %add3A_49 = arith.addf %get3A_48, %concatenate3A_39 : vector<2x256xf32>
      %swap3A_50 = arith.constant 0 : index
      %swap3A_51 = arith.constant 0 : index
      %swap3A_52 = vector.load %arg8[%swap3A_50, %swap3A_51] : memref<2x256xf32, #tpu.memory_space<vmem>>, vector<2x256xf32>
      tpu.vector_store %arg8[%swap3A_50, %swap3A_51], %add3A_49 {strides = array<i32>} : memref<2x256xf32, #tpu.memory_space<vmem>>, vector<2x256xf32>,
    } else {
    }
    return
  }
  func.func @transform_0(%arg0: i32) -> (i32, i32) {
    %c0_i32 = arith.constant 0 : i32
    %c0_i32_0 = arith.constant 0 : i32
    return %arg0, %c0_i32 : i32, i32
  }
  func.func @transform_1(%arg0: i32) -> (i32, i32) {
    %c0_i32 = arith.constant 0 : i32
    %c0_i32_0 = arith.constant 0 : i32
    return %arg0, %c0_i32 : i32, i32
  }
  func.func @transform_2(%arg0: i32) -> (i32, i32) {
    %add3A = arith.constant 5 : i32
    %add3A_0 = arith.addi %arg0, %add3A : i32
    %c0_i32 = arith.constant 0 : i32
    %c0_i32_1 = arith.constant 0 : i32
    return %add3A_0, %c0_i32 : i32, i32
  }
  func.func @transform_3(%arg0: i32) -> (i32, i32) {
    %c0_i32 = arith.constant 0 : i32
    %c0_i32_0 = arith.constant 0 : i32
    return %arg0, %c0_i32 : i32, i32
  }
  func.func @transform_4(%arg0: i32) -> (i32, i32) {
    %add3A = arith.constant 5 : i32
    %add3A_0 = arith.addi %arg0, %add3A : i32
    %c0_i32 = arith.constant 0 : i32
    %c0_i32_1 = arith.constant 0 : i32
    return %add3A_0, %c0_i32 : i32, i32
  }
  func.func @transform_5(%arg0: i32) -> (i32, i32) {
    %c0_i32 = arith.constant 0 : i32
    %c0_i32_0 = arith.constant 0 : i32
    %c0_i32_1 = arith.constant 0 : i32
    return %c0_i32, %c0_i32_0 : i32, i32
  }
  func.func @transform_6(%arg0: i32) -> (i32, i32) {
    %c0_i32 = arith.constant 0 : i32
    %c0_i32_0 = arith.constant 0 : i32
    return %arg0, %c0_i32 : i32, i32
  }
  func.func @transform_7(%arg0: i32) -> (i32, i32) {
    %c0_i32 = arith.constant 0 : i32
    %c0_i32_0 = arith.constant 0 : i32
    %c0_i32_1 = arith.constant 0 : i32
    return %c0_i32, %c0_i32_0 : i32, i32
  }
}

module attributes {stable_mosaic.version = 14 : i64} {
  func.func @_bn_proj_body(%arg0: i32, %arg1: memref<2048x256xf32, #tpu.memory_space<vmem>>, %arg2: memref<2x256xf32, #tpu.memory_space<vmem>>, %arg3: memref<1x256xf32, #tpu.memory_space<vmem>>, %arg4: memref<1x256xf32, #tpu.memory_space<vmem>>, %arg5: memref<256x256xf32, #tpu.memory_space<vmem>>, %arg6: memref<256x256xf32, #tpu.memory_space<vmem>>, %arg7: memref<2048x256xf32, #tpu.memory_space<vmem>>, %arg8: memref<2x2048x128xf32, #tpu.memory_space<vmem>>) attributes {dimension_semantics = [#tpu.dimension_semantics<arbitrary>], iteration_bounds = array<i64: 5>, scalar_prefetch = 0 : i64, scratch_operands = 0 : i64, tpu.core_type = #tpu.core_type<tc>, window_params = [{transform_indices = @transform_0, window_bounds = array<i64: 2048, 256>}, {pipeline_mode = #tpu.pipeline_mode<synchronous>, transform_indices = @transform_1, window_bounds = array<i64: 2, 256>}, {pipeline_mode = #tpu.pipeline_mode<synchronous>, transform_indices = @transform_2, window_bounds = array<i64: 1, 256>}, {pipeline_mode = #tpu.pipeline_mode<synchronous>, transform_indices = @transform_3, window_bounds = array<i64: 1, 256>}, {pipeline_mode = #tpu.pipeline_mode<synchronous>, transform_indices = @transform_4, window_bounds = array<i64: 256, 256>}, {pipeline_mode = #tpu.pipeline_mode<synchronous>, transform_indices = @transform_5, window_bounds = array<i64: 256, 256>}, {transform_indices = @transform_6, window_bounds = array<i64: 2048, 256>}, {transform_indices = @transform_7, window_bounds = array<i64: 2, 2048, 128>}]} {
    %get3A = arith.constant 0 : index
    %get3A_0 = arith.constant 0 : index
    %get3A_1 = vector.load %arg2[%get3A, %get3A_0] : memref<2x256xf32, #tpu.memory_space<vmem>>, vector<1x256xf32>
    %div3A = arith.constant 1.000000e+04 : f32
    %div3A_2 = vector.broadcast %div3A : f32 to vector<1x256xf32>
    %div3A_3 = arith.divf %get3A_1, %div3A_2 : vector<1x256xf32>
    %get3A_4 = arith.constant 1 : index
    %get3A_5 = arith.constant 0 : index
    %get3A_6 = vector.load %arg2[%get3A_4, %get3A_5] : memref<2x256xf32, #tpu.memory_space<vmem>>, vector<1x256xf32>
    %div3A_7 = arith.constant 1.000000e+04 : f32
    %div3A_8 = vector.broadcast %div3A_7 : f32 to vector<1x256xf32>
    %div3A_9 = arith.divf %get3A_6, %div3A_8 : vector<1x256xf32>
    %mul3A = arith.mulf %div3A_3, %div3A_3 : vector<1x256xf32>
    %sub3A = arith.subf %div3A_9, %mul3A : vector<1x256xf32>
    %get3A_10 = arith.constant 0 : index
    %get3A_11 = arith.constant 0 : index
    %get3A_12 = vector.load %arg1[%get3A_10, %get3A_11] : memref<2048x256xf32, #tpu.memory_space<vmem>>, vector<2048x256xf32>
    %sub3A_13 = vector.broadcast %div3A_3 : vector<1x256xf32> to vector<2048x256xf32>
    %sub3A_14 = arith.subf %get3A_12, %sub3A_13 : vector<2048x256xf32>
    %get3A_15 = arith.constant 0 : index
    %get3A_16 = arith.constant 0 : index
    %get3A_17 = vector.load %arg3[%get3A_15, %get3A_16] : memref<1x256xf32, #tpu.memory_space<vmem>>, vector<1x256xf32>
    %add3A = arith.constant 9.99999974E-6 : f32
    %add3A_18 = vector.broadcast %add3A : f32 to vector<1x256xf32>
    %add3A_19 = arith.addf %sub3A, %add3A_18 : vector<1x256xf32>
    %rsqrt3A = math.rsqrt %add3A_19 : vector<1x256xf32>
    %mul3A_20 = arith.mulf %get3A_17, %rsqrt3A : vector<1x256xf32>
    %mul3A_21 = vector.broadcast %mul3A_20 : vector<1x256xf32> to vector<2048x256xf32>
    %mul3A_22 = arith.mulf %sub3A_14, %mul3A_21 : vector<2048x256xf32>
    %get3A_23 = arith.constant 0 : index
    %get3A_24 = arith.constant 0 : index
    %get3A_25 = vector.load %arg4[%get3A_23, %get3A_24] : memref<1x256xf32, #tpu.memory_space<vmem>>, vector<1x256xf32>
    %add3A_26 = vector.broadcast %get3A_25 : vector<1x256xf32> to vector<2048x256xf32>
    %add3A_27 = arith.addf %mul3A_22, %add3A_26 : vector<2048x256xf32>
    %max3A = arith.constant 0.000000e+00 : f32
    %max3A_28 = vector.broadcast %max3A : f32 to vector<2048x256xf32>
    %max3A_29 = arith.maximumf %add3A_27, %max3A_28 : vector<2048x256xf32>
    %get3A_30 = arith.constant 0 : index
    %get3A_31 = arith.constant 0 : index
    %get3A_32 = vector.load %arg5[%get3A_30, %get3A_31] : memref<256x256xf32, #tpu.memory_space<vmem>>, vector<256x256xf32>
    %dot_general3A = arith.constant dense<0.000000e+00> : vector<2048x256xf32>
    %dot_general3A_33 = tpu.matmul %max3A_29, %get3A_32, %dot_general3A {dimension_numbers = #tpu.dot_dimension_numbers<[1], [0], [0], [1], [0, 0, 1, 1], [], []>, transpose_lhs_hint = false} : vector<2048x256xf32>, vector<256x256xf32>, vector<2048x256xf32> -> vector<2048x256xf32>
    %swap3A = arith.constant 0 : index
    %swap3A_34 = arith.constant 0 : index
    %swap3A_35 = vector.load %arg7[%swap3A, %swap3A_34] : memref<2048x256xf32, #tpu.memory_space<vmem>>, vector<2048x256xf32>
    tpu.vector_store %arg7[%swap3A, %swap3A_34], %dot_general3A_33 {strides = array<i32>} : memref<2048x256xf32, #tpu.memory_space<vmem>>, vector<2048x256xf32>,
    %get3A_36 = arith.constant 0 : index
    %get3A_37 = arith.constant 0 : index
    %get3A_38 = vector.load %arg6[%get3A_36, %get3A_37] : memref<256x256xf32, #tpu.memory_space<vmem>>, vector<256x256xf32>
    %dot_general3A_39 = arith.constant dense<0.000000e+00> : vector<2048x256xf32>
    %dot_general3A_40 = tpu.matmul %max3A_29, %get3A_38, %dot_general3A_39 {dimension_numbers = #tpu.dot_dimension_numbers<[1], [0], [0], [1], [0, 0, 1, 1], [], []>, transpose_lhs_hint = false} : vector<2048x256xf32>, vector<256x256xf32>, vector<2048x256xf32> -> vector<2048x256xf32>
    %slice3A = vector.extract_strided_slice %dot_general3A_40 {offsets = [0, 0], sizes = [2048, 128], strides = [1, 1]} : vector<2048x256xf32> to vector<2048x128xf32>
    %swap3A_41 = arith.constant 0 : index
    %swap3A_42 = arith.constant 0 : index
    %swap3A_43 = arith.constant 0 : index
    %swap3A_44 = vector.load %arg8[%swap3A_41, %swap3A_42, %swap3A_43] : memref<2x2048x128xf32, #tpu.memory_space<vmem>>, vector<1x2048x128xf32>
    %swap3A_45 = vector.shape_cast %swap3A_44 : vector<1x2048x128xf32> to vector<2048x128xf32>
    %swap3A_46 = vector.shape_cast %slice3A : vector<2048x128xf32> to vector<1x2048x128xf32>
    tpu.vector_store %arg8[%swap3A_41, %swap3A_42, %swap3A_43], %swap3A_46 {strides = array<i32>} : memref<2x2048x128xf32, #tpu.memory_space<vmem>>, vector<1x2048x128xf32>,
    %slice3A_47 = vector.extract_strided_slice %dot_general3A_40 {offsets = [0, 128], sizes = [2048, 128], strides = [1, 1]} : vector<2048x256xf32> to vector<2048x128xf32>
    %swap3A_48 = arith.constant 1 : index
    %swap3A_49 = arith.constant 0 : index
    %swap3A_50 = arith.constant 0 : index
    %swap3A_51 = vector.load %arg8[%swap3A_48, %swap3A_49, %swap3A_50] : memref<2x2048x128xf32, #tpu.memory_space<vmem>>, vector<1x2048x128xf32>
    %swap3A_52 = vector.shape_cast %swap3A_51 : vector<1x2048x128xf32> to vector<2048x128xf32>
    %swap3A_53 = vector.shape_cast %slice3A_47 : vector<2048x128xf32> to vector<1x2048x128xf32>
    tpu.vector_store %arg8[%swap3A_48, %swap3A_49, %swap3A_50], %swap3A_53 {strides = array<i32>} : memref<2x2048x128xf32, #tpu.memory_space<vmem>>, vector<1x2048x128xf32>,
    return
  }
  func.func @transform_0(%arg0: i32) -> (i32, i32) {
    %c0_i32 = arith.constant 0 : i32
    %c0_i32_0 = arith.constant 0 : i32
    return %arg0, %c0_i32 : i32, i32
  }
  func.func @transform_1(%arg0: i32) -> (i32, i32) {
    %c0_i32 = arith.constant 0 : i32
    %c0_i32_0 = arith.constant 0 : i32
    %c0_i32_1 = arith.constant 0 : i32
    return %c0_i32, %c0_i32_0 : i32, i32
  }
  func.func @transform_2(%arg0: i32) -> (i32, i32) {
    %c0_i32 = arith.constant 0 : i32
    %c0_i32_0 = arith.constant 0 : i32
    %c0_i32_1 = arith.constant 0 : i32
    return %c0_i32, %c0_i32_0 : i32, i32
  }
  func.func @transform_3(%arg0: i32) -> (i32, i32) {
    %c0_i32 = arith.constant 0 : i32
    %c0_i32_0 = arith.constant 0 : i32
    %c0_i32_1 = arith.constant 0 : i32
    return %c0_i32, %c0_i32_0 : i32, i32
  }
  func.func @transform_4(%arg0: i32) -> (i32, i32) {
    %c0_i32 = arith.constant 0 : i32
    %c0_i32_0 = arith.constant 0 : i32
    %c0_i32_1 = arith.constant 0 : i32
    return %c0_i32, %c0_i32_0 : i32, i32
  }
  func.func @transform_5(%arg0: i32) -> (i32, i32) {
    %c0_i32 = arith.constant 0 : i32
    %c0_i32_0 = arith.constant 0 : i32
    %c0_i32_1 = arith.constant 0 : i32
    return %c0_i32, %c0_i32_0 : i32, i32
  }
  func.func @transform_6(%arg0: i32) -> (i32, i32) {
    %c0_i32 = arith.constant 0 : i32
    %c0_i32_0 = arith.constant 0 : i32
    return %arg0, %c0_i32 : i32, i32
  }
  func.func @transform_7(%arg0: i32) -> (i32, i32, i32) {
    %c0_i32 = arith.constant 0 : i32
    %c0_i32_0 = arith.constant 0 : i32
    %c0_i32_1 = arith.constant 0 : i32
    return %c0_i32, %arg0, %c0_i32_0 : i32, i32, i32
  }
}

module attributes {stable_mosaic.version = 14 : i64} {
  func.func @_final_body(%arg0: i32, %arg1: memref<2048x256xf32, #tpu.memory_space<vmem>>, %arg2: memref<2x256xf32, #tpu.memory_space<vmem>>, %arg3: memref<1x256xf32, #tpu.memory_space<vmem>>, %arg4: memref<1x256xf32, #tpu.memory_space<vmem>>, %arg5: memref<256x32xf32, #tpu.memory_space<vmem>>, %arg6: memref<1x32xf32, #tpu.memory_space<vmem>>, %arg7: memref<1x32xf32, #tpu.memory_space<vmem>>, %arg8: memref<1x1xf32, #tpu.memory_space<vmem>>, %arg9: memref<1x1xf32, #tpu.memory_space<vmem>>, %arg10: memref<8x256xf32, #tpu.memory_space<vmem>>) attributes {dimension_semantics = [#tpu.dimension_semantics<arbitrary>], iteration_bounds = array<i64: 5>, scalar_prefetch = 0 : i64, scratch_operands = 1 : i64, tpu.core_type = #tpu.core_type<tc>, window_params = [{transform_indices = @transform_0, window_bounds = array<i64: 2048, 256>}, {pipeline_mode = #tpu.pipeline_mode<synchronous>, transform_indices = @transform_1, window_bounds = array<i64: 2, 256>}, {pipeline_mode = #tpu.pipeline_mode<synchronous>, transform_indices = @transform_2, window_bounds = array<i64: 1, 256>}, {pipeline_mode = #tpu.pipeline_mode<synchronous>, transform_indices = @transform_3, window_bounds = array<i64: 1, 256>}, {pipeline_mode = #tpu.pipeline_mode<synchronous>, transform_indices = @transform_4, window_bounds = array<i64: 256, 32>}, {pipeline_mode = #tpu.pipeline_mode<synchronous>, transform_indices = @transform_5, window_bounds = array<i64: 1, 32>}, {pipeline_mode = #tpu.pipeline_mode<synchronous>, transform_indices = @transform_6, window_bounds = array<i64: 1, 32>}, {pipeline_mode = #tpu.pipeline_mode<synchronous>, transform_indices = @transform_7, window_bounds = array<i64: 1, 1>}, {pipeline_mode = #tpu.pipeline_mode<synchronous>, transform_indices = @transform_8, window_bounds = array<i64: 1, 1>}]} {
    %get3A = arith.constant 0 : index
    %get3A_0 = arith.constant 0 : index
    %get3A_1 = vector.load %arg2[%get3A, %get3A_0] : memref<2x256xf32, #tpu.memory_space<vmem>>, vector<1x256xf32>
    %div3A = arith.constant 1.000000e+04 : f32
    %div3A_2 = vector.broadcast %div3A : f32 to vector<1x256xf32>
    %div3A_3 = arith.divf %get3A_1, %div3A_2 : vector<1x256xf32>
    %get3A_4 = arith.constant 1 : index
    %get3A_5 = arith.constant 0 : index
    %get3A_6 = vector.load %arg2[%get3A_4, %get3A_5] : memref<2x256xf32, #tpu.memory_space<vmem>>, vector<1x256xf32>
    %div3A_7 = arith.constant 1.000000e+04 : f32
    %div3A_8 = vector.broadcast %div3A_7 : f32 to vector<1x256xf32>
    %div3A_9 = arith.divf %get3A_6, %div3A_8 : vector<1x256xf32>
    %mul3A = arith.mulf %div3A_3, %div3A_3 : vector<1x256xf32>
    %sub3A = arith.subf %div3A_9, %mul3A : vector<1x256xf32>
    %get3A_10 = arith.constant 0 : index
    %get3A_11 = arith.constant 0 : index
    %get3A_12 = vector.load %arg1[%get3A_10, %get3A_11] : memref<2048x256xf32, #tpu.memory_space<vmem>>, vector<2048x256xf32>
    %sub3A_13 = vector.broadcast %div3A_3 : vector<1x256xf32> to vector<2048x256xf32>
    %sub3A_14 = arith.subf %get3A_12, %sub3A_13 : vector<2048x256xf32>
    %get3A_15 = arith.constant 0 : index
    %get3A_16 = arith.constant 0 : index
    %get3A_17 = vector.load %arg3[%get3A_15, %get3A_16] : memref<1x256xf32, #tpu.memory_space<vmem>>, vector<1x256xf32>
    %add3A = arith.constant 9.99999974E-6 : f32
    %add3A_18 = vector.broadcast %add3A : f32 to vector<1x256xf32>
    %add3A_19 = arith.addf %sub3A, %add3A_18 : vector<1x256xf32>
    %rsqrt3A = math.rsqrt %add3A_19 : vector<1x256xf32>
    %mul3A_20 = arith.mulf %get3A_17, %rsqrt3A : vector<1x256xf32>
    %mul3A_21 = vector.broadcast %mul3A_20 : vector<1x256xf32> to vector<2048x256xf32>
    %mul3A_22 = arith.mulf %sub3A_14, %mul3A_21 : vector<2048x256xf32>
    %get3A_23 = arith.constant 0 : index
    %get3A_24 = arith.constant 0 : index
    %get3A_25 = vector.load %arg4[%get3A_23, %get3A_24] : memref<1x256xf32, #tpu.memory_space<vmem>>, vector<1x256xf32>
    %add3A_26 = vector.broadcast %get3A_25 : vector<1x256xf32> to vector<2048x256xf32>
    %add3A_27 = arith.addf %mul3A_22, %add3A_26 : vector<2048x256xf32>
    %max3A = arith.constant 0.000000e+00 : f32
    %max3A_28 = vector.broadcast %max3A : f32 to vector<2048x256xf32>
    %max3A_29 = arith.maximumf %add3A_27, %max3A_28 : vector<2048x256xf32>
    %mul3A_30 = arith.constant 2048 : i32
    %mul3A_31 = arith.muli %arg0, %mul3A_30 : i32
    %iota3A = tpu.iota {dimensions = array<i32: 0>} : vector<2048x1xi32>
    %add3A_32 = vector.broadcast %mul3A_31 : i32 to vector<2048x1xi32>
    %add3A_33 = arith.addi %add3A_32, %iota3A : vector<2048x1xi32>
    %lt3A = arith.constant 10000 : i32
    %lt3A_34 = vector.broadcast %lt3A : i32 to vector<2048x1xi32>
    %lt3A_35 = arith.cmpi slt, %add3A_33, %lt3A_34 : vector<2048x1xi32>
    %jit3A = arith.constant 0.000000e+00 : f32
    %broadcast_in_dim3A = vector.shape_cast %lt3A_35 : vector<2048x1xi1> to vector<2048x1xi1>
    %broadcast_in_dim3A_36 = vector.broadcast %broadcast_in_dim3A : vector<2048x1xi1> to vector<2048x256xi1>
    %broadcast_in_dim3A_37 = vector.broadcast %jit3A : f32 to vector<2048x256xf32>
    %select_n3A = arith.select %broadcast_in_dim3A_36, %max3A_29, %broadcast_in_dim3A_37 : vector<2048x256xi1>, vector<2048x256xf32>
    %reduce_sum3A = arith.constant dense<0.000000e+00> : vector<256xf32>
    %reduce_sum3A_38 = vector.multi_reduction <add>, %select_n3A, %reduce_sum3A [0] : vector<2048x256xf32> to vector<256xf32>
    %broadcast_in_dim3A_39 = vector.shape_cast %reduce_sum3A_38 : vector<256xf32> to vector<1x256xf32>
    %eq3A = arith.constant 0 : i32
    %eq3A_40 = arith.cmpi eq, %arg0, %eq3A : i32
    %convert_element_type3A = arith.extui %eq3A_40 : i1 to i32
    %cond3A = arith.constant 0 : i32
    %cond3A_41 = arith.cmpi ne, %convert_element_type3A, %cond3A : i32
    scf.if %cond3A_41 {
      %broadcast_in_dim3A_53 = arith.constant 0.000000e+00 : f32
      %broadcast_in_dim3A_54 = vector.broadcast %broadcast_in_dim3A_53 : f32 to vector<8x256xf32>
      %swap3A_55 = arith.constant 0 : index
      %swap3A_56 = arith.constant 0 : index
      %swap3A_57 = vector.load %arg10[%swap3A_55, %swap3A_56] : memref<8x256xf32, #tpu.memory_space<vmem>>, vector<8x256xf32>
      tpu.vector_store %arg10[%swap3A_55, %swap3A_56], %broadcast_in_dim3A_54 {strides = array<i32>} : memref<8x256xf32, #tpu.memory_space<vmem>>, vector<8x256xf32>,
    } else {
    }
    %get3A_42 = arith.constant 0 : index
    %get3A_43 = arith.constant 0 : index
    %get3A_44 = vector.load %arg10[%get3A_42, %get3A_43] : memref<8x256xf32, #tpu.memory_space<vmem>>, vector<1x256xf32>
    %add3A_45 = arith.addf %get3A_44, %broadcast_in_dim3A_39 : vector<1x256xf32>
    %swap3A = arith.constant 0 : index
    %swap3A_46 = arith.constant 0 : index
    %swap3A_47 = vector.load %arg10[%swap3A, %swap3A_46] : memref<8x256xf32, #tpu.memory_space<vmem>>, vector<1x256xf32>
    tpu.vector_store %arg10[%swap3A, %swap3A_46], %add3A_45 {strides = array<i32>} : memref<8x256xf32, #tpu.memory_space<vmem>>, vector<1x256xf32>,
    %eq3A_48 = arith.constant 4 : i32
    %eq3A_49 = arith.cmpi eq, %arg0, %eq3A_48 : i32
    %convert_element_type3A_50 = arith.extui %eq3A_49 : i1 to i32
    %cond3A_51 = arith.constant 0 : i32
    %cond3A_52 = arith.cmpi ne, %convert_element_type3A_50, %cond3A_51 : i32
    scf.if %cond3A_52 {
      %get3A_53 = arith.constant 0 : index
      %get3A_54 = arith.constant 0 : index
      %get3A_55 = vector.load %arg10[%get3A_53, %get3A_54] : memref<8x256xf32, #tpu.memory_space<vmem>>, vector<1x256xf32>
      %div3A_56 = arith.constant 1.000000e+04 : f32
      %div3A_57 = vector.broadcast %div3A_56 : f32 to vector<1x256xf32>
      %div3A_58 = arith.divf %get3A_55, %div3A_57 : vector<1x256xf32>
      %get3A_59 = arith.constant 0 : index
      %get3A_60 = arith.constant 0 : index
      %get3A_61 = vector.load %arg5[%get3A_59, %get3A_60] : memref<256x32xf32, #tpu.memory_space<vmem>>, vector<256x32xf32>
      %dot_general3A = arith.constant dense<0.000000e+00> : vector<1x32xf32>
      %dot_general3A_62 = tpu.matmul %div3A_58, %get3A_61, %dot_general3A {dimension_numbers = #tpu.dot_dimension_numbers<[1], [0], [0], [1], [0, 0, 1, 1], [], []>, transpose_lhs_hint = false} : vector<1x256xf32>, vector<256x32xf32>, vector<1x32xf32> -> vector<1x32xf32>
      %get3A_63 = arith.constant 0 : index
      %get3A_64 = arith.constant 0 : index
      %get3A_65 = vector.load %arg6[%get3A_63, %get3A_64] : memref<1x32xf32, #tpu.memory_space<vmem>>, vector<1x32xf32>
      %add3A_66 = arith.addf %dot_general3A_62, %get3A_65 : vector<1x32xf32>
      %max3A_67 = arith.constant 0.000000e+00 : f32
      %max3A_68 = vector.broadcast %max3A_67 : f32 to vector<1x32xf32>
      %max3A_69 = arith.maximumf %add3A_66, %max3A_68 : vector<1x32xf32>
      %get3A_70 = arith.constant 0 : index
      %get3A_71 = arith.constant 0 : index
      %get3A_72 = vector.load %arg7[%get3A_70, %get3A_71] : memref<1x32xf32, #tpu.memory_space<vmem>>, vector<1x32xf32>
      %mul3A_73 = arith.mulf %max3A_69, %get3A_72 : vector<1x32xf32>
      %reduce_sum3A_74 = arith.constant dense<0.000000e+00> : vector<1xf32>
      %reduce_sum3A_75 = vector.multi_reduction <add>, %mul3A_73, %reduce_sum3A_74 [1] : vector<1x32xf32> to vector<1xf32>
      %broadcast_in_dim3A_76 = vector.shape_cast %reduce_sum3A_75 : vector<1xf32> to vector<1x1xf32>
      %get3A_77 = arith.constant 0 : index
      %get3A_78 = arith.constant 0 : index
      %get3A_79 = vector.load %arg8[%get3A_77, %get3A_78] : memref<1x1xf32, #tpu.memory_space<vmem>>, vector<1x1xf32>
      %add3A_80 = arith.addf %broadcast_in_dim3A_76, %get3A_79 : vector<1x1xf32>
      %swap3A_81 = arith.constant 0 : index
      %swap3A_82 = arith.constant 0 : index
      %swap3A_83 = vector.load %arg9[%swap3A_81, %swap3A_82] : memref<1x1xf32, #tpu.memory_space<vmem>>, vector<1x1xf32>
      tpu.vector_store %arg9[%swap3A_81, %swap3A_82], %add3A_80 {strides = array<i32>} : memref<1x1xf32, #tpu.memory_space<vmem>>, vector<1x1xf32>,
    } else {
    }
    return
  }
  func.func @transform_0(%arg0: i32) -> (i32, i32) {
    %c0_i32 = arith.constant 0 : i32
    %c0_i32_0 = arith.constant 0 : i32
    return %arg0, %c0_i32 : i32, i32
  }
  func.func @transform_1(%arg0: i32) -> (i32, i32) {
    %c0_i32 = arith.constant 0 : i32
    %c0_i32_0 = arith.constant 0 : i32
    %c0_i32_1 = arith.constant 0 : i32
    return %c0_i32, %c0_i32_0 : i32, i32
  }
  func.func @transform_2(%arg0: i32) -> (i32, i32) {
    %c0_i32 = arith.constant 0 : i32
    %c0_i32_0 = arith.constant 0 : i32
    %c0_i32_1 = arith.constant 0 : i32
    return %c0_i32, %c0_i32_0 : i32, i32
  }
  func.func @transform_3(%arg0: i32) -> (i32, i32) {
    %c0_i32 = arith.constant 0 : i32
    %c0_i32_0 = arith.constant 0 : i32
    %c0_i32_1 = arith.constant 0 : i32
    return %c0_i32, %c0_i32_0 : i32, i32
  }
  func.func @transform_4(%arg0: i32) -> (i32, i32) {
    %c0_i32 = arith.constant 0 : i32
    %c0_i32_0 = arith.constant 0 : i32
    %c0_i32_1 = arith.constant 0 : i32
    return %c0_i32, %c0_i32_0 : i32, i32
  }
  func.func @transform_5(%arg0: i32) -> (i32, i32) {
    %c0_i32 = arith.constant 0 : i32
    %c0_i32_0 = arith.constant 0 : i32
    %c0_i32_1 = arith.constant 0 : i32
    return %c0_i32, %c0_i32_0 : i32, i32
  }
  func.func @transform_6(%arg0: i32) -> (i32, i32) {
    %c0_i32 = arith.constant 0 : i32
    %c0_i32_0 = arith.constant 0 : i32
    %c0_i32_1 = arith.constant 0 : i32
    return %c0_i32, %c0_i32_0 : i32, i32
  }
  func.func @transform_7(%arg0: i32) -> (i32, i32) {
    %c0_i32 = arith.constant 0 : i32
    %c0_i32_0 = arith.constant 0 : i32
    %c0_i32_1 = arith.constant 0 : i32
    return %c0_i32, %c0_i32_0 : i32, i32
  }
  func.func @transform_8(%arg0: i32) -> (i32, i32) {
    %c0_i32 = arith.constant 0 : i32
    %c0_i32_0 = arith.constant 0 : i32
    %c0_i32_1 = arith.constant 0 : i32
    return %c0_i32, %c0_i32_0 : i32, i32
  }
}

</mosaic_0001>

<sc_bundles>
// kernel: kernel.10.cloned.1.call-start
scs
__scs_entry_jumppad:
0x0: {  	(pc) =	sbr.rel $0x88, $3  }
0x1: {  	(tag) =	ssettag $0x0;
	lr =	simm.s32 $0x1  }
0x2: {  	[smem:$0x3F8F] =	sst lr;
	_ =	strace $0xD0000000  }
0x3: {  	_ = 	snop  }
0x4: {  	_ = 	snop  }
0x5: {  	_ = 	snop  }
0x6: {  	_ = 	snop  }
0x7: {  	_ = 	snop  }
__scs_overlays_trampoline_lowered:
0x8: {  	[smem:$0x3F9E] =	sst s0  }
0x9: {  	[smem:$0x3F9F] =	sst s1  }
0xa: {  	[smem:$0x3FA0] =	sst s2  }
0xb: {  	[smem:$0x3FA1] =	sst s3  }
0xc: {  	[smem:$0x3FA2] =	sst s4  }
0xd: {  	[smem:$0x3FA3] =	sst s5  }
0xe: {  	[smem:$0x3FA4] =	sst s6  }
0xf: {  	[smem:$0x3FA5] =	sst s7  }
0x10: {  	[smem:$0x3FA6] =	sst s8  }
0x11: {  	[smem:$0x3FA7] =	sst s9;
	s0 =	simm.s32 @!p0 $0x0  }
0x12: {  	s1 =	sld [smem:$0x3F8D];
	s0 =	simm.s32 @p0 $0x1  }
0x13: {  	[smem:$0x3FA8] =	sst s0;
	s0 =	simm.s32 @!p1 $0x0  }
0x14: {  	s2 =	sld [smem:$0x3F8C];
	s0 =	simm.s32 @p1 $0x1  }
0x15: {  	[smem:$0x3FA9] =	sst s0;
	s0 =	simm.s32 @!p2 $0x0  }
0x16: {  	s3 =	sld [smem:$0x3FDB];
	s0 =	simm.s32 @p2 $0x1  }
0x17: {  	s4 =	simm.s32 $0x1BF5;
	[smem:$0x3FAB] =	sst s0  }
0x18: {  	s0 =	sld [smem:$0x3F8E];
	_ =	swait.ge [sflag:s4], $0x0  }
0x19: {  	s7 =	sld [smem:$0x3F8F]  }
0x1a: {  	s8 =	sadd.s32 $0xFFFFE003, lr  }
0x1b: {  	s9 =	sadd.s32 $0xFFFFFEF7, lr;
	s5 =	simm.s32 $0xFFFFFFFF;
	p2 =	slt.u32 s8, $0xFFFFF086  }
0x1c: {  	p1 =	slt.u32 s9, $0xF7A;
	s5 =	simm.s32 @!p2 $0x0  }
0x1d: {  	s5 =	simm.s32 @p1 $0x1;
	p0 =	seq.s32 s7, s2  }
0x1e: {  	s7 =	smul.u32 @!p0 $0xF7A, s2;
	p2 =	seq.s32 @!p0 s5, $0x0  }
0x1f: {  	s9 =	smul.u32 $0xF7A, s1;
	s8 =	simm.s32 @!p0 $0x1BF5;
	p2 =	por !p2, p0  }
0x20: {  	[sflag:s8] =	ssyncset.s32 @!p0 $0xFFFFF086;
	s6 =	sadd.s32 @!p0 s3, s7;
	s7 =	simm.s32 @!p0 $0x108  }
0x21: {  	s3 =	sadd.s32 s3, s9;
	s6 =	sadd.s32 @!p0 $0x88, s6;
	s7 =	simm.s32 @p2 $0x1082  }
0x22: {  	[simem:s7], [sflag:s8] =	dma.local @!p0 [hbm:s6], $0xF7A  }
0x23: {  	s9 =	sor.u32 $0xD0000000, s2;
	s6 =	simm.s32 $0x108;
	_ =	swait.ge @!p0 [sflag:s8], $0x0  }
0x24: {  	s3 =	sadd.s32 $0x88, s3;
	s6 =	simm.s32 @!p1 $0x1082;
	[sflag:s4] =	ssyncset.s32 $0xFFFFF086  }
0x25: {  	[simem:s6], [sflag:s4] =	dma.local [hbm:s3], $0xF7A  }
0x26: {  	[smem:$0x3F8F] =	sst s1;
	(tag) =	ssettag s2;
	_ =	strace s9  }
0x27: {  	s1 =	sld [smem:$0x3F9F]  }
0x28: {  	s2 =	sld [smem:$0x3FA0]  }
0x29: {  	s4 =	sld [smem:$0x3FA2]  }
0x2a: {  	p0 =	seq.s32 s5, $0x0;
	s5 =	sld [smem:$0x3FA3]  }
0x2b: {  	s6 =	sld [smem:$0x3FA4]  }
0x2c: {  	s7 =	sld [smem:$0x3FA5]  }
0x2d: {  	s3 =	simm.s32 $0x108;
	s8 =	sld [smem:$0x3FA6]  }
0x2e: {  	s3 =	simm.s32 @!p0 $0x1082;
	s9 =	sld [smem:$0x3FA7]  }
0x2f: {  	lr =	sadd.s32 s0, s3;
	s0 =	sld [smem:$0x3F9E]  }
0x30: {  	s3 =	sld [smem:$0x3FA1]  }
0x31: {  	[smem:$0x3FAA] =	sst s10  }
0x32: {  	s10 =	sld [smem:$0x3FA8];
	_ =	sdelay $0x3  }
0x33: {  	p0 =	seq.s32 s10, $0x1;
	s10 =	sld [smem:$0x3FAA];
	_ =	sdelay $0x3  }
0x34: {  	[smem:$0x3FAA] =	sst s10  }
0x35: {  	s10 =	sld [smem:$0x3FA9];
	_ =	sdelay $0x3  }
0x36: {  	p1 =	seq.s32 s10, $0x1;
	s10 =	sld [smem:$0x3FAA];
	_ =	sdelay $0x3  }
0x37: {  	[smem:$0x3FAA] =	sst s10  }
0x38: {  	s10 =	sld [smem:$0x3FAB]  }
0x39: {  	_ = 	snop;
	(pc) =	sbr.ind lr, $3  }
0x3a: {  	_ = 	snop  }
0x3b: {  	_ = 	snop  }
0x3c: {  	p2 =	seq.s32 s10, $0x1;
	s10 =	sld [smem:$0x3FAA]  }
0x3d: {  	_ =	shalt  }
0x3e: {  	_ =	shalt  }
0x3f: {  	_ =	shalt  }
0x40: {  	_ =	shalt  }
0x41: {  	_ =	shalt  }
0x42: {  	_ =	shalt  }
0x43: {  	_ =	shalt  }
0x44: {  	_ =	shalt  }
0x45: {  	_ =	shalt  }
0x46: {  	_ =	shalt  }
0x47: {  	_ =	shalt  }
0x48: {  	_ =	shalt  }
0x49: {  	_ =	shalt  }
0x4a: {  	_ =	shalt  }
0x4b: {  	_ =	shalt  }
0x4c: {  	_ =	shalt  }
0x4d: {  	_ =	shalt  }
0x4e: {  	_ =	shalt  }
0x4f: {  	_ =	shalt  }
0x50: {  	_ =	shalt  }
0x51: {  	_ =	shalt  }
0x52: {  	_ =	shalt  }
0x53: {  	_ =	shalt  }
0x54: {  	_ =	shalt  }
0x55: {  	_ =	shalt  }
0x56: {  	_ =	shalt  }
0x57: {  	_ =	shalt  }
0x58: {  	_ =	shalt  }
0x59: {  	_ =	shalt  }
0x5a: {  	_ =	shalt  }
0x5b: {  	_ =	shalt  }
0x5c: {  	_ =	shalt  }
0x5d: {  	_ =	shalt  }
0x5e: {  	_ =	shalt  }
0x5f: {  	_ =	shalt  }
0x60: {  	_ =	shalt  }
0x61: {  	_ =	shalt  }
0x62: {  	_ =	shalt  }
0x63: {  	_ =	shalt  }
0x64: {  	_ =	shalt  }
0x65: {  	_ =	shalt  }
0x66: {  	_ =	shalt  }
0x67: {  	_ =	shalt  }
0x68: {  	_ =	shalt  }
0x69: {  	_ =	shalt  }
0x6a: {  	_ =	shalt  }
0x6b: {  	_ =	shalt  }
0x6c: {  	_ =	shalt  }
0x6d: {  	_ =	shalt  }
0x6e: {  	_ =	shalt  }
0x6f: {  	_ =	shalt  }
0x70: {  	_ =	shalt  }
0x71: {  	_ =	shalt  }
0x72: {  	_ =	shalt  }
0x73: {  	_ =	shalt  }
0x74: {  	_ =	shalt  }
0x75: {  	_ =	shalt  }
0x76: {  	_ =	shalt  }
0x77: {  	_ =	shalt  }
0x78: {  	_ =	shalt  }
0x79: {  	_ =	shalt  }
0x7a: {  	_ =	shalt  }
0x7b: {  	_ =	shalt  }
0x7c: {  	_ =	shalt  }
0x7d: {  	_ =	shalt  }
0x7e: {  	_ =	shalt  }
0x7f: {  	_ =	shalt  }
0x80: {  	_ =	shalt  }
0x81: {  	_ =	shalt  }
0x82: {  	_ =	shalt  }
0x83: {  	_ =	shalt  }
0x84: {  	_ =	shalt  }
0x85: {  	_ =	shalt  }
0x86: {  	_ =	shalt  }
0x87: {  	_ =	shalt  }
.Lfunc_end0:
.L_simem_size_0:
called_computation_lowered:
.L_overlay_start_0:
0x88: {  	s2 =	sld [smem:$0x3FD9]  }
0x89: {  	s3 =	sld [smem:$0x3FFE];
	_ =	sdelay $0x1  }
0x8a: {  	s1 =	srdreg.scid  }
0x8b: {  	s0 =	sand.u32 $0x1, s1  }
0x8c: {  	s17 =	sshll.u32 s0, $0xA;
	s2 =	sadd.s32 s3, s2  }
0x8d: {  	s2 =	sadd.s32 s2, s17  }
0x8e: {  	[smem:$0x3FB6] =	sst s2  }
0x8f: {  	_ = 	snop  }
0x90: {  	(tm) =	ssettm $0x1  }
0x91: {  	s18 =	sld [smem:$0x3FFB];
	_ =	sdelay $0x3  }
0x92: {  	_ =	strace s18  }
0x93: {  	s2 =	sld [smem:$0x3FFC];
	_ =	sdelay $0x3  }
0x94: {  	_ =	strace s2  }
0x95: {  	s2 =	sld [smem:$0x3FFD];
	_ =	sdelay $0x3  }
0x96: {  	_ =	strace s2  }
0x97: {  	_ =	strace $0x8FFFFFFF  }
0x98: {  	s19 =	sld [smem:$0x3FDB];
	_ =	sdelay $0x1  }
0x99: {  	s20 =	simm.s32 $_scs_section_size  }
0x9a: {  	s4 =	simm.s32 $_size__tile_overlayer_lowered;
	s5 =	simm.s32 $_tile_overlayer_lowered  }
0x9b: {  	s6 =	simm.s32 $0x1BFF;
	s21 =	sshll.u32 s5, $0x1;
	s3 =	sadd.s32 s20, s19  }
0x9c: {  	s22 =	simm.s32 $0x0;
	s4 =	sshll.u32 s4, $0x1;
	s5 =	sadd.s32 s21, s3  }
0x9d: {  	[timem:s22], [sflag:s6] =	dma.local [hbm:s5], s4  }
0x9e: {  	_ =	swait.ge [sflag:s6], s4  }
0x9f: {  	s4 =	ssub.s32 $0x0, s4;
	[sflag:s6] =	ssyncset.done $0x0  }
0xa0: {  	[sflag:s6] =	ssyncadd.s32 s4;
	_ =	sdelay $0x1  }
0xa1: {  	s23 =	simm.s32 $0x1B8B  }
0xa2: {  	_ =	swait.ge [sflag:s23], $0x1  }
0xa3: {  	[sflag:s23] =	ssyncset.done $0x0  }
0xa4: {  	[sflag:s23] =	ssyncadd.s32 $0xFFFFFFFF  }
0xa5: {  	s4 =	sld [smem:$0x0]  }
0xa6: {  	s5 =	sand.u32 $0xFFFFFFFE, s1  }
0xa7: {  	p0 =	sne.s32 s1, s5  }
0xa8: {  	s5 =	sshll.u32 @p0 s5, $0xE  }
0xa9: {  	s5 =	sadd.s32 @p0 $0x11B8D, s5;
	s6 =	sshll.u32 @p0 s4, $0x11  }
0xaa: {  	s5 =	sor.u32 @p0 s6, s5  }
0xab: {  	[sflag:s5] =	ssyncadd.remote.s32 @p0 $0x1;
	_ =	sdelay $0x1  }
0xac: {  	s5 =	simm.s32 @p0 $0x1B8D  }
0xad: {  	_ =	swait.eq @p0 [sflag:s5], $0x1  }
0xae: {  	[sflag:s5] =	ssyncadd.s32 @p0 $0xFFFFFFFF  }
0xaf: {  	s6 =	sshll.u32 @!p0 s1, $0xE  }
0xb0: {  	s6 =	sor.u32 @!p0 $0x4000, s6;
	s5 =	simm.s32 @!p0 $0x1B8D  }
0xb1: {  	s4 =	sshll.u32 @!p0 s4, $0x11;
	s6 =	sadd.s32 @!p0 $0x11B8D, s6;
	_ =	swait.eq @!p0 [sflag:s5], $0x1  }
0xb2: {  	s4 =	sor.u32 @!p0 s4, s6;
	[sflag:s5] =	ssyncadd.s32 @!p0 $0xFFFFFFFF  }
0xb3: {  	s25 =	simm.s32 $0x1B8E;
	s24 =	sld [smem:$0x3FFE];
	[sflag:s4] =	ssyncadd.remote.s32 @!p0 $0x1  }
0xb4: {  	s26 =	simm.s32 $execute0_lowered;
	[smem:$0x3FD2] =	sst s25  }
0xb5: {  	s5 =	sshll.u32 s26, $0x1;
	_ =	strace $0x80000049;
	[dreg:$0x1] =	wrdreg $0xFFFFFFFF  }
0xb6: {  	s28 =	simm.s32 $_size_execute0_lowered;
	s3 =	sadd.s32 s3, s5;
	[dreg:$0x0] =	wrdreg $0x0  }
0xb7: {  	s5 =	sshll.u32 s28, $0x1;
	[dreg:$0x2] =	wrdreg s3  }
0xb8: {  	[dreg:$0x3] =	wrdreg s5  }
0xb9: {  	[dreg:$0x4] =	wrdreg $0xC0  }
0xba: {  	_ =	task [dreg:s22], $0x5FFFF  }
0xbb: {  	[dreg:$0x1] =	wrdreg $0xFFFFFFFF  }
0xbc: {  	[dreg:$0x0] =	wrdreg $0x60  }
0xbd: {  	[dreg:$0x2] =	wrdreg s24  }
0xbe: {  	[dreg:$0x3] =	wrdreg $0x68000  }
0xbf: {  	[dreg:$0x4] =	wrdreg $0x9  }
0xc0: {  	_ =	task.clear_ibuf [dreg:s22], $0x5FFFF;
	_ =	strace $0x90000049  }
0xc1: {  	s29 =	simm.s32 $0x9;
	_ =	strace $0x8000004B  }
0xc2: {  	_ =	swait.ge [sflag:s29], $0x1  }
0xc3: {  	[sflag:s29] =	ssyncadd.s32 $0xFFFFFFFF  }
0xc4: {  	_ =	strace $0x9000004B  }
0xc5: {  	_ =	sfence  }
0xc6: {  	s30 =	sld [smem:$0x0];
	_ =	sdelay $0x2  }
0xc7: {  	s31 =	sshll.u32 s1, $0xD;
	s1 =	sshrl.u32 s1, $0x2  }
0xc8: {  	s4 =	sand.u32 $0x4000, s31;
	s1 =	sadd.s32 s1, s30  }
0xc9: {  	s0 =	sor.u32 s4, s0;
	s1 =	sshll.u32 s1, $0x11  }
0xca: {  	s0 =	sor.u32 s1, s0  }
0xcb: {  	s0 =	sadd.s32 $0x8F2B, s0  }
0xcc: {  	[sflag:s0] =	ssyncadd.remote.s32 $0x1  }
0xcd: {  	_ =	sfence.sel $0xFFFF  }
0xce: {  	[dreg:$0x0] =	wrdreg $0xFFFFFFFF;
	(pc) =	sbr.abs _section_cstart, $3  }
0xcf: {  	[dreg:$0x1] =	wrdreg $0xFFFFFFFF  }
0xd0: {  	_ =	task.clear_ibuf [dreg:s22], $0x2FFFF;
	_ =	strace $0x9FFFFFFF  }
0xd1: {  	(tm) =	ssettm $0x7FFFFFFF  }
tec
execute0_lowered:
.L_overlay_start_1:
0x0: {  	(tag) =	ssettag $0x1  }
0x1: {  	s0 =	srdreg.scid;
	s7 =	rddreg [dreg:$0x0]  }
0x2: {  	s2 =	rddreg [dreg:$0x1];
	s6 =	sand.u32 $0x1, s0;
	s0 =	stileid.u32  }
0x3: {  	s3 =	simm.s32 $0x0;
	s13 =	simm.s32 $0x80;
	s8 =	smul.u32 $0x2800, s0  }
0x4: {  	s14 =	simm.s32 $0x0;
	[smem:$0x7FF] =	sst s3;
	s9 =	smul.u32 $0x28000, s6  }
0x5: {  	s5 =	sadd.s32 $0xC4400, s7;
	s1 =	sshll.u32 s6, $0x4;
	s11 =	smul.u32 $0x50000, s0  }
0x6: {  	s6 =	ssub.s32 $0x2, s6;
	s31 =	sshll.u32 s0, $0x6;
	s4 =	sor.u32 s0, s1  }
0x7: {  	s1 =	rddreg [dreg:$0x2];
	_ =	strace $0x8000004A;
	s28 =	sshrl.u32 s6, $0x1  }
0x8: {  	s4 =	smul.u32 $0x500, s4;
	s8 =	sadd.s32 s8, s9;
	s29 =	sshrl.u32 s11, $0x2  }
0x9: {  	s30 =	ssub.s32 s6, s28;
	s6 =	sor.u32 $0x1C01, s31;
	s11 =	simm.s32 $0x1  }
0xa: {  	s8 =	sadd.s32 s8, s7;
	s12 =	sadd.s32 s29, s2;
	s9 =	smax.u32 s30, $0x1  }
0xb: {  	s10 =	sadd.s32 s4, s7;
	s4 =	sadd.s32 $0x71C00, s7;
	s8 =	sadd.s32 $0xC4C00, s8  }
0xc: {  	s7 =	sadd.s32 $0x3C00, s10;
	s10 =	sshrl.u32 s12, $0x3;
	s12 =	simm.s32 $0x2800  }
.LBB2_1:
0xd: {  	[spmem:s10], [sflag:s6] =	dma.local [hbm:s4], $0x2800  }
0xe: {  	_ =	swait.ge [sflag:s11], $0x2800  }
0xf: {  	[sflag:s11] =	ssyncset.done $0x0  }
0x10: {  	[sflag:s11] =	ssyncadd.s32 $0xFFFFD800  }
0x11: {  	[tilespmem:s12], [sflag:$0x1] =	stream.linear.gather [hbm4b:s5+s3], $0x4000, $0x38;
	[tilespmem:$0x1A800] =	vst v63  }
0x12: {  	_ =	swait.ge [sflag:s11], $0x4000  }
0x13: {  	[sflag:s11] =	ssyncset.done $0x0  }
0x14: {  	[sflag:s11] =	ssyncadd.s32 $0xFFFFC000  }
0x15: {  	[tilespmem:s3], [sflag:$0x1] =	stream.linear.gather [hbm4b:s7+s3], $0x2800, $0x38;
	[tilespmem:$0x1A800] =	vst v63  }
0x16: {  	_ =	swait.ge [sflag:s11], $0x2800  }
0x17: {  	[sflag:s11] =	ssyncset.done $0x0  }
0x18: {  	[sflag:s11] =	ssyncadd.s32 $0xFFFFD800  }
0x19: {  	s15 =	simm.s32 $0x0;
	[bflag:$0x0] =	sbarrier.arrive $0xFFFF  }
0x1a: {  	[spmem:s2] =	stream.indirect.scatter.add.f32 [tilespmem:s12], [sflag:$0x1], $0x80, s15, s13, $0xb8;
	[tilespmem:$0x1A800] =	vst v63  }
0x1b: {  	_ =	swait.ge [sflag:s11], $0x4000  }
0x1c: {  	s15 =	simm.s32 $0x200;
	[sflag:s11] =	ssyncset.done $0x0  }
.LBB2_2:
0x1d: {  	s16 =	sshra.s32 s15, $0x2;
	[sflag:s11] =	ssyncadd.s32 $0xFFFFC000;
	p0 =	sne.s32 s15, $0x9E00  }
0x1e: {  	[spmem:s2] =	stream.indirect.scatter.add.f32 [tilespmem:s12], [sflag:$0x1], $0x80, s16, s13, $0xb8;
	[tilespmem:$0x1A800] =	vst v63  }
.Ltmp0:
0x1f: {  	_ = 	snop;
	(pc) =	sbr.rel @p0 .LBB2_2-.Ltmp0, $4  }
0x20: {  	_ = 	snop  }
0x21: {  	s15 =	sadd.s32 $0x200, s15  }
0x22: {  	_ =	swait.ge [sflag:s11], $0x4000  }
0x23: {  	[sflag:s11] =	ssyncset.done $0x0  }
0x24: {  	s14 =	sadd.s32 $0x1, s14  }
0x25: {  	[sflag:s11] =	ssyncadd.s32 $0xFFFFC000;
	p0 =	sne.s32 s14, s9  }
.Ltmp1:
0x26: {  	[bflag:$0x0] =	sbarrier.arrive $0xFFFF;
	(pc) =	sbr.rel @p0 .LBB2_1-.Ltmp1, $4  }
0x27: {  	[hbm:s8], [sflag:s6] =	dma.local [spmem:s10], $0x2800  }
0x28: {  	_ =	swait.ge [sflag:s11], $0x2800  }
0x29: {  	[sflag:s11] =	ssyncset.done $0x0  }
0x2a: {  	[sflag:s11] =	ssyncadd.s32 $0xFFFFD800  }
0x2b: {  	_ =	sfence.sel $0x180000  }
0x2c: {  	[bflag:$0x0] =	sbarrier.arrive $0xFFFF  }
0x2d: {  	p0 =	sne.s32 s0, $0x0;
	_ =	strace $0x9000004A  }
0x2e: {  	s0 =	sadd.s32 @!p0 $0x100000, s1;
	[bflag:$0x2] =	sbarrier.arrive $0xFFFF  }
0x2f: {  	[sflag:s0] =	ssyncadd.tile.s32 @!p0 $0x1;
	_ =	shalt  }
.Lfunc_end2:
_tile_overlayer_lowered:
.L_overlay_start_2:
0x30: {  	(tag) =	ssettag $0x2  }
0x31: {  	s0 =	rddreg [dreg:$0x0];
	s2 =	stileid.u32  }
0x32: {  	s1 =	rddreg [dreg:$0x1];
	p0 =	sne.s32 s2, $0x0  }
0x33: {  	s3 =	rddreg [dreg:$0x2];
	[bflag:$0x3] =	sbarrier.arrive $0xFFFF;
	s2 =	simm.s32 @!p0 $0x1C01  }
0x34: {  	[timem:s3], [sflag:s2] =	dma.local @!p0 [hbm:s0], s1  }
0x35: {  	s0 =	simm.s32 @!p0 $0x1  }
0x36: {  	_ =	swait.ge @!p0 [sflag:s0], s1  }
0x37: {  	s1 =	ssub.s32 @!p0 $0x0, s1;
	[sflag:s0] =	ssyncset.done @!p0 $0x0  }
0x38: {  	[sflag:s0] =	ssyncadd.s32 @!p0 s1  }
0x39: {  	[bflag:$0x3] =	sbarrier.arrive $0xFFFF  }
0x3a: {  	_ =	shalt  }

// kernel: kernel.13.cloned.1.call-start
scs
__scs_entry_jumppad:
0x0: {  	(pc) =	sbr.rel $0x88, $3  }
0x1: {  	(tag) =	ssettag $0x0;
	lr =	simm.s32 $0x1  }
0x2: {  	[smem:$0x3F8F] =	sst lr;
	_ =	strace $0xD0000000  }
0x3: {  	_ = 	snop  }
0x4: {  	_ = 	snop  }
0x5: {  	_ = 	snop  }
0x6: {  	_ = 	snop  }
0x7: {  	_ = 	snop  }
__scs_overlays_trampoline_lowered:
0x8: {  	[smem:$0x3F9E] =	sst s0  }
0x9: {  	[smem:$0x3F9F] =	sst s1  }
0xa: {  	[smem:$0x3FA0] =	sst s2  }
0xb: {  	[smem:$0x3FA1] =	sst s3  }
0xc: {  	[smem:$0x3FA2] =	sst s4  }
0xd: {  	[smem:$0x3FA3] =	sst s5  }
0xe: {  	[smem:$0x3FA4] =	sst s6  }
0xf: {  	[smem:$0x3FA5] =	sst s7  }
0x10: {  	[smem:$0x3FA6] =	sst s8  }
0x11: {  	[smem:$0x3FA7] =	sst s9;
	s0 =	simm.s32 @!p0 $0x0  }
0x12: {  	s1 =	sld [smem:$0x3F8D];
	s0 =	simm.s32 @p0 $0x1  }
0x13: {  	[smem:$0x3FA8] =	sst s0;
	s0 =	simm.s32 @!p1 $0x0  }
0x14: {  	s2 =	sld [smem:$0x3F8C];
	s0 =	simm.s32 @p1 $0x1  }
0x15: {  	[smem:$0x3FA9] =	sst s0;
	s0 =	simm.s32 @!p2 $0x0  }
0x16: {  	s3 =	sld [smem:$0x3FDB];
	s0 =	simm.s32 @p2 $0x1  }
0x17: {  	s4 =	simm.s32 $0x1BF5;
	[smem:$0x3FAB] =	sst s0  }
0x18: {  	s0 =	sld [smem:$0x3F8E];
	_ =	swait.ge [sflag:s4], $0x0  }
0x19: {  	s7 =	sld [smem:$0x3F8F]  }
0x1a: {  	s8 =	sadd.s32 $0xFFFFE003, lr  }
0x1b: {  	s9 =	sadd.s32 $0xFFFFFEF7, lr;
	s5 =	simm.s32 $0xFFFFFFFF;
	p2 =	slt.u32 s8, $0xFFFFF086  }
0x1c: {  	p1 =	slt.u32 s9, $0xF7A;
	s5 =	simm.s32 @!p2 $0x0  }
0x1d: {  	s5 =	simm.s32 @p1 $0x1;
	p0 =	seq.s32 s7, s2  }
0x1e: {  	s7 =	smul.u32 @!p0 $0xF7A, s2;
	p2 =	seq.s32 @!p0 s5, $0x0  }
0x1f: {  	s9 =	smul.u32 $0xF7A, s1;
	s8 =	simm.s32 @!p0 $0x1BF5;
	p2 =	por !p2, p0  }
0x20: {  	[sflag:s8] =	ssyncset.s32 @!p0 $0xFFFFF086;
	s6 =	sadd.s32 @!p0 s3, s7;
	s7 =	simm.s32 @!p0 $0x108  }
0x21: {  	s3 =	sadd.s32 s3, s9;
	s6 =	sadd.s32 @!p0 $0x88, s6;
	s7 =	simm.s32 @p2 $0x1082  }
0x22: {  	[simem:s7], [sflag:s8] =	dma.local @!p0 [hbm:s6], $0xF7A  }
0x23: {  	s9 =	sor.u32 $0xD0000000, s2;
	s6 =	simm.s32 $0x108;
	_ =	swait.ge @!p0 [sflag:s8], $0x0  }
0x24: {  	s3 =	sadd.s32 $0x88, s3;
	s6 =	simm.s32 @!p1 $0x1082;
	[sflag:s4] =	ssyncset.s32 $0xFFFFF086  }
0x25: {  	[simem:s6], [sflag:s4] =	dma.local [hbm:s3], $0xF7A  }
0x26: {  	[smem:$0x3F8F] =	sst s1;
	(tag) =	ssettag s2;
	_ =	strace s9  }
0x27: {  	s1 =	sld [smem:$0x3F9F]  }
0x28: {  	s2 =	sld [smem:$0x3FA0]  }
0x29: {  	s4 =	sld [smem:$0x3FA2]  }
0x2a: {  	p0 =	seq.s32 s5, $0x0;
	s5 =	sld [smem:$0x3FA3]  }
0x2b: {  	s6 =	sld [smem:$0x3FA4]  }
0x2c: {  	s7 =	sld [smem:$0x3FA5]  }
0x2d: {  	s3 =	simm.s32 $0x108;
	s8 =	sld [smem:$0x3FA6]  }
0x2e: {  	s3 =	simm.s32 @!p0 $0x1082;
	s9 =	sld [smem:$0x3FA7]  }
0x2f: {  	lr =	sadd.s32 s0, s3;
	s0 =	sld [smem:$0x3F9E]  }
0x30: {  	s3 =	sld [smem:$0x3FA1]  }
0x31: {  	[smem:$0x3FAA] =	sst s10  }
0x32: {  	s10 =	sld [smem:$0x3FA8];
	_ =	sdelay $0x3  }
0x33: {  	p0 =	seq.s32 s10, $0x1;
	s10 =	sld [smem:$0x3FAA];
	_ =	sdelay $0x3  }
0x34: {  	[smem:$0x3FAA] =	sst s10  }
0x35: {  	s10 =	sld [smem:$0x3FA9];
	_ =	sdelay $0x3  }
0x36: {  	p1 =	seq.s32 s10, $0x1;
	s10 =	sld [smem:$0x3FAA];
	_ =	sdelay $0x3  }
0x37: {  	[smem:$0x3FAA] =	sst s10  }
0x38: {  	s10 =	sld [smem:$0x3FAB]  }
0x39: {  	_ = 	snop;
	(pc) =	sbr.ind lr, $3  }
0x3a: {  	_ = 	snop  }
0x3b: {  	_ = 	snop  }
0x3c: {  	p2 =	seq.s32 s10, $0x1;
	s10 =	sld [smem:$0x3FAA]  }
0x3d: {  	_ =	shalt  }
0x3e: {  	_ =	shalt  }
0x3f: {  	_ =	shalt  }
0x40: {  	_ =	shalt  }
0x41: {  	_ =	shalt  }
0x42: {  	_ =	shalt  }
0x43: {  	_ =	shalt  }
0x44: {  	_ =	shalt  }
0x45: {  	_ =	shalt  }
0x46: {  	_ =	shalt  }
0x47: {  	_ =	shalt  }
0x48: {  	_ =	shalt  }
0x49: {  	_ =	shalt  }
0x4a: {  	_ =	shalt  }
0x4b: {  	_ =	shalt  }
0x4c: {  	_ =	shalt  }
0x4d: {  	_ =	shalt  }
0x4e: {  	_ =	shalt  }
0x4f: {  	_ =	shalt  }
0x50: {  	_ =	shalt  }
0x51: {  	_ =	shalt  }
0x52: {  	_ =	shalt  }
0x53: {  	_ =	shalt  }
0x54: {  	_ =	shalt  }
0x55: {  	_ =	shalt  }
0x56: {  	_ =	shalt  }
0x57: {  	_ =	shalt  }
0x58: {  	_ =	shalt  }
0x59: {  	_ =	shalt  }
0x5a: {  	_ =	shalt  }
0x5b: {  	_ =	shalt  }
0x5c: {  	_ =	shalt  }
0x5d: {  	_ =	shalt  }
0x5e: {  	_ =	shalt  }
0x5f: {  	_ =	shalt  }
0x60: {  	_ =	shalt  }
0x61: {  	_ =	shalt  }
0x62: {  	_ =	shalt  }
0x63: {  	_ =	shalt  }
0x64: {  	_ =	shalt  }
0x65: {  	_ =	shalt  }
0x66: {  	_ =	shalt  }
0x67: {  	_ =	shalt  }
0x68: {  	_ =	shalt  }
0x69: {  	_ =	shalt  }
0x6a: {  	_ =	shalt  }
0x6b: {  	_ =	shalt  }
0x6c: {  	_ =	shalt  }
0x6d: {  	_ =	shalt  }
0x6e: {  	_ =	shalt  }
0x6f: {  	_ =	shalt  }
0x70: {  	_ =	shalt  }
0x71: {  	_ =	shalt  }
0x72: {  	_ =	shalt  }
0x73: {  	_ =	shalt  }
0x74: {  	_ =	shalt  }
0x75: {  	_ =	shalt  }
0x76: {  	_ =	shalt  }
0x77: {  	_ =	shalt  }
0x78: {  	_ =	shalt  }
0x79: {  	_ =	shalt  }
0x7a: {  	_ =	shalt  }
0x7b: {  	_ =	shalt  }
0x7c: {  	_ =	shalt  }
0x7d: {  	_ =	shalt  }
0x7e: {  	_ =	shalt  }
0x7f: {  	_ =	shalt  }
0x80: {  	_ =	shalt  }
0x81: {  	_ =	shalt  }
0x82: {  	_ =	shalt  }
0x83: {  	_ =	shalt  }
0x84: {  	_ =	shalt  }
0x85: {  	_ =	shalt  }
0x86: {  	_ =	shalt  }
0x87: {  	_ =	shalt  }
.Lfunc_end0:
.L_simem_size_0:
called_computation.1_lowered:
.L_overlay_start_0:
0x88: {  	s2 =	sld [smem:$0x3FD9]  }
0x89: {  	s3 =	sld [smem:$0x3FFE];
	_ =	sdelay $0x1  }
0x8a: {  	s1 =	srdreg.scid  }
0x8b: {  	s0 =	sand.u32 $0x1, s1  }
0x8c: {  	s16 =	sshll.u32 s0, $0xA;
	s2 =	sadd.s32 s3, s2  }
0x8d: {  	s2 =	sadd.s32 s2, s16  }
0x8e: {  	[smem:$0x3FB6] =	sst s2  }
0x8f: {  	_ = 	snop  }
0x90: {  	(tm) =	ssettm $0x1  }
0x91: {  	s17 =	sld [smem:$0x3FFB];
	_ =	sdelay $0x3  }
0x92: {  	_ =	strace s17  }
0x93: {  	s2 =	sld [smem:$0x3FFC];
	_ =	sdelay $0x3  }
0x94: {  	_ =	strace s2  }
0x95: {  	s2 =	sld [smem:$0x3FFD];
	_ =	sdelay $0x3  }
0x96: {  	_ =	strace s2  }
0x97: {  	_ =	strace $0x8FFFFFFF  }
0x98: {  	s18 =	sld [smem:$0x3FDB];
	_ =	sdelay $0x1  }
0x99: {  	s19 =	simm.s32 $_scs_section_size  }
0x9a: {  	s4 =	simm.s32 $_size__tile_overlayer_lowered;
	s5 =	simm.s32 $_tile_overlayer_lowered  }
0x9b: {  	s22 =	simm.s32 $0x1BFF;
	s21 =	sshll.u32 s5, $0x1;
	s2 =	sadd.s32 s19, s18  }
0x9c: {  	s6 =	simm.s32 $0x0;
	s20 =	sshll.u32 s4, $0x1;
	s4 =	sadd.s32 s21, s2  }
0x9d: {  	[timem:s6], [sflag:s22] =	dma.local [hbm:s4], s20  }
0x9e: {  	_ =	swait.ge [sflag:s22], s20  }
0x9f: {  	s3 =	ssub.s32 $0x0, s20;
	[sflag:s22] =	ssyncset.done $0x0  }
0xa0: {  	[sflag:s22] =	ssyncadd.s32 s3;
	_ =	sdelay $0x1  }
0xa1: {  	s23 =	simm.s32 $0x1B8B  }
0xa2: {  	_ =	swait.ge [sflag:s23], $0x1  }
0xa3: {  	[sflag:s23] =	ssyncset.done $0x0  }
0xa4: {  	s25 =	simm.s32 $0x1B8E;
	s24 =	sld [smem:$0x3FFE];
	[sflag:s23] =	ssyncadd.s32 $0xFFFFFFFF  }
0xa5: {  	s26 =	simm.s32 $execute0_lowered;
	[smem:$0x3FD2] =	sst s25  }
0xa6: {  	s4 =	sshll.u32 s26, $0x1;
	_ =	strace $0x80000046;
	[dreg:$0x1] =	wrdreg $0xFFFFFFFF  }
0xa7: {  	s28 =	simm.s32 $_size_execute0_lowered;
	s2 =	sadd.s32 s2, s4;
	[dreg:$0x0] =	wrdreg $0x0  }
0xa8: {  	s4 =	sshll.u32 s28, $0x1;
	[dreg:$0x2] =	wrdreg s2  }
0xa9: {  	[dreg:$0x3] =	wrdreg s4  }
0xaa: {  	[dreg:$0x4] =	wrdreg $0xC0  }
0xab: {  	_ =	task [dreg:s6], $0x5FFFF  }
0xac: {  	[dreg:$0x1] =	wrdreg $0xFFFFFFFF  }
0xad: {  	[dreg:$0x0] =	wrdreg $0x60  }
0xae: {  	[dreg:$0x2] =	wrdreg s24  }
0xaf: {  	[dreg:$0x3] =	wrdreg $0xA0000  }
0xb0: {  	[dreg:$0x4] =	wrdreg $0xA  }
0xb1: {  	_ =	task.clear_ibuf [dreg:s6], $0x5FFFF;
	_ =	strace $0x90000046  }
0xb2: {  	s29 =	simm.s32 $0xA;
	_ =	strace $0x80000048  }
0xb3: {  	_ =	swait.ge [sflag:s29], $0x1  }
0xb4: {  	[sflag:s29] =	ssyncadd.s32 $0xFFFFFFFF  }
0xb5: {  	_ =	strace $0x90000048  }
0xb6: {  	_ =	sfence  }
0xb7: {  	s30 =	sld [smem:$0x0];
	_ =	sdelay $0x2  }
0xb8: {  	s31 =	sshll.u32 s1, $0xD;
	s1 =	sshrl.u32 s1, $0x2  }
0xb9: {  	s3 =	sand.u32 $0x4000, s31;
	s1 =	sadd.s32 s1, s30  }
0xba: {  	s0 =	sor.u32 s3, s0;
	s1 =	sshll.u32 s1, $0x11  }
0xbb: {  	s0 =	sor.u32 s1, s0  }
0xbc: {  	s0 =	sadd.s32 $0x8F2B, s0  }
0xbd: {  	[sflag:s0] =	ssyncadd.remote.s32 $0x1  }
0xbe: {  	_ =	sfence.sel $0xFFFF  }
0xbf: {  	[dreg:$0x0] =	wrdreg $0xFFFFFFFF;
	(pc) =	sbr.abs _section_cstart, $3  }
0xc0: {  	[dreg:$0x1] =	wrdreg $0xFFFFFFFF  }
0xc1: {  	_ =	task.clear_ibuf [dreg:s6], $0x2FFFF;
	_ =	strace $0x9FFFFFFF  }
0xc2: {  	(tm) =	ssettm $0x7FFFFFFF  }
0xc3: {  	_ =	shalt  }
tec
execute0_lowered:
.L_overlay_start_1:
0x0: {  	(tag) =	ssettag $0x1  }
0x1: {  	s6 =	rddreg [dreg:$0x0]  }
0x2: {  	s1 =	rddreg [dreg:$0x1];
	s2 =	simm.s32 $0x0  }
0x3: {  	s0 =	simm.s32 $0x100;
	[smem:$0x7FF] =	sst s2  }
0x4: {  	s23 =	simm.s32 $0x880;
	_ =	strace $0x80000047;
	[dreg:$0x3] =	wrdreg s0  }
0x5: {  	s24 =	simm.s32 $0x180;
	[dreg:$0x4] =	wrdreg s23  }
0x6: {  	s25 =	simm.s32 $0x900;
	[dreg:$0x5] =	wrdreg s24  }
0x7: {  	s26 =	simm.s32 $0x200;
	[dreg:$0x6] =	wrdreg s25  }
0x8: {  	s30 =	simm.s32 $0x980;
	[dreg:$0x7] =	wrdreg s26  }
0x9: {  	s31 =	simm.s32 $0x280;
	[dreg:$0x8] =	wrdreg s30  }
0xa: {  	s3 =	simm.s32 $0xA00;
	[dreg:$0x9] =	wrdreg s31  }
0xb: {  	s4 =	simm.s32 $0x300;
	[dreg:$0xa] =	wrdreg s3  }
0xc: {  	s5 =	simm.s32 $0xA80;
	[dreg:$0xb] =	wrdreg s4  }
0xd: {  	s7 =	simm.s32 $0x380;
	[dreg:$0xc] =	wrdreg s5  }
0xe: {  	s8 =	simm.s32 $0xB00;
	[dreg:$0xd] =	wrdreg s7  }
0xf: {  	s9 =	simm.s32 $0x400;
	[dreg:$0xe] =	wrdreg s8  }
0x10: {  	s10 =	simm.s32 $0xB80;
	[dreg:$0xf] =	wrdreg s9  }
0x11: {  	s11 =	simm.s32 $0x480;
	[dreg:$0x10] =	wrdreg s10  }
0x12: {  	s12 =	simm.s32 $0xC00;
	[dreg:$0x11] =	wrdreg s11  }
0x13: {  	s13 =	simm.s32 $0x580;
	[dreg:$0x12] =	wrdreg s12  }
0x14: {  	s14 =	simm.s32 $0xD00;
	[dreg:$0x15] =	wrdreg s13  }
0x15: {  	s16 =	simm.s32 $0x600;
	[dreg:$0x16] =	wrdreg s14  }
0x16: {  	s17 =	simm.s32 $0xD80;
	[dreg:$0x17] =	wrdreg s16  }
0x17: {  	s19 =	simm.s32 $0x680;
	[dreg:$0x18] =	wrdreg s17  }
0x18: {  	s20 =	sadd.s32 $0x71C00, s6;
	[dreg:$0x19] =	wrdreg s19  }
0x19: {  	s21 =	simm.s32 $0x700;
	[smem:$0x7DF] =	sst s20  }
0x1a: {  	s22 =	simm.s32 $0xE80;
	[dreg:$0x1b] =	wrdreg s21  }
0x1b: {  	s3 =	simm.s32 $0x500;
	[dreg:$0x1c] =	wrdreg s22  }
0x1c: {  	s5 =	simm.s32 $0xC80;
	[dreg:$0x13] =	wrdreg s3  }
0x1d: {  	s9 =	simm.s32 $0xE00;
	[dreg:$0x14] =	wrdreg s5  }
0x1e: {  	s15 =	stileid.u32;
	s23 =	simm.s32 $0x780;
	[dreg:$0x1a] =	wrdreg s9  }
0x1f: {  	s28 =	simm.s32 $0x1F80;
	s25 =	simm.s32 $0xF00;
	[dreg:$0x1d] =	wrdreg s23  }
0x20: {  	s29 =	simm.s32 $0x0;
	s30 =	simm.s32 $0xF80;
	[dreg:$0x1e] =	wrdreg s25  }
0x21: {  	s18 =	smul.u32 $0x2800, s15;
	s16 =	simm.s32 $0x1180;
	[dreg:$0x1f] =	wrdreg s30  }
0x22: {  	s4 =	sadd.s32 $0x21C00, s6;
	s20 =	simm.s32 $0x1200;
	[smem:$0x7E3] =	sst s16  }
0x23: {  	s0 =	smul.u32 $0xA00, s15;
	s21 =	simm.s32 $0x1980;
	[smem:$0x7E5] =	sst s20  }
0x24: {  	s7 =	srdreg.scid;
	s22 =	simm.s32 $0x1280;
	[smem:$0x7E6] =	sst s21  }
0x25: {  	s31 =	smul.u32 $0x50000, s15;
	s5 =	simm.s32 $0x1080;
	[smem:$0x7E7] =	sst s22  }
0x26: {  	s17 =	sshll.u32 s15, $0x6;
	s9 =	simm.s32 $0x1880;
	[smem:$0x7E0] =	sst s5  }
0x27: {  	s3 =	sadd.s32 $0xDC00, s6;
	s23 =	simm.s32 $0x1A00;
	[smem:$0x7E2] =	sst s9  }
0x28: {  	s12 =	sand.u32 $0x1, s7;
	s25 =	simm.s32 $0x1A80;
	[smem:$0x7E8] =	sst s23  }
0x29: {  	s30 =	simm.s32 $0x1380;
	s20 =	simm.s32 $0x1580;
	[smem:$0x7EB] =	sst s25  }
0x2a: {  	s21 =	simm.s32 $0x1D00;
	s22 =	simm.s32 $0x1600;
	[smem:$0x7ED] =	sst s30  }
0x2b: {  	s10 =	sadd.s32 s0, s6;
	s8 =	smul.u32 $0x28000, s12;
	[smem:$0x7F5] =	sst s20  }
0x2c: {  	s24 =	ssub.s32 $0x2, s12;
	s19 =	sshll.u32 s12, $0x4;
	[smem:$0x7F6] =	sst s21  }
0x2d: {  	s5 =	simm.s32 $0x1B00;
	s9 =	simm.s32 $0x1400;
	[smem:$0x7F7] =	sst s22  }
0x2e: {  	s16 =	smul.u32 $0xA000, s12;
	s23 =	simm.s32 $0x1D80;
	[smem:$0x7EE] =	sst s5  }
0x2f: {  	s20 =	simm.s32 $0x1000;
	s25 =	simm.s32 $0x1E00;
	[smem:$0x7EF] =	sst s9  }
0x30: {  	s21 =	simm.s32 $0x1800;
	s22 =	simm.s32 $0x6000;
	[smem:$0x7F8] =	sst s23  }
0x31: {  	s30 =	simm.s32 $0x1E80;
	s26 =	sshrl.u32 s24, $0x1;
	[smem:$0x7FA] =	sst s25  }
0x32: {  	s23 =	simm.s32 $0x1;
	[smem:$0x7FC] =	sst s30;
	s25 =	simm.s32 $0x4  }
0x33: {  	s7 =	sadd.s32 s18, s8;
	s13 =	ssub.s32 s24, s26;
	s8 =	sshrl.u32 s31, $0x2  }
0x34: {  	s18 =	simm.s32 $0x1900;
	s24 =	simm.s32 $0x1300;
	s31 =	sadd.s32 $0x3D00, s10  }
0x35: {  	s11 =	sadd.s32 s7, s6;
	s7 =	simm.s32 $0x1100;
	[smem:$0x7E4] =	sst s18  }
0x36: {  	s14 =	sadd.s32 s8, s1;
	s8 =	sor.u32 s15, s19;
	[smem:$0x7E9] =	sst s24  }
0x37: {  	s6 =	sor.u32 $0x1C05, s17;
	[smem:$0x7EC] =	sst s31;
	s12 =	smax.u32 s13, $0x1  }
0x38: {  	s15 =	simm.s32 $0x1480;
	s17 =	simm.s32 $0x1C00;
	[smem:$0x7E1] =	sst s7  }
0x39: {  	s18 =	simm.s32 $0x1500;
	s19 =	simm.s32 $0x1C80;
	[smem:$0x7F1] =	sst s15  }
0x3a: {  	s24 =	simm.s32 $0x1680;
	s31 =	simm.s32 $0x1780;
	[smem:$0x7F2] =	sst s17  }
0x3b: {  	s8 =	smul.u32 $0xA00, s8;
	s11 =	sadd.s32 $0x74400, s11;
	[smem:$0x7F3] =	sst s18  }
0x3c: {  	s14 =	sshrl.u32 s14, $0x3;
	s15 =	simm.s32 $0x5;
	[smem:$0x7F4] =	sst s19  }
0x3d: {  	s17 =	simm.s32 $0x3;
	s18 =	simm.s32 $0x80;
	[smem:$0x7F9] =	sst s24  }
0x3e: {  	s19 =	simm.s32 $0x2000;
	s24 =	simm.s32 $0x2;
	[smem:$0x7FD] =	sst s31  }
0x3f: {  	s7 =	sadd.s32 s3, s8;
	s8 =	sadd.s32 $0x3C00, s10;
	s10 =	simm.s32 $0x1B80  }
0x40: {  	s3 =	sadd.s32 s16, s3;
	s26 =	sadd.s32 $0x100, s7;
	[smem:$0x7F0] =	sst s10  }
0x41: {  	s16 =	simm.s32 $0x800;
	[smem:$0x7EA] =	sst s26;
	s26 =	simm.s32 $0x1700  }
0x42: {  	s13 =	sadd.s32 s0, s3;
	[smem:$0x7FB] =	sst s26;
	s26 =	simm.s32 $0x1F00  }
.LBB2_1:
0x43: {  	s0 =	sld [smem:$0x7DF];
	_ =	sdelay $0x2  }
0x44: {  	[spmem:s14], [sflag:s6] =	dma.local [hbm:s0], $0x2800  }
0x45: {  	_ =	swait.ge [sflag:s15], $0x2800  }
0x46: {  	[sflag:s15] =	ssyncset.done $0x0  }
0x47: {  	[sflag:s15] =	ssyncadd.s32 $0xFFFFD800  }
0x48: {  	[bflag:$0x0] =	sbarrier.arrive $0xFFFF  }
0x49: {  	[tilespmem:s2], [sflag:$0x3] =	stream.linear.gather [hbm4b:s7+s2], $0x800, $0x38;
	[tilespmem:$0x1E000] =	vst v63  }
0x4a: {  	_ = 	snop  }
0x4b: {  	[tilespmem:s16], [sflag:$0x3] =	stream.linear.gather [hbm4b:s8+s2], $0x800, $0x38;
	[tilespmem:$0x1E000] =	vst v63  }
0x4c: {  	_ =	swait.ge [sflag:s17], $0x800  }
0x4d: {  	[sflag:s17] =	ssyncset.done $0x0  }
0x4e: {  	[sflag:s17] =	ssyncadd.s32 $0xFFFFF800  }
0x4f: {  	_ =	swait.ge [sflag:s17], $0x800  }
0x50: {  	[sflag:s17] =	ssyncset.done $0x0  }
0x51: {  	s9 =	sld [smem:$0x7EA];
	[sflag:s17] =	ssyncadd.s32 $0xFFFFF800  }
0x52: {  	[tilespmem:s19], [sflag:$0x1] =	stream.indirect.gather [hbm4b:s4+s18], $0x80, s2, s18, $0xb8;
	[tilespmem:$0x1E000] =	vst v63  }
0x53: {  	p0 =	por $0x1, $0x1;
	s10 =	sld [smem:$0x7EC]  }
0x54: {  	[tilespmem:s20], [sflag:$0x4] =	stream.linear.gather [hbm4b:s9+s2], $0x800, $0x38;
	[tilespmem:$0x1E000] =	vst v63  }
0x55: {  	s3 =	simm.s32 @!p0 $0x0;
	s0 =	sadd.s32 @!p0 $0x0, s13  }
0x56: {  	[tilespmem:s21], [sflag:$0x4] =	stream.linear.gather [hbm4b:s10+s2], $0x800, $0x38;
	[tilespmem:$0x1E000] =	vst v63  }
0x57: {  	s30 =	simm.s32 @!p0 $0x1000;
	s31 =	sadd.s32 @!p0 $0x0, s8;
	s0 =	sadd.s32 @!p0 $0x100, s0  }
0x58: {  	[tilespmem:s30], [sflag:$0x4] =	stream.linear.gather @!p0 [hbm4b:s0+s3], $0x800, $0x38;
	[tilespmem:$0x1E000] =	vst v63  }
0x59: {  	s0 =	simm.s32 @!p0 $0x1800;
	s30 =	sadd.s32 @!p0 $0x100, s31  }
0x5a: {  	[tilespmem:s0], [sflag:$0x4] =	stream.linear.gather @!p0 [hbm4b:s30+s3], $0x800, $0x38;
	[tilespmem:$0x1E000] =	vst v63  }
0x5b: {  	_ = 	snop  }
0x5c: {  	[tilespmem:s22], [sflag:$0x2] =	stream.indirect.gather [hbm4b:s4+s18], $0x80, s18, s18, $0xb8;
	[tilespmem:$0x1E000] =	vst v63  }
0x5d: {  	_ =	swait.ge [sflag:s23], $0x4000  }
0x5e: {  	[sflag:s23] =	ssyncset.done $0x0  }
0x5f: {  	[sflag:s23] =	ssyncadd.s32 $0xFFFFC000  }
0x60: {  	[spmem:s1] =	stream.indirect.scatter.add.f32 [tilespmem:s19], [sflag:$0x5], $0x80, s16, s18, $0xb8;
	[tilespmem:$0x1E000] =	vst v63  }
0x61: {  	_ =	swait.ge [sflag:s15], $0x4000  }
0x62: {  	[sflag:s15] =	ssyncset.done $0x0  }
0x63: {  	s3 =	rddreg [dreg:$0x3];
	[sflag:s15] =	ssyncadd.s32 $0xFFFFC000  }
0x64: {  	[tilespmem:s19], [sflag:$0x1] =	stream.indirect.gather [hbm4b:s4+s18], $0x80, s3, s18, $0xb8;
	[tilespmem:$0x1E000] =	vst v63  }
0x65: {  	_ =	swait.ge [sflag:s24], $0x4000  }
0x66: {  	[sflag:s24] =	ssyncset.done $0x0  }
0x67: {  	s5 =	rddreg [dreg:$0x4];
	[sflag:s24] =	ssyncadd.s32 $0xFFFFC000  }
0x68: {  	[spmem:s1] =	stream.indirect.scatter.add.f32 [tilespmem:s22], [sflag:$0x5], $0x80, s5, s18, $0xb8;
	[tilespmem:$0x1E000] =	vst v63  }
0x69: {  	_ =	swait.ge [sflag:s15], $0x4000  }
0x6a: {  	[sflag:s15] =	ssyncset.done $0x0  }
0x6b: {  	s9 =	rddreg [dreg:$0x5];
	[sflag:s15] =	ssyncadd.s32 $0xFFFFC000  }
0x6c: {  	[tilespmem:s22], [sflag:$0x2] =	stream.indirect.gather [hbm4b:s4+s18], $0x80, s9, s18, $0xb8;
	[tilespmem:$0x1E000] =	vst v63  }
0x6d: {  	_ =	swait.ge [sflag:s23], $0x4000  }
0x6e: {  	[sflag:s23] =	ssyncset.done $0x0  }
0x6f: {  	s10 =	rddreg [dreg:$0x6];
	[sflag:s23] =	ssyncadd.s32 $0xFFFFC000  }
0x70: {  	[spmem:s1] =	stream.indirect.scatter.add.f32 [tilespmem:s19], [sflag:$0x5], $0x80, s10, s18, $0xb8;
	[tilespmem:$0x1E000] =	vst v63  }
0x71: {  	_ =	swait.ge [sflag:s15], $0x4000  }
0x72: {  	[sflag:s15] =	ssyncset.done $0x0  }
0x73: {  	s3 =	rddreg [dreg:$0x7];
	[sflag:s15] =	ssyncadd.s32 $0xFFFFC000  }
0x74: {  	[tilespmem:s19], [sflag:$0x1] =	stream.indirect.gather [hbm4b:s4+s18], $0x80, s3, s18, $0xb8;
	[tilespmem:$0x1E000] =	vst v63  }
0x75: {  	_ =	swait.ge [sflag:s24], $0x4000  }
0x76: {  	[sflag:s24] =	ssyncset.done $0x0  }
0x77: {  	s5 =	rddreg [dreg:$0x8];
	[sflag:s24] =	ssyncadd.s32 $0xFFFFC000  }
0x78: {  	[spmem:s1] =	stream.indirect.scatter.add.f32 [tilespmem:s22], [sflag:$0x5], $0x80, s5, s18, $0xb8;
	[tilespmem:$0x1E000] =	vst v63  }
0x79: {  	_ =	swait.ge [sflag:s15], $0x4000  }
0x7a: {  	[sflag:s15] =	ssyncset.done $0x0  }
0x7b: {  	s9 =	rddreg [dreg:$0x9];
	[sflag:s15] =	ssyncadd.s32 $0xFFFFC000  }
0x7c: {  	[tilespmem:s22], [sflag:$0x2] =	stream.indirect.gather [hbm4b:s4+s18], $0x80, s9, s18, $0xb8;
	[tilespmem:$0x1E000] =	vst v63  }
0x7d: {  	_ =	swait.ge [sflag:s23], $0x4000  }
0x7e: {  	[sflag:s23] =	ssyncset.done $0x0  }
0x7f: {  	s10 =	rddreg [dreg:$0xa];
	[sflag:s23] =	ssyncadd.s32 $0xFFFFC000  }
0x80: {  	[spmem:s1] =	stream.indirect.scatter.add.f32 [tilespmem:s19], [sflag:$0x5], $0x80, s10, s18, $0xb8;
	[tilespmem:$0x1E000] =	vst v63  }
0x81: {  	_ =	swait.ge [sflag:s15], $0x4000  }
0x82: {  	[sflag:s15] =	ssyncset.done $0x0  }
0x83: {  	s3 =	rddreg [dreg:$0xb];
	[sflag:s15] =	ssyncadd.s32 $0xFFFFC000  }
0x84: {  	[tilespmem:s19], [sflag:$0x1] =	stream.indirect.gather [hbm4b:s4+s18], $0x80, s3, s18, $0xb8;
	[tilespmem:$0x1E000] =	vst v63  }
0x85: {  	_ =	swait.ge [sflag:s24], $0x4000  }
0x86: {  	[sflag:s24] =	ssyncset.done $0x0  }
0x87: {  	s5 =	rddreg [dreg:$0xc];
	[sflag:s24] =	ssyncadd.s32 $0xFFFFC000  }
0x88: {  	[spmem:s1] =	stream.indirect.scatter.add.f32 [tilespmem:s22], [sflag:$0x5], $0x80, s5, s18, $0xb8;
	[tilespmem:$0x1E000] =	vst v63  }
0x89: {  	_ =	swait.ge [sflag:s15], $0x4000  }
0x8a: {  	[sflag:s15] =	ssyncset.done $0x0  }
0x8b: {  	s9 =	rddreg [dreg:$0xd];
	[sflag:s15] =	ssyncadd.s32 $0xFFFFC000  }
0x8c: {  	[tilespmem:s22], [sflag:$0x2] =	stream.indirect.gather [hbm4b:s4+s18], $0x80, s9, s18, $0xb8;
	[tilespmem:$0x1E000] =	vst v63  }
0x8d: {  	_ =	swait.ge [sflag:s23], $0x4000  }
0x8e: {  	[sflag:s23] =	ssyncset.done $0x0  }
0x8f: {  	s10 =	rddreg [dreg:$0xe];
	[sflag:s23] =	ssyncadd.s32 $0xFFFFC000  }
0x90: {  	[spmem:s1] =	stream.indirect.scatter.add.f32 [tilespmem:s19], [sflag:$0x5], $0x80, s10, s18, $0xb8;
	[tilespmem:$0x1E000] =	vst v63  }
0x91: {  	_ =	swait.ge [sflag:s15], $0x4000  }
0x92: {  	[sflag:s15] =	ssyncset.done $0x0  }
0x93: {  	s3 =	rddreg [dreg:$0xf];
	[sflag:s15] =	ssyncadd.s32 $0xFFFFC000  }
0x94: {  	[tilespmem:s19], [sflag:$0x1] =	stream.indirect.gather [hbm4b:s4+s18], $0x80, s3, s18, $0xb8;
	[tilespmem:$0x1E000] =	vst v63  }
0x95: {  	_ =	swait.ge [sflag:s24], $0x4000  }
0x96: {  	[sflag:s24] =	ssyncset.done $0x0  }
0x97: {  	s5 =	rddreg [dreg:$0x10];
	[sflag:s24] =	ssyncadd.s32 $0xFFFFC000  }
0x98: {  	[spmem:s1] =	stream.indirect.scatter.add.f32 [tilespmem:s22], [sflag:$0x5], $0x80, s5, s18, $0xb8;
	[tilespmem:$0x1E000] =	vst v63  }
0x99: {  	_ =	swait.ge [sflag:s15], $0x4000  }
0x9a: {  	[sflag:s15] =	ssyncset.done $0x0  }
0x9b: {  	s9 =	rddreg [dreg:$0x11];
	[sflag:s15] =	ssyncadd.s32 $0xFFFFC000  }
0x9c: {  	[tilespmem:s22], [sflag:$0x2] =	stream.indirect.gather [hbm4b:s4+s18], $0x80, s9, s18, $0xb8;
	[tilespmem:$0x1E000] =	vst v63  }
0x9d: {  	_ =	swait.ge [sflag:s23], $0x4000  }
0x9e: {  	[sflag:s23] =	ssyncset.done $0x0  }
0x9f: {  	s10 =	rddreg [dreg:$0x12];
	[sflag:s23] =	ssyncadd.s32 $0xFFFFC000  }
0xa0: {  	[spmem:s1] =	stream.indirect.scatter.add.f32 [tilespmem:s19], [sflag:$0x5], $0x80, s10, s18, $0xb8;
	[tilespmem:$0x1E000] =	vst v63  }
0xa1: {  	_ =	swait.ge [sflag:s15], $0x4000  }
0xa2: {  	[sflag:s15] =	ssyncset.done $0x0  }
0xa3: {  	s3 =	rddreg [dreg:$0x13];
	[sflag:s15] =	ssyncadd.s32 $0xFFFFC000  }
0xa4: {  	[tilespmem:s19], [sflag:$0x1] =	stream.indirect.gather [hbm4b:s4+s18], $0x80, s3, s18, $0xb8;
	[tilespmem:$0x1E000] =	vst v63  }
0xa5: {  	_ =	swait.ge [sflag:s24], $0x4000  }
0xa6: {  	[sflag:s24] =	ssyncset.done $0x0  }
0xa7: {  	s5 =	rddreg [dreg:$0x14];
	[sflag:s24] =	ssyncadd.s32 $0xFFFFC000  }
0xa8: {  	[spmem:s1] =	stream.indirect.scatter.add.f32 [tilespmem:s22], [sflag:$0x5], $0x80, s5, s18, $0xb8;
	[tilespmem:$0x1E000] =	vst v63  }
0xa9: {  	_ =	swait.ge [sflag:s15], $0x4000  }
0xaa: {  	[sflag:s15] =	ssyncset.done $0x0  }
0xab: {  	s9 =	rddreg [dreg:$0x15];
	[sflag:s15] =	ssyncadd.s32 $0xFFFFC000  }
0xac: {  	[tilespmem:s22], [sflag:$0x2] =	stream.indirect.gather [hbm4b:s4+s18], $0x80, s9, s18, $0xb8;
	[tilespmem:$0x1E000] =	vst v63  }
0xad: {  	_ =	swait.ge [sflag:s23], $0x4000  }
0xae: {  	[sflag:s23] =	ssyncset.done $0x0  }
0xaf: {  	s10 =	rddreg [dreg:$0x16];
	[sflag:s23] =	ssyncadd.s32 $0xFFFFC000  }
0xb0: {  	[spmem:s1] =	stream.indirect.scatter.add.f32 [tilespmem:s19], [sflag:$0x5], $0x80, s10, s18, $0xb8;
	[tilespmem:$0x1E000] =	vst v63  }
0xb1: {  	_ =	swait.ge [sflag:s15], $0x4000  }
0xb2: {  	[sflag:s15] =	ssyncset.done $0x0  }
0xb3: {  	s3 =	rddreg [dreg:$0x17];
	[sflag:s15] =	ssyncadd.s32 $0xFFFFC000  }
0xb4: {  	[tilespmem:s19], [sflag:$0x1] =	stream.indirect.gather [hbm4b:s4+s18], $0x80, s3, s18, $0xb8;
	[tilespmem:$0x1E000] =	vst v63  }
0xb5: {  	_ =	swait.ge [sflag:s24], $0x4000  }
0xb6: {  	[sflag:s24] =	ssyncset.done $0x0  }
0xb7: {  	s5 =	rddreg [dreg:$0x18];
	[sflag:s24] =	ssyncadd.s32 $0xFFFFC000  }
0xb8: {  	[spmem:s1] =	stream.indirect.scatter.add.f32 [tilespmem:s22], [sflag:$0x5], $0x80, s5, s18, $0xb8;
	[tilespmem:$0x1E000] =	vst v63  }
0xb9: {  	_ =	swait.ge [sflag:s15], $0x4000  }
0xba: {  	[sflag:s15] =	ssyncset.done $0x0  }
0xbb: {  	s9 =	rddreg [dreg:$0x19];
	[sflag:s15] =	ssyncadd.s32 $0xFFFFC000  }
0xbc: {  	[tilespmem:s22], [sflag:$0x2] =	stream.indirect.gather [hbm4b:s4+s18], $0x80, s9, s18, $0xb8;
	[tilespmem:$0x1E000] =	vst v63  }
0xbd: {  	_ =	swait.ge [sflag:s23], $0x4000  }
0xbe: {  	[sflag:s23] =	ssyncset.done $0x0  }
0xbf: {  	s10 =	rddreg [dreg:$0x1a];
	[sflag:s23] =	ssyncadd.s32 $0xFFFFC000  }
0xc0: {  	[spmem:s1] =	stream.indirect.scatter.add.f32 [tilespmem:s19], [sflag:$0x5], $0x80, s10, s18, $0xb8;
	[tilespmem:$0x1E000] =	vst v63  }
0xc1: {  	_ =	swait.ge [sflag:s15], $0x4000  }
0xc2: {  	[sflag:s15] =	ssyncset.done $0x0  }
0xc3: {  	s3 =	rddreg [dreg:$0x1b];
	[sflag:s15] =	ssyncadd.s32 $0xFFFFC000  }
0xc4: {  	[tilespmem:s19], [sflag:$0x1] =	stream.indirect.gather [hbm4b:s4+s18], $0x80, s3, s18, $0xb8;
	[tilespmem:$0x1E000] =	vst v63  }
0xc5: {  	_ =	swait.ge [sflag:s24], $0x4000  }
0xc6: {  	[sflag:s24] =	ssyncset.done $0x0  }
0xc7: {  	s5 =	rddreg [dreg:$0x1c];
	[sflag:s24] =	ssyncadd.s32 $0xFFFFC000  }
0xc8: {  	[spmem:s1] =	stream.indirect.scatter.add.f32 [tilespmem:s22], [sflag:$0x5], $0x80, s5, s18, $0xb8;
	[tilespmem:$0x1E000] =	vst v63  }
0xc9: {  	_ =	swait.ge [sflag:s15], $0x4000  }
0xca: {  	[sflag:s15] =	ssyncset.done $0x0  }
0xcb: {  	s9 =	rddreg [dreg:$0x1d];
	[sflag:s15] =	ssyncadd.s32 $0xFFFFC000  }
0xcc: {  	[tilespmem:s22], [sflag:$0x2] =	stream.indirect.gather [hbm4b:s4+s18], $0x80, s9, s18, $0xb8;
	[tilespmem:$0x1E000] =	vst v63  }
0xcd: {  	_ =	swait.ge [sflag:s23], $0x4000  }
0xce: {  	[sflag:s23] =	ssyncset.done $0x0  }
0xcf: {  	s10 =	rddreg [dreg:$0x1e];
	[sflag:s23] =	ssyncadd.s32 $0xFFFFC000  }
0xd0: {  	[spmem:s1] =	stream.indirect.scatter.add.f32 [tilespmem:s19], [sflag:$0x5], $0x80, s10, s18, $0xb8;
	[tilespmem:$0x1E000] =	vst v63  }
0xd1: {  	_ =	swait.ge [sflag:s15], $0x4000  }
0xd2: {  	[sflag:s15] =	ssyncset.done $0x0  }
0xd3: {  	[sflag:s15] =	ssyncadd.s32 $0xFFFFC000  }
0xd4: {  	_ =	swait.ge [sflag:s25], $0x800  }
0xd5: {  	[sflag:s25] =	ssyncset.done $0x0  }
0xd6: {  	[sflag:s25] =	ssyncadd.s32 $0xFFFFF800  }
0xd7: {  	_ =	swait.ge [sflag:s25], $0x800  }
0xd8: {  	[sflag:s25] =	ssyncset.done $0x0  }
0xd9: {  	[sflag:s25] =	ssyncadd.s32 $0xFFFFF800  }
0xda: {  	[tilespmem:s19], [sflag:$0x1] =	stream.indirect.gather [hbm4b:s4+s18], $0x80, s20, s18, $0xb8;
	[tilespmem:$0x1E000] =	vst v63  }
0xdb: {  	_ =	swait.ge [sflag:s24], $0x4000  }
0xdc: {  	[sflag:s24] =	ssyncset.done $0x0  }
0xdd: {  	p0 =	por $0x0, $0x0;
	s3 =	rddreg [dreg:$0x1f];
	[sflag:s24] =	ssyncadd.s32 $0xFFFFC000  }
0xde: {  	[spmem:s1] =	stream.indirect.scatter.add.f32 [tilespmem:s22], [sflag:$0x5], $0x80, s3, s18, $0xb8;
	[tilespmem:$0x1E000] =	vst v63  }
0xdf: {  	s0 =	sadd.s32 @!p0 $0x0, s13;
	_ =	swait.ge [sflag:s15], $0x4000  }
0xe0: {  	s30 =	sadd.s32 @!p0 $0x200, s0;
	[sflag:s15] =	ssyncset.done $0x0  }
0xe1: {  	s0 =	simm.s32 @!p0 $0x0;
	s3 =	sadd.s32 @!p0 $0x0, s8;
	[sflag:s15] =	ssyncadd.s32 $0xFFFFC000  }
0xe2: {  	[tilespmem:s0], [sflag:$0x3] =	stream.linear.gather @!p0 [hbm4b:s30+s0], $0x800, $0x38;
	[tilespmem:$0x1E000] =	vst v63  }
0xe3: {  	s31 =	simm.s32 @!p0 $0x800;
	s3 =	sadd.s32 @!p0 $0x200, s3;
	s30 =	sld [smem:$0x7E0]  }
0xe4: {  	[tilespmem:s31], [sflag:$0x3] =	stream.linear.gather @!p0 [hbm4b:s3+s0], $0x800, $0x38;
	[tilespmem:$0x1E000] =	vst v63  }
0xe5: {  	_ = 	snop  }
0xe6: {  	[tilespmem:s22], [sflag:$0x2] =	stream.indirect.gather [hbm4b:s4+s18], $0x80, s30, s18, $0xb8;
	[tilespmem:$0x1E000] =	vst v63  }
0xe7: {  	_ =	swait.ge [sflag:s23], $0x4000  }
0xe8: {  	[sflag:s23] =	ssyncset.done $0x0  }
0xe9: {  	[sflag:s23] =	ssyncadd.s32 $0xFFFFC000  }
0xea: {  	[spmem:s1] =	stream.indirect.scatter.add.f32 [tilespmem:s19], [sflag:$0x5], $0x80, s21, s18, $0xb8;
	[tilespmem:$0x1E000] =	vst v63  }
0xeb: {  	_ =	swait.ge [sflag:s15], $0x4000  }
0xec: {  	s5 =	sld [smem:$0x7E1]  }
0xed: {  	[sflag:s15] =	ssyncset.done $0x0  }
0xee: {  	[sflag:s15] =	ssyncadd.s32 $0xFFFFC000  }
0xef: {  	[tilespmem:s19], [sflag:$0x1] =	stream.indirect.gather [hbm4b:s4+s18], $0x80, s5, s18, $0xb8;
	[tilespmem:$0x1E000] =	vst v63  }
0xf0: {  	_ =	swait.ge [sflag:s24], $0x4000  }
0xf1: {  	s9 =	sld [smem:$0x7E2]  }
0xf2: {  	[sflag:s24] =	ssyncset.done $0x0  }
0xf3: {  	[sflag:s24] =	ssyncadd.s32 $0xFFFFC000  }
0xf4: {  	[spmem:s1] =	stream.indirect.scatter.add.f32 [tilespmem:s22], [sflag:$0x5], $0x80, s9, s18, $0xb8;
	[tilespmem:$0x1E000] =	vst v63  }
0xf5: {  	_ =	swait.ge [sflag:s15], $0x4000  }
0xf6: {  	s10 =	sld [smem:$0x7E3]  }
0xf7: {  	[sflag:s15] =	ssyncset.done $0x0  }
0xf8: {  	[sflag:s15] =	ssyncadd.s32 $0xFFFFC000  }
0xf9: {  	[tilespmem:s22], [sflag:$0x2] =	stream.indirect.gather [hbm4b:s4+s18], $0x80, s10, s18, $0xb8;
	[tilespmem:$0x1E000] =	vst v63  }
0xfa: {  	_ =	swait.ge [sflag:s23], $0x4000  }
0xfb: {  	s5 =	sld [smem:$0x7E4]  }
0xfc: {  	[sflag:s23] =	ssyncset.done $0x0  }
0xfd: {  	[sflag:s23] =	ssyncadd.s32 $0xFFFFC000  }
0xfe: {  	[spmem:s1] =	stream.indirect.scatter.add.f32 [tilespmem:s19], [sflag:$0x5], $0x80, s5, s18, $0xb8;
	[tilespmem:$0x1E000] =	vst v63  }
0xff: {  	_ =	swait.ge [sflag:s15], $0x4000  }
0x100: {  	s9 =	sld [smem:$0x7E5]  }
0x101: {  	[sflag:s15] =	ssyncset.done $0x0  }
0x102: {  	[sflag:s15] =	ssyncadd.s32 $0xFFFFC000  }
0x103: {  	[tilespmem:s19], [sflag:$0x1] =	stream.indirect.gather [hbm4b:s4+s18], $0x80, s9, s18, $0xb8;
	[tilespmem:$0x1E000] =	vst v63  }
0x104: {  	_ =	swait.ge [sflag:s24], $0x4000  }
0x105: {  	s10 =	sld [smem:$0x7E6]  }
0x106: {  	[sflag:s24] =	ssyncset.done $0x0  }
0x107: {  	[sflag:s24] =	ssyncadd.s32 $0xFFFFC000  }
0x108: {  	[spmem:s1] =	stream.indirect.scatter.add.f32 [tilespmem:s22], [sflag:$0x5], $0x80, s10, s18, $0xb8;
	[tilespmem:$0x1E000] =	vst v63  }
0x109: {  	_ =	swait.ge [sflag:s15], $0x4000  }
0x10a: {  	s5 =	sld [smem:$0x7E7]  }
0x10b: {  	[sflag:s15] =	ssyncset.done $0x0  }
0x10c: {  	[sflag:s15] =	ssyncadd.s32 $0xFFFFC000  }
0x10d: {  	[tilespmem:s22], [sflag:$0x2] =	stream.indirect.gather [hbm4b:s4+s18], $0x80, s5, s18, $0xb8;
	[tilespmem:$0x1E000] =	vst v63  }
0x10e: {  	_ =	swait.ge [sflag:s23], $0x4000  }
0x10f: {  	s9 =	sld [smem:$0x7E8]  }
0x110: {  	[sflag:s23] =	ssyncset.done $0x0  }
0x111: {  	[sflag:s23] =	ssyncadd.s32 $0xFFFFC000  }
0x112: {  	[spmem:s1] =	stream.indirect.scatter.add.f32 [tilespmem:s19], [sflag:$0x5], $0x80, s9, s18, $0xb8;
	[tilespmem:$0x1E000] =	vst v63  }
0x113: {  	_ =	swait.ge [sflag:s15], $0x4000  }
0x114: {  	s10 =	sld [smem:$0x7E9]  }
0x115: {  	[sflag:s15] =	ssyncset.done $0x0  }
0x116: {  	[sflag:s15] =	ssyncadd.s32 $0xFFFFC000  }
0x117: {  	[tilespmem:s19], [sflag:$0x1] =	stream.indirect.gather [hbm4b:s4+s18], $0x80, s10, s18, $0xb8;
	[tilespmem:$0x1E000] =	vst v63  }
0x118: {  	_ =	swait.ge [sflag:s24], $0x4000  }
0x119: {  	s5 =	sld [smem:$0x7EB]  }
0x11a: {  	[sflag:s24] =	ssyncset.done $0x0  }
0x11b: {  	[sflag:s24] =	ssyncadd.s32 $0xFFFFC000  }
0x11c: {  	[spmem:s1] =	stream.indirect.scatter.add.f32 [tilespmem:s22], [sflag:$0x5], $0x80, s5, s18, $0xb8;
	[tilespmem:$0x1E000] =	vst v63  }
0x11d: {  	_ =	swait.ge [sflag:s15], $0x4000  }
0x11e: {  	s9 =	sld [smem:$0x7ED]  }
0x11f: {  	[sflag:s15] =	ssyncset.done $0x0  }
0x120: {  	[sflag:s15] =	ssyncadd.s32 $0xFFFFC000  }
0x121: {  	[tilespmem:s22], [sflag:$0x2] =	stream.indirect.gather [hbm4b:s4+s18], $0x80, s9, s18, $0xb8;
	[tilespmem:$0x1E000] =	vst v63  }
0x122: {  	_ =	swait.ge [sflag:s23], $0x4000  }
0x123: {  	s10 =	sld [smem:$0x7EE]  }
0x124: {  	[sflag:s23] =	ssyncset.done $0x0  }
0x125: {  	[sflag:s23] =	ssyncadd.s32 $0xFFFFC000  }
0x126: {  	[spmem:s1] =	stream.indirect.scatter.add.f32 [tilespmem:s19], [sflag:$0x5], $0x80, s10, s18, $0xb8;
	[tilespmem:$0x1E000] =	vst v63  }
0x127: {  	_ =	swait.ge [sflag:s15], $0x4000  }
0x128: {  	s5 =	sld [smem:$0x7EF]  }
0x129: {  	[sflag:s15] =	ssyncset.done $0x0  }
0x12a: {  	[sflag:s15] =	ssyncadd.s32 $0xFFFFC000  }
0x12b: {  	[tilespmem:s19], [sflag:$0x1] =	stream.indirect.gather [hbm4b:s4+s18], $0x80, s5, s18, $0xb8;
	[tilespmem:$0x1E000] =	vst v63  }
0x12c: {  	_ =	swait.ge [sflag:s24], $0x4000  }
0x12d: {  	s9 =	sld [smem:$0x7F0]  }
0x12e: {  	[sflag:s24] =	ssyncset.done $0x0  }
0x12f: {  	[sflag:s24] =	ssyncadd.s32 $0xFFFFC000  }
0x130: {  	[spmem:s1] =	stream.indirect.scatter.add.f32 [tilespmem:s22], [sflag:$0x5], $0x80, s9, s18, $0xb8;
	[tilespmem:$0x1E000] =	vst v63  }
0x131: {  	_ =	swait.ge [sflag:s15], $0x4000  }
0x132: {  	s10 =	sld [smem:$0x7F1]  }
0x133: {  	[sflag:s15] =	ssyncset.done $0x0  }
0x134: {  	[sflag:s15] =	ssyncadd.s32 $0xFFFFC000  }
0x135: {  	[tilespmem:s22], [sflag:$0x2] =	stream.indirect.gather [hbm4b:s4+s18], $0x80, s10, s18, $0xb8;
	[tilespmem:$0x1E000] =	vst v63  }
0x136: {  	_ =	swait.ge [sflag:s23], $0x4000  }
0x137: {  	s5 =	sld [smem:$0x7F2]  }
0x138: {  	[sflag:s23] =	ssyncset.done $0x0  }
0x139: {  	[sflag:s23] =	ssyncadd.s32 $0xFFFFC000  }
0x13a: {  	[spmem:s1] =	stream.indirect.scatter.add.f32 [tilespmem:s19], [sflag:$0x5], $0x80, s5, s18, $0xb8;
	[tilespmem:$0x1E000] =	vst v63  }
0x13b: {  	_ =	swait.ge [sflag:s15], $0x4000  }
0x13c: {  	s9 =	sld [smem:$0x7F3]  }
0x13d: {  	[sflag:s15] =	ssyncset.done $0x0  }
0x13e: {  	[sflag:s15] =	ssyncadd.s32 $0xFFFFC000  }
0x13f: {  	[tilespmem:s19], [sflag:$0x1] =	stream.indirect.gather [hbm4b:s4+s18], $0x80, s9, s18, $0xb8;
	[tilespmem:$0x1E000] =	vst v63  }
0x140: {  	_ =	swait.ge [sflag:s24], $0x4000  }
0x141: {  	s10 =	sld [smem:$0x7F4]  }
0x142: {  	[sflag:s24] =	ssyncset.done $0x0  }
0x143: {  	[sflag:s24] =	ssyncadd.s32 $0xFFFFC000  }
0x144: {  	[spmem:s1] =	stream.indirect.scatter.add.f32 [tilespmem:s22], [sflag:$0x5], $0x80, s10, s18, $0xb8;
	[tilespmem:$0x1E000] =	vst v63  }
0x145: {  	_ =	swait.ge [sflag:s15], $0x4000  }
0x146: {  	s5 =	sld [smem:$0x7F5]  }
0x147: {  	[sflag:s15] =	ssyncset.done $0x0  }
0x148: {  	[sflag:s15] =	ssyncadd.s32 $0xFFFFC000  }
0x149: {  	[tilespmem:s22], [sflag:$0x2] =	stream.indirect.gather [hbm4b:s4+s18], $0x80, s5, s18, $0xb8;
	[tilespmem:$0x1E000] =	vst v63  }
0x14a: {  	_ =	swait.ge [sflag:s23], $0x4000  }
0x14b: {  	s9 =	sld [smem:$0x7F6]  }
0x14c: {  	[sflag:s23] =	ssyncset.done $0x0  }
0x14d: {  	[sflag:s23] =	ssyncadd.s32 $0xFFFFC000  }
0x14e: {  	[spmem:s1] =	stream.indirect.scatter.add.f32 [tilespmem:s19], [sflag:$0x5], $0x80, s9, s18, $0xb8;
	[tilespmem:$0x1E000] =	vst v63  }
0x14f: {  	_ =	swait.ge [sflag:s15], $0x4000  }
0x150: {  	s10 =	sld [smem:$0x7F7]  }
0x151: {  	[sflag:s15] =	ssyncset.done $0x0  }
0x152: {  	[sflag:s15] =	ssyncadd.s32 $0xFFFFC000  }
0x153: {  	[tilespmem:s19], [sflag:$0x1] =	stream.indirect.gather [hbm4b:s4+s18], $0x80, s10, s18, $0xb8;
	[tilespmem:$0x1E000] =	vst v63  }
0x154: {  	_ =	swait.ge [sflag:s24], $0x4000  }
0x155: {  	s5 =	sld [smem:$0x7F8]  }
0x156: {  	[sflag:s24] =	ssyncset.done $0x0  }
0x157: {  	[sflag:s24] =	ssyncadd.s32 $0xFFFFC000  }
0x158: {  	[spmem:s1] =	stream.indirect.scatter.add.f32 [tilespmem:s22], [sflag:$0x5], $0x80, s5, s18, $0xb8;
	[tilespmem:$0x1E000] =	vst v63  }
0x159: {  	_ =	swait.ge [sflag:s15], $0x4000  }
0x15a: {  	s9 =	sld [smem:$0x7F9]  }
0x15b: {  	[sflag:s15] =	ssyncset.done $0x0  }
0x15c: {  	[sflag:s15] =	ssyncadd.s32 $0xFFFFC000  }
0x15d: {  	[tilespmem:s22], [sflag:$0x2] =	stream.indirect.gather [hbm4b:s4+s18], $0x80, s9, s18, $0xb8;
	[tilespmem:$0x1E000] =	vst v63  }
0x15e: {  	_ =	swait.ge [sflag:s23], $0x4000  }
0x15f: {  	s10 =	sld [smem:$0x7FA]  }
0x160: {  	[sflag:s23] =	ssyncset.done $0x0  }
0x161: {  	[sflag:s23] =	ssyncadd.s32 $0xFFFFC000  }
0x162: {  	[spmem:s1] =	stream.indirect.scatter.add.f32 [tilespmem:s19], [sflag:$0x5], $0x80, s10, s18, $0xb8;
	[tilespmem:$0x1E000] =	vst v63  }
0x163: {  	_ =	swait.ge [sflag:s15], $0x4000  }
0x164: {  	s5 =	sld [smem:$0x7FB]  }
0x165: {  	[sflag:s15] =	ssyncset.done $0x0  }
0x166: {  	[sflag:s15] =	ssyncadd.s32 $0xFFFFC000  }
0x167: {  	[tilespmem:s19], [sflag:$0x1] =	stream.indirect.gather [hbm4b:s4+s18], $0x80, s5, s18, $0xb8;
	[tilespmem:$0x1E000] =	vst v63  }
0x168: {  	_ =	swait.ge [sflag:s24], $0x4000  }
0x169: {  	s9 =	sld [smem:$0x7FC]  }
0x16a: {  	[sflag:s24] =	ssyncset.done $0x0  }
0x16b: {  	[sflag:s24] =	ssyncadd.s32 $0xFFFFC000  }
0x16c: {  	[spmem:s1] =	stream.indirect.scatter.add.f32 [tilespmem:s22], [sflag:$0x5], $0x80, s9, s18, $0xb8;
	[tilespmem:$0x1E000] =	vst v63  }
0x16d: {  	_ =	swait.ge [sflag:s15], $0x4000  }
0x16e: {  	s10 =	sld [smem:$0x7FD]  }
0x16f: {  	[sflag:s15] =	ssyncset.done $0x0  }
0x170: {  	[sflag:s15] =	ssyncadd.s32 $0xFFFFC000  }
0x171: {  	[tilespmem:s22], [sflag:$0x2] =	stream.indirect.gather [hbm4b:s4+s18], $0x80, s10, s18, $0xb8;
	[tilespmem:$0x1E000] =	vst v63  }
0x172: {  	_ =	swait.ge [sflag:s23], $0x4000  }
0x173: {  	[sflag:s23] =	ssyncset.done $0x0  }
0x174: {  	[sflag:s23] =	ssyncadd.s32 $0xFFFFC000  }
0x175: {  	[spmem:s1] =	stream.indirect.scatter.add.f32 [tilespmem:s19], [sflag:$0x5], $0x80, s26, s18, $0xb8;
	[tilespmem:$0x1E000] =	vst v63  }
0x176: {  	_ =	swait.ge [sflag:s15], $0x4000  }
0x177: {  	[sflag:s15] =	ssyncset.done $0x0  }
0x178: {  	s3 =	simm.s32 @!p0 $0x3;
	[sflag:s15] =	ssyncadd.s32 $0xFFFFC000  }
0x179: {  	_ =	swait.ge @!p0 [sflag:s3], $0x800  }
0x17a: {  	[sflag:s3] =	ssyncset.done @!p0 $0x0  }
0x17b: {  	[sflag:s3] =	ssyncadd.s32 @!p0 $0xFFFFF800  }
0x17c: {  	_ =	swait.ge @!p0 [sflag:s3], $0x800  }
0x17d: {  	[sflag:s3] =	ssyncset.done @!p0 $0x0  }
0x17e: {  	s31 =	simm.s32 @!p0 $0x2000;
	s30 =	simm.s32 @!p0 $0x80;
	[sflag:s3] =	ssyncadd.s32 @!p0 $0xFFFFF800  }
0x17f: {  	[tilespmem:s31], [sflag:$0x1] =	stream.indirect.gather @!p0 [hbm4b:s4+s30], $0x80, s0, s30, $0xb8;
	[tilespmem:$0x1E000] =	vst v63  }
0x180: {  	_ =	swait.ge [sflag:s24], $0x4000  }
0x181: {  	p1 =	por $0x0, $0x0;
	[sflag:s24] =	ssyncset.done $0x0  }
0x182: {  	s3 =	simm.s32 @!p1 $0x0;
	s30 =	simm.s32 $0x200;
	[sflag:s24] =	ssyncadd.s32 $0xFFFFC000  }
0x183: {  	[spmem:s1] =	stream.indirect.scatter.add.f32 [tilespmem:s22], [sflag:$0x5], $0x80, s28, s18, $0xb8;
	[tilespmem:$0x1E000] =	vst v63  }
0x184: {  	s31 =	simm.s32 $0x400;
	s0 =	sadd.s32 @!p1 $0x200, s13;
	_ =	swait.ge [sflag:s15], $0x4000  }
.LBB2_2:
0x185: {  	s0 =	sadd.s32 @!p1 $0x100, s0;
	[sflag:s15] =	ssyncset.done $0x0  }
0x186: {  	s5 =	simm.s32 @!p1 $0x1000;
	s9 =	sadd.s32 @!p1 s30, s8;
	[sflag:s15] =	ssyncadd.s32 $0xFFFFC000  }
0x187: {  	[tilespmem:s5], [sflag:$0x4] =	stream.linear.gather @!p1 [hbm4b:s0+s3], $0x800, $0x38;
	[tilespmem:$0x1E000] =	vst v63  }
0x188: {  	s10 =	simm.s32 @!p1 $0x1800;
	s5 =	sadd.s32 @!p1 $0x100, s9  }
0x189: {  	[tilespmem:s10], [sflag:$0x4] =	stream.linear.gather @!p1 [hbm4b:s5+s3], $0x800, $0x38;
	[tilespmem:$0x1E000] =	vst v63  }
0x18a: {  	_ = 	snop  }
0x18b: {  	[tilespmem:s22], [sflag:$0x2] =	stream.indirect.gather [hbm4b:s4+s18], $0x80, s18, s18, $0xb8;
	[tilespmem:$0x1E000] =	vst v63  }
0x18c: {  	_ =	swait.ge [sflag:s23], $0x4000  }
0x18d: {  	[sflag:s23] =	ssyncset.done $0x0  }
0x18e: {  	[sflag:s23] =	ssyncadd.s32 $0xFFFFC000  }
0x18f: {  	[spmem:s1] =	stream.indirect.scatter.add.f32 [tilespmem:s19], [sflag:$0x5], $0x80, s16, s18, $0xb8;
	[tilespmem:$0x1E000] =	vst v63  }
0x190: {  	_ =	swait.ge [sflag:s15], $0x4000  }
0x191: {  	[sflag:s15] =	ssyncset.done $0x0  }
0x192: {  	s9 =	rddreg [dreg:$0x3];
	[sflag:s15] =	ssyncadd.s32 $0xFFFFC000  }
0x193: {  	[tilespmem:s19], [sflag:$0x1] =	stream.indirect.gather [hbm4b:s4+s18], $0x80, s9, s18, $0xb8;
	[tilespmem:$0x1E000] =	vst v63  }
0x194: {  	_ =	swait.ge [sflag:s24], $0x4000  }
0x195: {  	[sflag:s24] =	ssyncset.done $0x0  }
0x196: {  	s10 =	rddreg [dreg:$0x4];
	[sflag:s24] =	ssyncadd.s32 $0xFFFFC000  }
0x197: {  	[spmem:s1] =	stream.indirect.scatter.add.f32 [tilespmem:s22], [sflag:$0x5], $0x80, s10, s18, $0xb8;
	[tilespmem:$0x1E000] =	vst v63  }
0x198: {  	_ =	swait.ge [sflag:s15], $0x4000  }
0x199: {  	[sflag:s15] =	ssyncset.done $0x0  }
0x19a: {  	s5 =	rddreg [dreg:$0x5];
	[sflag:s15] =	ssyncadd.s32 $0xFFFFC000  }
0x19b: {  	[tilespmem:s22], [sflag:$0x2] =	stream.indirect.gather [hbm4b:s4+s18], $0x80, s5, s18, $0xb8;
	[tilespmem:$0x1E000] =	vst v63  }
0x19c: {  	_ =	swait.ge [sflag:s23], $0x4000  }
0x19d: {  	[sflag:s23] =	ssyncset.done $0x0  }
0x19e: {  	s9 =	rddreg [dreg:$0x6];
	[sflag:s23] =	ssyncadd.s32 $0xFFFFC000  }
0x19f: {  	[spmem:s1] =	stream.indirect.scatter.add.f32 [tilespmem:s19], [sflag:$0x5], $0x80, s9, s18, $0xb8;
	[tilespmem:$0x1E000] =	vst v63  }
0x1a0: {  	_ =	swait.ge [sflag:s15], $0x4000  }
0x1a1: {  	[sflag:s15] =	ssyncset.done $0x0  }
0x1a2: {  	s10 =	rddreg [dreg:$0x7];
	[sflag:s15] =	ssyncadd.s32 $0xFFFFC000  }
0x1a3: {  	[tilespmem:s19], [sflag:$0x1] =	stream.indirect.gather [hbm4b:s4+s18], $0x80, s10, s18, $0xb8;
	[tilespmem:$0x1E000] =	vst v63  }
0x1a4: {  	_ =	swait.ge [sflag:s24], $0x4000  }
0x1a5: {  	[sflag:s24] =	ssyncset.done $0x0  }
0x1a6: {  	s5 =	rddreg [dreg:$0x8];
	[sflag:s24] =	ssyncadd.s32 $0xFFFFC000  }
0x1a7: {  	[spmem:s1] =	stream.indirect.scatter.add.f32 [tilespmem:s22], [sflag:$0x5], $0x80, s5, s18, $0xb8;
	[tilespmem:$0x1E000] =	vst v63  }
0x1a8: {  	_ =	swait.ge [sflag:s15], $0x4000  }
0x1a9: {  	[sflag:s15] =	ssyncset.done $0x0  }
0x1aa: {  	s9 =	rddreg [dreg:$0x9];
	[sflag:s15] =	ssyncadd.s32 $0xFFFFC000  }
0x1ab: {  	[tilespmem:s22], [sflag:$0x2] =	stream.indirect.gather [hbm4b:s4+s18], $0x80, s9, s18, $0xb8;
	[tilespmem:$0x1E000] =	vst v63  }
0x1ac: {  	_ =	swait.ge [sflag:s23], $0x4000  }
0x1ad: {  	[sflag:s23] =	ssyncset.done $0x0  }
0x1ae: {  	s10 =	rddreg [dreg:$0xa];
	[sflag:s23] =	ssyncadd.s32 $0xFFFFC000  }
0x1af: {  	[spmem:s1] =	stream.indirect.scatter.add.f32 [tilespmem:s19], [sflag:$0x5], $0x80, s10, s18, $0xb8;
	[tilespmem:$0x1E000] =	vst v63  }
0x1b0: {  	_ =	swait.ge [sflag:s15], $0x4000  }
0x1b1: {  	[sflag:s15] =	ssyncset.done $0x0  }
0x1b2: {  	s5 =	rddreg [dreg:$0xb];
	[sflag:s15] =	ssyncadd.s32 $0xFFFFC000  }
0x1b3: {  	[tilespmem:s19], [sflag:$0x1] =	stream.indirect.gather [hbm4b:s4+s18], $0x80, s5, s18, $0xb8;
	[tilespmem:$0x1E000] =	vst v63  }
0x1b4: {  	_ =	swait.ge [sflag:s24], $0x4000  }
0x1b5: {  	[sflag:s24] =	ssyncset.done $0x0  }
0x1b6: {  	s9 =	rddreg [dreg:$0xc];
	[sflag:s24] =	ssyncadd.s32 $0xFFFFC000  }
0x1b7: {  	[spmem:s1] =	stream.indirect.scatter.add.f32 [tilespmem:s22], [sflag:$0x5], $0x80, s9, s18, $0xb8;
	[tilespmem:$0x1E000] =	vst v63  }
0x1b8: {  	_ =	swait.ge [sflag:s15], $0x4000  }
0x1b9: {  	[sflag:s15] =	ssyncset.done $0x0  }
0x1ba: {  	s10 =	rddreg [dreg:$0xd];
	[sflag:s15] =	ssyncadd.s32 $0xFFFFC000  }
0x1bb: {  	[tilespmem:s22], [sflag:$0x2] =	stream.indirect.gather [hbm4b:s4+s18], $0x80, s10, s18, $0xb8;
	[tilespmem:$0x1E000] =	vst v63  }
0x1bc: {  	_ =	swait.ge [sflag:s23], $0x4000  }
0x1bd: {  	[sflag:s23] =	ssyncset.done $0x0  }
0x1be: {  	s5 =	rddreg [dreg:$0xe];
	[sflag:s23] =	ssyncadd.s32 $0xFFFFC000  }
0x1bf: {  	[spmem:s1] =	stream.indirect.scatter.add.f32 [tilespmem:s19], [sflag:$0x5], $0x80, s5, s18, $0xb8;
	[tilespmem:$0x1E000] =	vst v63  }
0x1c0: {  	_ =	swait.ge [sflag:s15], $0x4000  }
0x1c1: {  	[sflag:s15] =	ssyncset.done $0x0  }
0x1c2: {  	s9 =	rddreg [dreg:$0xf];
	[sflag:s15] =	ssyncadd.s32 $0xFFFFC000  }
0x1c3: {  	[tilespmem:s19], [sflag:$0x1] =	stream.indirect.gather [hbm4b:s4+s18], $0x80, s9, s18, $0xb8;
	[tilespmem:$0x1E000] =	vst v63  }
0x1c4: {  	_ =	swait.ge [sflag:s24], $0x4000  }
0x1c5: {  	[sflag:s24] =	ssyncset.done $0x0  }
0x1c6: {  	s10 =	rddreg [dreg:$0x10];
	[sflag:s24] =	ssyncadd.s32 $0xFFFFC000  }
0x1c7: {  	[spmem:s1] =	stream.indirect.scatter.add.f32 [tilespmem:s22], [sflag:$0x5], $0x80, s10, s18, $0xb8;
	[tilespmem:$0x1E000] =	vst v63  }
0x1c8: {  	_ =	swait.ge [sflag:s15], $0x4000  }
0x1c9: {  	[sflag:s15] =	ssyncset.done $0x0  }
0x1ca: {  	s5 =	rddreg [dreg:$0x11];
	[sflag:s15] =	ssyncadd.s32 $0xFFFFC000  }
0x1cb: {  	[tilespmem:s22], [sflag:$0x2] =	stream.indirect.gather [hbm4b:s4+s18], $0x80, s5, s18, $0xb8;
	[tilespmem:$0x1E000] =	vst v63  }
0x1cc: {  	_ =	swait.ge [sflag:s23], $0x4000  }
0x1cd: {  	[sflag:s23] =	ssyncset.done $0x0  }
0x1ce: {  	s9 =	rddreg [dreg:$0x12];
	[sflag:s23] =	ssyncadd.s32 $0xFFFFC000  }
0x1cf: {  	[spmem:s1] =	stream.indirect.scatter.add.f32 [tilespmem:s19], [sflag:$0x5], $0x80, s9, s18, $0xb8;
	[tilespmem:$0x1E000] =	vst v63  }
0x1d0: {  	_ =	swait.ge [sflag:s15], $0x4000  }
0x1d1: {  	[sflag:s15] =	ssyncset.done $0x0  }
0x1d2: {  	s10 =	rddreg [dreg:$0x13];
	[sflag:s15] =	ssyncadd.s32 $0xFFFFC000  }
0x1d3: {  	[tilespmem:s19], [sflag:$0x1] =	stream.indirect.gather [hbm4b:s4+s18], $0x80, s10, s18, $0xb8;
	[tilespmem:$0x1E000] =	vst v63  }
0x1d4: {  	_ =	swait.ge [sflag:s24], $0x4000  }
0x1d5: {  	[sflag:s24] =	ssyncset.done $0x0  }
0x1d6: {  	s5 =	rddreg [dreg:$0x14];
	[sflag:s24] =	ssyncadd.s32 $0xFFFFC000  }
0x1d7: {  	[spmem:s1] =	stream.indirect.scatter.add.f32 [tilespmem:s22], [sflag:$0x5], $0x80, s5, s18, $0xb8;
	[tilespmem:$0x1E000] =	vst v63  }
0x1d8: {  	_ =	swait.ge [sflag:s15], $0x4000  }
0x1d9: {  	[sflag:s15] =	ssyncset.done $0x0  }
0x1da: {  	s9 =	rddreg [dreg:$0x15];
	[sflag:s15] =	ssyncadd.s32 $0xFFFFC000  }
0x1db: {  	[tilespmem:s22], [sflag:$0x2] =	stream.indirect.gather [hbm4b:s4+s18], $0x80, s9, s18, $0xb8;
	[tilespmem:$0x1E000] =	vst v63  }
0x1dc: {  	_ =	swait.ge [sflag:s23], $0x4000  }
0x1dd: {  	[sflag:s23] =	ssyncset.done $0x0  }
0x1de: {  	s10 =	rddreg [dreg:$0x16];
	[sflag:s23] =	ssyncadd.s32 $0xFFFFC000  }
0x1df: {  	[spmem:s1] =	stream.indirect.scatter.add.f32 [tilespmem:s19], [sflag:$0x5], $0x80, s10, s18, $0xb8;
	[tilespmem:$0x1E000] =	vst v63  }
0x1e0: {  	_ =	swait.ge [sflag:s15], $0x4000  }
0x1e1: {  	[sflag:s15] =	ssyncset.done $0x0  }
0x1e2: {  	s5 =	rddreg [dreg:$0x17];
	[sflag:s15] =	ssyncadd.s32 $0xFFFFC000  }
0x1e3: {  	[tilespmem:s19], [sflag:$0x1] =	stream.indirect.gather [hbm4b:s4+s18], $0x80, s5, s18, $0xb8;
	[tilespmem:$0x1E000] =	vst v63  }
0x1e4: {  	_ =	swait.ge [sflag:s24], $0x4000  }
0x1e5: {  	[sflag:s24] =	ssyncset.done $0x0  }
0x1e6: {  	s9 =	rddreg [dreg:$0x18];
	[sflag:s24] =	ssyncadd.s32 $0xFFFFC000  }
0x1e7: {  	[spmem:s1] =	stream.indirect.scatter.add.f32 [tilespmem:s22], [sflag:$0x5], $0x80, s9, s18, $0xb8;
	[tilespmem:$0x1E000] =	vst v63  }
0x1e8: {  	_ =	swait.ge [sflag:s15], $0x4000  }
0x1e9: {  	[sflag:s15] =	ssyncset.done $0x0  }
0x1ea: {  	s10 =	rddreg [dreg:$0x19];
	[sflag:s15] =	ssyncadd.s32 $0xFFFFC000  }
0x1eb: {  	[tilespmem:s22], [sflag:$0x2] =	stream.indirect.gather [hbm4b:s4+s18], $0x80, s10, s18, $0xb8;
	[tilespmem:$0x1E000] =	vst v63  }
0x1ec: {  	_ =	swait.ge [sflag:s23], $0x4000  }
0x1ed: {  	[sflag:s23] =	ssyncset.done $0x0  }
0x1ee: {  	s5 =	rddreg [dreg:$0x1a];
	[sflag:s23] =	ssyncadd.s32 $0xFFFFC000  }
0x1ef: {  	[spmem:s1] =	stream.indirect.scatter.add.f32 [tilespmem:s19], [sflag:$0x5], $0x80, s5, s18, $0xb8;
	[tilespmem:$0x1E000] =	vst v63  }
0x1f0: {  	_ =	swait.ge [sflag:s15], $0x4000  }
0x1f1: {  	[sflag:s15] =	ssyncset.done $0x0  }
0x1f2: {  	s9 =	rddreg [dreg:$0x1b];
	[sflag:s15] =	ssyncadd.s32 $0xFFFFC000  }
0x1f3: {  	[tilespmem:s19], [sflag:$0x1] =	stream.indirect.gather [hbm4b:s4+s18], $0x80, s9, s18, $0xb8;
	[tilespmem:$0x1E000] =	vst v63  }
0x1f4: {  	_ =	swait.ge [sflag:s24], $0x4000  }
0x1f5: {  	[sflag:s24] =	ssyncset.done $0x0  }
0x1f6: {  	s10 =	rddreg [dreg:$0x1c];
	[sflag:s24] =	ssyncadd.s32 $0xFFFFC000  }
0x1f7: {  	[spmem:s1] =	stream.indirect.scatter.add.f32 [tilespmem:s22], [sflag:$0x5], $0x80, s10, s18, $0xb8;
	[tilespmem:$0x1E000] =	vst v63  }
0x1f8: {  	_ =	swait.ge [sflag:s15], $0x4000  }
0x1f9: {  	[sflag:s15] =	ssyncset.done $0x0  }
0x1fa: {  	s5 =	rddreg [dreg:$0x1d];
	[sflag:s15] =	ssyncadd.s32 $0xFFFFC000  }
0x1fb: {  	[tilespmem:s22], [sflag:$0x2] =	stream.indirect.gather [hbm4b:s4+s18], $0x80, s5, s18, $0xb8;
	[tilespmem:$0x1E000] =	vst v63  }
0x1fc: {  	_ =	swait.ge [sflag:s23], $0x4000  }
0x1fd: {  	[sflag:s23] =	ssyncset.done $0x0  }
0x1fe: {  	s9 =	rddreg [dreg:$0x1e];
	[sflag:s23] =	ssyncadd.s32 $0xFFFFC000  }
0x1ff: {  	[spmem:s1] =	stream.indirect.scatter.add.f32 [tilespmem:s19], [sflag:$0x5], $0x80, s9, s18, $0xb8;
	[tilespmem:$0x1E000] =	vst v63  }
0x200: {  	_ =	swait.ge [sflag:s15], $0x4000  }
0x201: {  	[sflag:s15] =	ssyncset.done $0x0  }
0x202: {  	[sflag:s15] =	ssyncadd.s32 $0xFFFFC000  }
0x203: {  	_ =	swait.ge [sflag:s25], $0x800  }
0x204: {  	[sflag:s25] =	ssyncset.done $0x0  }
0x205: {  	[sflag:s25] =	ssyncadd.s32 $0xFFFFF800  }
0x206: {  	_ =	swait.ge [sflag:s25], $0x800  }
0x207: {  	[sflag:s25] =	ssyncset.done $0x0  }
0x208: {  	[sflag:s25] =	ssyncadd.s32 $0xFFFFF800  }
0x209: {  	[tilespmem:s19], [sflag:$0x1] =	stream.indirect.gather [hbm4b:s4+s18], $0x80, s20, s18, $0xb8;
	[tilespmem:$0x1E000] =	vst v63  }
0x20a: {  	_ =	swait.ge [sflag:s24], $0x4000  }
0x20b: {  	[sflag:s24] =	ssyncset.done $0x0  }
0x20c: {  	s10 =	rddreg [dreg:$0x1f];
	[sflag:s24] =	ssyncadd.s32 $0xFFFFC000  }
0x20d: {  	[spmem:s1] =	stream.indirect.scatter.add.f32 [tilespmem:s22], [sflag:$0x5], $0x80, s10, s18, $0xb8;
	[tilespmem:$0x1E000] =	vst v63  }
0x20e: {  	p1 =	seq.s32 s30, $0x800;
	_ =	swait.ge [sflag:s15], $0x4000  }
0x20f: {  	s3 =	sadd.s32 @!p1 s30, s13;
	s5 =	sadd.s32 @!p1 s30, s8;
	[sflag:s15] =	ssyncset.done $0x0  }
0x210: {  	s9 =	sadd.s32 @!p1 $0x200, s3;
	s3 =	simm.s32 @!p1 $0x0;
	[sflag:s15] =	ssyncadd.s32 $0xFFFFC000  }
0x211: {  	[tilespmem:s3], [sflag:$0x3] =	stream.linear.gather @!p1 [hbm4b:s9+s3], $0x800, $0x38;
	[tilespmem:$0x1E000] =	vst v63  }
0x212: {  	s5 =	sadd.s32 @!p1 $0x200, s5;
	s10 =	sld [smem:$0x7E0];
	s9 =	simm.s32 @!p1 $0x800  }
0x213: {  	[tilespmem:s9], [sflag:$0x3] =	stream.linear.gather @!p1 [hbm4b:s5+s3], $0x800, $0x38;
	[tilespmem:$0x1E000] =	vst v63  }
0x214: {  	_ = 	snop  }
0x215: {  	[tilespmem:s22], [sflag:$0x2] =	stream.indirect.gather [hbm4b:s4+s18], $0x80, s10, s18, $0xb8;
	[tilespmem:$0x1E000] =	vst v63  }
0x216: {  	_ =	swait.ge [sflag:s23], $0x4000  }
0x217: {  	[sflag:s23] =	ssyncset.done $0x0  }
0x218: {  	[sflag:s23] =	ssyncadd.s32 $0xFFFFC000  }
0x219: {  	[spmem:s1] =	stream.indirect.scatter.add.f32 [tilespmem:s19], [sflag:$0x5], $0x80, s21, s18, $0xb8;
	[tilespmem:$0x1E000] =	vst v63  }
0x21a: {  	_ =	swait.ge [sflag:s15], $0x4000  }
0x21b: {  	s5 =	sld [smem:$0x7E1]  }
0x21c: {  	[sflag:s15] =	ssyncset.done $0x0  }
0x21d: {  	[sflag:s15] =	ssyncadd.s32 $0xFFFFC000  }
0x21e: {  	[tilespmem:s19], [sflag:$0x1] =	stream.indirect.gather [hbm4b:s4+s18], $0x80, s5, s18, $0xb8;
	[tilespmem:$0x1E000] =	vst v63  }
0x21f: {  	_ =	swait.ge [sflag:s24], $0x4000  }
0x220: {  	s9 =	sld [smem:$0x7E2]  }
0x221: {  	[sflag:s24] =	ssyncset.done $0x0  }
0x222: {  	[sflag:s24] =	ssyncadd.s32 $0xFFFFC000  }
0x223: {  	[spmem:s1] =	stream.indirect.scatter.add.f32 [tilespmem:s22], [sflag:$0x5], $0x80, s9, s18, $0xb8;
	[tilespmem:$0x1E000] =	vst v63  }
0x224: {  	_ =	swait.ge [sflag:s15], $0x4000  }
0x225: {  	s10 =	sld [smem:$0x7E3]  }
0x226: {  	[sflag:s15] =	ssyncset.done $0x0  }
0x227: {  	[sflag:s15] =	ssyncadd.s32 $0xFFFFC000  }
0x228: {  	[tilespmem:s22], [sflag:$0x2] =	stream.indirect.gather [hbm4b:s4+s18], $0x80, s10, s18, $0xb8;
	[tilespmem:$0x1E000] =	vst v63  }
0x229: {  	_ =	swait.ge [sflag:s23], $0x4000  }
0x22a: {  	s5 =	sld [smem:$0x7E4]  }
0x22b: {  	[sflag:s23] =	ssyncset.done $0x0  }
0x22c: {  	[sflag:s23] =	ssyncadd.s32 $0xFFFFC000  }
0x22d: {  	[spmem:s1] =	stream.indirect.scatter.add.f32 [tilespmem:s19], [sflag:$0x5], $0x80, s5, s18, $0xb8;
	[tilespmem:$0x1E000] =	vst v63  }
0x22e: {  	_ =	swait.ge [sflag:s15], $0x4000  }
0x22f: {  	s9 =	sld [smem:$0x7E5]  }
0x230: {  	[sflag:s15] =	ssyncset.done $0x0  }
0x231: {  	[sflag:s15] =	ssyncadd.s32 $0xFFFFC000  }
0x232: {  	[tilespmem:s19], [sflag:$0x1] =	stream.indirect.gather [hbm4b:s4+s18], $0x80, s9, s18, $0xb8;
	[tilespmem:$0x1E000] =	vst v63  }
0x233: {  	_ =	swait.ge [sflag:s24], $0x4000  }
0x234: {  	s10 =	sld [smem:$0x7E6]  }
0x235: {  	[sflag:s24] =	ssyncset.done $0x0  }
0x236: {  	[sflag:s24] =	ssyncadd.s32 $0xFFFFC000  }
0x237: {  	[spmem:s1] =	stream.indirect.scatter.add.f32 [tilespmem:s22], [sflag:$0x5], $0x80, s10, s18, $0xb8;
	[tilespmem:$0x1E000] =	vst v63  }
0x238: {  	_ =	swait.ge [sflag:s15], $0x4000  }
0x239: {  	s5 =	sld [smem:$0x7E7]  }
0x23a: {  	[sflag:s15] =	ssyncset.done $0x0  }
0x23b: {  	[sflag:s15] =	ssyncadd.s32 $0xFFFFC000  }
0x23c: {  	[tilespmem:s22], [sflag:$0x2] =	stream.indirect.gather [hbm4b:s4+s18], $0x80, s5, s18, $0xb8;
	[tilespmem:$0x1E000] =	vst v63  }
0x23d: {  	_ =	swait.ge [sflag:s23], $0x4000  }
0x23e: {  	s9 =	sld [smem:$0x7E8]  }
0x23f: {  	[sflag:s23] =	ssyncset.done $0x0  }
0x240: {  	[sflag:s23] =	ssyncadd.s32 $0xFFFFC000  }
0x241: {  	[spmem:s1] =	stream.indirect.scatter.add.f32 [tilespmem:s19], [sflag:$0x5], $0x80, s9, s18, $0xb8;
	[tilespmem:$0x1E000] =	vst v63  }
0x242: {  	_ =	swait.ge [sflag:s15], $0x4000  }
0x243: {  	s10 =	sld [smem:$0x7E9]  }
0x244: {  	[sflag:s15] =	ssyncset.done $0x0  }
0x245: {  	[sflag:s15] =	ssyncadd.s32 $0xFFFFC000  }
0x246: {  	[tilespmem:s19], [sflag:$0x1] =	stream.indirect.gather [hbm4b:s4+s18], $0x80, s10, s18, $0xb8;
	[tilespmem:$0x1E000] =	vst v63  }
0x247: {  	_ =	swait.ge [sflag:s24], $0x4000  }
0x248: {  	s5 =	sld [smem:$0x7EB]  }
0x249: {  	[sflag:s24] =	ssyncset.done $0x0  }
0x24a: {  	[sflag:s24] =	ssyncadd.s32 $0xFFFFC000  }
0x24b: {  	[spmem:s1] =	stream.indirect.scatter.add.f32 [tilespmem:s22], [sflag:$0x5], $0x80, s5, s18, $0xb8;
	[tilespmem:$0x1E000] =	vst v63  }
0x24c: {  	_ =	swait.ge [sflag:s15], $0x4000  }
0x24d: {  	s9 =	sld [smem:$0x7ED]  }
0x24e: {  	[sflag:s15] =	ssyncset.done $0x0  }
0x24f: {  	[sflag:s15] =	ssyncadd.s32 $0xFFFFC000  }
0x250: {  	[tilespmem:s22], [sflag:$0x2] =	stream.indirect.gather [hbm4b:s4+s18], $0x80, s9, s18, $0xb8;
	[tilespmem:$0x1E000] =	vst v63  }
0x251: {  	_ =	swait.ge [sflag:s23], $0x4000  }
0x252: {  	s10 =	sld [smem:$0x7EE]  }
0x253: {  	[sflag:s23] =	ssyncset.done $0x0  }
0x254: {  	[sflag:s23] =	ssyncadd.s32 $0xFFFFC000  }
0x255: {  	[spmem:s1] =	stream.indirect.scatter.add.f32 [tilespmem:s19], [sflag:$0x5], $0x80, s10, s18, $0xb8;
	[tilespmem:$0x1E000] =	vst v63  }
0x256: {  	_ =	swait.ge [sflag:s15], $0x4000  }
0x257: {  	s5 =	sld [smem:$0x7EF]  }
0x258: {  	[sflag:s15] =	ssyncset.done $0x0  }
0x259: {  	[sflag:s15] =	ssyncadd.s32 $0xFFFFC000  }
0x25a: {  	[tilespmem:s19], [sflag:$0x1] =	stream.indirect.gather [hbm4b:s4+s18], $0x80, s5, s18, $0xb8;
	[tilespmem:$0x1E000] =	vst v63  }
0x25b: {  	_ =	swait.ge [sflag:s24], $0x4000  }
0x25c: {  	s9 =	sld [smem:$0x7F0]  }
0x25d: {  	[sflag:s24] =	ssyncset.done $0x0  }
0x25e: {  	[sflag:s24] =	ssyncadd.s32 $0xFFFFC000  }
0x25f: {  	[spmem:s1] =	stream.indirect.scatter.add.f32 [tilespmem:s22], [sflag:$0x5], $0x80, s9, s18, $0xb8;
	[tilespmem:$0x1E000] =	vst v63  }
0x260: {  	_ =	swait.ge [sflag:s15], $0x4000  }
0x261: {  	s10 =	sld [smem:$0x7F1]  }
0x262: {  	[sflag:s15] =	ssyncset.done $0x0  }
0x263: {  	[sflag:s15] =	ssyncadd.s32 $0xFFFFC000  }
0x264: {  	[tilespmem:s22], [sflag:$0x2] =	stream.indirect.gather [hbm4b:s4+s18], $0x80, s10, s18, $0xb8;
	[tilespmem:$0x1E000] =	vst v63  }
0x265: {  	_ =	swait.ge [sflag:s23], $0x4000  }
0x266: {  	s5 =	sld [smem:$0x7F2]  }
0x267: {  	[sflag:s23] =	ssyncset.done $0x0  }
0x268: {  	[sflag:s23] =	ssyncadd.s32 $0xFFFFC000  }
0x269: {  	[spmem:s1] =	stream.indirect.scatter.add.f32 [tilespmem:s19], [sflag:$0x5], $0x80, s5, s18, $0xb8;
	[tilespmem:$0x1E000] =	vst v63  }
0x26a: {  	_ =	swait.ge [sflag:s15], $0x4000  }
0x26b: {  	s9 =	sld [smem:$0x7F3]  }
0x26c: {  	[sflag:s15] =	ssyncset.done $0x0  }
0x26d: {  	[sflag:s15] =	ssyncadd.s32 $0xFFFFC000  }
0x26e: {  	[tilespmem:s19], [sflag:$0x1] =	stream.indirect.gather [hbm4b:s4+s18], $0x80, s9, s18, $0xb8;
	[tilespmem:$0x1E000] =	vst v63  }
0x26f: {  	_ =	swait.ge [sflag:s24], $0x4000  }
0x270: {  	s10 =	sld [smem:$0x7F4]  }
0x271: {  	[sflag:s24] =	ssyncset.done $0x0  }
0x272: {  	[sflag:s24] =	ssyncadd.s32 $0xFFFFC000  }
0x273: {  	[spmem:s1] =	stream.indirect.scatter.add.f32 [tilespmem:s22], [sflag:$0x5], $0x80, s10, s18, $0xb8;
	[tilespmem:$0x1E000] =	vst v63  }
0x274: {  	_ =	swait.ge [sflag:s15], $0x4000  }
0x275: {  	s5 =	sld [smem:$0x7F5]  }
0x276: {  	[sflag:s15] =	ssyncset.done $0x0  }
0x277: {  	[sflag:s15] =	ssyncadd.s32 $0xFFFFC000  }
0x278: {  	[tilespmem:s22], [sflag:$0x2] =	stream.indirect.gather [hbm4b:s4+s18], $0x80, s5, s18, $0xb8;
	[tilespmem:$0x1E000] =	vst v63  }
0x279: {  	_ =	swait.ge [sflag:s23], $0x4000  }
0x27a: {  	s9 =	sld [smem:$0x7F6]  }
0x27b: {  	[sflag:s23] =	ssyncset.done $0x0  }
0x27c: {  	[sflag:s23] =	ssyncadd.s32 $0xFFFFC000  }
0x27d: {  	[spmem:s1] =	stream.indirect.scatter.add.f32 [tilespmem:s19], [sflag:$0x5], $0x80, s9, s18, $0xb8;
	[tilespmem:$0x1E000] =	vst v63  }
0x27e: {  	_ =	swait.ge [sflag:s15], $0x4000  }
0x27f: {  	s10 =	sld [smem:$0x7F7]  }
0x280: {  	[sflag:s15] =	ssyncset.done $0x0  }
0x281: {  	[sflag:s15] =	ssyncadd.s32 $0xFFFFC000  }
0x282: {  	[tilespmem:s19], [sflag:$0x1] =	stream.indirect.gather [hbm4b:s4+s18], $0x80, s10, s18, $0xb8;
	[tilespmem:$0x1E000] =	vst v63  }
0x283: {  	_ =	swait.ge [sflag:s24], $0x4000  }
0x284: {  	s5 =	sld [smem:$0x7F8]  }
0x285: {  	[sflag:s24] =	ssyncset.done $0x0  }
0x286: {  	[sflag:s24] =	ssyncadd.s32 $0xFFFFC000  }
0x287: {  	[spmem:s1] =	stream.indirect.scatter.add.f32 [tilespmem:s22], [sflag:$0x5], $0x80, s5, s18, $0xb8;
	[tilespmem:$0x1E000] =	vst v63  }
0x288: {  	_ =	swait.ge [sflag:s15], $0x4000  }
0x289: {  	s9 =	sld [smem:$0x7F9]  }
0x28a: {  	[sflag:s15] =	ssyncset.done $0x0  }
0x28b: {  	[sflag:s15] =	ssyncadd.s32 $0xFFFFC000  }
0x28c: {  	[tilespmem:s22], [sflag:$0x2] =	stream.indirect.gather [hbm4b:s4+s18], $0x80, s9, s18, $0xb8;
	[tilespmem:$0x1E000] =	vst v63  }
0x28d: {  	_ =	swait.ge [sflag:s23], $0x4000  }
0x28e: {  	s10 =	sld [smem:$0x7FA]  }
0x28f: {  	[sflag:s23] =	ssyncset.done $0x0  }
0x290: {  	[sflag:s23] =	ssyncadd.s32 $0xFFFFC000  }
0x291: {  	[spmem:s1] =	stream.indirect.scatter.add.f32 [tilespmem:s19], [sflag:$0x5], $0x80, s10, s18, $0xb8;
	[tilespmem:$0x1E000] =	vst v63  }
0x292: {  	_ =	swait.ge [sflag:s15], $0x4000  }
0x293: {  	s5 =	sld [smem:$0x7FB]  }
0x294: {  	[sflag:s15] =	ssyncset.done $0x0  }
0x295: {  	[sflag:s15] =	ssyncadd.s32 $0xFFFFC000  }
0x296: {  	[tilespmem:s19], [sflag:$0x1] =	stream.indirect.gather [hbm4b:s4+s18], $0x80, s5, s18, $0xb8;
	[tilespmem:$0x1E000] =	vst v63  }
0x297: {  	_ =	swait.ge [sflag:s24], $0x4000  }
0x298: {  	s9 =	sld [smem:$0x7FC]  }
0x299: {  	[sflag:s24] =	ssyncset.done $0x0  }
0x29a: {  	[sflag:s24] =	ssyncadd.s32 $0xFFFFC000  }
0x29b: {  	[spmem:s1] =	stream.indirect.scatter.add.f32 [tilespmem:s22], [sflag:$0x5], $0x80, s9, s18, $0xb8;
	[tilespmem:$0x1E000] =	vst v63  }
0x29c: {  	_ =	swait.ge [sflag:s15], $0x4000  }
0x29d: {  	s10 =	sld [smem:$0x7FD]  }
0x29e: {  	[sflag:s15] =	ssyncset.done $0x0  }
0x29f: {  	[sflag:s15] =	ssyncadd.s32 $0xFFFFC000  }
0x2a0: {  	[tilespmem:s22], [sflag:$0x2] =	stream.indirect.gather [hbm4b:s4+s18], $0x80, s10, s18, $0xb8;
	[tilespmem:$0x1E000] =	vst v63  }
0x2a1: {  	_ =	swait.ge [sflag:s23], $0x4000  }
0x2a2: {  	[sflag:s23] =	ssyncset.done $0x0  }
0x2a3: {  	[sflag:s23] =	ssyncadd.s32 $0xFFFFC000  }
0x2a4: {  	[spmem:s1] =	stream.indirect.scatter.add.f32 [tilespmem:s19], [sflag:$0x5], $0x80, s26, s18, $0xb8;
	[tilespmem:$0x1E000] =	vst v63  }
0x2a5: {  	_ =	swait.ge [sflag:s15], $0x4000  }
0x2a6: {  	s0 =	smov.u32 s31;
	[sflag:s15] =	ssyncset.done $0x0  }
0x2a7: {  	s30 =	smov.u32 s0;
	s0 =	simm.s32 @!p1 $0x3;
	[sflag:s15] =	ssyncadd.s32 $0xFFFFC000  }
0x2a8: {  	_ =	swait.ge @!p1 [sflag:s0], $0x800  }
0x2a9: {  	[sflag:s0] =	ssyncset.done @!p1 $0x0  }
0x2aa: {  	[sflag:s0] =	ssyncadd.s32 @!p1 $0xFFFFF800  }
0x2ab: {  	s31 =	sadd.s32 $0x200, s31;
	_ =	swait.ge @!p1 [sflag:s0], $0x800  }
0x2ac: {  	p0 =	sne.s32 s31, $0xA00;
	[sflag:s0] =	ssyncset.done @!p1 $0x0  }
0x2ad: {  	s5 =	simm.s32 @!p1 $0x80;
	s9 =	simm.s32 @!p1 $0x2000;
	[sflag:s0] =	ssyncadd.s32 @!p1 $0xFFFFF800  }
0x2ae: {  	[tilespmem:s9], [sflag:$0x1] =	stream.indirect.gather @!p1 [hbm4b:s4+s5], $0x80, s3, s5, $0xb8;
	[tilespmem:$0x1E000] =	vst v63  }
.Ltmp0:
0x2af: {  	_ =	swait.ge [sflag:s24], $0x4000;
	(pc) =	sbr.rel @p0 .LBB2_2-.Ltmp0, $4  }
0x2b0: {  	[sflag:s24] =	ssyncset.done $0x0  }
0x2b1: {  	p1 =	seq.s32 s30, $0x0;
	[sflag:s24] =	ssyncadd.s32 $0xFFFFC000  }
0x2b2: {  	[spmem:s1] =	stream.indirect.scatter.add.f32 [tilespmem:s22], [sflag:$0x5], $0x80, s28, s18, $0xb8;
	[tilespmem:$0x1E000] =	vst v63  }
0x2b3: {  	s0 =	sadd.s32 @!p1 s30, s13;
	s3 =	simm.s32 @!p1 $0x0;
	_ =	swait.ge [sflag:s15], $0x4000  }
0x2b4: {  	[sflag:s15] =	ssyncset.done $0x0  }
0x2b5: {  	s0 =	sadd.s32 @!p1 $0x100, s0;
	s5 =	simm.s32 @!p1 $0x1000;
	[sflag:s15] =	ssyncadd.s32 $0xFFFFC000  }
0x2b6: {  	[tilespmem:s5], [sflag:$0x4] =	stream.linear.gather @!p1 [hbm4b:s0+s3], $0x800, $0x38;
	[tilespmem:$0x1E000] =	vst v63  }
0x2b7: {  	s0 =	sadd.s32 @!p1 s30, s8  }
0x2b8: {  	s5 =	simm.s32 @!p1 $0x1800;
	s0 =	sadd.s32 @!p1 $0x100, s0  }
0x2b9: {  	[tilespmem:s5], [sflag:$0x4] =	stream.linear.gather @!p1 [hbm4b:s0+s3], $0x800, $0x38;
	[tilespmem:$0x1E000] =	vst v63  }
0x2ba: {  	_ = 	snop  }
0x2bb: {  	[tilespmem:s22], [sflag:$0x2] =	stream.indirect.gather [hbm4b:s4+s18], $0x80, s18, s18, $0xb8;
	[tilespmem:$0x1E000] =	vst v63  }
0x2bc: {  	_ =	swait.ge [sflag:s23], $0x4000  }
0x2bd: {  	[sflag:s23] =	ssyncset.done $0x0  }
0x2be: {  	[sflag:s23] =	ssyncadd.s32 $0xFFFFC000  }
0x2bf: {  	[spmem:s1] =	stream.indirect.scatter.add.f32 [tilespmem:s19], [sflag:$0x5], $0x80, s16, s18, $0xb8;
	[tilespmem:$0x1E000] =	vst v63  }
0x2c0: {  	_ =	swait.ge [sflag:s15], $0x4000  }
0x2c1: {  	[sflag:s15] =	ssyncset.done $0x0  }
0x2c2: {  	s31 =	rddreg [dreg:$0x3];
	[sflag:s15] =	ssyncadd.s32 $0xFFFFC000  }
0x2c3: {  	[tilespmem:s19], [sflag:$0x1] =	stream.indirect.gather [hbm4b:s4+s18], $0x80, s31, s18, $0xb8;
	[tilespmem:$0x1E000] =	vst v63  }
0x2c4: {  	_ =	swait.ge [sflag:s24], $0x4000  }
0x2c5: {  	[sflag:s24] =	ssyncset.done $0x0  }
0x2c6: {  	s3 =	rddreg [dreg:$0x4];
	[sflag:s24] =	ssyncadd.s32 $0xFFFFC000  }
0x2c7: {  	[spmem:s1] =	stream.indirect.scatter.add.f32 [tilespmem:s22], [sflag:$0x5], $0x80, s3, s18, $0xb8;
	[tilespmem:$0x1E000] =	vst v63  }
0x2c8: {  	_ =	swait.ge [sflag:s15], $0x4000  }
0x2c9: {  	[sflag:s15] =	ssyncset.done $0x0  }
0x2ca: {  	s5 =	rddreg [dreg:$0x5];
	[sflag:s15] =	ssyncadd.s32 $0xFFFFC000  }
0x2cb: {  	[tilespmem:s22], [sflag:$0x2] =	stream.indirect.gather [hbm4b:s4+s18], $0x80, s5, s18, $0xb8;
	[tilespmem:$0x1E000] =	vst v63  }
0x2cc: {  	_ =	swait.ge [sflag:s23], $0x4000  }
0x2cd: {  	[sflag:s23] =	ssyncset.done $0x0  }
0x2ce: {  	s9 =	rddreg [dreg:$0x6];
	[sflag:s23] =	ssyncadd.s32 $0xFFFFC000  }
0x2cf: {  	[spmem:s1] =	stream.indirect.scatter.add.f32 [tilespmem:s19], [sflag:$0x5], $0x80, s9, s18, $0xb8;
	[tilespmem:$0x1E000] =	vst v63  }
0x2d0: {  	_ =	swait.ge [sflag:s15], $0x4000  }
0x2d1: {  	[sflag:s15] =	ssyncset.done $0x0  }
0x2d2: {  	s10 =	rddreg [dreg:$0x7];
	[sflag:s15] =	ssyncadd.s32 $0xFFFFC000  }
0x2d3: {  	[tilespmem:s19], [sflag:$0x1] =	stream.indirect.gather [hbm4b:s4+s18], $0x80, s10, s18, $0xb8;
	[tilespmem:$0x1E000] =	vst v63  }
0x2d4: {  	_ =	swait.ge [sflag:s24], $0x4000  }
0x2d5: {  	[sflag:s24] =	ssyncset.done $0x0  }
0x2d6: {  	s31 =	rddreg [dreg:$0x8];
	[sflag:s24] =	ssyncadd.s32 $0xFFFFC000  }
0x2d7: {  	[spmem:s1] =	stream.indirect.scatter.add.f32 [tilespmem:s22], [sflag:$0x5], $0x80, s31, s18, $0xb8;
	[tilespmem:$0x1E000] =	vst v63  }
0x2d8: {  	_ =	swait.ge [sflag:s15], $0x4000  }
0x2d9: {  	[sflag:s15] =	ssyncset.done $0x0  }
0x2da: {  	s3 =	rddreg [dreg:$0x9];
	[sflag:s15] =	ssyncadd.s32 $0xFFFFC000  }
0x2db: {  	[tilespmem:s22], [sflag:$0x2] =	stream.indirect.gather [hbm4b:s4+s18], $0x80, s3, s18, $0xb8;
	[tilespmem:$0x1E000] =	vst v63  }
0x2dc: {  	_ =	swait.ge [sflag:s23], $0x4000  }
0x2dd: {  	[sflag:s23] =	ssyncset.done $0x0  }
0x2de: {  	s5 =	rddreg [dreg:$0xa];
	[sflag:s23] =	ssyncadd.s32 $0xFFFFC000  }
0x2df: {  	[spmem:s1] =	stream.indirect.scatter.add.f32 [tilespmem:s19], [sflag:$0x5], $0x80, s5, s18, $0xb8;
	[tilespmem:$0x1E000] =	vst v63  }
0x2e0: {  	_ =	swait.ge [sflag:s15], $0x4000  }
0x2e1: {  	[sflag:s15] =	ssyncset.done $0x0  }
0x2e2: {  	s9 =	rddreg [dreg:$0xb];
	[sflag:s15] =	ssyncadd.s32 $0xFFFFC000  }
0x2e3: {  	[tilespmem:s19], [sflag:$0x1] =	stream.indirect.gather [hbm4b:s4+s18], $0x80, s9, s18, $0xb8;
	[tilespmem:$0x1E000] =	vst v63  }
0x2e4: {  	_ =	swait.ge [sflag:s24], $0x4000  }
0x2e5: {  	[sflag:s24] =	ssyncset.done $0x0  }
0x2e6: {  	s10 =	rddreg [dreg:$0xc];
	[sflag:s24] =	ssyncadd.s32 $0xFFFFC000  }
0x2e7: {  	[spmem:s1] =	stream.indirect.scatter.add.f32 [tilespmem:s22], [sflag:$0x5], $0x80, s10, s18, $0xb8;
	[tilespmem:$0x1E000] =	vst v63  }
0x2e8: {  	_ =	swait.ge [sflag:s15], $0x4000  }
0x2e9: {  	[sflag:s15] =	ssyncset.done $0x0  }
0x2ea: {  	s31 =	rddreg [dreg:$0xd];
	[sflag:s15] =	ssyncadd.s32 $0xFFFFC000  }
0x2eb: {  	[tilespmem:s22], [sflag:$0x2] =	stream.indirect.gather [hbm4b:s4+s18], $0x80, s31, s18, $0xb8;
	[tilespmem:$0x1E000] =	vst v63  }
0x2ec: {  	_ =	swait.ge [sflag:s23], $0x4000  }
0x2ed: {  	[sflag:s23] =	ssyncset.done $0x0  }
0x2ee: {  	s3 =	rddreg [dreg:$0xe];
	[sflag:s23] =	ssyncadd.s32 $0xFFFFC000  }
0x2ef: {  	[spmem:s1] =	stream.indirect.scatter.add.f32 [tilespmem:s19], [sflag:$0x5], $0x80, s3, s18, $0xb8;
	[tilespmem:$0x1E000] =	vst v63  }
0x2f0: {  	_ =	swait.ge [sflag:s15], $0x4000  }
0x2f1: {  	[sflag:s15] =	ssyncset.done $0x0  }
0x2f2: {  	s5 =	rddreg [dreg:$0xf];
	[sflag:s15] =	ssyncadd.s32 $0xFFFFC000  }
0x2f3: {  	[tilespmem:s19], [sflag:$0x1] =	stream.indirect.gather [hbm4b:s4+s18], $0x80, s5, s18, $0xb8;
	[tilespmem:$0x1E000] =	vst v63  }
0x2f4: {  	_ =	swait.ge [sflag:s24], $0x4000  }
0x2f5: {  	[sflag:s24] =	ssyncset.done $0x0  }
0x2f6: {  	s9 =	rddreg [dreg:$0x10];
	[sflag:s24] =	ssyncadd.s32 $0xFFFFC000  }
0x2f7: {  	[spmem:s1] =	stream.indirect.scatter.add.f32 [tilespmem:s22], [sflag:$0x5], $0x80, s9, s18, $0xb8;
	[tilespmem:$0x1E000] =	vst v63  }
0x2f8: {  	_ =	swait.ge [sflag:s15], $0x4000  }
0x2f9: {  	[sflag:s15] =	ssyncset.done $0x0  }
0x2fa: {  	s10 =	rddreg [dreg:$0x11];
	[sflag:s15] =	ssyncadd.s32 $0xFFFFC000  }
0x2fb: {  	[tilespmem:s22], [sflag:$0x2] =	stream.indirect.gather [hbm4b:s4+s18], $0x80, s10, s18, $0xb8;
	[tilespmem:$0x1E000] =	vst v63  }
0x2fc: {  	_ =	swait.ge [sflag:s23], $0x4000  }
0x2fd: {  	[sflag:s23] =	ssyncset.done $0x0  }
0x2fe: {  	s31 =	rddreg [dreg:$0x12];
	[sflag:s23] =	ssyncadd.s32 $0xFFFFC000  }
0x2ff: {  	[spmem:s1] =	stream.indirect.scatter.add.f32 [tilespmem:s19], [sflag:$0x5], $0x80, s31, s18, $0xb8;
	[tilespmem:$0x1E000] =	vst v63  }
0x300: {  	_ =	swait.ge [sflag:s15], $0x4000  }
0x301: {  	[sflag:s15] =	ssyncset.done $0x0  }
0x302: {  	s3 =	rddreg [dreg:$0x13];
	[sflag:s15] =	ssyncadd.s32 $0xFFFFC000  }
0x303: {  	[tilespmem:s19], [sflag:$0x1] =	stream.indirect.gather [hbm4b:s4+s18], $0x80, s3, s18, $0xb8;
	[tilespmem:$0x1E000] =	vst v63  }
0x304: {  	_ =	swait.ge [sflag:s24], $0x4000  }
0x305: {  	[sflag:s24] =	ssyncset.done $0x0  }
0x306: {  	s5 =	rddreg [dreg:$0x14];
	[sflag:s24] =	ssyncadd.s32 $0xFFFFC000  }
0x307: {  	[spmem:s1] =	stream.indirect.scatter.add.f32 [tilespmem:s22], [sflag:$0x5], $0x80, s5, s18, $0xb8;
	[tilespmem:$0x1E000] =	vst v63  }
0x308: {  	_ =	swait.ge [sflag:s15], $0x4000  }
0x309: {  	[sflag:s15] =	ssyncset.done $0x0  }
0x30a: {  	s9 =	rddreg [dreg:$0x15];
	[sflag:s15] =	ssyncadd.s32 $0xFFFFC000  }
0x30b: {  	[tilespmem:s22], [sflag:$0x2] =	stream.indirect.gather [hbm4b:s4+s18], $0x80, s9, s18, $0xb8;
	[tilespmem:$0x1E000] =	vst v63  }
0x30c: {  	_ =	swait.ge [sflag:s23], $0x4000  }
0x30d: {  	[sflag:s23] =	ssyncset.done $0x0  }
0x30e: {  	s10 =	rddreg [dreg:$0x16];
	[sflag:s23] =	ssyncadd.s32 $0xFFFFC000  }
0x30f: {  	[spmem:s1] =	stream.indirect.scatter.add.f32 [tilespmem:s19], [sflag:$0x5], $0x80, s10, s18, $0xb8;
	[tilespmem:$0x1E000] =	vst v63  }
0x310: {  	_ =	swait.ge [sflag:s15], $0x4000  }
0x311: {  	[sflag:s15] =	ssyncset.done $0x0  }
0x312: {  	s31 =	rddreg [dreg:$0x17];
	[sflag:s15] =	ssyncadd.s32 $0xFFFFC000  }
0x313: {  	[tilespmem:s19], [sflag:$0x1] =	stream.indirect.gather [hbm4b:s4+s18], $0x80, s31, s18, $0xb8;
	[tilespmem:$0x1E000] =	vst v63  }
0x314: {  	_ =	swait.ge [sflag:s24], $0x4000  }
0x315: {  	[sflag:s24] =	ssyncset.done $0x0  }
0x316: {  	s3 =	rddreg [dreg:$0x18];
	[sflag:s24] =	ssyncadd.s32 $0xFFFFC000  }
0x317: {  	[spmem:s1] =	stream.indirect.scatter.add.f32 [tilespmem:s22], [sflag:$0x5], $0x80, s3, s18, $0xb8;
	[tilespmem:$0x1E000] =	vst v63  }
0x318: {  	_ =	swait.ge [sflag:s15], $0x4000  }
0x319: {  	[sflag:s15] =	ssyncset.done $0x0  }
0x31a: {  	s5 =	rddreg [dreg:$0x19];
	[sflag:s15] =	ssyncadd.s32 $0xFFFFC000  }
0x31b: {  	[tilespmem:s22], [sflag:$0x2] =	stream.indirect.gather [hbm4b:s4+s18], $0x80, s5, s18, $0xb8;
	[tilespmem:$0x1E000] =	vst v63  }
0x31c: {  	_ =	swait.ge [sflag:s23], $0x4000  }
0x31d: {  	[sflag:s23] =	ssyncset.done $0x0  }
0x31e: {  	s9 =	rddreg [dreg:$0x1a];
	[sflag:s23] =	ssyncadd.s32 $0xFFFFC000  }
0x31f: {  	[spmem:s1] =	stream.indirect.scatter.add.f32 [tilespmem:s19], [sflag:$0x5], $0x80, s9, s18, $0xb8;
	[tilespmem:$0x1E000] =	vst v63  }
0x320: {  	_ =	swait.ge [sflag:s15], $0x4000  }
0x321: {  	[sflag:s15] =	ssyncset.done $0x0  }
0x322: {  	s10 =	rddreg [dreg:$0x1b];
	[sflag:s15] =	ssyncadd.s32 $0xFFFFC000  }
0x323: {  	[tilespmem:s19], [sflag:$0x1] =	stream.indirect.gather [hbm4b:s4+s18], $0x80, s10, s18, $0xb8;
	[tilespmem:$0x1E000] =	vst v63  }
0x324: {  	_ =	swait.ge [sflag:s24], $0x4000  }
0x325: {  	[sflag:s24] =	ssyncset.done $0x0  }
0x326: {  	s31 =	rddreg [dreg:$0x1c];
	[sflag:s24] =	ssyncadd.s32 $0xFFFFC000  }
0x327: {  	[spmem:s1] =	stream.indirect.scatter.add.f32 [tilespmem:s22], [sflag:$0x5], $0x80, s31, s18, $0xb8;
	[tilespmem:$0x1E000] =	vst v63  }
0x328: {  	_ =	swait.ge [sflag:s15], $0x4000  }
0x329: {  	[sflag:s15] =	ssyncset.done $0x0  }
0x32a: {  	s3 =	rddreg [dreg:$0x1d];
	[sflag:s15] =	ssyncadd.s32 $0xFFFFC000  }
0x32b: {  	[tilespmem:s22], [sflag:$0x2] =	stream.indirect.gather [hbm4b:s4+s18], $0x80, s3, s18, $0xb8;
	[tilespmem:$0x1E000] =	vst v63  }
0x32c: {  	_ =	swait.ge [sflag:s23], $0x4000  }
0x32d: {  	[sflag:s23] =	ssyncset.done $0x0  }
0x32e: {  	s5 =	rddreg [dreg:$0x1e];
	[sflag:s23] =	ssyncadd.s32 $0xFFFFC000  }
0x32f: {  	[spmem:s1] =	stream.indirect.scatter.add.f32 [tilespmem:s19], [sflag:$0x5], $0x80, s5, s18, $0xb8;
	[tilespmem:$0x1E000] =	vst v63  }
0x330: {  	_ =	swait.ge [sflag:s15], $0x4000  }
0x331: {  	[sflag:s15] =	ssyncset.done $0x0  }
0x332: {  	[sflag:s15] =	ssyncadd.s32 $0xFFFFC000  }
0x333: {  	_ =	swait.ge [sflag:s25], $0x800  }
0x334: {  	[sflag:s25] =	ssyncset.done $0x0  }
0x335: {  	[sflag:s25] =	ssyncadd.s32 $0xFFFFF800  }
0x336: {  	_ =	swait.ge [sflag:s25], $0x800  }
0x337: {  	[sflag:s25] =	ssyncset.done $0x0  }
0x338: {  	[sflag:s25] =	ssyncadd.s32 $0xFFFFF800  }
0x339: {  	[tilespmem:s19], [sflag:$0x1] =	stream.indirect.gather [hbm4b:s4+s18], $0x80, s20, s18, $0xb8;
	[tilespmem:$0x1E000] =	vst v63  }
0x33a: {  	_ =	swait.ge [sflag:s24], $0x4000  }
0x33b: {  	[sflag:s24] =	ssyncset.done $0x0  }
0x33c: {  	s9 =	rddreg [dreg:$0x1f];
	[sflag:s24] =	ssyncadd.s32 $0xFFFFC000  }
0x33d: {  	[spmem:s1] =	stream.indirect.scatter.add.f32 [tilespmem:s22], [sflag:$0x5], $0x80, s9, s18, $0xb8;
	[tilespmem:$0x1E000] =	vst v63  }
0x33e: {  	p0 =	seq.s32 s30, $0x800;
	_ =	swait.ge [sflag:s15], $0x4000  }
0x33f: {  	s0 =	sadd.s32 @!p0 s30, s13;
	s3 =	sadd.s32 @!p0 s30, s8;
	[sflag:s15] =	ssyncset.done $0x0  }
0x340: {  	s5 =	sadd.s32 @!p0 $0x200, s0;
	s0 =	simm.s32 @!p0 $0x0;
	[sflag:s15] =	ssyncadd.s32 $0xFFFFC000  }
0x341: {  	[tilespmem:s0], [sflag:$0x3] =	stream.linear.gather @!p0 [hbm4b:s5+s0], $0x800, $0x38;
	[tilespmem:$0x1E000] =	vst v63  }
0x342: {  	s3 =	sadd.s32 @!p0 $0x200, s3;
	s9 =	simm.s32 @!p0 $0x800;
	s10 =	sld [smem:$0x7E0]  }
0x343: {  	[tilespmem:s9], [sflag:$0x3] =	stream.linear.gather @!p0 [hbm4b:s3+s0], $0x800, $0x38;
	[tilespmem:$0x1E000] =	vst v63  }
0x344: {  	_ = 	snop  }
0x345: {  	[tilespmem:s22], [sflag:$0x2] =	stream.indirect.gather [hbm4b:s4+s18], $0x80, s10, s18, $0xb8;
	[tilespmem:$0x1E000] =	vst v63  }
0x346: {  	_ =	swait.ge [sflag:s23], $0x4000  }
0x347: {  	[sflag:s23] =	ssyncset.done $0x0  }
0x348: {  	[sflag:s23] =	ssyncadd.s32 $0xFFFFC000  }
0x349: {  	[spmem:s1] =	stream.indirect.scatter.add.f32 [tilespmem:s19], [sflag:$0x5], $0x80, s21, s18, $0xb8;
	[tilespmem:$0x1E000] =	vst v63  }
0x34a: {  	_ =	swait.ge [sflag:s15], $0x4000  }
0x34b: {  	s30 =	sld [smem:$0x7E1]  }
0x34c: {  	[sflag:s15] =	ssyncset.done $0x0  }
0x34d: {  	[sflag:s15] =	ssyncadd.s32 $0xFFFFC000  }
0x34e: {  	[tilespmem:s19], [sflag:$0x1] =	stream.indirect.gather [hbm4b:s4+s18], $0x80, s30, s18, $0xb8;
	[tilespmem:$0x1E000] =	vst v63  }
0x34f: {  	_ =	swait.ge [sflag:s24], $0x4000  }
0x350: {  	s31 =	sld [smem:$0x7E2]  }
0x351: {  	[sflag:s24] =	ssyncset.done $0x0  }
0x352: {  	[sflag:s24] =	ssyncadd.s32 $0xFFFFC000  }
0x353: {  	[spmem:s1] =	stream.indirect.scatter.add.f32 [tilespmem:s22], [sflag:$0x5], $0x80, s31, s18, $0xb8;
	[tilespmem:$0x1E000] =	vst v63  }
0x354: {  	_ =	swait.ge [sflag:s15], $0x4000  }
0x355: {  	s5 =	sld [smem:$0x7E3]  }
0x356: {  	[sflag:s15] =	ssyncset.done $0x0  }
0x357: {  	[sflag:s15] =	ssyncadd.s32 $0xFFFFC000  }
0x358: {  	[tilespmem:s22], [sflag:$0x2] =	stream.indirect.gather [hbm4b:s4+s18], $0x80, s5, s18, $0xb8;
	[tilespmem:$0x1E000] =	vst v63  }
0x359: {  	_ =	swait.ge [sflag:s23], $0x4000  }
0x35a: {  	s9 =	sld [smem:$0x7E4]  }
0x35b: {  	[sflag:s23] =	ssyncset.done $0x0  }
0x35c: {  	[sflag:s23] =	ssyncadd.s32 $0xFFFFC000  }
0x35d: {  	[spmem:s1] =	stream.indirect.scatter.add.f32 [tilespmem:s19], [sflag:$0x5], $0x80, s9, s18, $0xb8;
	[tilespmem:$0x1E000] =	vst v63  }
0x35e: {  	_ =	swait.ge [sflag:s15], $0x4000  }
0x35f: {  	s10 =	sld [smem:$0x7E5]  }
0x360: {  	[sflag:s15] =	ssyncset.done $0x0  }
0x361: {  	[sflag:s15] =	ssyncadd.s32 $0xFFFFC000  }
0x362: {  	[tilespmem:s19], [sflag:$0x1] =	stream.indirect.gather [hbm4b:s4+s18], $0x80, s10, s18, $0xb8;
	[tilespmem:$0x1E000] =	vst v63  }
0x363: {  	_ =	swait.ge [sflag:s24], $0x4000  }
0x364: {  	s30 =	sld [smem:$0x7E6]  }
0x365: {  	[sflag:s24] =	ssyncset.done $0x0  }
0x366: {  	[sflag:s24] =	ssyncadd.s32 $0xFFFFC000  }
0x367: {  	[spmem:s1] =	stream.indirect.scatter.add.f32 [tilespmem:s22], [sflag:$0x5], $0x80, s30, s18, $0xb8;
	[tilespmem:$0x1E000] =	vst v63  }
0x368: {  	_ =	swait.ge [sflag:s15], $0x4000  }
0x369: {  	s31 =	sld [smem:$0x7E7]  }
0x36a: {  	[sflag:s15] =	ssyncset.done $0x0  }
0x36b: {  	[sflag:s15] =	ssyncadd.s32 $0xFFFFC000  }
0x36c: {  	[tilespmem:s22], [sflag:$0x2] =	stream.indirect.gather [hbm4b:s4+s18], $0x80, s31, s18, $0xb8;
	[tilespmem:$0x1E000] =	vst v63  }
0x36d: {  	_ =	swait.ge [sflag:s23], $0x4000  }
0x36e: {  	s5 =	sld [smem:$0x7E8]  }
0x36f: {  	[sflag:s23] =	ssyncset.done $0x0  }
0x370: {  	[sflag:s23] =	ssyncadd.s32 $0xFFFFC000  }
0x371: {  	[spmem:s1] =	stream.indirect.scatter.add.f32 [tilespmem:s19], [sflag:$0x5], $0x80, s5, s18, $0xb8;
	[tilespmem:$0x1E000] =	vst v63  }
0x372: {  	_ =	swait.ge [sflag:s15], $0x4000  }
0x373: {  	s9 =	sld [smem:$0x7E9]  }
0x374: {  	[sflag:s15] =	ssyncset.done $0x0  }
0x375: {  	[sflag:s15] =	ssyncadd.s32 $0xFFFFC000  }
0x376: {  	[tilespmem:s19], [sflag:$0x1] =	stream.indirect.gather [hbm4b:s4+s18], $0x80, s9, s18, $0xb8;
	[tilespmem:$0x1E000] =	vst v63  }
0x377: {  	_ =	swait.ge [sflag:s24], $0x4000  }
0x378: {  	s10 =	sld [smem:$0x7EB]  }
0x379: {  	[sflag:s24] =	ssyncset.done $0x0  }
0x37a: {  	[sflag:s24] =	ssyncadd.s32 $0xFFFFC000  }
0x37b: {  	[spmem:s1] =	stream.indirect.scatter.add.f32 [tilespmem:s22], [sflag:$0x5], $0x80, s10, s18, $0xb8;
	[tilespmem:$0x1E000] =	vst v63  }
0x37c: {  	_ =	swait.ge [sflag:s15], $0x4000  }
0x37d: {  	s30 =	sld [smem:$0x7ED]  }
0x37e: {  	[sflag:s15] =	ssyncset.done $0x0  }
0x37f: {  	[sflag:s15] =	ssyncadd.s32 $0xFFFFC000  }
0x380: {  	[tilespmem:s22], [sflag:$0x2] =	stream.indirect.gather [hbm4b:s4+s18], $0x80, s30, s18, $0xb8;
	[tilespmem:$0x1E000] =	vst v63  }
0x381: {  	_ =	swait.ge [sflag:s23], $0x4000  }
0x382: {  	s31 =	sld [smem:$0x7EE]  }
0x383: {  	[sflag:s23] =	ssyncset.done $0x0  }
0x384: {  	[sflag:s23] =	ssyncadd.s32 $0xFFFFC000  }
0x385: {  	[spmem:s1] =	stream.indirect.scatter.add.f32 [tilespmem:s19], [sflag:$0x5], $0x80, s31, s18, $0xb8;
	[tilespmem:$0x1E000] =	vst v63  }
0x386: {  	_ =	swait.ge [sflag:s15], $0x4000  }
0x387: {  	s5 =	sld [smem:$0x7EF]  }
0x388: {  	[sflag:s15] =	ssyncset.done $0x0  }
0x389: {  	[sflag:s15] =	ssyncadd.s32 $0xFFFFC000  }
0x38a: {  	[tilespmem:s19], [sflag:$0x1] =	stream.indirect.gather [hbm4b:s4+s18], $0x80, s5, s18, $0xb8;
	[tilespmem:$0x1E000] =	vst v63  }
0x38b: {  	_ =	swait.ge [sflag:s24], $0x4000  }
0x38c: {  	s9 =	sld [smem:$0x7F0]  }
0x38d: {  	[sflag:s24] =	ssyncset.done $0x0  }
0x38e: {  	[sflag:s24] =	ssyncadd.s32 $0xFFFFC000  }
0x38f: {  	[spmem:s1] =	stream.indirect.scatter.add.f32 [tilespmem:s22], [sflag:$0x5], $0x80, s9, s18, $0xb8;
	[tilespmem:$0x1E000] =	vst v63  }
0x390: {  	_ =	swait.ge [sflag:s15], $0x4000  }
0x391: {  	s10 =	sld [smem:$0x7F1]  }
0x392: {  	[sflag:s15] =	ssyncset.done $0x0  }
0x393: {  	[sflag:s15] =	ssyncadd.s32 $0xFFFFC000  }
0x394: {  	[tilespmem:s22], [sflag:$0x2] =	stream.indirect.gather [hbm4b:s4+s18], $0x80, s10, s18, $0xb8;
	[tilespmem:$0x1E000] =	vst v63  }
0x395: {  	_ =	swait.ge [sflag:s23], $0x4000  }
0x396: {  	s30 =	sld [smem:$0x7F2]  }
0x397: {  	[sflag:s23] =	ssyncset.done $0x0  }
0x398: {  	[sflag:s23] =	ssyncadd.s32 $0xFFFFC000  }
0x399: {  	[spmem:s1] =	stream.indirect.scatter.add.f32 [tilespmem:s19], [sflag:$0x5], $0x80, s30, s18, $0xb8;
	[tilespmem:$0x1E000] =	vst v63  }
0x39a: {  	_ =	swait.ge [sflag:s15], $0x4000  }
0x39b: {  	s31 =	sld [smem:$0x7F3]  }
0x39c: {  	[sflag:s15] =	ssyncset.done $0x0  }
0x39d: {  	[sflag:s15] =	ssyncadd.s32 $0xFFFFC000  }
0x39e: {  	[tilespmem:s19], [sflag:$0x1] =	stream.indirect.gather [hbm4b:s4+s18], $0x80, s31, s18, $0xb8;
	[tilespmem:$0x1E000] =	vst v63  }
0x39f: {  	_ =	swait.ge [sflag:s24], $0x4000  }
0x3a0: {  	s5 =	sld [smem:$0x7F4]  }
0x3a1: {  	[sflag:s24] =	ssyncset.done $0x0  }
0x3a2: {  	[sflag:s24] =	ssyncadd.s32 $0xFFFFC000  }
0x3a3: {  	[spmem:s1] =	stream.indirect.scatter.add.f32 [tilespmem:s22], [sflag:$0x5], $0x80, s5, s18, $0xb8;
	[tilespmem:$0x1E000] =	vst v63  }
0x3a4: {  	_ =	swait.ge [sflag:s15], $0x4000  }
0x3a5: {  	s9 =	sld [smem:$0x7F5]  }
0x3a6: {  	[sflag:s15] =	ssyncset.done $0x0  }
0x3a7: {  	[sflag:s15] =	ssyncadd.s32 $0xFFFFC000  }
0x3a8: {  	[tilespmem:s22], [sflag:$0x2] =	stream.indirect.gather [hbm4b:s4+s18], $0x80, s9, s18, $0xb8;
	[tilespmem:$0x1E000] =	vst v63  }
0x3a9: {  	_ =	swait.ge [sflag:s23], $0x4000  }
0x3aa: {  	s10 =	sld [smem:$0x7F6]  }
0x3ab: {  	[sflag:s23] =	ssyncset.done $0x0  }
0x3ac: {  	[sflag:s23] =	ssyncadd.s32 $0xFFFFC000  }
0x3ad: {  	[spmem:s1] =	stream.indirect.scatter.add.f32 [tilespmem:s19], [sflag:$0x5], $0x80, s10, s18, $0xb8;
	[tilespmem:$0x1E000] =	vst v63  }
0x3ae: {  	_ =	swait.ge [sflag:s15], $0x4000  }
0x3af: {  	s30 =	sld [smem:$0x7F7]  }
0x3b0: {  	[sflag:s15] =	ssyncset.done $0x0  }
0x3b1: {  	[sflag:s15] =	ssyncadd.s32 $0xFFFFC000  }
0x3b2: {  	[tilespmem:s19], [sflag:$0x1] =	stream.indirect.gather [hbm4b:s4+s18], $0x80, s30, s18, $0xb8;
	[tilespmem:$0x1E000] =	vst v63  }
0x3b3: {  	_ =	swait.ge [sflag:s24], $0x4000  }
0x3b4: {  	s31 =	sld [smem:$0x7F8]  }
0x3b5: {  	[sflag:s24] =	ssyncset.done $0x0  }
0x3b6: {  	[sflag:s24] =	ssyncadd.s32 $0xFFFFC000  }
0x3b7: {  	[spmem:s1] =	stream.indirect.scatter.add.f32 [tilespmem:s22], [sflag:$0x5], $0x80, s31, s18, $0xb8;
	[tilespmem:$0x1E000] =	vst v63  }
0x3b8: {  	_ =	swait.ge [sflag:s15], $0x4000  }
0x3b9: {  	s5 =	sld [smem:$0x7F9]  }
0x3ba: {  	[sflag:s15] =	ssyncset.done $0x0  }
0x3bb: {  	[sflag:s15] =	ssyncadd.s32 $0xFFFFC000  }
0x3bc: {  	[tilespmem:s22], [sflag:$0x2] =	stream.indirect.gather [hbm4b:s4+s18], $0x80, s5, s18, $0xb8;
	[tilespmem:$0x1E000] =	vst v63  }
0x3bd: {  	_ =	swait.ge [sflag:s23], $0x4000  }
0x3be: {  	s9 =	sld [smem:$0x7FA]  }
0x3bf: {  	[sflag:s23] =	ssyncset.done $0x0  }
0x3c0: {  	[sflag:s23] =	ssyncadd.s32 $0xFFFFC000  }
0x3c1: {  	[spmem:s1] =	stream.indirect.scatter.add.f32 [tilespmem:s19], [sflag:$0x5], $0x80, s9, s18, $0xb8;
	[tilespmem:$0x1E000] =	vst v63  }
0x3c2: {  	_ =	swait.ge [sflag:s15], $0x4000  }
0x3c3: {  	s10 =	sld [smem:$0x7FB]  }
0x3c4: {  	[sflag:s15] =	ssyncset.done $0x0  }
0x3c5: {  	[sflag:s15] =	ssyncadd.s32 $0xFFFFC000  }
0x3c6: {  	[tilespmem:s19], [sflag:$0x1] =	stream.indirect.gather [hbm4b:s4+s18], $0x80, s10, s18, $0xb8;
	[tilespmem:$0x1E000] =	vst v63  }
0x3c7: {  	_ =	swait.ge [sflag:s24], $0x4000  }
0x3c8: {  	s30 =	sld [smem:$0x7FC]  }
0x3c9: {  	[sflag:s24] =	ssyncset.done $0x0  }
0x3ca: {  	[sflag:s24] =	ssyncadd.s32 $0xFFFFC000  }
0x3cb: {  	[spmem:s1] =	stream.indirect.scatter.add.f32 [tilespmem:s22], [sflag:$0x5], $0x80, s30, s18, $0xb8;
	[tilespmem:$0x1E000] =	vst v63  }
0x3cc: {  	_ =	swait.ge [sflag:s15], $0x4000  }
0x3cd: {  	s31 =	sld [smem:$0x7FD]  }
0x3ce: {  	[sflag:s15] =	ssyncset.done $0x0  }
0x3cf: {  	[sflag:s15] =	ssyncadd.s32 $0xFFFFC000  }
0x3d0: {  	[tilespmem:s22], [sflag:$0x2] =	stream.indirect.gather [hbm4b:s4+s18], $0x80, s31, s18, $0xb8;
	[tilespmem:$0x1E000] =	vst v63  }
0x3d1: {  	_ =	swait.ge [sflag:s23], $0x4000  }
0x3d2: {  	[sflag:s23] =	ssyncset.done $0x0  }
0x3d3: {  	[sflag:s23] =	ssyncadd.s32 $0xFFFFC000  }
0x3d4: {  	[spmem:s1] =	stream.indirect.scatter.add.f32 [tilespmem:s19], [sflag:$0x5], $0x80, s26, s18, $0xb8;
	[tilespmem:$0x1E000] =	vst v63  }
0x3d5: {  	_ =	swait.ge [sflag:s15], $0x4000  }
0x3d6: {  	[sflag:s15] =	ssyncset.done $0x0  }
0x3d7: {  	s3 =	simm.s32 @!p0 $0x3;
	[sflag:s15] =	ssyncadd.s32 $0xFFFFC000  }
0x3d8: {  	_ =	swait.ge @!p0 [sflag:s3], $0x800  }
0x3d9: {  	[sflag:s3] =	ssyncset.done @!p0 $0x0  }
0x3da: {  	[sflag:s3] =	ssyncadd.s32 @!p0 $0xFFFFF800  }
0x3db: {  	_ =	swait.ge @!p0 [sflag:s3], $0x800  }
0x3dc: {  	[sflag:s3] =	ssyncset.done @!p0 $0x0  }
0x3dd: {  	s5 =	simm.s32 @!p0 $0x80;
	[sflag:s3] =	ssyncadd.s32 @!p0 $0xFFFFF800;
	s3 =	simm.s32 @!p0 $0x2000  }
0x3de: {  	[tilespmem:s3], [sflag:$0x1] =	stream.indirect.gather @!p0 [hbm4b:s4+s5], $0x80, s0, s5, $0xb8;
	[tilespmem:$0x1E000] =	vst v63  }
0x3df: {  	_ =	swait.ge [sflag:s24], $0x4000  }
0x3e0: {  	[sflag:s24] =	ssyncset.done $0x0  }
0x3e1: {  	[sflag:s24] =	ssyncadd.s32 $0xFFFFC000  }
0x3e2: {  	[spmem:s1] =	stream.indirect.scatter.add.f32 [tilespmem:s22], [sflag:$0x5], $0x80, s28, s18, $0xb8;
	[tilespmem:$0x1E000] =	vst v63  }
0x3e3: {  	_ =	swait.ge [sflag:s15], $0x4000  }
0x3e4: {  	s29 =	sadd.s32 $0x1, s29;
	[sflag:s15] =	ssyncset.done $0x0  }
0x3e5: {  	p0 =	sne.s32 s29, s12;
	[sflag:s15] =	ssyncadd.s32 $0xFFFFC000  }
.Ltmp1:
0x3e6: {  	[bflag:$0x0] =	sbarrier.arrive $0xFFFF;
	(pc) =	sbr.rel @p0 .LBB2_1-.Ltmp1, $4  }
0x3e7: {  	[hbm:s11], [sflag:s6] =	dma.local [spmem:s14], $0x2800  }
0x3e8: {  	_ =	swait.ge [sflag:s15], $0x2800  }
0x3e9: {  	[sflag:s15] =	ssyncset.done $0x0  }
0x3ea: {  	[sflag:s15] =	ssyncadd.s32 $0xFFFFD800  }
0x3eb: {  	_ =	sfence.sel $0x180000  }
0x3ec: {  	[bflag:$0x0] =	sbarrier.arrive $0xFFFF  }
0x3ed: {  	_ =	strace $0x90000047  }
0x3ee: {  	s0 =	stileid.u32;
	[bflag:$0x2] =	sbarrier.arrive $0xFFFF  }
0x3ef: {  	p0 =	sne.s32 s0, $0x0;
	s0 =	rddreg [dreg:$0x2]  }
0x3f0: {  	s0 =	sadd.s32 @!p0 $0x100000, s0  }
0x3f1: {  	[sflag:s0] =	ssyncadd.tile.s32 @!p0 $0x1;
	_ =	shalt  }
.Lfunc_end2:
_tile_overlayer_lowered:
.L_overlay_start_2:
0x3f2: {  	(tag) =	ssettag $0x2  }
0x3f3: {  	s0 =	rddreg [dreg:$0x0];
	s2 =	stileid.u32  }
0x3f4: {  	s1 =	rddreg [dreg:$0x1];
	p0 =	sne.s32 s2, $0x0  }
0x3f5: {  	s3 =	rddreg [dreg:$0x2];
	[bflag:$0x3] =	sbarrier.arrive $0xFFFF;
	s2 =	simm.s32 @!p0 $0x1C05  }
0x3f6: {  	[timem:s3], [sflag:s2] =	dma.local @!p0 [hbm:s0], s1  }
0x3f7: {  	s0 =	simm.s32 @!p0 $0x5  }
0x3f8: {  	_ =	swait.ge @!p0 [sflag:s0], s1  }
0x3f9: {  	s1 =	ssub.s32 @!p0 $0x0, s1;
	[sflag:s0] =	ssyncset.done @!p0 $0x0  }
0x3fa: {  	[sflag:s0] =	ssyncadd.s32 @!p0 s1  }
0x3fb: {  	[bflag:$0x3] =	sbarrier.arrive $0xFFFF  }
0x3fc: {  	_ =	shalt  }

// kernel: kernel.16.cloned.1.call-start
scs
__scs_entry_jumppad:
0x0: {  	(pc) =	sbr.rel $0x88, $3  }
0x1: {  	(tag) =	ssettag $0x0;
	lr =	simm.s32 $0x1  }
0x2: {  	[smem:$0x3F8F] =	sst lr;
	_ =	strace $0xD0000000  }
0x3: {  	_ = 	snop  }
0x4: {  	_ = 	snop  }
0x5: {  	_ = 	snop  }
0x6: {  	_ = 	snop  }
0x7: {  	_ = 	snop  }
__scs_overlays_trampoline_lowered:
0x8: {  	[smem:$0x3F9E] =	sst s0  }
0x9: {  	[smem:$0x3F9F] =	sst s1  }
0xa: {  	[smem:$0x3FA0] =	sst s2  }
0xb: {  	[smem:$0x3FA1] =	sst s3  }
0xc: {  	[smem:$0x3FA2] =	sst s4  }
0xd: {  	[smem:$0x3FA3] =	sst s5  }
0xe: {  	[smem:$0x3FA4] =	sst s6  }
0xf: {  	[smem:$0x3FA5] =	sst s7  }
0x10: {  	[smem:$0x3FA6] =	sst s8  }
0x11: {  	[smem:$0x3FA7] =	sst s9;
	s0 =	simm.s32 @!p0 $0x0  }
0x12: {  	s1 =	sld [smem:$0x3F8D];
	s0 =	simm.s32 @p0 $0x1  }
0x13: {  	[smem:$0x3FA8] =	sst s0;
	s0 =	simm.s32 @!p1 $0x0  }
0x14: {  	s2 =	sld [smem:$0x3F8C];
	s0 =	simm.s32 @p1 $0x1  }
0x15: {  	[smem:$0x3FA9] =	sst s0;
	s0 =	simm.s32 @!p2 $0x0  }
0x16: {  	s3 =	sld [smem:$0x3FDB];
	s0 =	simm.s32 @p2 $0x1  }
0x17: {  	s4 =	simm.s32 $0x1BF5;
	[smem:$0x3FAB] =	sst s0  }
0x18: {  	s0 =	sld [smem:$0x3F8E];
	_ =	swait.ge [sflag:s4], $0x0  }
0x19: {  	s7 =	sld [smem:$0x3F8F]  }
0x1a: {  	s8 =	sadd.s32 $0xFFFFE003, lr  }
0x1b: {  	s9 =	sadd.s32 $0xFFFFFEF7, lr;
	s5 =	simm.s32 $0xFFFFFFFF;
	p2 =	slt.u32 s8, $0xFFFFF086  }
0x1c: {  	p1 =	slt.u32 s9, $0xF7A;
	s5 =	simm.s32 @!p2 $0x0  }
0x1d: {  	s5 =	simm.s32 @p1 $0x1;
	p0 =	seq.s32 s7, s2  }
0x1e: {  	s7 =	smul.u32 @!p0 $0xF7A, s2;
	p2 =	seq.s32 @!p0 s5, $0x0  }
0x1f: {  	s9 =	smul.u32 $0xF7A, s1;
	s8 =	simm.s32 @!p0 $0x1BF5;
	p2 =	por !p2, p0  }
0x20: {  	[sflag:s8] =	ssyncset.s32 @!p0 $0xFFFFF086;
	s6 =	sadd.s32 @!p0 s3, s7;
	s7 =	simm.s32 @!p0 $0x108  }
0x21: {  	s3 =	sadd.s32 s3, s9;
	s6 =	sadd.s32 @!p0 $0x88, s6;
	s7 =	simm.s32 @p2 $0x1082  }
0x22: {  	[simem:s7], [sflag:s8] =	dma.local @!p0 [hbm:s6], $0xF7A  }
0x23: {  	s9 =	sor.u32 $0xD0000000, s2;
	s6 =	simm.s32 $0x108;
	_ =	swait.ge @!p0 [sflag:s8], $0x0  }
0x24: {  	s3 =	sadd.s32 $0x88, s3;
	s6 =	simm.s32 @!p1 $0x1082;
	[sflag:s4] =	ssyncset.s32 $0xFFFFF086  }
0x25: {  	[simem:s6], [sflag:s4] =	dma.local [hbm:s3], $0xF7A  }
0x26: {  	[smem:$0x3F8F] =	sst s1;
	(tag) =	ssettag s2;
	_ =	strace s9  }
0x27: {  	s1 =	sld [smem:$0x3F9F]  }
0x28: {  	s2 =	sld [smem:$0x3FA0]  }
0x29: {  	s4 =	sld [smem:$0x3FA2]  }
0x2a: {  	p0 =	seq.s32 s5, $0x0;
	s5 =	sld [smem:$0x3FA3]  }
0x2b: {  	s6 =	sld [smem:$0x3FA4]  }
0x2c: {  	s7 =	sld [smem:$0x3FA5]  }
0x2d: {  	s3 =	simm.s32 $0x108;
	s8 =	sld [smem:$0x3FA6]  }
0x2e: {  	s3 =	simm.s32 @!p0 $0x1082;
	s9 =	sld [smem:$0x3FA7]  }
0x2f: {  	lr =	sadd.s32 s0, s3;
	s0 =	sld [smem:$0x3F9E]  }
0x30: {  	s3 =	sld [smem:$0x3FA1]  }
0x31: {  	[smem:$0x3FAA] =	sst s10  }
0x32: {  	s10 =	sld [smem:$0x3FA8];
	_ =	sdelay $0x3  }
0x33: {  	p0 =	seq.s32 s10, $0x1;
	s10 =	sld [smem:$0x3FAA];
	_ =	sdelay $0x3  }
0x34: {  	[smem:$0x3FAA] =	sst s10  }
0x35: {  	s10 =	sld [smem:$0x3FA9];
	_ =	sdelay $0x3  }
0x36: {  	p1 =	seq.s32 s10, $0x1;
	s10 =	sld [smem:$0x3FAA];
	_ =	sdelay $0x3  }
0x37: {  	[smem:$0x3FAA] =	sst s10  }
0x38: {  	s10 =	sld [smem:$0x3FAB]  }
0x39: {  	_ = 	snop;
	(pc) =	sbr.ind lr, $3  }
0x3a: {  	_ = 	snop  }
0x3b: {  	_ = 	snop  }
0x3c: {  	p2 =	seq.s32 s10, $0x1;
	s10 =	sld [smem:$0x3FAA]  }
0x3d: {  	_ =	shalt  }
0x3e: {  	_ =	shalt  }
0x3f: {  	_ =	shalt  }
0x40: {  	_ =	shalt  }
0x41: {  	_ =	shalt  }
0x42: {  	_ =	shalt  }
0x43: {  	_ =	shalt  }
0x44: {  	_ =	shalt  }
0x45: {  	_ =	shalt  }
0x46: {  	_ =	shalt  }
0x47: {  	_ =	shalt  }
0x48: {  	_ =	shalt  }
0x49: {  	_ =	shalt  }
0x4a: {  	_ =	shalt  }
0x4b: {  	_ =	shalt  }
0x4c: {  	_ =	shalt  }
0x4d: {  	_ =	shalt  }
0x4e: {  	_ =	shalt  }
0x4f: {  	_ =	shalt  }
0x50: {  	_ =	shalt  }
0x51: {  	_ =	shalt  }
0x52: {  	_ =	shalt  }
0x53: {  	_ =	shalt  }
0x54: {  	_ =	shalt  }
0x55: {  	_ =	shalt  }
0x56: {  	_ =	shalt  }
0x57: {  	_ =	shalt  }
0x58: {  	_ =	shalt  }
0x59: {  	_ =	shalt  }
0x5a: {  	_ =	shalt  }
0x5b: {  	_ =	shalt  }
0x5c: {  	_ =	shalt  }
0x5d: {  	_ =	shalt  }
0x5e: {  	_ =	shalt  }
0x5f: {  	_ =	shalt  }
0x60: {  	_ =	shalt  }
0x61: {  	_ =	shalt  }
0x62: {  	_ =	shalt  }
0x63: {  	_ =	shalt  }
0x64: {  	_ =	shalt  }
0x65: {  	_ =	shalt  }
0x66: {  	_ =	shalt  }
0x67: {  	_ =	shalt  }
0x68: {  	_ =	shalt  }
0x69: {  	_ =	shalt  }
0x6a: {  	_ =	shalt  }
0x6b: {  	_ =	shalt  }
0x6c: {  	_ =	shalt  }
0x6d: {  	_ =	shalt  }
0x6e: {  	_ =	shalt  }
0x6f: {  	_ =	shalt  }
0x70: {  	_ =	shalt  }
0x71: {  	_ =	shalt  }
0x72: {  	_ =	shalt  }
0x73: {  	_ =	shalt  }
0x74: {  	_ =	shalt  }
0x75: {  	_ =	shalt  }
0x76: {  	_ =	shalt  }
0x77: {  	_ =	shalt  }
0x78: {  	_ =	shalt  }
0x79: {  	_ =	shalt  }
0x7a: {  	_ =	shalt  }
0x7b: {  	_ =	shalt  }
0x7c: {  	_ =	shalt  }
0x7d: {  	_ =	shalt  }
0x7e: {  	_ =	shalt  }
0x7f: {  	_ =	shalt  }
0x80: {  	_ =	shalt  }
0x81: {  	_ =	shalt  }
0x82: {  	_ =	shalt  }
0x83: {  	_ =	shalt  }
0x84: {  	_ =	shalt  }
0x85: {  	_ =	shalt  }
0x86: {  	_ =	shalt  }
0x87: {  	_ =	shalt  }
.Lfunc_end0:
.L_simem_size_0:
called_computation.2_lowered:
.L_overlay_start_0:
0x88: {  	s2 =	sld [smem:$0x3FD9]  }
0x89: {  	s3 =	sld [smem:$0x3FFE];
	_ =	sdelay $0x1  }
0x8a: {  	s1 =	srdreg.scid  }
0x8b: {  	s0 =	sand.u32 $0x1, s1  }
0x8c: {  	s16 =	sshll.u32 s0, $0xA;
	s2 =	sadd.s32 s3, s2  }
0x8d: {  	s2 =	sadd.s32 s2, s16  }
0x8e: {  	[smem:$0x3FB6] =	sst s2  }
0x8f: {  	_ = 	snop  }
0x90: {  	(tm) =	ssettm $0x1  }
0x91: {  	s17 =	sld [smem:$0x3FFB];
	_ =	sdelay $0x3  }
0x92: {  	_ =	strace s17  }
0x93: {  	s2 =	sld [smem:$0x3FFC];
	_ =	sdelay $0x3  }
0x94: {  	_ =	strace s2  }
0x95: {  	s2 =	sld [smem:$0x3FFD];
	_ =	sdelay $0x3  }
0x96: {  	_ =	strace s2  }
0x97: {  	_ =	strace $0x8FFFFFFF  }
0x98: {  	s18 =	sld [smem:$0x3FDB];
	_ =	sdelay $0x1  }
0x99: {  	s19 =	simm.s32 $_scs_section_size  }
0x9a: {  	s4 =	simm.s32 $_size__tile_overlayer_lowered;
	s5 =	simm.s32 $_tile_overlayer_lowered  }
0x9b: {  	s22 =	simm.s32 $0x1BFF;
	s21 =	sshll.u32 s5, $0x1;
	s2 =	sadd.s32 s19, s18  }
0x9c: {  	s6 =	simm.s32 $0x0;
	s20 =	sshll.u32 s4, $0x1;
	s4 =	sadd.s32 s21, s2  }
0x9d: {  	[timem:s6], [sflag:s22] =	dma.local [hbm:s4], s20  }
0x9e: {  	_ =	swait.ge [sflag:s22], s20  }
0x9f: {  	s3 =	ssub.s32 $0x0, s20;
	[sflag:s22] =	ssyncset.done $0x0  }
0xa0: {  	[sflag:s22] =	ssyncadd.s32 s3;
	_ =	sdelay $0x1  }
0xa1: {  	s23 =	simm.s32 $0x1B8B  }
0xa2: {  	_ =	swait.ge [sflag:s23], $0x1  }
0xa3: {  	[sflag:s23] =	ssyncset.done $0x0  }
0xa4: {  	s25 =	simm.s32 $0x1B8E;
	s24 =	sld [smem:$0x3FFE];
	[sflag:s23] =	ssyncadd.s32 $0xFFFFFFFF  }
0xa5: {  	s26 =	simm.s32 $execute0_lowered;
	[smem:$0x3FD2] =	sst s25  }
0xa6: {  	s4 =	sshll.u32 s26, $0x1;
	_ =	strace $0x8000004C;
	[dreg:$0x1] =	wrdreg $0xFFFFFFFF  }
0xa7: {  	s28 =	simm.s32 $_size_execute0_lowered;
	s2 =	sadd.s32 s2, s4;
	[dreg:$0x0] =	wrdreg $0x0  }
0xa8: {  	s4 =	sshll.u32 s28, $0x1;
	[dreg:$0x2] =	wrdreg s2  }
0xa9: {  	[dreg:$0x3] =	wrdreg s4  }
0xaa: {  	[dreg:$0x4] =	wrdreg $0xC0  }
0xab: {  	_ =	task [dreg:s6], $0x5FFFF  }
0xac: {  	[dreg:$0x1] =	wrdreg $0xFFFFFFFF  }
0xad: {  	[dreg:$0x0] =	wrdreg $0x60  }
0xae: {  	[dreg:$0x2] =	wrdreg s24  }
0xaf: {  	[dreg:$0x3] =	wrdreg $0xA0000  }
0xb0: {  	[dreg:$0x4] =	wrdreg $0x9  }
0xb1: {  	_ =	task.clear_ibuf [dreg:s6], $0x5FFFF;
	_ =	strace $0x9000004C  }
0xb2: {  	s29 =	simm.s32 $0x9;
	_ =	strace $0x8000004E  }
0xb3: {  	_ =	swait.ge [sflag:s29], $0x1  }
0xb4: {  	[sflag:s29] =	ssyncadd.s32 $0xFFFFFFFF  }
0xb5: {  	_ =	strace $0x9000004E  }
0xb6: {  	_ =	sfence  }
0xb7: {  	s30 =	sld [smem:$0x0];
	_ =	sdelay $0x2  }
0xb8: {  	s31 =	sshll.u32 s1, $0xD;
	s1 =	sshrl.u32 s1, $0x2  }
0xb9: {  	s3 =	sand.u32 $0x4000, s31;
	s1 =	sadd.s32 s1, s30  }
0xba: {  	s0 =	sor.u32 s3, s0;
	s1 =	sshll.u32 s1, $0x11  }
0xbb: {  	s0 =	sor.u32 s1, s0  }
0xbc: {  	s0 =	sadd.s32 $0x8F2B, s0  }
0xbd: {  	[sflag:s0] =	ssyncadd.remote.s32 $0x1  }
0xbe: {  	_ =	sfence.sel $0xFFFF  }
0xbf: {  	[dreg:$0x0] =	wrdreg $0xFFFFFFFF;
	(pc) =	sbr.abs _section_cstart, $3  }
0xc0: {  	[dreg:$0x1] =	wrdreg $0xFFFFFFFF  }
0xc1: {  	_ =	task.clear_ibuf [dreg:s6], $0x2FFFF;
	_ =	strace $0x9FFFFFFF  }
0xc2: {  	(tm) =	ssettm $0x7FFFFFFF  }
0xc3: {  	_ =	shalt  }
tec
execute0_lowered:
.L_overlay_start_1:
0x0: {  	(tag) =	ssettag $0x1  }
0x1: {  	s6 =	rddreg [dreg:$0x0]  }
0x2: {  	s1 =	rddreg [dreg:$0x1];
	s2 =	simm.s32 $0x0  }
0x3: {  	s0 =	simm.s32 $0x100;
	[smem:$0x7FF] =	sst s2  }
0x4: {  	s23 =	simm.s32 $0x880;
	_ =	strace $0x8000004D;
	[dreg:$0x3] =	wrdreg s0  }
0x5: {  	s24 =	simm.s32 $0x180;
	[dreg:$0x4] =	wrdreg s23  }
0x6: {  	s25 =	simm.s32 $0x900;
	[dreg:$0x5] =	wrdreg s24  }
0x7: {  	s26 =	simm.s32 $0x200;
	[dreg:$0x6] =	wrdreg s25  }
0x8: {  	s30 =	simm.s32 $0x980;
	[dreg:$0x7] =	wrdreg s26  }
0x9: {  	s31 =	simm.s32 $0x280;
	[dreg:$0x8] =	wrdreg s30  }
0xa: {  	s3 =	simm.s32 $0xA00;
	[dreg:$0x9] =	wrdreg s31  }
0xb: {  	s4 =	simm.s32 $0x300;
	[dreg:$0xa] =	wrdreg s3  }
0xc: {  	s5 =	simm.s32 $0xA80;
	[dreg:$0xb] =	wrdreg s4  }
0xd: {  	s7 =	simm.s32 $0x380;
	[dreg:$0xc] =	wrdreg s5  }
0xe: {  	s8 =	simm.s32 $0xB00;
	[dreg:$0xd] =	wrdreg s7  }
0xf: {  	s9 =	simm.s32 $0x400;
	[dreg:$0xe] =	wrdreg s8  }
0x10: {  	s10 =	simm.s32 $0xB80;
	[dreg:$0xf] =	wrdreg s9  }
0x11: {  	s11 =	simm.s32 $0x480;
	[dreg:$0x10] =	wrdreg s10  }
0x12: {  	s12 =	simm.s32 $0xC00;
	[dreg:$0x11] =	wrdreg s11  }
0x13: {  	s13 =	simm.s32 $0x580;
	[dreg:$0x12] =	wrdreg s12  }
0x14: {  	s14 =	simm.s32 $0xD00;
	[dreg:$0x15] =	wrdreg s13  }
0x15: {  	s16 =	simm.s32 $0x600;
	[dreg:$0x16] =	wrdreg s14  }
0x16: {  	s17 =	simm.s32 $0xD80;
	[dreg:$0x17] =	wrdreg s16  }
0x17: {  	s19 =	simm.s32 $0x680;
	[dreg:$0x18] =	wrdreg s17  }
0x18: {  	s20 =	sadd.s32 $0x71C00, s6;
	[dreg:$0x19] =	wrdreg s19  }
0x19: {  	s21 =	simm.s32 $0x700;
	[smem:$0x7DF] =	sst s20  }
0x1a: {  	s22 =	simm.s32 $0xE80;
	[dreg:$0x1b] =	wrdreg s21  }
0x1b: {  	s3 =	simm.s32 $0x500;
	[dreg:$0x1c] =	wrdreg s22  }
0x1c: {  	s5 =	simm.s32 $0xC80;
	[dreg:$0x13] =	wrdreg s3  }
0x1d: {  	s9 =	simm.s32 $0xE00;
	[dreg:$0x14] =	wrdreg s5  }
0x1e: {  	s15 =	stileid.u32;
	s23 =	simm.s32 $0x780;
	[dreg:$0x1a] =	wrdreg s9  }
0x1f: {  	s28 =	simm.s32 $0x1F80;
	s25 =	simm.s32 $0xF00;
	[dreg:$0x1d] =	wrdreg s23  }
0x20: {  	s29 =	simm.s32 $0x0;
	s30 =	simm.s32 $0xF80;
	[dreg:$0x1e] =	wrdreg s25  }
0x21: {  	s18 =	smul.u32 $0x2800, s15;
	s16 =	simm.s32 $0x1180;
	[dreg:$0x1f] =	wrdreg s30  }
0x22: {  	s4 =	sadd.s32 $0x21C00, s6;
	s20 =	simm.s32 $0x1200;
	[smem:$0x7E3] =	sst s16  }
0x23: {  	s0 =	smul.u32 $0xA00, s15;
	s21 =	simm.s32 $0x1980;
	[smem:$0x7E5] =	sst s20  }
0x24: {  	s7 =	srdreg.scid;
	s22 =	simm.s32 $0x1280;
	[smem:$0x7E6] =	sst s21  }
0x25: {  	s31 =	smul.u32 $0x50000, s15;
	s5 =	simm.s32 $0x1080;
	[smem:$0x7E7] =	sst s22  }
0x26: {  	s17 =	sshll.u32 s15, $0x6;
	s9 =	simm.s32 $0x1880;
	[smem:$0x7E0] =	sst s5  }
0x27: {  	s3 =	sadd.s32 $0xDC00, s6;
	s23 =	simm.s32 $0x1A00;
	[smem:$0x7E2] =	sst s9  }
0x28: {  	s12 =	sand.u32 $0x1, s7;
	s25 =	simm.s32 $0x1A80;
	[smem:$0x7E8] =	sst s23  }
0x29: {  	s30 =	simm.s32 $0x1380;
	s20 =	simm.s32 $0x1580;
	[smem:$0x7EB] =	sst s25  }
0x2a: {  	s21 =	simm.s32 $0x1D00;
	s22 =	simm.s32 $0x1600;
	[smem:$0x7ED] =	sst s30  }
0x2b: {  	s10 =	sadd.s32 s0, s6;
	s8 =	smul.u32 $0x28000, s12;
	[smem:$0x7F5] =	sst s20  }
0x2c: {  	s24 =	ssub.s32 $0x2, s12;
	s19 =	sshll.u32 s12, $0x4;
	[smem:$0x7F6] =	sst s21  }
0x2d: {  	s5 =	simm.s32 $0x1B00;
	s9 =	simm.s32 $0x1400;
	[smem:$0x7F7] =	sst s22  }
0x2e: {  	s16 =	smul.u32 $0xA000, s12;
	s23 =	simm.s32 $0x1D80;
	[smem:$0x7EE] =	sst s5  }
0x2f: {  	s20 =	simm.s32 $0x1000;
	s25 =	simm.s32 $0x1E00;
	[smem:$0x7EF] =	sst s9  }
0x30: {  	s21 =	simm.s32 $0x1800;
	s22 =	simm.s32 $0x6000;
	[smem:$0x7F8] =	sst s23  }
0x31: {  	s30 =	simm.s32 $0x1E80;
	s26 =	sshrl.u32 s24, $0x1;
	[smem:$0x7FA] =	sst s25  }
0x32: {  	s23 =	simm.s32 $0x1;
	[smem:$0x7FC] =	sst s30;
	s25 =	simm.s32 $0x4  }
0x33: {  	s7 =	sadd.s32 s18, s8;
	s13 =	ssub.s32 s24, s26;
	s8 =	sshrl.u32 s31, $0x2  }
0x34: {  	s18 =	simm.s32 $0x1900;
	s24 =	simm.s32 $0x1300;
	s31 =	sadd.s32 $0x3D00, s10  }
0x35: {  	s11 =	sadd.s32 s7, s6;
	s7 =	simm.s32 $0x1100;
	[smem:$0x7E4] =	sst s18  }
0x36: {  	s14 =	sadd.s32 s8, s1;
	s8 =	sor.u32 s15, s19;
	[smem:$0x7E9] =	sst s24  }
0x37: {  	s6 =	sor.u32 $0x1C05, s17;
	[smem:$0x7EC] =	sst s31;
	s12 =	smax.u32 s13, $0x1  }
0x38: {  	s15 =	simm.s32 $0x1480;
	s17 =	simm.s32 $0x1C00;
	[smem:$0x7E1] =	sst s7  }
0x39: {  	s18 =	simm.s32 $0x1500;
	s19 =	simm.s32 $0x1C80;
	[smem:$0x7F1] =	sst s15  }
0x3a: {  	s24 =	simm.s32 $0x1680;
	s31 =	simm.s32 $0x1780;
	[smem:$0x7F2] =	sst s17  }
0x3b: {  	s8 =	smul.u32 $0xA00, s8;
	s11 =	sadd.s32 $0x114C00, s11;
	[smem:$0x7F3] =	sst s18  }
0x3c: {  	s14 =	sshrl.u32 s14, $0x3;
	s15 =	simm.s32 $0x5;
	[smem:$0x7F4] =	sst s19  }
0x3d: {  	s17 =	simm.s32 $0x3;
	s18 =	simm.s32 $0x80;
	[smem:$0x7F9] =	sst s24  }
0x3e: {  	s19 =	simm.s32 $0x2000;
	s24 =	simm.s32 $0x2;
	[smem:$0x7FD] =	sst s31  }
0x3f: {  	s7 =	sadd.s32 s3, s8;
	s8 =	sadd.s32 $0x3C00, s10;
	s10 =	simm.s32 $0x1B80  }
0x40: {  	s3 =	sadd.s32 s16, s3;
	s26 =	sadd.s32 $0x100, s7;
	[smem:$0x7F0] =	sst s10  }
0x41: {  	s16 =	simm.s32 $0x800;
	[smem:$0x7EA] =	sst s26;
	s26 =	simm.s32 $0x1700  }
0x42: {  	s13 =	sadd.s32 s0, s3;
	[smem:$0x7FB] =	sst s26;
	s26 =	simm.s32 $0x1F00  }
.LBB2_1:
0x43: {  	s0 =	sld [smem:$0x7DF];
	_ =	sdelay $0x2  }
0x44: {  	[spmem:s14], [sflag:s6] =	dma.local [hbm:s0], $0x2800  }
0x45: {  	_ =	swait.ge [sflag:s15], $0x2800  }
0x46: {  	[sflag:s15] =	ssyncset.done $0x0  }
0x47: {  	[sflag:s15] =	ssyncadd.s32 $0xFFFFD800  }
0x48: {  	[bflag:$0x0] =	sbarrier.arrive $0xFFFF  }
0x49: {  	[tilespmem:s2], [sflag:$0x3] =	stream.linear.gather [hbm4b:s7+s2], $0x800, $0x38;
	[tilespmem:$0x1E000] =	vst v63  }
0x4a: {  	_ = 	snop  }
0x4b: {  	[tilespmem:s16], [sflag:$0x3] =	stream.linear.gather [hbm4b:s8+s2], $0x800, $0x38;
	[tilespmem:$0x1E000] =	vst v63  }
0x4c: {  	_ =	swait.ge [sflag:s17], $0x800  }
0x4d: {  	[sflag:s17] =	ssyncset.done $0x0  }
0x4e: {  	[sflag:s17] =	ssyncadd.s32 $0xFFFFF800  }
0x4f: {  	_ =	swait.ge [sflag:s17], $0x800  }
0x50: {  	[sflag:s17] =	ssyncset.done $0x0  }
0x51: {  	s9 =	sld [smem:$0x7EA];
	[sflag:s17] =	ssyncadd.s32 $0xFFFFF800  }
0x52: {  	[tilespmem:s19], [sflag:$0x1] =	stream.indirect.gather [hbm4b:s4+s18], $0x80, s2, s18, $0xb8;
	[tilespmem:$0x1E000] =	vst v63  }
0x53: {  	p0 =	por $0x1, $0x1;
	s10 =	sld [smem:$0x7EC]  }
0x54: {  	[tilespmem:s20], [sflag:$0x4] =	stream.linear.gather [hbm4b:s9+s2], $0x800, $0x38;
	[tilespmem:$0x1E000] =	vst v63  }
0x55: {  	s3 =	simm.s32 @!p0 $0x0;
	s0 =	sadd.s32 @!p0 $0x0, s13  }
0x56: {  	[tilespmem:s21], [sflag:$0x4] =	stream.linear.gather [hbm4b:s10+s2], $0x800, $0x38;
	[tilespmem:$0x1E000] =	vst v63  }
0x57: {  	s30 =	simm.s32 @!p0 $0x1000;
	s31 =	sadd.s32 @!p0 $0x0, s8;
	s0 =	sadd.s32 @!p0 $0x100, s0  }
0x58: {  	[tilespmem:s30], [sflag:$0x4] =	stream.linear.gather @!p0 [hbm4b:s0+s3], $0x800, $0x38;
	[tilespmem:$0x1E000] =	vst v63  }
0x59: {  	s0 =	simm.s32 @!p0 $0x1800;
	s30 =	sadd.s32 @!p0 $0x100, s31  }
0x5a: {  	[tilespmem:s0], [sflag:$0x4] =	stream.linear.gather @!p0 [hbm4b:s30+s3], $0x800, $0x38;
	[tilespmem:$0x1E000] =	vst v63  }
0x5b: {  	_ = 	snop  }
0x5c: {  	[tilespmem:s22], [sflag:$0x2] =	stream.indirect.gather [hbm4b:s4+s18], $0x80, s18, s18, $0xb8;
	[tilespmem:$0x1E000] =	vst v63  }
0x5d: {  	_ =	swait.ge [sflag:s23], $0x4000  }
0x5e: {  	[sflag:s23] =	ssyncset.done $0x0  }
0x5f: {  	[sflag:s23] =	ssyncadd.s32 $0xFFFFC000  }
0x60: {  	[spmem:s1] =	stream.indirect.scatter.add.f32 [tilespmem:s19], [sflag:$0x5], $0x80, s16, s18, $0xb8;
	[tilespmem:$0x1E000] =	vst v63  }
0x61: {  	_ =	swait.ge [sflag:s15], $0x4000  }
0x62: {  	[sflag:s15] =	ssyncset.done $0x0  }
0x63: {  	s3 =	rddreg [dreg:$0x3];
	[sflag:s15] =	ssyncadd.s32 $0xFFFFC000  }
0x64: {  	[tilespmem:s19], [sflag:$0x1] =	stream.indirect.gather [hbm4b:s4+s18], $0x80, s3, s18, $0xb8;
	[tilespmem:$0x1E000] =	vst v63  }
0x65: {  	_ =	swait.ge [sflag:s24], $0x4000  }
0x66: {  	[sflag:s24] =	ssyncset.done $0x0  }
0x67: {  	s5 =	rddreg [dreg:$0x4];
	[sflag:s24] =	ssyncadd.s32 $0xFFFFC000  }
0x68: {  	[spmem:s1] =	stream.indirect.scatter.add.f32 [tilespmem:s22], [sflag:$0x5], $0x80, s5, s18, $0xb8;
	[tilespmem:$0x1E000] =	vst v63  }
0x69: {  	_ =	swait.ge [sflag:s15], $0x4000  }
0x6a: {  	[sflag:s15] =	ssyncset.done $0x0  }
0x6b: {  	s9 =	rddreg [dreg:$0x5];
	[sflag:s15] =	ssyncadd.s32 $0xFFFFC000  }
0x6c: {  	[tilespmem:s22], [sflag:$0x2] =	stream.indirect.gather [hbm4b:s4+s18], $0x80, s9, s18, $0xb8;
	[tilespmem:$0x1E000] =	vst v63  }
0x6d: {  	_ =	swait.ge [sflag:s23], $0x4000  }
0x6e: {  	[sflag:s23] =	ssyncset.done $0x0  }
0x6f: {  	s10 =	rddreg [dreg:$0x6];
	[sflag:s23] =	ssyncadd.s32 $0xFFFFC000  }
0x70: {  	[spmem:s1] =	stream.indirect.scatter.add.f32 [tilespmem:s19], [sflag:$0x5], $0x80, s10, s18, $0xb8;
	[tilespmem:$0x1E000] =	vst v63  }
0x71: {  	_ =	swait.ge [sflag:s15], $0x4000  }
0x72: {  	[sflag:s15] =	ssyncset.done $0x0  }
0x73: {  	s3 =	rddreg [dreg:$0x7];
	[sflag:s15] =	ssyncadd.s32 $0xFFFFC000  }
0x74: {  	[tilespmem:s19], [sflag:$0x1] =	stream.indirect.gather [hbm4b:s4+s18], $0x80, s3, s18, $0xb8;
	[tilespmem:$0x1E000] =	vst v63  }
0x75: {  	_ =	swait.ge [sflag:s24], $0x4000  }
0x76: {  	[sflag:s24] =	ssyncset.done $0x0  }
0x77: {  	s5 =	rddreg [dreg:$0x8];
	[sflag:s24] =	ssyncadd.s32 $0xFFFFC000  }
0x78: {  	[spmem:s1] =	stream.indirect.scatter.add.f32 [tilespmem:s22], [sflag:$0x5], $0x80, s5, s18, $0xb8;
	[tilespmem:$0x1E000] =	vst v63  }
0x79: {  	_ =	swait.ge [sflag:s15], $0x4000  }
0x7a: {  	[sflag:s15] =	ssyncset.done $0x0  }
0x7b: {  	s9 =	rddreg [dreg:$0x9];
	[sflag:s15] =	ssyncadd.s32 $0xFFFFC000  }
0x7c: {  	[tilespmem:s22], [sflag:$0x2] =	stream.indirect.gather [hbm4b:s4+s18], $0x80, s9, s18, $0xb8;
	[tilespmem:$0x1E000] =	vst v63  }
0x7d: {  	_ =	swait.ge [sflag:s23], $0x4000  }
0x7e: {  	[sflag:s23] =	ssyncset.done $0x0  }
0x7f: {  	s10 =	rddreg [dreg:$0xa];
	[sflag:s23] =	ssyncadd.s32 $0xFFFFC000  }
0x80: {  	[spmem:s1] =	stream.indirect.scatter.add.f32 [tilespmem:s19], [sflag:$0x5], $0x80, s10, s18, $0xb8;
	[tilespmem:$0x1E000] =	vst v63  }
0x81: {  	_ =	swait.ge [sflag:s15], $0x4000  }
0x82: {  	[sflag:s15] =	ssyncset.done $0x0  }
0x83: {  	s3 =	rddreg [dreg:$0xb];
	[sflag:s15] =	ssyncadd.s32 $0xFFFFC000  }
0x84: {  	[tilespmem:s19], [sflag:$0x1] =	stream.indirect.gather [hbm4b:s4+s18], $0x80, s3, s18, $0xb8;
	[tilespmem:$0x1E000] =	vst v63  }
0x85: {  	_ =	swait.ge [sflag:s24], $0x4000  }
0x86: {  	[sflag:s24] =	ssyncset.done $0x0  }
0x87: {  	s5 =	rddreg [dreg:$0xc];
	[sflag:s24] =	ssyncadd.s32 $0xFFFFC000  }
0x88: {  	[spmem:s1] =	stream.indirect.scatter.add.f32 [tilespmem:s22], [sflag:$0x5], $0x80, s5, s18, $0xb8;
	[tilespmem:$0x1E000] =	vst v63  }
0x89: {  	_ =	swait.ge [sflag:s15], $0x4000  }
0x8a: {  	[sflag:s15] =	ssyncset.done $0x0  }
0x8b: {  	s9 =	rddreg [dreg:$0xd];
	[sflag:s15] =	ssyncadd.s32 $0xFFFFC000  }
0x8c: {  	[tilespmem:s22], [sflag:$0x2] =	stream.indirect.gather [hbm4b:s4+s18], $0x80, s9, s18, $0xb8;
	[tilespmem:$0x1E000] =	vst v63  }
0x8d: {  	_ =	swait.ge [sflag:s23], $0x4000  }
0x8e: {  	[sflag:s23] =	ssyncset.done $0x0  }
0x8f: {  	s10 =	rddreg [dreg:$0xe];
	[sflag:s23] =	ssyncadd.s32 $0xFFFFC000  }
0x90: {  	[spmem:s1] =	stream.indirect.scatter.add.f32 [tilespmem:s19], [sflag:$0x5], $0x80, s10, s18, $0xb8;
	[tilespmem:$0x1E000] =	vst v63  }
0x91: {  	_ =	swait.ge [sflag:s15], $0x4000  }
0x92: {  	[sflag:s15] =	ssyncset.done $0x0  }
0x93: {  	s3 =	rddreg [dreg:$0xf];
	[sflag:s15] =	ssyncadd.s32 $0xFFFFC000  }
0x94: {  	[tilespmem:s19], [sflag:$0x1] =	stream.indirect.gather [hbm4b:s4+s18], $0x80, s3, s18, $0xb8;
	[tilespmem:$0x1E000] =	vst v63  }
0x95: {  	_ =	swait.ge [sflag:s24], $0x4000  }
0x96: {  	[sflag:s24] =	ssyncset.done $0x0  }
0x97: {  	s5 =	rddreg [dreg:$0x10];
	[sflag:s24] =	ssyncadd.s32 $0xFFFFC000  }
0x98: {  	[spmem:s1] =	stream.indirect.scatter.add.f32 [tilespmem:s22], [sflag:$0x5], $0x80, s5, s18, $0xb8;
	[tilespmem:$0x1E000] =	vst v63  }
0x99: {  	_ =	swait.ge [sflag:s15], $0x4000  }
0x9a: {  	[sflag:s15] =	ssyncset.done $0x0  }
0x9b: {  	s9 =	rddreg [dreg:$0x11];
	[sflag:s15] =	ssyncadd.s32 $0xFFFFC000  }
0x9c: {  	[tilespmem:s22], [sflag:$0x2] =	stream.indirect.gather [hbm4b:s4+s18], $0x80, s9, s18, $0xb8;
	[tilespmem:$0x1E000] =	vst v63  }
0x9d: {  	_ =	swait.ge [sflag:s23], $0x4000  }
0x9e: {  	[sflag:s23] =	ssyncset.done $0x0  }
0x9f: {  	s10 =	rddreg [dreg:$0x12];
	[sflag:s23] =	ssyncadd.s32 $0xFFFFC000  }
0xa0: {  	[spmem:s1] =	stream.indirect.scatter.add.f32 [tilespmem:s19], [sflag:$0x5], $0x80, s10, s18, $0xb8;
	[tilespmem:$0x1E000] =	vst v63  }
0xa1: {  	_ =	swait.ge [sflag:s15], $0x4000  }
0xa2: {  	[sflag:s15] =	ssyncset.done $0x0  }
0xa3: {  	s3 =	rddreg [dreg:$0x13];
	[sflag:s15] =	ssyncadd.s32 $0xFFFFC000  }
0xa4: {  	[tilespmem:s19], [sflag:$0x1] =	stream.indirect.gather [hbm4b:s4+s18], $0x80, s3, s18, $0xb8;
	[tilespmem:$0x1E000] =	vst v63  }
0xa5: {  	_ =	swait.ge [sflag:s24], $0x4000  }
0xa6: {  	[sflag:s24] =	ssyncset.done $0x0  }
0xa7: {  	s5 =	rddreg [dreg:$0x14];
	[sflag:s24] =	ssyncadd.s32 $0xFFFFC000  }
0xa8: {  	[spmem:s1] =	stream.indirect.scatter.add.f32 [tilespmem:s22], [sflag:$0x5], $0x80, s5, s18, $0xb8;
	[tilespmem:$0x1E000] =	vst v63  }
0xa9: {  	_ =	swait.ge [sflag:s15], $0x4000  }
0xaa: {  	[sflag:s15] =	ssyncset.done $0x0  }
0xab: {  	s9 =	rddreg [dreg:$0x15];
	[sflag:s15] =	ssyncadd.s32 $0xFFFFC000  }
0xac: {  	[tilespmem:s22], [sflag:$0x2] =	stream.indirect.gather [hbm4b:s4+s18], $0x80, s9, s18, $0xb8;
	[tilespmem:$0x1E000] =	vst v63  }
0xad: {  	_ =	swait.ge [sflag:s23], $0x4000  }
0xae: {  	[sflag:s23] =	ssyncset.done $0x0  }
0xaf: {  	s10 =	rddreg [dreg:$0x16];
	[sflag:s23] =	ssyncadd.s32 $0xFFFFC000  }
0xb0: {  	[spmem:s1] =	stream.indirect.scatter.add.f32 [tilespmem:s19], [sflag:$0x5], $0x80, s10, s18, $0xb8;
	[tilespmem:$0x1E000] =	vst v63  }
0xb1: {  	_ =	swait.ge [sflag:s15], $0x4000  }
0xb2: {  	[sflag:s15] =	ssyncset.done $0x0  }
0xb3: {  	s3 =	rddreg [dreg:$0x17];
	[sflag:s15] =	ssyncadd.s32 $0xFFFFC000  }
0xb4: {  	[tilespmem:s19], [sflag:$0x1] =	stream.indirect.gather [hbm4b:s4+s18], $0x80, s3, s18, $0xb8;
	[tilespmem:$0x1E000] =	vst v63  }
0xb5: {  	_ =	swait.ge [sflag:s24], $0x4000  }
0xb6: {  	[sflag:s24] =	ssyncset.done $0x0  }
0xb7: {  	s5 =	rddreg [dreg:$0x18];
	[sflag:s24] =	ssyncadd.s32 $0xFFFFC000  }
0xb8: {  	[spmem:s1] =	stream.indirect.scatter.add.f32 [tilespmem:s22], [sflag:$0x5], $0x80, s5, s18, $0xb8;
	[tilespmem:$0x1E000] =	vst v63  }
0xb9: {  	_ =	swait.ge [sflag:s15], $0x4000  }
0xba: {  	[sflag:s15] =	ssyncset.done $0x0  }
0xbb: {  	s9 =	rddreg [dreg:$0x19];
	[sflag:s15] =	ssyncadd.s32 $0xFFFFC000  }
0xbc: {  	[tilespmem:s22], [sflag:$0x2] =	stream.indirect.gather [hbm4b:s4+s18], $0x80, s9, s18, $0xb8;
	[tilespmem:$0x1E000] =	vst v63  }
0xbd: {  	_ =	swait.ge [sflag:s23], $0x4000  }
0xbe: {  	[sflag:s23] =	ssyncset.done $0x0  }
0xbf: {  	s10 =	rddreg [dreg:$0x1a];
	[sflag:s23] =	ssyncadd.s32 $0xFFFFC000  }
0xc0: {  	[spmem:s1] =	stream.indirect.scatter.add.f32 [tilespmem:s19], [sflag:$0x5], $0x80, s10, s18, $0xb8;
	[tilespmem:$0x1E000] =	vst v63  }
0xc1: {  	_ =	swait.ge [sflag:s15], $0x4000  }
0xc2: {  	[sflag:s15] =	ssyncset.done $0x0  }
0xc3: {  	s3 =	rddreg [dreg:$0x1b];
	[sflag:s15] =	ssyncadd.s32 $0xFFFFC000  }
0xc4: {  	[tilespmem:s19], [sflag:$0x1] =	stream.indirect.gather [hbm4b:s4+s18], $0x80, s3, s18, $0xb8;
	[tilespmem:$0x1E000] =	vst v63  }
0xc5: {  	_ =	swait.ge [sflag:s24], $0x4000  }
0xc6: {  	[sflag:s24] =	ssyncset.done $0x0  }
0xc7: {  	s5 =	rddreg [dreg:$0x1c];
	[sflag:s24] =	ssyncadd.s32 $0xFFFFC000  }
0xc8: {  	[spmem:s1] =	stream.indirect.scatter.add.f32 [tilespmem:s22], [sflag:$0x5], $0x80, s5, s18, $0xb8;
	[tilespmem:$0x1E000] =	vst v63  }
0xc9: {  	_ =	swait.ge [sflag:s15], $0x4000  }
0xca: {  	[sflag:s15] =	ssyncset.done $0x0  }
0xcb: {  	s9 =	rddreg [dreg:$0x1d];
	[sflag:s15] =	ssyncadd.s32 $0xFFFFC000  }
0xcc: {  	[tilespmem:s22], [sflag:$0x2] =	stream.indirect.gather [hbm4b:s4+s18], $0x80, s9, s18, $0xb8;
	[tilespmem:$0x1E000] =	vst v63  }
0xcd: {  	_ =	swait.ge [sflag:s23], $0x4000  }
0xce: {  	[sflag:s23] =	ssyncset.done $0x0  }
0xcf: {  	s10 =	rddreg [dreg:$0x1e];
	[sflag:s23] =	ssyncadd.s32 $0xFFFFC000  }
0xd0: {  	[spmem:s1] =	stream.indirect.scatter.add.f32 [tilespmem:s19], [sflag:$0x5], $0x80, s10, s18, $0xb8;
	[tilespmem:$0x1E000] =	vst v63  }
0xd1: {  	_ =	swait.ge [sflag:s15], $0x4000  }
0xd2: {  	[sflag:s15] =	ssyncset.done $0x0  }
0xd3: {  	[sflag:s15] =	ssyncadd.s32 $0xFFFFC000  }
0xd4: {  	_ =	swait.ge [sflag:s25], $0x800  }
0xd5: {  	[sflag:s25] =	ssyncset.done $0x0  }
0xd6: {  	[sflag:s25] =	ssyncadd.s32 $0xFFFFF800  }
0xd7: {  	_ =	swait.ge [sflag:s25], $0x800  }
0xd8: {  	[sflag:s25] =	ssyncset.done $0x0  }
0xd9: {  	[sflag:s25] =	ssyncadd.s32 $0xFFFFF800  }
0xda: {  	[tilespmem:s19], [sflag:$0x1] =	stream.indirect.gather [hbm4b:s4+s18], $0x80, s20, s18, $0xb8;
	[tilespmem:$0x1E000] =	vst v63  }
0xdb: {  	_ =	swait.ge [sflag:s24], $0x4000  }
0xdc: {  	[sflag:s24] =	ssyncset.done $0x0  }
0xdd: {  	p0 =	por $0x0, $0x0;
	s3 =	rddreg [dreg:$0x1f];
	[sflag:s24] =	ssyncadd.s32 $0xFFFFC000  }
0xde: {  	[spmem:s1] =	stream.indirect.scatter.add.f32 [tilespmem:s22], [sflag:$0x5], $0x80, s3, s18, $0xb8;
	[tilespmem:$0x1E000] =	vst v63  }
0xdf: {  	s0 =	sadd.s32 @!p0 $0x0, s13;
	_ =	swait.ge [sflag:s15], $0x4000  }
0xe0: {  	s30 =	sadd.s32 @!p0 $0x200, s0;
	[sflag:s15] =	ssyncset.done $0x0  }
0xe1: {  	s0 =	simm.s32 @!p0 $0x0;
	s3 =	sadd.s32 @!p0 $0x0, s8;
	[sflag:s15] =	ssyncadd.s32 $0xFFFFC000  }
0xe2: {  	[tilespmem:s0], [sflag:$0x3] =	stream.linear.gather @!p0 [hbm4b:s30+s0], $0x800, $0x38;
	[tilespmem:$0x1E000] =	vst v63  }
0xe3: {  	s31 =	simm.s32 @!p0 $0x800;
	s3 =	sadd.s32 @!p0 $0x200, s3;
	s30 =	sld [smem:$0x7E0]  }
0xe4: {  	[tilespmem:s31], [sflag:$0x3] =	stream.linear.gather @!p0 [hbm4b:s3+s0], $0x800, $0x38;
	[tilespmem:$0x1E000] =	vst v63  }
0xe5: {  	_ = 	snop  }
0xe6: {  	[tilespmem:s22], [sflag:$0x2] =	stream.indirect.gather [hbm4b:s4+s18], $0x80, s30, s18, $0xb8;
	[tilespmem:$0x1E000] =	vst v63  }
0xe7: {  	_ =	swait.ge [sflag:s23], $0x4000  }
0xe8: {  	[sflag:s23] =	ssyncset.done $0x0  }
0xe9: {  	[sflag:s23] =	ssyncadd.s32 $0xFFFFC000  }
0xea: {  	[spmem:s1] =	stream.indirect.scatter.add.f32 [tilespmem:s19], [sflag:$0x5], $0x80, s21, s18, $0xb8;
	[tilespmem:$0x1E000] =	vst v63  }
0xeb: {  	_ =	swait.ge [sflag:s15], $0x4000  }
0xec: {  	s5 =	sld [smem:$0x7E1]  }
0xed: {  	[sflag:s15] =	ssyncset.done $0x0  }
0xee: {  	[sflag:s15] =	ssyncadd.s32 $0xFFFFC000  }
0xef: {  	[tilespmem:s19], [sflag:$0x1] =	stream.indirect.gather [hbm4b:s4+s18], $0x80, s5, s18, $0xb8;
	[tilespmem:$0x1E000] =	vst v63  }
0xf0: {  	_ =	swait.ge [sflag:s24], $0x4000  }
0xf1: {  	s9 =	sld [smem:$0x7E2]  }
0xf2: {  	[sflag:s24] =	ssyncset.done $0x0  }
0xf3: {  	[sflag:s24] =	ssyncadd.s32 $0xFFFFC000  }
0xf4: {  	[spmem:s1] =	stream.indirect.scatter.add.f32 [tilespmem:s22], [sflag:$0x5], $0x80, s9, s18, $0xb8;
	[tilespmem:$0x1E000] =	vst v63  }
0xf5: {  	_ =	swait.ge [sflag:s15], $0x4000  }
0xf6: {  	s10 =	sld [smem:$0x7E3]  }
0xf7: {  	[sflag:s15] =	ssyncset.done $0x0  }
0xf8: {  	[sflag:s15] =	ssyncadd.s32 $0xFFFFC000  }
0xf9: {  	[tilespmem:s22], [sflag:$0x2] =	stream.indirect.gather [hbm4b:s4+s18], $0x80, s10, s18, $0xb8;
	[tilespmem:$0x1E000] =	vst v63  }
0xfa: {  	_ =	swait.ge [sflag:s23], $0x4000  }
0xfb: {  	s5 =	sld [smem:$0x7E4]  }
0xfc: {  	[sflag:s23] =	ssyncset.done $0x0  }
0xfd: {  	[sflag:s23] =	ssyncadd.s32 $0xFFFFC000  }
0xfe: {  	[spmem:s1] =	stream.indirect.scatter.add.f32 [tilespmem:s19], [sflag:$0x5], $0x80, s5, s18, $0xb8;
	[tilespmem:$0x1E000] =	vst v63  }
0xff: {  	_ =	swait.ge [sflag:s15], $0x4000  }
0x100: {  	s9 =	sld [smem:$0x7E5]  }
0x101: {  	[sflag:s15] =	ssyncset.done $0x0  }
0x102: {  	[sflag:s15] =	ssyncadd.s32 $0xFFFFC000  }
0x103: {  	[tilespmem:s19], [sflag:$0x1] =	stream.indirect.gather [hbm4b:s4+s18], $0x80, s9, s18, $0xb8;
	[tilespmem:$0x1E000] =	vst v63  }
0x104: {  	_ =	swait.ge [sflag:s24], $0x4000  }
0x105: {  	s10 =	sld [smem:$0x7E6]  }
0x106: {  	[sflag:s24] =	ssyncset.done $0x0  }
0x107: {  	[sflag:s24] =	ssyncadd.s32 $0xFFFFC000  }
0x108: {  	[spmem:s1] =	stream.indirect.scatter.add.f32 [tilespmem:s22], [sflag:$0x5], $0x80, s10, s18, $0xb8;
	[tilespmem:$0x1E000] =	vst v63  }
0x109: {  	_ =	swait.ge [sflag:s15], $0x4000  }
0x10a: {  	s5 =	sld [smem:$0x7E7]  }
0x10b: {  	[sflag:s15] =	ssyncset.done $0x0  }
0x10c: {  	[sflag:s15] =	ssyncadd.s32 $0xFFFFC000  }
0x10d: {  	[tilespmem:s22], [sflag:$0x2] =	stream.indirect.gather [hbm4b:s4+s18], $0x80, s5, s18, $0xb8;
	[tilespmem:$0x1E000] =	vst v63  }
0x10e: {  	_ =	swait.ge [sflag:s23], $0x4000  }
0x10f: {  	s9 =	sld [smem:$0x7E8]  }
0x110: {  	[sflag:s23] =	ssyncset.done $0x0  }
0x111: {  	[sflag:s23] =	ssyncadd.s32 $0xFFFFC000  }
0x112: {  	[spmem:s1] =	stream.indirect.scatter.add.f32 [tilespmem:s19], [sflag:$0x5], $0x80, s9, s18, $0xb8;
	[tilespmem:$0x1E000] =	vst v63  }
0x113: {  	_ =	swait.ge [sflag:s15], $0x4000  }
0x114: {  	s10 =	sld [smem:$0x7E9]  }
0x115: {  	[sflag:s15] =	ssyncset.done $0x0  }
0x116: {  	[sflag:s15] =	ssyncadd.s32 $0xFFFFC000  }
0x117: {  	[tilespmem:s19], [sflag:$0x1] =	stream.indirect.gather [hbm4b:s4+s18], $0x80, s10, s18, $0xb8;
	[tilespmem:$0x1E000] =	vst v63  }
0x118: {  	_ =	swait.ge [sflag:s24], $0x4000  }
0x119: {  	s5 =	sld [smem:$0x7EB]  }
0x11a: {  	[sflag:s24] =	ssyncset.done $0x0  }
0x11b: {  	[sflag:s24] =	ssyncadd.s32 $0xFFFFC000  }
0x11c: {  	[spmem:s1] =	stream.indirect.scatter.add.f32 [tilespmem:s22], [sflag:$0x5], $0x80, s5, s18, $0xb8;
	[tilespmem:$0x1E000] =	vst v63  }
0x11d: {  	_ =	swait.ge [sflag:s15], $0x4000  }
0x11e: {  	s9 =	sld [smem:$0x7ED]  }
0x11f: {  	[sflag:s15] =	ssyncset.done $0x0  }
0x120: {  	[sflag:s15] =	ssyncadd.s32 $0xFFFFC000  }
0x121: {  	[tilespmem:s22], [sflag:$0x2] =	stream.indirect.gather [hbm4b:s4+s18], $0x80, s9, s18, $0xb8;
	[tilespmem:$0x1E000] =	vst v63  }
0x122: {  	_ =	swait.ge [sflag:s23], $0x4000  }
0x123: {  	s10 =	sld [smem:$0x7EE]  }
0x124: {  	[sflag:s23] =	ssyncset.done $0x0  }
0x125: {  	[sflag:s23] =	ssyncadd.s32 $0xFFFFC000  }
0x126: {  	[spmem:s1] =	stream.indirect.scatter.add.f32 [tilespmem:s19], [sflag:$0x5], $0x80, s10, s18, $0xb8;
	[tilespmem:$0x1E000] =	vst v63  }
0x127: {  	_ =	swait.ge [sflag:s15], $0x4000  }
0x128: {  	s5 =	sld [smem:$0x7EF]  }
0x129: {  	[sflag:s15] =	ssyncset.done $0x0  }
0x12a: {  	[sflag:s15] =	ssyncadd.s32 $0xFFFFC000  }
0x12b: {  	[tilespmem:s19], [sflag:$0x1] =	stream.indirect.gather [hbm4b:s4+s18], $0x80, s5, s18, $0xb8;
	[tilespmem:$0x1E000] =	vst v63  }
0x12c: {  	_ =	swait.ge [sflag:s24], $0x4000  }
0x12d: {  	s9 =	sld [smem:$0x7F0]  }
0x12e: {  	[sflag:s24] =	ssyncset.done $0x0  }
0x12f: {  	[sflag:s24] =	ssyncadd.s32 $0xFFFFC000  }
0x130: {  	[spmem:s1] =	stream.indirect.scatter.add.f32 [tilespmem:s22], [sflag:$0x5], $0x80, s9, s18, $0xb8;
	[tilespmem:$0x1E000] =	vst v63  }
0x131: {  	_ =	swait.ge [sflag:s15], $0x4000  }
0x132: {  	s10 =	sld [smem:$0x7F1]  }
0x133: {  	[sflag:s15] =	ssyncset.done $0x0  }
0x134: {  	[sflag:s15] =	ssyncadd.s32 $0xFFFFC000  }
0x135: {  	[tilespmem:s22], [sflag:$0x2] =	stream.indirect.gather [hbm4b:s4+s18], $0x80, s10, s18, $0xb8;
	[tilespmem:$0x1E000] =	vst v63  }
0x136: {  	_ =	swait.ge [sflag:s23], $0x4000  }
0x137: {  	s5 =	sld [smem:$0x7F2]  }
0x138: {  	[sflag:s23] =	ssyncset.done $0x0  }
0x139: {  	[sflag:s23] =	ssyncadd.s32 $0xFFFFC000  }
0x13a: {  	[spmem:s1] =	stream.indirect.scatter.add.f32 [tilespmem:s19], [sflag:$0x5], $0x80, s5, s18, $0xb8;
	[tilespmem:$0x1E000] =	vst v63  }
0x13b: {  	_ =	swait.ge [sflag:s15], $0x4000  }
0x13c: {  	s9 =	sld [smem:$0x7F3]  }
0x13d: {  	[sflag:s15] =	ssyncset.done $0x0  }
0x13e: {  	[sflag:s15] =	ssyncadd.s32 $0xFFFFC000  }
0x13f: {  	[tilespmem:s19], [sflag:$0x1] =	stream.indirect.gather [hbm4b:s4+s18], $0x80, s9, s18, $0xb8;
	[tilespmem:$0x1E000] =	vst v63  }
0x140: {  	_ =	swait.ge [sflag:s24], $0x4000  }
0x141: {  	s10 =	sld [smem:$0x7F4]  }
0x142: {  	[sflag:s24] =	ssyncset.done $0x0  }
0x143: {  	[sflag:s24] =	ssyncadd.s32 $0xFFFFC000  }
0x144: {  	[spmem:s1] =	stream.indirect.scatter.add.f32 [tilespmem:s22], [sflag:$0x5], $0x80, s10, s18, $0xb8;
	[tilespmem:$0x1E000] =	vst v63  }
0x145: {  	_ =	swait.ge [sflag:s15], $0x4000  }
0x146: {  	s5 =	sld [smem:$0x7F5]  }
0x147: {  	[sflag:s15] =	ssyncset.done $0x0  }
0x148: {  	[sflag:s15] =	ssyncadd.s32 $0xFFFFC000  }
0x149: {  	[tilespmem:s22], [sflag:$0x2] =	stream.indirect.gather [hbm4b:s4+s18], $0x80, s5, s18, $0xb8;
	[tilespmem:$0x1E000] =	vst v63  }
0x14a: {  	_ =	swait.ge [sflag:s23], $0x4000  }
0x14b: {  	s9 =	sld [smem:$0x7F6]  }
0x14c: {  	[sflag:s23] =	ssyncset.done $0x0  }
0x14d: {  	[sflag:s23] =	ssyncadd.s32 $0xFFFFC000  }
0x14e: {  	[spmem:s1] =	stream.indirect.scatter.add.f32 [tilespmem:s19], [sflag:$0x5], $0x80, s9, s18, $0xb8;
	[tilespmem:$0x1E000] =	vst v63  }
0x14f: {  	_ =	swait.ge [sflag:s15], $0x4000  }
0x150: {  	s10 =	sld [smem:$0x7F7]  }
0x151: {  	[sflag:s15] =	ssyncset.done $0x0  }
0x152: {  	[sflag:s15] =	ssyncadd.s32 $0xFFFFC000  }
0x153: {  	[tilespmem:s19], [sflag:$0x1] =	stream.indirect.gather [hbm4b:s4+s18], $0x80, s10, s18, $0xb8;
	[tilespmem:$0x1E000] =	vst v63  }
0x154: {  	_ =	swait.ge [sflag:s24], $0x4000  }
0x155: {  	s5 =	sld [smem:$0x7F8]  }
0x156: {  	[sflag:s24] =	ssyncset.done $0x0  }
0x157: {  	[sflag:s24] =	ssyncadd.s32 $0xFFFFC000  }
0x158: {  	[spmem:s1] =	stream.indirect.scatter.add.f32 [tilespmem:s22], [sflag:$0x5], $0x80, s5, s18, $0xb8;
	[tilespmem:$0x1E000] =	vst v63  }
0x159: {  	_ =	swait.ge [sflag:s15], $0x4000  }
0x15a: {  	s9 =	sld [smem:$0x7F9]  }
0x15b: {  	[sflag:s15] =	ssyncset.done $0x0  }
0x15c: {  	[sflag:s15] =	ssyncadd.s32 $0xFFFFC000  }
0x15d: {  	[tilespmem:s22], [sflag:$0x2] =	stream.indirect.gather [hbm4b:s4+s18], $0x80, s9, s18, $0xb8;
	[tilespmem:$0x1E000] =	vst v63  }
0x15e: {  	_ =	swait.ge [sflag:s23], $0x4000  }
0x15f: {  	s10 =	sld [smem:$0x7FA]  }
0x160: {  	[sflag:s23] =	ssyncset.done $0x0  }
0x161: {  	[sflag:s23] =	ssyncadd.s32 $0xFFFFC000  }
0x162: {  	[spmem:s1] =	stream.indirect.scatter.add.f32 [tilespmem:s19], [sflag:$0x5], $0x80, s10, s18, $0xb8;
	[tilespmem:$0x1E000] =	vst v63  }
0x163: {  	_ =	swait.ge [sflag:s15], $0x4000  }
0x164: {  	s5 =	sld [smem:$0x7FB]  }
0x165: {  	[sflag:s15] =	ssyncset.done $0x0  }
0x166: {  	[sflag:s15] =	ssyncadd.s32 $0xFFFFC000  }
0x167: {  	[tilespmem:s19], [sflag:$0x1] =	stream.indirect.gather [hbm4b:s4+s18], $0x80, s5, s18, $0xb8;
	[tilespmem:$0x1E000] =	vst v63  }
0x168: {  	_ =	swait.ge [sflag:s24], $0x4000  }
0x169: {  	s9 =	sld [smem:$0x7FC]  }
0x16a: {  	[sflag:s24] =	ssyncset.done $0x0  }
0x16b: {  	[sflag:s24] =	ssyncadd.s32 $0xFFFFC000  }
0x16c: {  	[spmem:s1] =	stream.indirect.scatter.add.f32 [tilespmem:s22], [sflag:$0x5], $0x80, s9, s18, $0xb8;
	[tilespmem:$0x1E000] =	vst v63  }
0x16d: {  	_ =	swait.ge [sflag:s15], $0x4000  }
0x16e: {  	s10 =	sld [smem:$0x7FD]  }
0x16f: {  	[sflag:s15] =	ssyncset.done $0x0  }
0x170: {  	[sflag:s15] =	ssyncadd.s32 $0xFFFFC000  }
0x171: {  	[tilespmem:s22], [sflag:$0x2] =	stream.indirect.gather [hbm4b:s4+s18], $0x80, s10, s18, $0xb8;
	[tilespmem:$0x1E000] =	vst v63  }
0x172: {  	_ =	swait.ge [sflag:s23], $0x4000  }
0x173: {  	[sflag:s23] =	ssyncset.done $0x0  }
0x174: {  	[sflag:s23] =	ssyncadd.s32 $0xFFFFC000  }
0x175: {  	[spmem:s1] =	stream.indirect.scatter.add.f32 [tilespmem:s19], [sflag:$0x5], $0x80, s26, s18, $0xb8;
	[tilespmem:$0x1E000] =	vst v63  }
0x176: {  	_ =	swait.ge [sflag:s15], $0x4000  }
0x177: {  	[sflag:s15] =	ssyncset.done $0x0  }
0x178: {  	s3 =	simm.s32 @!p0 $0x3;
	[sflag:s15] =	ssyncadd.s32 $0xFFFFC000  }
0x179: {  	_ =	swait.ge @!p0 [sflag:s3], $0x800  }
0x17a: {  	[sflag:s3] =	ssyncset.done @!p0 $0x0  }
0x17b: {  	[sflag:s3] =	ssyncadd.s32 @!p0 $0xFFFFF800  }
0x17c: {  	_ =	swait.ge @!p0 [sflag:s3], $0x800  }
0x17d: {  	[sflag:s3] =	ssyncset.done @!p0 $0x0  }
0x17e: {  	s31 =	simm.s32 @!p0 $0x2000;
	s30 =	simm.s32 @!p0 $0x80;
	[sflag:s3] =	ssyncadd.s32 @!p0 $0xFFFFF800  }
0x17f: {  	[tilespmem:s31], [sflag:$0x1] =	stream.indirect.gather @!p0 [hbm4b:s4+s30], $0x80, s0, s30, $0xb8;
	[tilespmem:$0x1E000] =	vst v63  }
0x180: {  	_ =	swait.ge [sflag:s24], $0x4000  }
0x181: {  	p1 =	por $0x0, $0x0;
	[sflag:s24] =	ssyncset.done $0x0  }
0x182: {  	s3 =	simm.s32 @!p1 $0x0;
	s30 =	simm.s32 $0x200;
	[sflag:s24] =	ssyncadd.s32 $0xFFFFC000  }
0x183: {  	[spmem:s1] =	stream.indirect.scatter.add.f32 [tilespmem:s22], [sflag:$0x5], $0x80, s28, s18, $0xb8;
	[tilespmem:$0x1E000] =	vst v63  }
0x184: {  	s31 =	simm.s32 $0x400;
	s0 =	sadd.s32 @!p1 $0x200, s13;
	_ =	swait.ge [sflag:s15], $0x4000  }
.LBB2_2:
0x185: {  	s0 =	sadd.s32 @!p1 $0x100, s0;
	[sflag:s15] =	ssyncset.done $0x0  }
0x186: {  	s5 =	simm.s32 @!p1 $0x1000;
	s9 =	sadd.s32 @!p1 s30, s8;
	[sflag:s15] =	ssyncadd.s32 $0xFFFFC000  }
0x187: {  	[tilespmem:s5], [sflag:$0x4] =	stream.linear.gather @!p1 [hbm4b:s0+s3], $0x800, $0x38;
	[tilespmem:$0x1E000] =	vst v63  }
0x188: {  	s10 =	simm.s32 @!p1 $0x1800;
	s5 =	sadd.s32 @!p1 $0x100, s9  }
0x189: {  	[tilespmem:s10], [sflag:$0x4] =	stream.linear.gather @!p1 [hbm4b:s5+s3], $0x800, $0x38;
	[tilespmem:$0x1E000] =	vst v63  }
0x18a: {  	_ = 	snop  }
0x18b: {  	[tilespmem:s22], [sflag:$0x2] =	stream.indirect.gather [hbm4b:s4+s18], $0x80, s18, s18, $0xb8;
	[tilespmem:$0x1E000] =	vst v63  }
0x18c: {  	_ =	swait.ge [sflag:s23], $0x4000  }
0x18d: {  	[sflag:s23] =	ssyncset.done $0x0  }
0x18e: {  	[sflag:s23] =	ssyncadd.s32 $0xFFFFC000  }
0x18f: {  	[spmem:s1] =	stream.indirect.scatter.add.f32 [tilespmem:s19], [sflag:$0x5], $0x80, s16, s18, $0xb8;
	[tilespmem:$0x1E000] =	vst v63  }
0x190: {  	_ =	swait.ge [sflag:s15], $0x4000  }
0x191: {  	[sflag:s15] =	ssyncset.done $0x0  }
0x192: {  	s9 =	rddreg [dreg:$0x3];
	[sflag:s15] =	ssyncadd.s32 $0xFFFFC000  }
0x193: {  	[tilespmem:s19], [sflag:$0x1] =	stream.indirect.gather [hbm4b:s4+s18], $0x80, s9, s18, $0xb8;
	[tilespmem:$0x1E000] =	vst v63  }
0x194: {  	_ =	swait.ge [sflag:s24], $0x4000  }
0x195: {  	[sflag:s24] =	ssyncset.done $0x0  }
0x196: {  	s10 =	rddreg [dreg:$0x4];
	[sflag:s24] =	ssyncadd.s32 $0xFFFFC000  }
0x197: {  	[spmem:s1] =	stream.indirect.scatter.add.f32 [tilespmem:s22], [sflag:$0x5], $0x80, s10, s18, $0xb8;
	[tilespmem:$0x1E000] =	vst v63  }
0x198: {  	_ =	swait.ge [sflag:s15], $0x4000  }
0x199: {  	[sflag:s15] =	ssyncset.done $0x0  }
0x19a: {  	s5 =	rddreg [dreg:$0x5];
	[sflag:s15] =	ssyncadd.s32 $0xFFFFC000  }
0x19b: {  	[tilespmem:s22], [sflag:$0x2] =	stream.indirect.gather [hbm4b:s4+s18], $0x80, s5, s18, $0xb8;
	[tilespmem:$0x1E000] =	vst v63  }
0x19c: {  	_ =	swait.ge [sflag:s23], $0x4000  }
0x19d: {  	[sflag:s23] =	ssyncset.done $0x0  }
0x19e: {  	s9 =	rddreg [dreg:$0x6];
	[sflag:s23] =	ssyncadd.s32 $0xFFFFC000  }
0x19f: {  	[spmem:s1] =	stream.indirect.scatter.add.f32 [tilespmem:s19], [sflag:$0x5], $0x80, s9, s18, $0xb8;
	[tilespmem:$0x1E000] =	vst v63  }
0x1a0: {  	_ =	swait.ge [sflag:s15], $0x4000  }
0x1a1: {  	[sflag:s15] =	ssyncset.done $0x0  }
0x1a2: {  	s10 =	rddreg [dreg:$0x7];
	[sflag:s15] =	ssyncadd.s32 $0xFFFFC000  }
0x1a3: {  	[tilespmem:s19], [sflag:$0x1] =	stream.indirect.gather [hbm4b:s4+s18], $0x80, s10, s18, $0xb8;
	[tilespmem:$0x1E000] =	vst v63  }
0x1a4: {  	_ =	swait.ge [sflag:s24], $0x4000  }
0x1a5: {  	[sflag:s24] =	ssyncset.done $0x0  }
0x1a6: {  	s5 =	rddreg [dreg:$0x8];
	[sflag:s24] =	ssyncadd.s32 $0xFFFFC000  }
0x1a7: {  	[spmem:s1] =	stream.indirect.scatter.add.f32 [tilespmem:s22], [sflag:$0x5], $0x80, s5, s18, $0xb8;
	[tilespmem:$0x1E000] =	vst v63  }
0x1a8: {  	_ =	swait.ge [sflag:s15], $0x4000  }
0x1a9: {  	[sflag:s15] =	ssyncset.done $0x0  }
0x1aa: {  	s9 =	rddreg [dreg:$0x9];
	[sflag:s15] =	ssyncadd.s32 $0xFFFFC000  }
0x1ab: {  	[tilespmem:s22], [sflag:$0x2] =	stream.indirect.gather [hbm4b:s4+s18], $0x80, s9, s18, $0xb8;
	[tilespmem:$0x1E000] =	vst v63  }
0x1ac: {  	_ =	swait.ge [sflag:s23], $0x4000  }
0x1ad: {  	[sflag:s23] =	ssyncset.done $0x0  }
0x1ae: {  	s10 =	rddreg [dreg:$0xa];
	[sflag:s23] =	ssyncadd.s32 $0xFFFFC000  }
0x1af: {  	[spmem:s1] =	stream.indirect.scatter.add.f32 [tilespmem:s19], [sflag:$0x5], $0x80, s10, s18, $0xb8;
	[tilespmem:$0x1E000] =	vst v63  }
0x1b0: {  	_ =	swait.ge [sflag:s15], $0x4000  }
0x1b1: {  	[sflag:s15] =	ssyncset.done $0x0  }
0x1b2: {  	s5 =	rddreg [dreg:$0xb];
	[sflag:s15] =	ssyncadd.s32 $0xFFFFC000  }
0x1b3: {  	[tilespmem:s19], [sflag:$0x1] =	stream.indirect.gather [hbm4b:s4+s18], $0x80, s5, s18, $0xb8;
	[tilespmem:$0x1E000] =	vst v63  }
0x1b4: {  	_ =	swait.ge [sflag:s24], $0x4000  }
0x1b5: {  	[sflag:s24] =	ssyncset.done $0x0  }
0x1b6: {  	s9 =	rddreg [dreg:$0xc];
	[sflag:s24] =	ssyncadd.s32 $0xFFFFC000  }
0x1b7: {  	[spmem:s1] =	stream.indirect.scatter.add.f32 [tilespmem:s22], [sflag:$0x5], $0x80, s9, s18, $0xb8;
	[tilespmem:$0x1E000] =	vst v63  }
0x1b8: {  	_ =	swait.ge [sflag:s15], $0x4000  }
0x1b9: {  	[sflag:s15] =	ssyncset.done $0x0  }
0x1ba: {  	s10 =	rddreg [dreg:$0xd];
	[sflag:s15] =	ssyncadd.s32 $0xFFFFC000  }
0x1bb: {  	[tilespmem:s22], [sflag:$0x2] =	stream.indirect.gather [hbm4b:s4+s18], $0x80, s10, s18, $0xb8;
	[tilespmem:$0x1E000] =	vst v63  }
0x1bc: {  	_ =	swait.ge [sflag:s23], $0x4000  }
0x1bd: {  	[sflag:s23] =	ssyncset.done $0x0  }
0x1be: {  	s5 =	rddreg [dreg:$0xe];
	[sflag:s23] =	ssyncadd.s32 $0xFFFFC000  }
0x1bf: {  	[spmem:s1] =	stream.indirect.scatter.add.f32 [tilespmem:s19], [sflag:$0x5], $0x80, s5, s18, $0xb8;
	[tilespmem:$0x1E000] =	vst v63  }
0x1c0: {  	_ =	swait.ge [sflag:s15], $0x4000  }
0x1c1: {  	[sflag:s15] =	ssyncset.done $0x0  }
0x1c2: {  	s9 =	rddreg [dreg:$0xf];
	[sflag:s15] =	ssyncadd.s32 $0xFFFFC000  }
0x1c3: {  	[tilespmem:s19], [sflag:$0x1] =	stream.indirect.gather [hbm4b:s4+s18], $0x80, s9, s18, $0xb8;
	[tilespmem:$0x1E000] =	vst v63  }
0x1c4: {  	_ =	swait.ge [sflag:s24], $0x4000  }
0x1c5: {  	[sflag:s24] =	ssyncset.done $0x0  }
0x1c6: {  	s10 =	rddreg [dreg:$0x10];
	[sflag:s24] =	ssyncadd.s32 $0xFFFFC000  }
0x1c7: {  	[spmem:s1] =	stream.indirect.scatter.add.f32 [tilespmem:s22], [sflag:$0x5], $0x80, s10, s18, $0xb8;
	[tilespmem:$0x1E000] =	vst v63  }
0x1c8: {  	_ =	swait.ge [sflag:s15], $0x4000  }
0x1c9: {  	[sflag:s15] =	ssyncset.done $0x0  }
0x1ca: {  	s5 =	rddreg [dreg:$0x11];
	[sflag:s15] =	ssyncadd.s32 $0xFFFFC000  }
0x1cb: {  	[tilespmem:s22], [sflag:$0x2] =	stream.indirect.gather [hbm4b:s4+s18], $0x80, s5, s18, $0xb8;
	[tilespmem:$0x1E000] =	vst v63  }
0x1cc: {  	_ =	swait.ge [sflag:s23], $0x4000  }
0x1cd: {  	[sflag:s23] =	ssyncset.done $0x0  }
0x1ce: {  	s9 =	rddreg [dreg:$0x12];
	[sflag:s23] =	ssyncadd.s32 $0xFFFFC000  }
0x1cf: {  	[spmem:s1] =	stream.indirect.scatter.add.f32 [tilespmem:s19], [sflag:$0x5], $0x80, s9, s18, $0xb8;
	[tilespmem:$0x1E000] =	vst v63  }
0x1d0: {  	_ =	swait.ge [sflag:s15], $0x4000  }
0x1d1: {  	[sflag:s15] =	ssyncset.done $0x0  }
0x1d2: {  	s10 =	rddreg [dreg:$0x13];
	[sflag:s15] =	ssyncadd.s32 $0xFFFFC000  }
0x1d3: {  	[tilespmem:s19], [sflag:$0x1] =	stream.indirect.gather [hbm4b:s4+s18], $0x80, s10, s18, $0xb8;
	[tilespmem:$0x1E000] =	vst v63  }
0x1d4: {  	_ =	swait.ge [sflag:s24], $0x4000  }
0x1d5: {  	[sflag:s24] =	ssyncset.done $0x0  }
0x1d6: {  	s5 =	rddreg [dreg:$0x14];
	[sflag:s24] =	ssyncadd.s32 $0xFFFFC000  }
0x1d7: {  	[spmem:s1] =	stream.indirect.scatter.add.f32 [tilespmem:s22], [sflag:$0x5], $0x80, s5, s18, $0xb8;
	[tilespmem:$0x1E000] =	vst v63  }
0x1d8: {  	_ =	swait.ge [sflag:s15], $0x4000  }
0x1d9: {  	[sflag:s15] =	ssyncset.done $0x0  }
0x1da: {  	s9 =	rddreg [dreg:$0x15];
	[sflag:s15] =	ssyncadd.s32 $0xFFFFC000  }
0x1db: {  	[tilespmem:s22], [sflag:$0x2] =	stream.indirect.gather [hbm4b:s4+s18], $0x80, s9, s18, $0xb8;
	[tilespmem:$0x1E000] =	vst v63  }
0x1dc: {  	_ =	swait.ge [sflag:s23], $0x4000  }
0x1dd: {  	[sflag:s23] =	ssyncset.done $0x0  }
0x1de: {  	s10 =	rddreg [dreg:$0x16];
	[sflag:s23] =	ssyncadd.s32 $0xFFFFC000  }
0x1df: {  	[spmem:s1] =	stream.indirect.scatter.add.f32 [tilespmem:s19], [sflag:$0x5], $0x80, s10, s18, $0xb8;
	[tilespmem:$0x1E000] =	vst v63  }
0x1e0: {  	_ =	swait.ge [sflag:s15], $0x4000  }
0x1e1: {  	[sflag:s15] =	ssyncset.done $0x0  }
0x1e2: {  	s5 =	rddreg [dreg:$0x17];
	[sflag:s15] =	ssyncadd.s32 $0xFFFFC000  }
0x1e3: {  	[tilespmem:s19], [sflag:$0x1] =	stream.indirect.gather [hbm4b:s4+s18], $0x80, s5, s18, $0xb8;
	[tilespmem:$0x1E000] =	vst v63  }
0x1e4: {  	_ =	swait.ge [sflag:s24], $0x4000  }
0x1e5: {  	[sflag:s24] =	ssyncset.done $0x0  }
0x1e6: {  	s9 =	rddreg [dreg:$0x18];
	[sflag:s24] =	ssyncadd.s32 $0xFFFFC000  }
0x1e7: {  	[spmem:s1] =	stream.indirect.scatter.add.f32 [tilespmem:s22], [sflag:$0x5], $0x80, s9, s18, $0xb8;
	[tilespmem:$0x1E000] =	vst v63  }
0x1e8: {  	_ =	swait.ge [sflag:s15], $0x4000  }
0x1e9: {  	[sflag:s15] =	ssyncset.done $0x0  }
0x1ea: {  	s10 =	rddreg [dreg:$0x19];
	[sflag:s15] =	ssyncadd.s32 $0xFFFFC000  }
0x1eb: {  	[tilespmem:s22], [sflag:$0x2] =	stream.indirect.gather [hbm4b:s4+s18], $0x80, s10, s18, $0xb8;
	[tilespmem:$0x1E000] =	vst v63  }
0x1ec: {  	_ =	swait.ge [sflag:s23], $0x4000  }
0x1ed: {  	[sflag:s23] =	ssyncset.done $0x0  }
0x1ee: {  	s5 =	rddreg [dreg:$0x1a];
	[sflag:s23] =	ssyncadd.s32 $0xFFFFC000  }
0x1ef: {  	[spmem:s1] =	stream.indirect.scatter.add.f32 [tilespmem:s19], [sflag:$0x5], $0x80, s5, s18, $0xb8;
	[tilespmem:$0x1E000] =	vst v63  }
0x1f0: {  	_ =	swait.ge [sflag:s15], $0x4000  }
0x1f1: {  	[sflag:s15] =	ssyncset.done $0x0  }
0x1f2: {  	s9 =	rddreg [dreg:$0x1b];
	[sflag:s15] =	ssyncadd.s32 $0xFFFFC000  }
0x1f3: {  	[tilespmem:s19], [sflag:$0x1] =	stream.indirect.gather [hbm4b:s4+s18], $0x80, s9, s18, $0xb8;
	[tilespmem:$0x1E000] =	vst v63  }
0x1f4: {  	_ =	swait.ge [sflag:s24], $0x4000  }
0x1f5: {  	[sflag:s24] =	ssyncset.done $0x0  }
0x1f6: {  	s10 =	rddreg [dreg:$0x1c];
	[sflag:s24] =	ssyncadd.s32 $0xFFFFC000  }
0x1f7: {  	[spmem:s1] =	stream.indirect.scatter.add.f32 [tilespmem:s22], [sflag:$0x5], $0x80, s10, s18, $0xb8;
	[tilespmem:$0x1E000] =	vst v63  }
0x1f8: {  	_ =	swait.ge [sflag:s15], $0x4000  }
0x1f9: {  	[sflag:s15] =	ssyncset.done $0x0  }
0x1fa: {  	s5 =	rddreg [dreg:$0x1d];
	[sflag:s15] =	ssyncadd.s32 $0xFFFFC000  }
0x1fb: {  	[tilespmem:s22], [sflag:$0x2] =	stream.indirect.gather [hbm4b:s4+s18], $0x80, s5, s18, $0xb8;
	[tilespmem:$0x1E000] =	vst v63  }
0x1fc: {  	_ =	swait.ge [sflag:s23], $0x4000  }
0x1fd: {  	[sflag:s23] =	ssyncset.done $0x0  }
0x1fe: {  	s9 =	rddreg [dreg:$0x1e];
	[sflag:s23] =	ssyncadd.s32 $0xFFFFC000  }
0x1ff: {  	[spmem:s1] =	stream.indirect.scatter.add.f32 [tilespmem:s19], [sflag:$0x5], $0x80, s9, s18, $0xb8;
	[tilespmem:$0x1E000] =	vst v63  }
0x200: {  	_ =	swait.ge [sflag:s15], $0x4000  }
0x201: {  	[sflag:s15] =	ssyncset.done $0x0  }
0x202: {  	[sflag:s15] =	ssyncadd.s32 $0xFFFFC000  }
0x203: {  	_ =	swait.ge [sflag:s25], $0x800  }
0x204: {  	[sflag:s25] =	ssyncset.done $0x0  }
0x205: {  	[sflag:s25] =	ssyncadd.s32 $0xFFFFF800  }
0x206: {  	_ =	swait.ge [sflag:s25], $0x800  }
0x207: {  	[sflag:s25] =	ssyncset.done $0x0  }
0x208: {  	[sflag:s25] =	ssyncadd.s32 $0xFFFFF800  }
0x209: {  	[tilespmem:s19], [sflag:$0x1] =	stream.indirect.gather [hbm4b:s4+s18], $0x80, s20, s18, $0xb8;
	[tilespmem:$0x1E000] =	vst v63  }
0x20a: {  	_ =	swait.ge [sflag:s24], $0x4000  }
0x20b: {  	[sflag:s24] =	ssyncset.done $0x0  }
0x20c: {  	s10 =	rddreg [dreg:$0x1f];
	[sflag:s24] =	ssyncadd.s32 $0xFFFFC000  }
0x20d: {  	[spmem:s1] =	stream.indirect.scatter.add.f32 [tilespmem:s22], [sflag:$0x5], $0x80, s10, s18, $0xb8;
	[tilespmem:$0x1E000] =	vst v63  }
0x20e: {  	p1 =	seq.s32 s30, $0x800;
	_ =	swait.ge [sflag:s15], $0x4000  }
0x20f: {  	s3 =	sadd.s32 @!p1 s30, s13;
	s5 =	sadd.s32 @!p1 s30, s8;
	[sflag:s15] =	ssyncset.done $0x0  }
0x210: {  	s9 =	sadd.s32 @!p1 $0x200, s3;
	s3 =	simm.s32 @!p1 $0x0;
	[sflag:s15] =	ssyncadd.s32 $0xFFFFC000  }
0x211: {  	[tilespmem:s3], [sflag:$0x3] =	stream.linear.gather @!p1 [hbm4b:s9+s3], $0x800, $0x38;
	[tilespmem:$0x1E000] =	vst v63  }
0x212: {  	s5 =	sadd.s32 @!p1 $0x200, s5;
	s10 =	sld [smem:$0x7E0];
	s9 =	simm.s32 @!p1 $0x800  }
0x213: {  	[tilespmem:s9], [sflag:$0x3] =	stream.linear.gather @!p1 [hbm4b:s5+s3], $0x800, $0x38;
	[tilespmem:$0x1E000] =	vst v63  }
0x214: {  	_ = 	snop  }
0x215: {  	[tilespmem:s22], [sflag:$0x2] =	stream.indirect.gather [hbm4b:s4+s18], $0x80, s10, s18, $0xb8;
	[tilespmem:$0x1E000] =	vst v63  }
0x216: {  	_ =	swait.ge [sflag:s23], $0x4000  }
0x217: {  	[sflag:s23] =	ssyncset.done $0x0  }
0x218: {  	[sflag:s23] =	ssyncadd.s32 $0xFFFFC000  }
0x219: {  	[spmem:s1] =	stream.indirect.scatter.add.f32 [tilespmem:s19], [sflag:$0x5], $0x80, s21, s18, $0xb8;
	[tilespmem:$0x1E000] =	vst v63  }
0x21a: {  	_ =	swait.ge [sflag:s15], $0x4000  }
0x21b: {  	s5 =	sld [smem:$0x7E1]  }
0x21c: {  	[sflag:s15] =	ssyncset.done $0x0  }
0x21d: {  	[sflag:s15] =	ssyncadd.s32 $0xFFFFC000  }
0x21e: {  	[tilespmem:s19], [sflag:$0x1] =	stream.indirect.gather [hbm4b:s4+s18], $0x80, s5, s18, $0xb8;
	[tilespmem:$0x1E000] =	vst v63  }
0x21f: {  	_ =	swait.ge [sflag:s24], $0x4000  }
0x220: {  	s9 =	sld [smem:$0x7E2]  }
0x221: {  	[sflag:s24] =	ssyncset.done $0x0  }
0x222: {  	[sflag:s24] =	ssyncadd.s32 $0xFFFFC000  }
0x223: {  	[spmem:s1] =	stream.indirect.scatter.add.f32 [tilespmem:s22], [sflag:$0x5], $0x80, s9, s18, $0xb8;
	[tilespmem:$0x1E000] =	vst v63  }
0x224: {  	_ =	swait.ge [sflag:s15], $0x4000  }
0x225: {  	s10 =	sld [smem:$0x7E3]  }
0x226: {  	[sflag:s15] =	ssyncset.done $0x0  }
0x227: {  	[sflag:s15] =	ssyncadd.s32 $0xFFFFC000  }
0x228: {  	[tilespmem:s22], [sflag:$0x2] =	stream.indirect.gather [hbm4b:s4+s18], $0x80, s10, s18, $0xb8;
	[tilespmem:$0x1E000] =	vst v63  }
0x229: {  	_ =	swait.ge [sflag:s23], $0x4000  }
0x22a: {  	s5 =	sld [smem:$0x7E4]  }
0x22b: {  	[sflag:s23] =	ssyncset.done $0x0  }
0x22c: {  	[sflag:s23] =	ssyncadd.s32 $0xFFFFC000  }
0x22d: {  	[spmem:s1] =	stream.indirect.scatter.add.f32 [tilespmem:s19], [sflag:$0x5], $0x80, s5, s18, $0xb8;
	[tilespmem:$0x1E000] =	vst v63  }
0x22e: {  	_ =	swait.ge [sflag:s15], $0x4000  }
0x22f: {  	s9 =	sld [smem:$0x7E5]  }
0x230: {  	[sflag:s15] =	ssyncset.done $0x0  }
0x231: {  	[sflag:s15] =	ssyncadd.s32 $0xFFFFC000  }
0x232: {  	[tilespmem:s19], [sflag:$0x1] =	stream.indirect.gather [hbm4b:s4+s18], $0x80, s9, s18, $0xb8;
	[tilespmem:$0x1E000] =	vst v63  }
0x233: {  	_ =	swait.ge [sflag:s24], $0x4000  }
0x234: {  	s10 =	sld [smem:$0x7E6]  }
0x235: {  	[sflag:s24] =	ssyncset.done $0x0  }
0x236: {  	[sflag:s24] =	ssyncadd.s32 $0xFFFFC000  }
0x237: {  	[spmem:s1] =	stream.indirect.scatter.add.f32 [tilespmem:s22], [sflag:$0x5], $0x80, s10, s18, $0xb8;
	[tilespmem:$0x1E000] =	vst v63  }
0x238: {  	_ =	swait.ge [sflag:s15], $0x4000  }
0x239: {  	s5 =	sld [smem:$0x7E7]  }
0x23a: {  	[sflag:s15] =	ssyncset.done $0x0  }
0x23b: {  	[sflag:s15] =	ssyncadd.s32 $0xFFFFC000  }
0x23c: {  	[tilespmem:s22], [sflag:$0x2] =	stream.indirect.gather [hbm4b:s4+s18], $0x80, s5, s18, $0xb8;
	[tilespmem:$0x1E000] =	vst v63  }
0x23d: {  	_ =	swait.ge [sflag:s23], $0x4000  }
0x23e: {  	s9 =	sld [smem:$0x7E8]  }
0x23f: {  	[sflag:s23] =	ssyncset.done $0x0  }
0x240: {  	[sflag:s23] =	ssyncadd.s32 $0xFFFFC000  }
0x241: {  	[spmem:s1] =	stream.indirect.scatter.add.f32 [tilespmem:s19], [sflag:$0x5], $0x80, s9, s18, $0xb8;
	[tilespmem:$0x1E000] =	vst v63  }
0x242: {  	_ =	swait.ge [sflag:s15], $0x4000  }
0x243: {  	s10 =	sld [smem:$0x7E9]  }
0x244: {  	[sflag:s15] =	ssyncset.done $0x0  }
0x245: {  	[sflag:s15] =	ssyncadd.s32 $0xFFFFC000  }
0x246: {  	[tilespmem:s19], [sflag:$0x1] =	stream.indirect.gather [hbm4b:s4+s18], $0x80, s10, s18, $0xb8;
	[tilespmem:$0x1E000] =	vst v63  }
0x247: {  	_ =	swait.ge [sflag:s24], $0x4000  }
0x248: {  	s5 =	sld [smem:$0x7EB]  }
0x249: {  	[sflag:s24] =	ssyncset.done $0x0  }
0x24a: {  	[sflag:s24] =	ssyncadd.s32 $0xFFFFC000  }
0x24b: {  	[spmem:s1] =	stream.indirect.scatter.add.f32 [tilespmem:s22], [sflag:$0x5], $0x80, s5, s18, $0xb8;
	[tilespmem:$0x1E000] =	vst v63  }
0x24c: {  	_ =	swait.ge [sflag:s15], $0x4000  }
0x24d: {  	s9 =	sld [smem:$0x7ED]  }
0x24e: {  	[sflag:s15] =	ssyncset.done $0x0  }
0x24f: {  	[sflag:s15] =	ssyncadd.s32 $0xFFFFC000  }
0x250: {  	[tilespmem:s22], [sflag:$0x2] =	stream.indirect.gather [hbm4b:s4+s18], $0x80, s9, s18, $0xb8;
	[tilespmem:$0x1E000] =	vst v63  }
0x251: {  	_ =	swait.ge [sflag:s23], $0x4000  }
0x252: {  	s10 =	sld [smem:$0x7EE]  }
0x253: {  	[sflag:s23] =	ssyncset.done $0x0  }
0x254: {  	[sflag:s23] =	ssyncadd.s32 $0xFFFFC000  }
0x255: {  	[spmem:s1] =	stream.indirect.scatter.add.f32 [tilespmem:s19], [sflag:$0x5], $0x80, s10, s18, $0xb8;
	[tilespmem:$0x1E000] =	vst v63  }
0x256: {  	_ =	swait.ge [sflag:s15], $0x4000  }
0x257: {  	s5 =	sld [smem:$0x7EF]  }
0x258: {  	[sflag:s15] =	ssyncset.done $0x0  }
0x259: {  	[sflag:s15] =	ssyncadd.s32 $0xFFFFC000  }
0x25a: {  	[tilespmem:s19], [sflag:$0x1] =	stream.indirect.gather [hbm4b:s4+s18], $0x80, s5, s18, $0xb8;
	[tilespmem:$0x1E000] =	vst v63  }
0x25b: {  	_ =	swait.ge [sflag:s24], $0x4000  }
0x25c: {  	s9 =	sld [smem:$0x7F0]  }
0x25d: {  	[sflag:s24] =	ssyncset.done $0x0  }
0x25e: {  	[sflag:s24] =	ssyncadd.s32 $0xFFFFC000  }
0x25f: {  	[spmem:s1] =	stream.indirect.scatter.add.f32 [tilespmem:s22], [sflag:$0x5], $0x80, s9, s18, $0xb8;
	[tilespmem:$0x1E000] =	vst v63  }
0x260: {  	_ =	swait.ge [sflag:s15], $0x4000  }
0x261: {  	s10 =	sld [smem:$0x7F1]  }
0x262: {  	[sflag:s15] =	ssyncset.done $0x0  }
0x263: {  	[sflag:s15] =	ssyncadd.s32 $0xFFFFC000  }
0x264: {  	[tilespmem:s22], [sflag:$0x2] =	stream.indirect.gather [hbm4b:s4+s18], $0x80, s10, s18, $0xb8;
	[tilespmem:$0x1E000] =	vst v63  }
0x265: {  	_ =	swait.ge [sflag:s23], $0x4000  }
0x266: {  	s5 =	sld [smem:$0x7F2]  }
0x267: {  	[sflag:s23] =	ssyncset.done $0x0  }
0x268: {  	[sflag:s23] =	ssyncadd.s32 $0xFFFFC000  }
0x269: {  	[spmem:s1] =	stream.indirect.scatter.add.f32 [tilespmem:s19], [sflag:$0x5], $0x80, s5, s18, $0xb8;
	[tilespmem:$0x1E000] =	vst v63  }
0x26a: {  	_ =	swait.ge [sflag:s15], $0x4000  }
0x26b: {  	s9 =	sld [smem:$0x7F3]  }
0x26c: {  	[sflag:s15] =	ssyncset.done $0x0  }
0x26d: {  	[sflag:s15] =	ssyncadd.s32 $0xFFFFC000  }
0x26e: {  	[tilespmem:s19], [sflag:$0x1] =	stream.indirect.gather [hbm4b:s4+s18], $0x80, s9, s18, $0xb8;
	[tilespmem:$0x1E000] =	vst v63  }
0x26f: {  	_ =	swait.ge [sflag:s24], $0x4000  }
0x270: {  	s10 =	sld [smem:$0x7F4]  }
0x271: {  	[sflag:s24] =	ssyncset.done $0x0  }
0x272: {  	[sflag:s24] =	ssyncadd.s32 $0xFFFFC000  }
0x273: {  	[spmem:s1] =	stream.indirect.scatter.add.f32 [tilespmem:s22], [sflag:$0x5], $0x80, s10, s18, $0xb8;
	[tilespmem:$0x1E000] =	vst v63  }
0x274: {  	_ =	swait.ge [sflag:s15], $0x4000  }
0x275: {  	s5 =	sld [smem:$0x7F5]  }
0x276: {  	[sflag:s15] =	ssyncset.done $0x0  }
0x277: {  	[sflag:s15] =	ssyncadd.s32 $0xFFFFC000  }
0x278: {  	[tilespmem:s22], [sflag:$0x2] =	stream.indirect.gather [hbm4b:s4+s18], $0x80, s5, s18, $0xb8;
	[tilespmem:$0x1E000] =	vst v63  }
0x279: {  	_ =	swait.ge [sflag:s23], $0x4000  }
0x27a: {  	s9 =	sld [smem:$0x7F6]  }
0x27b: {  	[sflag:s23] =	ssyncset.done $0x0  }
0x27c: {  	[sflag:s23] =	ssyncadd.s32 $0xFFFFC000  }
0x27d: {  	[spmem:s1] =	stream.indirect.scatter.add.f32 [tilespmem:s19], [sflag:$0x5], $0x80, s9, s18, $0xb8;
	[tilespmem:$0x1E000] =	vst v63  }
0x27e: {  	_ =	swait.ge [sflag:s15], $0x4000  }
0x27f: {  	s10 =	sld [smem:$0x7F7]  }
0x280: {  	[sflag:s15] =	ssyncset.done $0x0  }
0x281: {  	[sflag:s15] =	ssyncadd.s32 $0xFFFFC000  }
0x282: {  	[tilespmem:s19], [sflag:$0x1] =	stream.indirect.gather [hbm4b:s4+s18], $0x80, s10, s18, $0xb8;
	[tilespmem:$0x1E000] =	vst v63  }
0x283: {  	_ =	swait.ge [sflag:s24], $0x4000  }
0x284: {  	s5 =	sld [smem:$0x7F8]  }
0x285: {  	[sflag:s24] =	ssyncset.done $0x0  }
0x286: {  	[sflag:s24] =	ssyncadd.s32 $0xFFFFC000  }
0x287: {  	[spmem:s1] =	stream.indirect.scatter.add.f32 [tilespmem:s22], [sflag:$0x5], $0x80, s5, s18, $0xb8;
	[tilespmem:$0x1E000] =	vst v63  }
0x288: {  	_ =	swait.ge [sflag:s15], $0x4000  }
0x289: {  	s9 =	sld [smem:$0x7F9]  }
0x28a: {  	[sflag:s15] =	ssyncset.done $0x0  }
0x28b: {  	[sflag:s15] =	ssyncadd.s32 $0xFFFFC000  }
0x28c: {  	[tilespmem:s22], [sflag:$0x2] =	stream.indirect.gather [hbm4b:s4+s18], $0x80, s9, s18, $0xb8;
	[tilespmem:$0x1E000] =	vst v63  }
0x28d: {  	_ =	swait.ge [sflag:s23], $0x4000  }
0x28e: {  	s10 =	sld [smem:$0x7FA]  }
0x28f: {  	[sflag:s23] =	ssyncset.done $0x0  }
0x290: {  	[sflag:s23] =	ssyncadd.s32 $0xFFFFC000  }
0x291: {  	[spmem:s1] =	stream.indirect.scatter.add.f32 [tilespmem:s19], [sflag:$0x5], $0x80, s10, s18, $0xb8;
	[tilespmem:$0x1E000] =	vst v63  }
0x292: {  	_ =	swait.ge [sflag:s15], $0x4000  }
0x293: {  	s5 =	sld [smem:$0x7FB]  }
0x294: {  	[sflag:s15] =	ssyncset.done $0x0  }
0x295: {  	[sflag:s15] =	ssyncadd.s32 $0xFFFFC000  }
0x296: {  	[tilespmem:s19], [sflag:$0x1] =	stream.indirect.gather [hbm4b:s4+s18], $0x80, s5, s18, $0xb8;
	[tilespmem:$0x1E000] =	vst v63  }
0x297: {  	_ =	swait.ge [sflag:s24], $0x4000  }
0x298: {  	s9 =	sld [smem:$0x7FC]  }
0x299: {  	[sflag:s24] =	ssyncset.done $0x0  }
0x29a: {  	[sflag:s24] =	ssyncadd.s32 $0xFFFFC000  }
0x29b: {  	[spmem:s1] =	stream.indirect.scatter.add.f32 [tilespmem:s22], [sflag:$0x5], $0x80, s9, s18, $0xb8;
	[tilespmem:$0x1E000] =	vst v63  }
0x29c: {  	_ =	swait.ge [sflag:s15], $0x4000  }
0x29d: {  	s10 =	sld [smem:$0x7FD]  }
0x29e: {  	[sflag:s15] =	ssyncset.done $0x0  }
0x29f: {  	[sflag:s15] =	ssyncadd.s32 $0xFFFFC000  }
0x2a0: {  	[tilespmem:s22], [sflag:$0x2] =	stream.indirect.gather [hbm4b:s4+s18], $0x80, s10, s18, $0xb8;
	[tilespmem:$0x1E000] =	vst v63  }
0x2a1: {  	_ =	swait.ge [sflag:s23], $0x4000  }
0x2a2: {  	[sflag:s23] =	ssyncset.done $0x0  }
0x2a3: {  	[sflag:s23] =	ssyncadd.s32 $0xFFFFC000  }
0x2a4: {  	[spmem:s1] =	stream.indirect.scatter.add.f32 [tilespmem:s19], [sflag:$0x5], $0x80, s26, s18, $0xb8;
	[tilespmem:$0x1E000] =	vst v63  }
0x2a5: {  	_ =	swait.ge [sflag:s15], $0x4000  }
0x2a6: {  	s0 =	smov.u32 s31;
	[sflag:s15] =	ssyncset.done $0x0  }
0x2a7: {  	s30 =	smov.u32 s0;
	s0 =	simm.s32 @!p1 $0x3;
	[sflag:s15] =	ssyncadd.s32 $0xFFFFC000  }
0x2a8: {  	_ =	swait.ge @!p1 [sflag:s0], $0x800  }
0x2a9: {  	[sflag:s0] =	ssyncset.done @!p1 $0x0  }
0x2aa: {  	[sflag:s0] =	ssyncadd.s32 @!p1 $0xFFFFF800  }
0x2ab: {  	s31 =	sadd.s32 $0x200, s31;
	_ =	swait.ge @!p1 [sflag:s0], $0x800  }
0x2ac: {  	p0 =	sne.s32 s31, $0xA00;
	[sflag:s0] =	ssyncset.done @!p1 $0x0  }
0x2ad: {  	s5 =	simm.s32 @!p1 $0x80;
	s9 =	simm.s32 @!p1 $0x2000;
	[sflag:s0] =	ssyncadd.s32 @!p1 $0xFFFFF800  }
0x2ae: {  	[tilespmem:s9], [sflag:$0x1] =	stream.indirect.gather @!p1 [hbm4b:s4+s5], $0x80, s3, s5, $0xb8;
	[tilespmem:$0x1E000] =	vst v63  }
.Ltmp0:
0x2af: {  	_ =	swait.ge [sflag:s24], $0x4000;
	(pc) =	sbr.rel @p0 .LBB2_2-.Ltmp0, $4  }
0x2b0: {  	[sflag:s24] =	ssyncset.done $0x0  }
0x2b1: {  	p1 =	seq.s32 s30, $0x0;
	[sflag:s24] =	ssyncadd.s32 $0xFFFFC000  }
0x2b2: {  	[spmem:s1] =	stream.indirect.scatter.add.f32 [tilespmem:s22], [sflag:$0x5], $0x80, s28, s18, $0xb8;
	[tilespmem:$0x1E000] =	vst v63  }
0x2b3: {  	s0 =	sadd.s32 @!p1 s30, s13;
	s3 =	simm.s32 @!p1 $0x0;
	_ =	swait.ge [sflag:s15], $0x4000  }
0x2b4: {  	[sflag:s15] =	ssyncset.done $0x0  }
0x2b5: {  	s0 =	sadd.s32 @!p1 $0x100, s0;
	s5 =	simm.s32 @!p1 $0x1000;
	[sflag:s15] =	ssyncadd.s32 $0xFFFFC000  }
0x2b6: {  	[tilespmem:s5], [sflag:$0x4] =	stream.linear.gather @!p1 [hbm4b:s0+s3], $0x800, $0x38;
	[tilespmem:$0x1E000] =	vst v63  }
0x2b7: {  	s0 =	sadd.s32 @!p1 s30, s8  }
0x2b8: {  	s5 =	simm.s32 @!p1 $0x1800;
	s0 =	sadd.s32 @!p1 $0x100, s0  }
0x2b9: {  	[tilespmem:s5], [sflag:$0x4] =	stream.linear.gather @!p1 [hbm4b:s0+s3], $0x800, $0x38;
	[tilespmem:$0x1E000] =	vst v63  }
0x2ba: {  	_ = 	snop  }
0x2bb: {  	[tilespmem:s22], [sflag:$0x2] =	stream.indirect.gather [hbm4b:s4+s18], $0x80, s18, s18, $0xb8;
	[tilespmem:$0x1E000] =	vst v63  }
0x2bc: {  	_ =	swait.ge [sflag:s23], $0x4000  }
0x2bd: {  	[sflag:s23] =	ssyncset.done $0x0  }
0x2be: {  	[sflag:s23] =	ssyncadd.s32 $0xFFFFC000  }
0x2bf: {  	[spmem:s1] =	stream.indirect.scatter.add.f32 [tilespmem:s19], [sflag:$0x5], $0x80, s16, s18, $0xb8;
	[tilespmem:$0x1E000] =	vst v63  }
0x2c0: {  	_ =	swait.ge [sflag:s15], $0x4000  }
0x2c1: {  	[sflag:s15] =	ssyncset.done $0x0  }
0x2c2: {  	s31 =	rddreg [dreg:$0x3];
	[sflag:s15] =	ssyncadd.s32 $0xFFFFC000  }
0x2c3: {  	[tilespmem:s19], [sflag:$0x1] =	stream.indirect.gather [hbm4b:s4+s18], $0x80, s31, s18, $0xb8;
	[tilespmem:$0x1E000] =	vst v63  }
0x2c4: {  	_ =	swait.ge [sflag:s24], $0x4000  }
0x2c5: {  	[sflag:s24] =	ssyncset.done $0x0  }
0x2c6: {  	s3 =	rddreg [dreg:$0x4];
	[sflag:s24] =	ssyncadd.s32 $0xFFFFC000  }
0x2c7: {  	[spmem:s1] =	stream.indirect.scatter.add.f32 [tilespmem:s22], [sflag:$0x5], $0x80, s3, s18, $0xb8;
	[tilespmem:$0x1E000] =	vst v63  }
0x2c8: {  	_ =	swait.ge [sflag:s15], $0x4000  }
0x2c9: {  	[sflag:s15] =	ssyncset.done $0x0  }
0x2ca: {  	s5 =	rddreg [dreg:$0x5];
	[sflag:s15] =	ssyncadd.s32 $0xFFFFC000  }
0x2cb: {  	[tilespmem:s22], [sflag:$0x2] =	stream.indirect.gather [hbm4b:s4+s18], $0x80, s5, s18, $0xb8;
	[tilespmem:$0x1E000] =	vst v63  }
0x2cc: {  	_ =	swait.ge [sflag:s23], $0x4000  }
0x2cd: {  	[sflag:s23] =	ssyncset.done $0x0  }
0x2ce: {  	s9 =	rddreg [dreg:$0x6];
	[sflag:s23] =	ssyncadd.s32 $0xFFFFC000  }
0x2cf: {  	[spmem:s1] =	stream.indirect.scatter.add.f32 [tilespmem:s19], [sflag:$0x5], $0x80, s9, s18, $0xb8;
	[tilespmem:$0x1E000] =	vst v63  }
0x2d0: {  	_ =	swait.ge [sflag:s15], $0x4000  }
0x2d1: {  	[sflag:s15] =	ssyncset.done $0x0  }
0x2d2: {  	s10 =	rddreg [dreg:$0x7];
	[sflag:s15] =	ssyncadd.s32 $0xFFFFC000  }
0x2d3: {  	[tilespmem:s19], [sflag:$0x1] =	stream.indirect.gather [hbm4b:s4+s18], $0x80, s10, s18, $0xb8;
	[tilespmem:$0x1E000] =	vst v63  }
0x2d4: {  	_ =	swait.ge [sflag:s24], $0x4000  }
0x2d5: {  	[sflag:s24] =	ssyncset.done $0x0  }
0x2d6: {  	s31 =	rddreg [dreg:$0x8];
	[sflag:s24] =	ssyncadd.s32 $0xFFFFC000  }
0x2d7: {  	[spmem:s1] =	stream.indirect.scatter.add.f32 [tilespmem:s22], [sflag:$0x5], $0x80, s31, s18, $0xb8;
	[tilespmem:$0x1E000] =	vst v63  }
0x2d8: {  	_ =	swait.ge [sflag:s15], $0x4000  }
0x2d9: {  	[sflag:s15] =	ssyncset.done $0x0  }
0x2da: {  	s3 =	rddreg [dreg:$0x9];
	[sflag:s15] =	ssyncadd.s32 $0xFFFFC000  }
0x2db: {  	[tilespmem:s22], [sflag:$0x2] =	stream.indirect.gather [hbm4b:s4+s18], $0x80, s3, s18, $0xb8;
	[tilespmem:$0x1E000] =	vst v63  }
0x2dc: {  	_ =	swait.ge [sflag:s23], $0x4000  }
0x2dd: {  	[sflag:s23] =	ssyncset.done $0x0  }
0x2de: {  	s5 =	rddreg [dreg:$0xa];
	[sflag:s23] =	ssyncadd.s32 $0xFFFFC000  }
0x2df: {  	[spmem:s1] =	stream.indirect.scatter.add.f32 [tilespmem:s19], [sflag:$0x5], $0x80, s5, s18, $0xb8;
	[tilespmem:$0x1E000] =	vst v63  }
0x2e0: {  	_ =	swait.ge [sflag:s15], $0x4000  }
0x2e1: {  	[sflag:s15] =	ssyncset.done $0x0  }
0x2e2: {  	s9 =	rddreg [dreg:$0xb];
	[sflag:s15] =	ssyncadd.s32 $0xFFFFC000  }
0x2e3: {  	[tilespmem:s19], [sflag:$0x1] =	stream.indirect.gather [hbm4b:s4+s18], $0x80, s9, s18, $0xb8;
	[tilespmem:$0x1E000] =	vst v63  }
0x2e4: {  	_ =	swait.ge [sflag:s24], $0x4000  }
0x2e5: {  	[sflag:s24] =	ssyncset.done $0x0  }
0x2e6: {  	s10 =	rddreg [dreg:$0xc];
	[sflag:s24] =	ssyncadd.s32 $0xFFFFC000  }
0x2e7: {  	[spmem:s1] =	stream.indirect.scatter.add.f32 [tilespmem:s22], [sflag:$0x5], $0x80, s10, s18, $0xb8;
	[tilespmem:$0x1E000] =	vst v63  }
0x2e8: {  	_ =	swait.ge [sflag:s15], $0x4000  }
0x2e9: {  	[sflag:s15] =	ssyncset.done $0x0  }
0x2ea: {  	s31 =	rddreg [dreg:$0xd];
	[sflag:s15] =	ssyncadd.s32 $0xFFFFC000  }
0x2eb: {  	[tilespmem:s22], [sflag:$0x2] =	stream.indirect.gather [hbm4b:s4+s18], $0x80, s31, s18, $0xb8;
	[tilespmem:$0x1E000] =	vst v63  }
0x2ec: {  	_ =	swait.ge [sflag:s23], $0x4000  }
0x2ed: {  	[sflag:s23] =	ssyncset.done $0x0  }
0x2ee: {  	s3 =	rddreg [dreg:$0xe];
	[sflag:s23] =	ssyncadd.s32 $0xFFFFC000  }
0x2ef: {  	[spmem:s1] =	stream.indirect.scatter.add.f32 [tilespmem:s19], [sflag:$0x5], $0x80, s3, s18, $0xb8;
	[tilespmem:$0x1E000] =	vst v63  }
0x2f0: {  	_ =	swait.ge [sflag:s15], $0x4000  }
0x2f1: {  	[sflag:s15] =	ssyncset.done $0x0  }
0x2f2: {  	s5 =	rddreg [dreg:$0xf];
	[sflag:s15] =	ssyncadd.s32 $0xFFFFC000  }
0x2f3: {  	[tilespmem:s19], [sflag:$0x1] =	stream.indirect.gather [hbm4b:s4+s18], $0x80, s5, s18, $0xb8;
	[tilespmem:$0x1E000] =	vst v63  }
0x2f4: {  	_ =	swait.ge [sflag:s24], $0x4000  }
0x2f5: {  	[sflag:s24] =	ssyncset.done $0x0  }
0x2f6: {  	s9 =	rddreg [dreg:$0x10];
	[sflag:s24] =	ssyncadd.s32 $0xFFFFC000  }
0x2f7: {  	[spmem:s1] =	stream.indirect.scatter.add.f32 [tilespmem:s22], [sflag:$0x5], $0x80, s9, s18, $0xb8;
	[tilespmem:$0x1E000] =	vst v63  }
0x2f8: {  	_ =	swait.ge [sflag:s15], $0x4000  }
0x2f9: {  	[sflag:s15] =	ssyncset.done $0x0  }
0x2fa: {  	s10 =	rddreg [dreg:$0x11];
	[sflag:s15] =	ssyncadd.s32 $0xFFFFC000  }
0x2fb: {  	[tilespmem:s22], [sflag:$0x2] =	stream.indirect.gather [hbm4b:s4+s18], $0x80, s10, s18, $0xb8;
	[tilespmem:$0x1E000] =	vst v63  }
0x2fc: {  	_ =	swait.ge [sflag:s23], $0x4000  }
0x2fd: {  	[sflag:s23] =	ssyncset.done $0x0  }
0x2fe: {  	s31 =	rddreg [dreg:$0x12];
	[sflag:s23] =	ssyncadd.s32 $0xFFFFC000  }
0x2ff: {  	[spmem:s1] =	stream.indirect.scatter.add.f32 [tilespmem:s19], [sflag:$0x5], $0x80, s31, s18, $0xb8;
	[tilespmem:$0x1E000] =	vst v63  }
0x300: {  	_ =	swait.ge [sflag:s15], $0x4000  }
0x301: {  	[sflag:s15] =	ssyncset.done $0x0  }
0x302: {  	s3 =	rddreg [dreg:$0x13];
	[sflag:s15] =	ssyncadd.s32 $0xFFFFC000  }
0x303: {  	[tilespmem:s19], [sflag:$0x1] =	stream.indirect.gather [hbm4b:s4+s18], $0x80, s3, s18, $0xb8;
	[tilespmem:$0x1E000] =	vst v63  }
0x304: {  	_ =	swait.ge [sflag:s24], $0x4000  }
0x305: {  	[sflag:s24] =	ssyncset.done $0x0  }
0x306: {  	s5 =	rddreg [dreg:$0x14];
	[sflag:s24] =	ssyncadd.s32 $0xFFFFC000  }
0x307: {  	[spmem:s1] =	stream.indirect.scatter.add.f32 [tilespmem:s22], [sflag:$0x5], $0x80, s5, s18, $0xb8;
	[tilespmem:$0x1E000] =	vst v63  }
0x308: {  	_ =	swait.ge [sflag:s15], $0x4000  }
0x309: {  	[sflag:s15] =	ssyncset.done $0x0  }
0x30a: {  	s9 =	rddreg [dreg:$0x15];
	[sflag:s15] =	ssyncadd.s32 $0xFFFFC000  }
0x30b: {  	[tilespmem:s22], [sflag:$0x2] =	stream.indirect.gather [hbm4b:s4+s18], $0x80, s9, s18, $0xb8;
	[tilespmem:$0x1E000] =	vst v63  }
0x30c: {  	_ =	swait.ge [sflag:s23], $0x4000  }
0x30d: {  	[sflag:s23] =	ssyncset.done $0x0  }
0x30e: {  	s10 =	rddreg [dreg:$0x16];
	[sflag:s23] =	ssyncadd.s32 $0xFFFFC000  }
0x30f: {  	[spmem:s1] =	stream.indirect.scatter.add.f32 [tilespmem:s19], [sflag:$0x5], $0x80, s10, s18, $0xb8;
	[tilespmem:$0x1E000] =	vst v63  }
0x310: {  	_ =	swait.ge [sflag:s15], $0x4000  }
0x311: {  	[sflag:s15] =	ssyncset.done $0x0  }
0x312: {  	s31 =	rddreg [dreg:$0x17];
	[sflag:s15] =	ssyncadd.s32 $0xFFFFC000  }
0x313: {  	[tilespmem:s19], [sflag:$0x1] =	stream.indirect.gather [hbm4b:s4+s18], $0x80, s31, s18, $0xb8;
	[tilespmem:$0x1E000] =	vst v63  }
0x314: {  	_ =	swait.ge [sflag:s24], $0x4000  }
0x315: {  	[sflag:s24] =	ssyncset.done $0x0  }
0x316: {  	s3 =	rddreg [dreg:$0x18];
	[sflag:s24] =	ssyncadd.s32 $0xFFFFC000  }
0x317: {  	[spmem:s1] =	stream.indirect.scatter.add.f32 [tilespmem:s22], [sflag:$0x5], $0x80, s3, s18, $0xb8;
	[tilespmem:$0x1E000] =	vst v63  }
0x318: {  	_ =	swait.ge [sflag:s15], $0x4000  }
0x319: {  	[sflag:s15] =	ssyncset.done $0x0  }
0x31a: {  	s5 =	rddreg [dreg:$0x19];
	[sflag:s15] =	ssyncadd.s32 $0xFFFFC000  }
0x31b: {  	[tilespmem:s22], [sflag:$0x2] =	stream.indirect.gather [hbm4b:s4+s18], $0x80, s5, s18, $0xb8;
	[tilespmem:$0x1E000] =	vst v63  }
0x31c: {  	_ =	swait.ge [sflag:s23], $0x4000  }
0x31d: {  	[sflag:s23] =	ssyncset.done $0x0  }
0x31e: {  	s9 =	rddreg [dreg:$0x1a];
	[sflag:s23] =	ssyncadd.s32 $0xFFFFC000  }
0x31f: {  	[spmem:s1] =	stream.indirect.scatter.add.f32 [tilespmem:s19], [sflag:$0x5], $0x80, s9, s18, $0xb8;
	[tilespmem:$0x1E000] =	vst v63  }
0x320: {  	_ =	swait.ge [sflag:s15], $0x4000  }
0x321: {  	[sflag:s15] =	ssyncset.done $0x0  }
0x322: {  	s10 =	rddreg [dreg:$0x1b];
	[sflag:s15] =	ssyncadd.s32 $0xFFFFC000  }
0x323: {  	[tilespmem:s19], [sflag:$0x1] =	stream.indirect.gather [hbm4b:s4+s18], $0x80, s10, s18, $0xb8;
	[tilespmem:$0x1E000] =	vst v63  }
0x324: {  	_ =	swait.ge [sflag:s24], $0x4000  }
0x325: {  	[sflag:s24] =	ssyncset.done $0x0  }
0x326: {  	s31 =	rddreg [dreg:$0x1c];
	[sflag:s24] =	ssyncadd.s32 $0xFFFFC000  }
0x327: {  	[spmem:s1] =	stream.indirect.scatter.add.f32 [tilespmem:s22], [sflag:$0x5], $0x80, s31, s18, $0xb8;
	[tilespmem:$0x1E000] =	vst v63  }
0x328: {  	_ =	swait.ge [sflag:s15], $0x4000  }
0x329: {  	[sflag:s15] =	ssyncset.done $0x0  }
0x32a: {  	s3 =	rddreg [dreg:$0x1d];
	[sflag:s15] =	ssyncadd.s32 $0xFFFFC000  }
0x32b: {  	[tilespmem:s22], [sflag:$0x2] =	stream.indirect.gather [hbm4b:s4+s18], $0x80, s3, s18, $0xb8;
	[tilespmem:$0x1E000] =	vst v63  }
0x32c: {  	_ =	swait.ge [sflag:s23], $0x4000  }
0x32d: {  	[sflag:s23] =	ssyncset.done $0x0  }
0x32e: {  	s5 =	rddreg [dreg:$0x1e];
	[sflag:s23] =	ssyncadd.s32 $0xFFFFC000  }
0x32f: {  	[spmem:s1] =	stream.indirect.scatter.add.f32 [tilespmem:s19], [sflag:$0x5], $0x80, s5, s18, $0xb8;
	[tilespmem:$0x1E000] =	vst v63  }
0x330: {  	_ =	swait.ge [sflag:s15], $0x4000  }
0x331: {  	[sflag:s15] =	ssyncset.done $0x0  }
0x332: {  	[sflag:s15] =	ssyncadd.s32 $0xFFFFC000  }
0x333: {  	_ =	swait.ge [sflag:s25], $0x800  }
0x334: {  	[sflag:s25] =	ssyncset.done $0x0  }
0x335: {  	[sflag:s25] =	ssyncadd.s32 $0xFFFFF800  }
0x336: {  	_ =	swait.ge [sflag:s25], $0x800  }
0x337: {  	[sflag:s25] =	ssyncset.done $0x0  }
0x338: {  	[sflag:s25] =	ssyncadd.s32 $0xFFFFF800  }
0x339: {  	[tilespmem:s19], [sflag:$0x1] =	stream.indirect.gather [hbm4b:s4+s18], $0x80, s20, s18, $0xb8;
	[tilespmem:$0x1E000] =	vst v63  }
0x33a: {  	_ =	swait.ge [sflag:s24], $0x4000  }
0x33b: {  	[sflag:s24] =	ssyncset.done $0x0  }
0x33c: {  	s9 =	rddreg [dreg:$0x1f];
	[sflag:s24] =	ssyncadd.s32 $0xFFFFC000  }
0x33d: {  	[spmem:s1] =	stream.indirect.scatter.add.f32 [tilespmem:s22], [sflag:$0x5], $0x80, s9, s18, $0xb8;
	[tilespmem:$0x1E000] =	vst v63  }
0x33e: {  	p0 =	seq.s32 s30, $0x800;
	_ =	swait.ge [sflag:s15], $0x4000  }
0x33f: {  	s0 =	sadd.s32 @!p0 s30, s13;
	s3 =	sadd.s32 @!p0 s30, s8;
	[sflag:s15] =	ssyncset.done $0x0  }
0x340: {  	s5 =	sadd.s32 @!p0 $0x200, s0;
	s0 =	simm.s32 @!p0 $0x0;
	[sflag:s15] =	ssyncadd.s32 $0xFFFFC000  }
0x341: {  	[tilespmem:s0], [sflag:$0x3] =	stream.linear.gather @!p0 [hbm4b:s5+s0], $0x800, $0x38;
	[tilespmem:$0x1E000] =	vst v63  }
0x342: {  	s3 =	sadd.s32 @!p0 $0x200, s3;
	s9 =	simm.s32 @!p0 $0x800;
	s10 =	sld [smem:$0x7E0]  }
0x343: {  	[tilespmem:s9], [sflag:$0x3] =	stream.linear.gather @!p0 [hbm4b:s3+s0], $0x800, $0x38;
	[tilespmem:$0x1E000] =	vst v63  }
0x344: {  	_ = 	snop  }
0x345: {  	[tilespmem:s22], [sflag:$0x2] =	stream.indirect.gather [hbm4b:s4+s18], $0x80, s10, s18, $0xb8;
	[tilespmem:$0x1E000] =	vst v63  }
0x346: {  	_ =	swait.ge [sflag:s23], $0x4000  }
0x347: {  	[sflag:s23] =	ssyncset.done $0x0  }
0x348: {  	[sflag:s23] =	ssyncadd.s32 $0xFFFFC000  }
0x349: {  	[spmem:s1] =	stream.indirect.scatter.add.f32 [tilespmem:s19], [sflag:$0x5], $0x80, s21, s18, $0xb8;
	[tilespmem:$0x1E000] =	vst v63  }
0x34a: {  	_ =	swait.ge [sflag:s15], $0x4000  }
0x34b: {  	s30 =	sld [smem:$0x7E1]  }
0x34c: {  	[sflag:s15] =	ssyncset.done $0x0  }
0x34d: {  	[sflag:s15] =	ssyncadd.s32 $0xFFFFC000  }
0x34e: {  	[tilespmem:s19], [sflag:$0x1] =	stream.indirect.gather [hbm4b:s4+s18], $0x80, s30, s18, $0xb8;
	[tilespmem:$0x1E000] =	vst v63  }
0x34f: {  	_ =	swait.ge [sflag:s24], $0x4000  }
0x350: {  	s31 =	sld [smem:$0x7E2]  }
0x351: {  	[sflag:s24] =	ssyncset.done $0x0  }
0x352: {  	[sflag:s24] =	ssyncadd.s32 $0xFFFFC000  }
0x353: {  	[spmem:s1] =	stream.indirect.scatter.add.f32 [tilespmem:s22], [sflag:$0x5], $0x80, s31, s18, $0xb8;
	[tilespmem:$0x1E000] =	vst v63  }
0x354: {  	_ =	swait.ge [sflag:s15], $0x4000  }
0x355: {  	s5 =	sld [smem:$0x7E3]  }
0x356: {  	[sflag:s15] =	ssyncset.done $0x0  }
0x357: {  	[sflag:s15] =	ssyncadd.s32 $0xFFFFC000  }
0x358: {  	[tilespmem:s22], [sflag:$0x2] =	stream.indirect.gather [hbm4b:s4+s18], $0x80, s5, s18, $0xb8;
	[tilespmem:$0x1E000] =	vst v63  }
0x359: {  	_ =	swait.ge [sflag:s23], $0x4000  }
0x35a: {  	s9 =	sld [smem:$0x7E4]  }
0x35b: {  	[sflag:s23] =	ssyncset.done $0x0  }
0x35c: {  	[sflag:s23] =	ssyncadd.s32 $0xFFFFC000  }
0x35d: {  	[spmem:s1] =	stream.indirect.scatter.add.f32 [tilespmem:s19], [sflag:$0x5], $0x80, s9, s18, $0xb8;
	[tilespmem:$0x1E000] =	vst v63  }
0x35e: {  	_ =	swait.ge [sflag:s15], $0x4000  }
0x35f: {  	s10 =	sld [smem:$0x7E5]  }
0x360: {  	[sflag:s15] =	ssyncset.done $0x0  }
0x361: {  	[sflag:s15] =	ssyncadd.s32 $0xFFFFC000  }
0x362: {  	[tilespmem:s19], [sflag:$0x1] =	stream.indirect.gather [hbm4b:s4+s18], $0x80, s10, s18, $0xb8;
	[tilespmem:$0x1E000] =	vst v63  }
0x363: {  	_ =	swait.ge [sflag:s24], $0x4000  }
0x364: {  	s30 =	sld [smem:$0x7E6]  }
0x365: {  	[sflag:s24] =	ssyncset.done $0x0  }
0x366: {  	[sflag:s24] =	ssyncadd.s32 $0xFFFFC000  }
0x367: {  	[spmem:s1] =	stream.indirect.scatter.add.f32 [tilespmem:s22], [sflag:$0x5], $0x80, s30, s18, $0xb8;
	[tilespmem:$0x1E000] =	vst v63  }
0x368: {  	_ =	swait.ge [sflag:s15], $0x4000  }
0x369: {  	s31 =	sld [smem:$0x7E7]  }
0x36a: {  	[sflag:s15] =	ssyncset.done $0x0  }
0x36b: {  	[sflag:s15] =	ssyncadd.s32 $0xFFFFC000  }
0x36c: {  	[tilespmem:s22], [sflag:$0x2] =	stream.indirect.gather [hbm4b:s4+s18], $0x80, s31, s18, $0xb8;
	[tilespmem:$0x1E000] =	vst v63  }
0x36d: {  	_ =	swait.ge [sflag:s23], $0x4000  }
0x36e: {  	s5 =	sld [smem:$0x7E8]  }
0x36f: {  	[sflag:s23] =	ssyncset.done $0x0  }
0x370: {  	[sflag:s23] =	ssyncadd.s32 $0xFFFFC000  }
0x371: {  	[spmem:s1] =	stream.indirect.scatter.add.f32 [tilespmem:s19], [sflag:$0x5], $0x80, s5, s18, $0xb8;
	[tilespmem:$0x1E000] =	vst v63  }
0x372: {  	_ =	swait.ge [sflag:s15], $0x4000  }
0x373: {  	s9 =	sld [smem:$0x7E9]  }
0x374: {  	[sflag:s15] =	ssyncset.done $0x0  }
0x375: {  	[sflag:s15] =	ssyncadd.s32 $0xFFFFC000  }
0x376: {  	[tilespmem:s19], [sflag:$0x1] =	stream.indirect.gather [hbm4b:s4+s18], $0x80, s9, s18, $0xb8;
	[tilespmem:$0x1E000] =	vst v63  }
0x377: {  	_ =	swait.ge [sflag:s24], $0x4000  }
0x378: {  	s10 =	sld [smem:$0x7EB]  }
0x379: {  	[sflag:s24] =	ssyncset.done $0x0  }
0x37a: {  	[sflag:s24] =	ssyncadd.s32 $0xFFFFC000  }
0x37b: {  	[spmem:s1] =	stream.indirect.scatter.add.f32 [tilespmem:s22], [sflag:$0x5], $0x80, s10, s18, $0xb8;
	[tilespmem:$0x1E000] =	vst v63  }
0x37c: {  	_ =	swait.ge [sflag:s15], $0x4000  }
0x37d: {  	s30 =	sld [smem:$0x7ED]  }
0x37e: {  	[sflag:s15] =	ssyncset.done $0x0  }
0x37f: {  	[sflag:s15] =	ssyncadd.s32 $0xFFFFC000  }
0x380: {  	[tilespmem:s22], [sflag:$0x2] =	stream.indirect.gather [hbm4b:s4+s18], $0x80, s30, s18, $0xb8;
	[tilespmem:$0x1E000] =	vst v63  }
0x381: {  	_ =	swait.ge [sflag:s23], $0x4000  }
0x382: {  	s31 =	sld [smem:$0x7EE]  }
0x383: {  	[sflag:s23] =	ssyncset.done $0x0  }
0x384: {  	[sflag:s23] =	ssyncadd.s32 $0xFFFFC000  }
0x385: {  	[spmem:s1] =	stream.indirect.scatter.add.f32 [tilespmem:s19], [sflag:$0x5], $0x80, s31, s18, $0xb8;
	[tilespmem:$0x1E000] =	vst v63  }
0x386: {  	_ =	swait.ge [sflag:s15], $0x4000  }
0x387: {  	s5 =	sld [smem:$0x7EF]  }
0x388: {  	[sflag:s15] =	ssyncset.done $0x0  }
0x389: {  	[sflag:s15] =	ssyncadd.s32 $0xFFFFC000  }
0x38a: {  	[tilespmem:s19], [sflag:$0x1] =	stream.indirect.gather [hbm4b:s4+s18], $0x80, s5, s18, $0xb8;
	[tilespmem:$0x1E000] =	vst v63  }
0x38b: {  	_ =	swait.ge [sflag:s24], $0x4000  }
0x38c: {  	s9 =	sld [smem:$0x7F0]  }
0x38d: {  	[sflag:s24] =	ssyncset.done $0x0  }
0x38e: {  	[sflag:s24] =	ssyncadd.s32 $0xFFFFC000  }
0x38f: {  	[spmem:s1] =	stream.indirect.scatter.add.f32 [tilespmem:s22], [sflag:$0x5], $0x80, s9, s18, $0xb8;
	[tilespmem:$0x1E000] =	vst v63  }
0x390: {  	_ =	swait.ge [sflag:s15], $0x4000  }
0x391: {  	s10 =	sld [smem:$0x7F1]  }
0x392: {  	[sflag:s15] =	ssyncset.done $0x0  }
0x393: {  	[sflag:s15] =	ssyncadd.s32 $0xFFFFC000  }
0x394: {  	[tilespmem:s22], [sflag:$0x2] =	stream.indirect.gather [hbm4b:s4+s18], $0x80, s10, s18, $0xb8;
	[tilespmem:$0x1E000] =	vst v63  }
0x395: {  	_ =	swait.ge [sflag:s23], $0x4000  }
0x396: {  	s30 =	sld [smem:$0x7F2]  }
0x397: {  	[sflag:s23] =	ssyncset.done $0x0  }
0x398: {  	[sflag:s23] =	ssyncadd.s32 $0xFFFFC000  }
0x399: {  	[spmem:s1] =	stream.indirect.scatter.add.f32 [tilespmem:s19], [sflag:$0x5], $0x80, s30, s18, $0xb8;
	[tilespmem:$0x1E000] =	vst v63  }
0x39a: {  	_ =	swait.ge [sflag:s15], $0x4000  }
0x39b: {  	s31 =	sld [smem:$0x7F3]  }
0x39c: {  	[sflag:s15] =	ssyncset.done $0x0  }
0x39d: {  	[sflag:s15] =	ssyncadd.s32 $0xFFFFC000  }
0x39e: {  	[tilespmem:s19], [sflag:$0x1] =	stream.indirect.gather [hbm4b:s4+s18], $0x80, s31, s18, $0xb8;
	[tilespmem:$0x1E000] =	vst v63  }
0x39f: {  	_ =	swait.ge [sflag:s24], $0x4000  }
0x3a0: {  	s5 =	sld [smem:$0x7F4]  }
0x3a1: {  	[sflag:s24] =	ssyncset.done $0x0  }
0x3a2: {  	[sflag:s24] =	ssyncadd.s32 $0xFFFFC000  }
0x3a3: {  	[spmem:s1] =	stream.indirect.scatter.add.f32 [tilespmem:s22], [sflag:$0x5], $0x80, s5, s18, $0xb8;
	[tilespmem:$0x1E000] =	vst v63  }
0x3a4: {  	_ =	swait.ge [sflag:s15], $0x4000  }
0x3a5: {  	s9 =	sld [smem:$0x7F5]  }
0x3a6: {  	[sflag:s15] =	ssyncset.done $0x0  }
0x3a7: {  	[sflag:s15] =	ssyncadd.s32 $0xFFFFC000  }
0x3a8: {  	[tilespmem:s22], [sflag:$0x2] =	stream.indirect.gather [hbm4b:s4+s18], $0x80, s9, s18, $0xb8;
	[tilespmem:$0x1E000] =	vst v63  }
0x3a9: {  	_ =	swait.ge [sflag:s23], $0x4000  }
0x3aa: {  	s10 =	sld [smem:$0x7F6]  }
0x3ab: {  	[sflag:s23] =	ssyncset.done $0x0  }
0x3ac: {  	[sflag:s23] =	ssyncadd.s32 $0xFFFFC000  }
0x3ad: {  	[spmem:s1] =	stream.indirect.scatter.add.f32 [tilespmem:s19], [sflag:$0x5], $0x80, s10, s18, $0xb8;
	[tilespmem:$0x1E000] =	vst v63  }
0x3ae: {  	_ =	swait.ge [sflag:s15], $0x4000  }
0x3af: {  	s30 =	sld [smem:$0x7F7]  }
0x3b0: {  	[sflag:s15] =	ssyncset.done $0x0  }
0x3b1: {  	[sflag:s15] =	ssyncadd.s32 $0xFFFFC000  }
0x3b2: {  	[tilespmem:s19], [sflag:$0x1] =	stream.indirect.gather [hbm4b:s4+s18], $0x80, s30, s18, $0xb8;
	[tilespmem:$0x1E000] =	vst v63  }
0x3b3: {  	_ =	swait.ge [sflag:s24], $0x4000  }
0x3b4: {  	s31 =	sld [smem:$0x7F8]  }
0x3b5: {  	[sflag:s24] =	ssyncset.done $0x0  }
0x3b6: {  	[sflag:s24] =	ssyncadd.s32 $0xFFFFC000  }
0x3b7: {  	[spmem:s1] =	stream.indirect.scatter.add.f32 [tilespmem:s22], [sflag:$0x5], $0x80, s31, s18, $0xb8;
	[tilespmem:$0x1E000] =	vst v63  }
0x3b8: {  	_ =	swait.ge [sflag:s15], $0x4000  }
0x3b9: {  	s5 =	sld [smem:$0x7F9]  }
0x3ba: {  	[sflag:s15] =	ssyncset.done $0x0  }
0x3bb: {  	[sflag:s15] =	ssyncadd.s32 $0xFFFFC000  }
0x3bc: {  	[tilespmem:s22], [sflag:$0x2] =	stream.indirect.gather [hbm4b:s4+s18], $0x80, s5, s18, $0xb8;
	[tilespmem:$0x1E000] =	vst v63  }
0x3bd: {  	_ =	swait.ge [sflag:s23], $0x4000  }
0x3be: {  	s9 =	sld [smem:$0x7FA]  }
0x3bf: {  	[sflag:s23] =	ssyncset.done $0x0  }
0x3c0: {  	[sflag:s23] =	ssyncadd.s32 $0xFFFFC000  }
0x3c1: {  	[spmem:s1] =	stream.indirect.scatter.add.f32 [tilespmem:s19], [sflag:$0x5], $0x80, s9, s18, $0xb8;
	[tilespmem:$0x1E000] =	vst v63  }
0x3c2: {  	_ =	swait.ge [sflag:s15], $0x4000  }
0x3c3: {  	s10 =	sld [smem:$0x7FB]  }
0x3c4: {  	[sflag:s15] =	ssyncset.done $0x0  }
0x3c5: {  	[sflag:s15] =	ssyncadd.s32 $0xFFFFC000  }
0x3c6: {  	[tilespmem:s19], [sflag:$0x1] =	stream.indirect.gather [hbm4b:s4+s18], $0x80, s10, s18, $0xb8;
	[tilespmem:$0x1E000] =	vst v63  }
0x3c7: {  	_ =	swait.ge [sflag:s24], $0x4000  }
0x3c8: {  	s30 =	sld [smem:$0x7FC]  }
0x3c9: {  	[sflag:s24] =	ssyncset.done $0x0  }
0x3ca: {  	[sflag:s24] =	ssyncadd.s32 $0xFFFFC000  }
0x3cb: {  	[spmem:s1] =	stream.indirect.scatter.add.f32 [tilespmem:s22], [sflag:$0x5], $0x80, s30, s18, $0xb8;
	[tilespmem:$0x1E000] =	vst v63  }
0x3cc: {  	_ =	swait.ge [sflag:s15], $0x4000  }
0x3cd: {  	s31 =	sld [smem:$0x7FD]  }
0x3ce: {  	[sflag:s15] =	ssyncset.done $0x0  }
0x3cf: {  	[sflag:s15] =	ssyncadd.s32 $0xFFFFC000  }
0x3d0: {  	[tilespmem:s22], [sflag:$0x2] =	stream.indirect.gather [hbm4b:s4+s18], $0x80, s31, s18, $0xb8;
	[tilespmem:$0x1E000] =	vst v63  }
0x3d1: {  	_ =	swait.ge [sflag:s23], $0x4000  }
0x3d2: {  	[sflag:s23] =	ssyncset.done $0x0  }
0x3d3: {  	[sflag:s23] =	ssyncadd.s32 $0xFFFFC000  }
0x3d4: {  	[spmem:s1] =	stream.indirect.scatter.add.f32 [tilespmem:s19], [sflag:$0x5], $0x80, s26, s18, $0xb8;
	[tilespmem:$0x1E000] =	vst v63  }
0x3d5: {  	_ =	swait.ge [sflag:s15], $0x4000  }
0x3d6: {  	[sflag:s15] =	ssyncset.done $0x0  }
0x3d7: {  	s3 =	simm.s32 @!p0 $0x3;
	[sflag:s15] =	ssyncadd.s32 $0xFFFFC000  }
0x3d8: {  	_ =	swait.ge @!p0 [sflag:s3], $0x800  }
0x3d9: {  	[sflag:s3] =	ssyncset.done @!p0 $0x0  }
0x3da: {  	[sflag:s3] =	ssyncadd.s32 @!p0 $0xFFFFF800  }
0x3db: {  	_ =	swait.ge @!p0 [sflag:s3], $0x800  }
0x3dc: {  	[sflag:s3] =	ssyncset.done @!p0 $0x0  }
0x3dd: {  	s5 =	simm.s32 @!p0 $0x80;
	[sflag:s3] =	ssyncadd.s32 @!p0 $0xFFFFF800;
	s3 =	simm.s32 @!p0 $0x2000  }
0x3de: {  	[tilespmem:s3], [sflag:$0x1] =	stream.indirect.gather @!p0 [hbm4b:s4+s5], $0x80, s0, s5, $0xb8;
	[tilespmem:$0x1E000] =	vst v63  }
0x3df: {  	_ =	swait.ge [sflag:s24], $0x4000  }
0x3e0: {  	[sflag:s24] =	ssyncset.done $0x0  }
0x3e1: {  	[sflag:s24] =	ssyncadd.s32 $0xFFFFC000  }
0x3e2: {  	[spmem:s1] =	stream.indirect.scatter.add.f32 [tilespmem:s22], [sflag:$0x5], $0x80, s28, s18, $0xb8;
	[tilespmem:$0x1E000] =	vst v63  }
0x3e3: {  	_ =	swait.ge [sflag:s15], $0x4000  }
0x3e4: {  	s29 =	sadd.s32 $0x1, s29;
	[sflag:s15] =	ssyncset.done $0x0  }
0x3e5: {  	p0 =	sne.s32 s29, s12;
	[sflag:s15] =	ssyncadd.s32 $0xFFFFC000  }
.Ltmp1:
0x3e6: {  	[bflag:$0x0] =	sbarrier.arrive $0xFFFF;
	(pc) =	sbr.rel @p0 .LBB2_1-.Ltmp1, $4  }
0x3e7: {  	[hbm:s11], [sflag:s6] =	dma.local [spmem:s14], $0x2800  }
0x3e8: {  	_ =	swait.ge [sflag:s15], $0x2800  }
0x3e9: {  	[sflag:s15] =	ssyncset.done $0x0  }
0x3ea: {  	[sflag:s15] =	ssyncadd.s32 $0xFFFFD800  }
0x3eb: {  	_ =	sfence.sel $0x180000  }
0x3ec: {  	[bflag:$0x0] =	sbarrier.arrive $0xFFFF  }
0x3ed: {  	_ =	strace $0x9000004D  }
0x3ee: {  	s0 =	stileid.u32;
	[bflag:$0x2] =	sbarrier.arrive $0xFFFF  }
0x3ef: {  	p0 =	sne.s32 s0, $0x0;
	s0 =	rddreg [dreg:$0x2]  }
0x3f0: {  	s0 =	sadd.s32 @!p0 $0x100000, s0  }
0x3f1: {  	[sflag:s0] =	ssyncadd.tile.s32 @!p0 $0x1;
	_ =	shalt  }
.Lfunc_end2:
_tile_overlayer_lowered:
.L_overlay_start_2:
0x3f2: {  	(tag) =	ssettag $0x2  }
0x3f3: {  	s0 =	rddreg [dreg:$0x0];
	s2 =	stileid.u32  }
0x3f4: {  	s1 =	rddreg [dreg:$0x1];
	p0 =	sne.s32 s2, $0x0  }
0x3f5: {  	s3 =	rddreg [dreg:$0x2];
	[bflag:$0x3] =	sbarrier.arrive $0xFFFF;
	s2 =	simm.s32 @!p0 $0x1C05  }
0x3f6: {  	[timem:s3], [sflag:s2] =	dma.local @!p0 [hbm:s0], s1  }
0x3f7: {  	s0 =	simm.s32 @!p0 $0x5  }
0x3f8: {  	_ =	swait.ge @!p0 [sflag:s0], s1  }
0x3f9: {  	s1 =	ssub.s32 @!p0 $0x0, s1;
	[sflag:s0] =	ssyncset.done @!p0 $0x0  }
0x3fa: {  	[sflag:s0] =	ssyncadd.s32 @!p0 s1  }
0x3fb: {  	[bflag:$0x3] =	sbarrier.arrive $0xFFFF  }
0x3fc: {  	_ =	shalt  }

</sc_bundles>
